<compile_context>
chip_gen: v7x
topology: tpu7x:2x2x1
jax: 0.10.2.dev20260603
libtpu: 0.0.44.dev20260713+nightly
codegen_flags: <defaults>
</compile_context>

<pallas_src>
import jax
import jax.numpy as jnp
from jax import lax
from jax.experimental import pallas as pl
from jax.experimental.pallas import tpu as pltpu
from jax.experimental.pallas import tpu_sc as plsc

N = 10000
E = 320000
D_IN = 128
H = 16
NCORES = 2
NSUB = 16
NW = NCORES * NSUB
EB = 80
ECH = 125
EPT = EB * ECH
RPS = N // NSUB

_mesh = plsc.VectorSubcoreMesh(core_axis_name="c", subcore_axis_name="s",
                               num_cores=NCORES, num_subcores=NSUB)

_sc_params = pltpu.CompilerParams(needs_layout_passes=False,
                                  use_tc_tiling_on_sc=False)


def _sc_deg_body(dst_hbm, deg_hbm, ldeg, dstb, isem):
    c = lax.axis_index("c")
    s = lax.axis_index("s")
    t = c * NSUB + s

    cp = pltpu.async_copy(dst_hbm.at[t], dstb, isem)

    zero16 = jnp.zeros((H,), jnp.float32)

    def _zero(i, _):
        ldeg[pl.ds(i * H, H)] = zero16
        return 0
    lax.fori_loop(0, N // H, _zero, 0)

    cp.wait()
    ones16 = jnp.ones((H,), jnp.float32)

    def _hist(r, _):
        for k in range(EB // H):
            idx = dstb[r, pl.ds(k * H, H)]
            plsc.addupdate_scatter(ldeg, [idx], ones16)
        return 0
    lax.fori_loop(0, ECH, _hist, 0)

    pltpu.sync_copy(ldeg, deg_hbm.at[t])


def _make_sc_deg():
    return pl.kernel(
        _sc_deg_body,
        out_type=jax.ShapeDtypeStruct((NW, N), jnp.float32),
        mesh=_mesh,
        scratch_types=[
            pltpu.VMEM((N,), jnp.float32),
            pltpu.VMEM((ECH, EB), jnp.int32),
            pltpu.SemaphoreType.DMA,
        ],
        compiler_params=_sc_params,
    )


GRP = 5
NG = ECH // GRP


def _sc_agg_kernel(g_hbm, src_hbm, dst_hbm, agg_hbm, acc, srcb, dstb,
                   bufs_a, bufs_b, zbuf, gsem_a, gsem_b, ssem_a, ssem_b,
                   isem):
    c = lax.axis_index("c")
    s = lax.axis_index("s")
    t = c * NSUB + s

    cp_src = pltpu.async_copy(src_hbm.at[t], srcb, isem)
    cp_dst = pltpu.async_copy(dst_hbm.at[t], dstb, isem)

    zero16 = jnp.zeros((H,), jnp.float32)

    def _zero(i, _):
        zbuf[i] = zero16
        return 0
    lax.fori_loop(0, RPS, _zero, 0)
    pltpu.sync_copy(zbuf, acc.at[pl.ds(RPS * s, RPS)])

    cp_src.wait()
    cp_dst.wait()
    plsc.subcore_barrier()

    def _drain(sem):
        pltpu.make_async_copy(g_hbm.at[pl.ds(0, EB)], bufs_a.at[0], sem).wait()

    def _gathers(grp, bufs, gsem):
        for k in range(GRP):
            pltpu.async_copy(g_hbm.at[srcb.at[grp * GRP + k]], bufs.at[k], gsem)

    def _scatters(grp, bufs, ssem):
        for k in range(GRP):
            pltpu.async_copy(bufs.at[k], acc.at[dstb.at[grp * GRP + k]], ssem,
                             add=True)

    _gathers(0, bufs_a, gsem_a)

    def _step(i, _):
        for _k in range(GRP):
            _drain(gsem_a)
        _scatters(2 * i, bufs_a, ssem_a)

        @pl.when(i > 0)
        def _():
            for _k in range(GRP):
                _drain(ssem_b)
        _gathers(2 * i + 1, bufs_b, gsem_b)

        for _k in range(GRP):
            _drain(gsem_b)
        _scatters(2 * i + 1, bufs_b, ssem_b)
        for _k in range(GRP):
            _drain(ssem_a)
        _gathers(2 * i + 2, bufs_a, gsem_a)
        return 0
    lax.fori_loop(0, (NG - 1) // 2, _step, 0)

    for _k in range(GRP):
        _drain(gsem_a)
    _scatters(NG - 1, bufs_a, ssem_a)
    for _k in range(GRP):
        _drain(ssem_b)
    for _k in range(GRP):
        _drain(ssem_a)

    plsc.subcore_barrier()
    pltpu.sync_copy(acc.at[pl.ds(RPS * s, RPS)],
                    agg_hbm.at[c].at[pl.ds(RPS * s, RPS)])


def _make_sc_agg():
    return pl.kernel(
        _sc_agg_kernel,
        out_type=jax.ShapeDtypeStruct((NCORES, N, H), jnp.float32),
        mesh=_mesh,
        scratch_types=[
            pltpu.VMEM_SHARED((N, H), jnp.float32),
            pltpu.VMEM((ECH, EB), jnp.int32),
            pltpu.VMEM((ECH, EB), jnp.int32),
            pltpu.VMEM((GRP, EB, H), jnp.float32),
            pltpu.VMEM((GRP, EB, H), jnp.float32),
            pltpu.VMEM((RPS, H), jnp.float32),
            pltpu.SemaphoreType.DMA,
            pltpu.SemaphoreType.DMA,
            pltpu.SemaphoreType.DMA,
            pltpu.SemaphoreType.DMA,
            pltpu.SemaphoreType.DMA,
        ],
        compiler_params=_sc_params,
    )


_RB = 5000
_GRID = N // _RB


def _dinv_of(degt_block):
    return lax.rsqrt(jnp.sum(degt_block, axis=1, keepdims=True) + 1.0)


def _tc1_body(x_ref, w_ref, degt_ref, g_ref):
    h = jnp.dot(x_ref[...], w_ref[...], preferred_element_type=jnp.float32)
    g_ref[...] = h * _dinv_of(degt_ref[...])


def _tc_mid_body(a0_ref, a1_ref, g_ref, degt_ref, b_ref, w_ref, out_ref):
    dinv = _dinv_of(degt_ref[...])
    a = (a0_ref[0] + a1_ref[0] + g_ref[...]) * dinv + b_ref[...]
    r = jnp.maximum(a, 0.0)
    h = jnp.dot(r, w_ref[...], preferred_element_type=jnp.float32)
    out_ref[...] = h * dinv


def _tc_out_body(a0_ref, a1_ref, g_ref, degt_ref, b_ref, w_ref, b3_ref, out_ref):
    a = (a0_ref[0] + a1_ref[0] + g_ref[...]) * _dinv_of(degt_ref[...]) \
        + b_ref[...]
    r = jnp.maximum(a, 0.0)
    out_ref[...] = jnp.dot(r, w_ref[...],
                           preferred_element_type=jnp.float32) + b3_ref[...]


def _row_spec(width):
    return pl.BlockSpec((_RB, width), lambda i: (i, 0))


def _agg_spec(core):
    return pl.BlockSpec((1, _RB, H), lambda i, _c=core: (_c, i, 0))


def _full_spec(shape):
    return pl.BlockSpec(shape, lambda i: tuple(0 for _ in shape))


def _tc1(x, W1, degt):
    return pl.pallas_call(
        _tc1_body,
        grid=(_GRID,),
        in_specs=[_row_spec(D_IN), _full_spec((D_IN, H)), _row_spec(NW)],
        out_specs=_row_spec(H),
        out_shape=jax.ShapeDtypeStruct((N, H), jnp.float32),
    )(x, W1, degt)


def _tc_mid(agg, g, degt, b_row, W):
    return pl.pallas_call(
        _tc_mid_body,
        grid=(_GRID,),
        in_specs=[_agg_spec(0), _agg_spec(1), _row_spec(H), _row_spec(NW),
                  _full_spec((1, H)), _full_spec((H, H))],
        out_specs=_row_spec(H),
        out_shape=jax.ShapeDtypeStruct((N, H), jnp.float32),
    )(agg, agg, g, degt, b_row, W)


def _tc_out(agg, g, degt, b_row, W3, b3_row):
    return pl.pallas_call(
        _tc_out_body,
        grid=(_GRID,),
        in_specs=[_agg_spec(0), _agg_spec(1), _row_spec(H), _row_spec(NW),
                  _full_spec((1, H)), _full_spec((H, 7)), _full_spec((1, 7))],
        out_specs=_row_spec(7),
        out_shape=jax.ShapeDtypeStruct((N, 7), jnp.float32),
    )(agg, agg, g, degt, b_row, W3, b3_row)


@jax.jit
def _run(x, src, dst, W1, b1, W2, b2, W3, b3):
    srcp = src.astype(jnp.int32).reshape(NW, ECH, EB)
    dstp = dst.astype(jnp.int32).reshape(NW, ECH, EB)

    deg_parts = _make_sc_deg()(dstp)
    degt = deg_parts.T

    g1 = _tc1(x, W1, degt)

    agg_fn = _make_sc_agg()
    a1 = agg_fn(g1, srcp, dstp)
    g2 = _tc_mid(a1, g1, degt, b1.reshape(1, H), W2)
    a2 = agg_fn(g2, srcp, dstp)
    return _tc_out(a2, g2, degt, b2.reshape(1, H), W3, b3.reshape(1, 7))


def kernel(x, edge_index, W1, b1, W2, b2, W3, b3):
    return _run(x, edge_index[0], edge_index[1], W1, b1, W2, b2, W3, b3)

# --- scband reference (transcript-rebuilt; emitter-appended) ---
"""Pipeline reference for scband-gcn-21174188770104 (READ-ONLY COPY).

The authoritative reference and input builder live on the scoring server;
editing this copy changes nothing except your own understanding.
"""

import jax, jax.numpy as jnp
import numpy as np

N = 10000
E = 320000
D_IN = 128
H = 16
N_CLASSES = 7


def glorot(key, shape):
    fan_in, fan_out = shape[0], shape[1]
    lim = float(np.sqrt(6.0 / (fan_in + fan_out)))
    return jax.random.uniform(key, shape, jnp.float32, -lim, lim)


def setup_inputs(seed: int = 0) -> dict:
    key = jax.random.key(seed)
    ks = jax.random.split(key, 8)
    x = jax.random.normal(ks[0], (N, D_IN), dtype=jnp.float32)
    edge_index = jax.random.randint(ks[1], (2, E), 0, N, dtype=jnp.int64)
    W1 = glorot(ks[2], (D_IN, H))
    b1 = jnp.zeros((H,), jnp.float32)
    W2 = glorot(ks[3], (H, H))
    b2 = jnp.zeros((H,), jnp.float32)
    W3 = glorot(ks[4], (H, N_CLASSES))
    b3 = jnp.zeros((N_CLASSES,), jnp.float32)
    return {"x": x, "edge_index": edge_index, "W1": W1, "b1": b1, "W2": W2, "b2": b2, "W3": W3, "b3": b3}


def gcn_conv(x, edge_index, W, b):
    # GCNConv: x' = D^{-1/2} (A + I) D^{-1/2} (X W) + b
    n = x.shape[0]
    src = edge_index[0]
    dst = edge_index[1]
    loop = jnp.arange(n, dtype=src.dtype)
    src = jnp.concatenate([src, loop])
    dst = jnp.concatenate([dst, loop])
    deg = jnp.zeros((n,), jnp.float32).at[dst].add(1.0)
    dinv = jnp.where(deg > 0, jax.lax.rsqrt(deg), 0.0)
    norm = dinv[src] * dinv[dst]
    h = x @ W
    msg = h[src] * norm[:, None]
    out = jnp.zeros((n, W.shape[1]), h.dtype).at[dst].add(msg)
    return out + b


def reference(x, edge_index, W1, b1, W2, b2, W3, b3):
    h = gcn_conv(x, edge_index, W1, b1)
    h = jax.nn.relu(h)
    # dropout is identity in eval mode (deterministic reference)
    h = gcn_conv(h, edge_index, W2, b2)
    h = jax.nn.relu(h)
    out = h @ W3 + b3
    return out

if __name__ == "__main__":
    import jax
    _d = setup_inputs()
    print(jax.jit(kernel)(*tuple(_d.values())))

</pallas_src>

<mosaic_0001>
#map = affine_map<(d0, d1) -> (0, 0)>
#map1 = affine_map<(d0, d1) -> (0, 0, 0)>
module attributes {stable_mosaic.version = 14 : i64} {
  func.func @_sc_agg_kernel(%arg0: i32, %arg1: i32, %arg2: memref<10000x16xf32, #tpu.memory_space<hbm>>, %arg3: memref<32x125x80xi32, #tpu.memory_space<hbm>>, %arg4: memref<32x125x80xi32, #tpu.memory_space<hbm>>, %arg5: memref<2x10000x16xf32, #tpu.memory_space<hbm>>, %arg6: memref<10000x16xf32, #tpu.memory_space<vmem_shared>>, %arg7: memref<125x80xi32, #tpu.memory_space<vmem>>, %arg8: memref<125x80xi32, #tpu.memory_space<vmem>>, %arg9: memref<5x80x16xf32, #tpu.memory_space<vmem>>, %arg10: memref<5x80x16xf32, #tpu.memory_space<vmem>>, %arg11: memref<625x16xf32, #tpu.memory_space<vmem>>, %arg12: memref<!tpu.dma_semaphore, #tpu.memory_space<semaphore_mem>>, %arg13: memref<!tpu.dma_semaphore, #tpu.memory_space<semaphore_mem>>, %arg14: memref<!tpu.dma_semaphore, #tpu.memory_space<semaphore_mem>>, %arg15: memref<!tpu.dma_semaphore, #tpu.memory_space<semaphore_mem>>, %arg16: memref<!tpu.dma_semaphore, #tpu.memory_space<semaphore_mem>>) attributes {dimension_semantics = [#tpu.dimension_semantics<core_parallel>, #tpu.dimension_semantics<subcore_parallel>], iteration_bounds = array<i64: 2, 16>, scalar_prefetch = 0 : i64, scratch_operands = 11 : i64, tpu.core_type = #tpu.core_type<sc_vector_subcore>, window_params = [{transform_indices = #map}, {transform_indices = #map1}, {transform_indices = #map1}, {transform_indices = #map1}]} {
    %mul3A = arith.constant 16 : i32
    %mul3A_0 = arith.muli %arg0, %mul3A : i32
    %add3A = arith.addi %mul3A_0, %arg1 : i32
    %dma_start3A = arith.constant 0 : i32
    %dma_start3A_1 = arith.constant 0 : i32
    %dma_start3A_2 = tpu.memref_slice %arg3[%add3A, %dma_start3A, %dma_start3A_1] : memref<32x125x80xi32, #tpu.memory_space<hbm>> -> memref<1x125x80xi32, #tpu.memory_space<hbm>>
    %dma_start3A_3 = tpu.memref_squeeze %dma_start3A_2 : memref<1x125x80xi32, #tpu.memory_space<hbm>> -> memref<125x80xi32, #tpu.memory_space<hbm>>
    %dma_start3A_4 = arith.constant 0 : i32
    %dma_start3A_5 = arith.constant 0 : i32
    %dma_start3A_6 = tpu.memref_slice %arg3[%add3A, %dma_start3A_4, %dma_start3A_5] : memref<32x125x80xi32, #tpu.memory_space<hbm>> -> memref<1x125x80xi32, #tpu.memory_space<hbm>>
    %dma_start3A_7 = tpu.memref_squeeze %dma_start3A_6 : memref<1x125x80xi32, #tpu.memory_space<hbm>> -> memref<125x80xi32, #tpu.memory_space<hbm>>
    tpu.enqueue_dma source(%dma_start3A_7 : memref<125x80xi32, #tpu.memory_space<hbm>>) target(%arg7 : memref<125x80xi32, #tpu.memory_space<vmem>>) target_semaphore(%arg16 : memref<!tpu.dma_semaphore, #tpu.memory_space<semaphore_mem>>)
    %dma_start3A_8 = arith.constant 0 : i32
    %dma_start3A_9 = arith.constant 0 : i32
    %dma_start3A_10 = tpu.memref_slice %arg4[%add3A, %dma_start3A_8, %dma_start3A_9] : memref<32x125x80xi32, #tpu.memory_space<hbm>> -> memref<1x125x80xi32, #tpu.memory_space<hbm>>
    %dma_start3A_11 = tpu.memref_squeeze %dma_start3A_10 : memref<1x125x80xi32, #tpu.memory_space<hbm>> -> memref<125x80xi32, #tpu.memory_space<hbm>>
    %dma_start3A_12 = arith.constant 0 : i32
    %dma_start3A_13 = arith.constant 0 : i32
    %dma_start3A_14 = tpu.memref_slice %arg4[%add3A, %dma_start3A_12, %dma_start3A_13] : memref<32x125x80xi32, #tpu.memory_space<hbm>> -> memref<1x125x80xi32, #tpu.memory_space<hbm>>
    %dma_start3A_15 = tpu.memref_squeeze %dma_start3A_14 : memref<1x125x80xi32, #tpu.memory_space<hbm>> -> memref<125x80xi32, #tpu.memory_space<hbm>>
    tpu.enqueue_dma source(%dma_start3A_15 : memref<125x80xi32, #tpu.memory_space<hbm>>) target(%arg8 : memref<125x80xi32, #tpu.memory_space<vmem>>) target_semaphore(%arg16 : memref<!tpu.dma_semaphore, #tpu.memory_space<semaphore_mem>>)
    %broadcast_in_dim3A = arith.constant 0.000000e+00 : f32
    %broadcast_in_dim3A_16 = vector.broadcast %broadcast_in_dim3A : f32 to vector<16xf32>
    %scan3A = arith.constant 0 : i32
    %scan3A_17 = arith.constant 0 : i32
    %scan3A_18 = arith.constant 625 : i32
    %scan3A_19 = arith.addi %scan3A_17, %scan3A_18 : i32
    %scan3A_20 = arith.constant 1 : i32
    %scan3A_21 = scf.for %scan3A_397 = %scan3A_17 to %scan3A_19 step %scan3A_20 iter_args(%scan3A_398 = %scan3A) -> (i32)  : i32 {
      %swap3A = arith.index_cast %scan3A_397 : i32 to index
      %swap3A_399 = arith.constant 0 : index
      %swap3A_400 = tpu.vector_load %arg11[%swap3A, %swap3A_399] {strides = array<i32>} : memref<625x16xf32, #tpu.memory_space<vmem>>, vector<16xf32>,
      tpu.vector_store %arg11[%swap3A, %swap3A_399], %broadcast_in_dim3A_16 {strides = array<i32>} : memref<625x16xf32, #tpu.memory_space<vmem>>, vector<16xf32>,
      %scan3A_401 = arith.constant 0 : i32
      scf.yield %scan3A_401 : i32
    }
    %scan3A_22 = arith.constant 625 : i32
    %mul3A_23 = arith.constant 625 : i32
    %mul3A_24 = arith.muli %mul3A_23, %arg1 : i32
    "tpu.region"() ({
      %run_scoped3A = tpu.sem_alloc : memref<!tpu.dma_semaphore, #tpu.memory_space<semaphore_mem>>
      %dma_start3A_397 = arith.constant 0 : i32
      %dma_start3A_398 = tpu.memref_slice %arg6[%mul3A_24, %dma_start3A_397] : memref<10000x16xf32, #tpu.memory_space<vmem_shared>> -> memref<625x16xf32, #tpu.memory_space<vmem_shared>>
      %dma_start3A_399 = arith.constant 0 : i32
      %dma_start3A_400 = tpu.memref_slice %arg6[%mul3A_24, %dma_start3A_399] : memref<10000x16xf32, #tpu.memory_space<vmem_shared>> -> memref<625x16xf32, #tpu.memory_space<vmem_shared>>
      tpu.enqueue_dma source(%arg11 : memref<625x16xf32, #tpu.memory_space<vmem>>) target(%dma_start3A_400 : memref<625x16xf32, #tpu.memory_space<vmem_shared>>) target_semaphore(%run_scoped3A : memref<!tpu.dma_semaphore, #tpu.memory_space<semaphore_mem>>)
      %dma_wait3A_401 = arith.constant 0 : i32
      %dma_wait3A_402 = tpu.memref_slice %arg6[%mul3A_24, %dma_wait3A_401] : memref<10000x16xf32, #tpu.memory_space<vmem_shared>> -> memref<625x16xf32, #tpu.memory_space<vmem_shared>>
      %dma_wait3A_403 = arith.constant 0 : i32
      %dma_wait3A_404 = tpu.memref_slice %arg6[%mul3A_24, %dma_wait3A_403] : memref<10000x16xf32, #tpu.memory_space<vmem_shared>> -> memref<625x16xf32, #tpu.memory_space<vmem_shared>>
      tpu.wait_dma2 semaphore(%run_scoped3A : memref<!tpu.dma_semaphore, #tpu.memory_space<semaphore_mem>>) src(%arg11 : memref<625x16xf32, #tpu.memory_space<vmem>>) dst(%dma_wait3A_404 : memref<625x16xf32, #tpu.memory_space<vmem_shared>>)
      tpu.yield
    }) : () -> ()
    %dma_wait3A = arith.constant 0 : i32
    %dma_wait3A_25 = arith.constant 0 : i32
    %dma_wait3A_26 = tpu.memref_slice %arg3[%add3A, %dma_wait3A, %dma_wait3A_25] : memref<32x125x80xi32, #tpu.memory_space<hbm>> -> memref<1x125x80xi32, #tpu.memory_space<hbm>>
    %dma_wait3A_27 = tpu.memref_squeeze %dma_wait3A_26 : memref<1x125x80xi32, #tpu.memory_space<hbm>> -> memref<125x80xi32, #tpu.memory_space<hbm>>
    %dma_wait3A_28 = arith.constant 0 : i32
    %dma_wait3A_29 = arith.constant 0 : i32
    %dma_wait3A_30 = tpu.memref_slice %arg3[%add3A, %dma_wait3A_28, %dma_wait3A_29] : memref<32x125x80xi32, #tpu.memory_space<hbm>> -> memref<1x125x80xi32, #tpu.memory_space<hbm>>
    %dma_wait3A_31 = tpu.memref_squeeze %dma_wait3A_30 : memref<1x125x80xi32, #tpu.memory_space<hbm>> -> memref<125x80xi32, #tpu.memory_space<hbm>>
    tpu.wait_dma2 semaphore(%arg16 : memref<!tpu.dma_semaphore, #tpu.memory_space<semaphore_mem>>) src(%dma_wait3A_31 : memref<125x80xi32, #tpu.memory_space<hbm>>) dst(%arg7 : memref<125x80xi32, #tpu.memory_space<vmem>>)
    %dma_wait3A_32 = arith.constant 0 : i32
    %dma_wait3A_33 = arith.constant 0 : i32
    %dma_wait3A_34 = tpu.memref_slice %arg4[%add3A, %dma_wait3A_32, %dma_wait3A_33] : memref<32x125x80xi32, #tpu.memory_space<hbm>> -> memref<1x125x80xi32, #tpu.memory_space<hbm>>
    %dma_wait3A_35 = tpu.memref_squeeze %dma_wait3A_34 : memref<1x125x80xi32, #tpu.memory_space<hbm>> -> memref<125x80xi32, #tpu.memory_space<hbm>>
    %dma_wait3A_36 = arith.constant 0 : i32
    %dma_wait3A_37 = arith.constant 0 : i32
    %dma_wait3A_38 = tpu.memref_slice %arg4[%add3A, %dma_wait3A_36, %dma_wait3A_37] : memref<32x125x80xi32, #tpu.memory_space<hbm>> -> memref<1x125x80xi32, #tpu.memory_space<hbm>>
    %dma_wait3A_39 = tpu.memref_squeeze %dma_wait3A_38 : memref<1x125x80xi32, #tpu.memory_space<hbm>> -> memref<125x80xi32, #tpu.memory_space<hbm>>
    tpu.wait_dma2 semaphore(%arg16 : memref<!tpu.dma_semaphore, #tpu.memory_space<semaphore_mem>>) src(%dma_wait3A_39 : memref<125x80xi32, #tpu.memory_space<hbm>>) dst(%arg8 : memref<125x80xi32, #tpu.memory_space<vmem>>)
    %barrier3A = arith.constant 0 : index
    tpu.barrier barrier_id(%barrier3A)
    %dma_start3A_40 = arith.constant 0 : i32
    %dma_start3A_41 = arith.constant 0 : i32
    %dma_start3A_42 = arith.constant 0 : i32
    %dma_start3A_43 = arith.constant 0 : i32
    %dma_start3A_44 = tpu.memref_slice %arg9[%dma_start3A_41, %dma_start3A_42, %dma_start3A_43] : memref<5x80x16xf32, #tpu.memory_space<vmem>> -> memref<1x80x16xf32, #tpu.memory_space<vmem>>
    %dma_start3A_45 = tpu.memref_squeeze %dma_start3A_44 : memref<1x80x16xf32, #tpu.memory_space<vmem>> -> memref<80x16xf32, #tpu.memory_space<vmem>>
    %dma_start3A_46 = arith.constant 0 : i32
    %dma_start3A_47 = tpu.memref_slice %arg7[%dma_start3A_40, %dma_start3A_46] : memref<125x80xi32, #tpu.memory_space<vmem>> -> memref<1x80xi32, #tpu.memory_space<vmem>>
    %dma_start3A_48 = tpu.memref_squeeze %dma_start3A_47 : memref<1x80xi32, #tpu.memory_space<vmem>> -> memref<80xi32, #tpu.memory_space<vmem>>
    %dma_start3A_49 = arith.constant 0 : i32
    %dma_start3A_50 = arith.constant 0 : i32
    %dma_start3A_51 = tpu.memref_slice %arg2[%dma_start3A_49, %dma_start3A_50] : memref<10000x16xf32, #tpu.memory_space<hbm>> -> memref<10000x16xf32, #tpu.memory_space<hbm>>
    tpu.enqueue_indirect_dma source(%dma_start3A_51 : memref<10000x16xf32, #tpu.memory_space<hbm>>) target(%dma_start3A_45 : memref<80x16xf32, #tpu.memory_space<vmem>>) offsets(%dma_start3A_48 : memref<80xi32, #tpu.memory_space<vmem>>) semaphore(%arg12 : memref<!tpu.dma_semaphore, #tpu.memory_space<semaphore_mem>>)
    %dma_start3A_52 = arith.constant 1 : i32
    %dma_start3A_53 = arith.constant 1 : i32
    %dma_start3A_54 = arith.constant 0 : i32
    %dma_start3A_55 = arith.constant 0 : i32
    %dma_start3A_56 = tpu.memref_slice %arg9[%dma_start3A_53, %dma_start3A_54, %dma_start3A_55] : memref<5x80x16xf32, #tpu.memory_space<vmem>> -> memref<1x80x16xf32, #tpu.memory_space<vmem>>
    %dma_start3A_57 = tpu.memref_squeeze %dma_start3A_56 : memref<1x80x16xf32, #tpu.memory_space<vmem>> -> memref<80x16xf32, #tpu.memory_space<vmem>>
    %dma_start3A_58 = arith.constant 0 : i32
    %dma_start3A_59 = tpu.memref_slice %arg7[%dma_start3A_52, %dma_start3A_58] : memref<125x80xi32, #tpu.memory_space<vmem>> -> memref<1x80xi32, #tpu.memory_space<vmem>>
    %dma_start3A_60 = tpu.memref_squeeze %dma_start3A_59 : memref<1x80xi32, #tpu.memory_space<vmem>> -> memref<80xi32, #tpu.memory_space<vmem>>
    %dma_start3A_61 = arith.constant 0 : i32
    %dma_start3A_62 = arith.constant 0 : i32
    %dma_start3A_63 = tpu.memref_slice %arg2[%dma_start3A_61, %dma_start3A_62] : memref<10000x16xf32, #tpu.memory_space<hbm>> -> memref<10000x16xf32, #tpu.memory_space<hbm>>
    tpu.enqueue_indirect_dma source(%dma_start3A_63 : memref<10000x16xf32, #tpu.memory_space<hbm>>) target(%dma_start3A_57 : memref<80x16xf32, #tpu.memory_space<vmem>>) offsets(%dma_start3A_60 : memref<80xi32, #tpu.memory_space<vmem>>) semaphore(%arg12 : memref<!tpu.dma_semaphore, #tpu.memory_space<semaphore_mem>>)
    %dma_start3A_64 = arith.constant 2 : i32
    %dma_start3A_65 = arith.constant 2 : i32
    %dma_start3A_66 = arith.constant 0 : i32
    %dma_start3A_67 = arith.constant 0 : i32
    %dma_start3A_68 = tpu.memref_slice %arg9[%dma_start3A_65, %dma_start3A_66, %dma_start3A_67] : memref<5x80x16xf32, #tpu.memory_space<vmem>> -> memref<1x80x16xf32, #tpu.memory_space<vmem>>
    %dma_start3A_69 = tpu.memref_squeeze %dma_start3A_68 : memref<1x80x16xf32, #tpu.memory_space<vmem>> -> memref<80x16xf32, #tpu.memory_space<vmem>>
    %dma_start3A_70 = arith.constant 0 : i32
    %dma_start3A_71 = tpu.memref_slice %arg7[%dma_start3A_64, %dma_start3A_70] : memref<125x80xi32, #tpu.memory_space<vmem>> -> memref<1x80xi32, #tpu.memory_space<vmem>>
    %dma_start3A_72 = tpu.memref_squeeze %dma_start3A_71 : memref<1x80xi32, #tpu.memory_space<vmem>> -> memref<80xi32, #tpu.memory_space<vmem>>
    %dma_start3A_73 = arith.constant 0 : i32
    %dma_start3A_74 = arith.constant 0 : i32
    %dma_start3A_75 = tpu.memref_slice %arg2[%dma_start3A_73, %dma_start3A_74] : memref<10000x16xf32, #tpu.memory_space<hbm>> -> memref<10000x16xf32, #tpu.memory_space<hbm>>
    tpu.enqueue_indirect_dma source(%dma_start3A_75 : memref<10000x16xf32, #tpu.memory_space<hbm>>) target(%dma_start3A_69 : memref<80x16xf32, #tpu.memory_space<vmem>>) offsets(%dma_start3A_72 : memref<80xi32, #tpu.memory_space<vmem>>) semaphore(%arg12 : memref<!tpu.dma_semaphore, #tpu.memory_space<semaphore_mem>>)
    %dma_start3A_76 = arith.constant 3 : i32
    %dma_start3A_77 = arith.constant 3 : i32
    %dma_start3A_78 = arith.constant 0 : i32
    %dma_start3A_79 = arith.constant 0 : i32
    %dma_start3A_80 = tpu.memref_slice %arg9[%dma_start3A_77, %dma_start3A_78, %dma_start3A_79] : memref<5x80x16xf32, #tpu.memory_space<vmem>> -> memref<1x80x16xf32, #tpu.memory_space<vmem>>
    %dma_start3A_81 = tpu.memref_squeeze %dma_start3A_80 : memref<1x80x16xf32, #tpu.memory_space<vmem>> -> memref<80x16xf32, #tpu.memory_space<vmem>>
    %dma_start3A_82 = arith.constant 0 : i32
    %dma_start3A_83 = tpu.memref_slice %arg7[%dma_start3A_76, %dma_start3A_82] : memref<125x80xi32, #tpu.memory_space<vmem>> -> memref<1x80xi32, #tpu.memory_space<vmem>>
    %dma_start3A_84 = tpu.memref_squeeze %dma_start3A_83 : memref<1x80xi32, #tpu.memory_space<vmem>> -> memref<80xi32, #tpu.memory_space<vmem>>
    %dma_start3A_85 = arith.constant 0 : i32
    %dma_start3A_86 = arith.constant 0 : i32
    %dma_start3A_87 = tpu.memref_slice %arg2[%dma_start3A_85, %dma_start3A_86] : memref<10000x16xf32, #tpu.memory_space<hbm>> -> memref<10000x16xf32, #tpu.memory_space<hbm>>
    tpu.enqueue_indirect_dma source(%dma_start3A_87 : memref<10000x16xf32, #tpu.memory_space<hbm>>) target(%dma_start3A_81 : memref<80x16xf32, #tpu.memory_space<vmem>>) offsets(%dma_start3A_84 : memref<80xi32, #tpu.memory_space<vmem>>) semaphore(%arg12 : memref<!tpu.dma_semaphore, #tpu.memory_space<semaphore_mem>>)
    %dma_start3A_88 = arith.constant 4 : i32
    %dma_start3A_89 = arith.constant 4 : i32
    %dma_start3A_90 = arith.constant 0 : i32
    %dma_start3A_91 = arith.constant 0 : i32
    %dma_start3A_92 = tpu.memref_slice %arg9[%dma_start3A_89, %dma_start3A_90, %dma_start3A_91] : memref<5x80x16xf32, #tpu.memory_space<vmem>> -> memref<1x80x16xf32, #tpu.memory_space<vmem>>
    %dma_start3A_93 = tpu.memref_squeeze %dma_start3A_92 : memref<1x80x16xf32, #tpu.memory_space<vmem>> -> memref<80x16xf32, #tpu.memory_space<vmem>>
    %dma_start3A_94 = arith.constant 0 : i32
    %dma_start3A_95 = tpu.memref_slice %arg7[%dma_start3A_88, %dma_start3A_94] : memref<125x80xi32, #tpu.memory_space<vmem>> -> memref<1x80xi32, #tpu.memory_space<vmem>>
    %dma_start3A_96 = tpu.memref_squeeze %dma_start3A_95 : memref<1x80xi32, #tpu.memory_space<vmem>> -> memref<80xi32, #tpu.memory_space<vmem>>
    %dma_start3A_97 = arith.constant 0 : i32
    %dma_start3A_98 = arith.constant 0 : i32
    %dma_start3A_99 = tpu.memref_slice %arg2[%dma_start3A_97, %dma_start3A_98] : memref<10000x16xf32, #tpu.memory_space<hbm>> -> memref<10000x16xf32, #tpu.memory_space<hbm>>
    tpu.enqueue_indirect_dma source(%dma_start3A_99 : memref<10000x16xf32, #tpu.memory_space<hbm>>) target(%dma_start3A_93 : memref<80x16xf32, #tpu.memory_space<vmem>>) offsets(%dma_start3A_96 : memref<80xi32, #tpu.memory_space<vmem>>) semaphore(%arg12 : memref<!tpu.dma_semaphore, #tpu.memory_space<semaphore_mem>>)
    %scan3A_100 = arith.constant 0 : i32
    %scan3A_101 = arith.constant 0 : i32
    %scan3A_102 = arith.constant 12 : i32
    %scan3A_103 = arith.addi %scan3A_101, %scan3A_102 : i32
    %scan3A_104 = arith.constant 1 : i32
    %scan3A_105 = scf.for %scan3A_397 = %scan3A_101 to %scan3A_103 step %scan3A_104 iter_args(%scan3A_398 = %scan3A_100) -> (i32)  : i32 {
      %dma_wait3A_399 = arith.constant 0 : i32
      %dma_wait3A_400 = arith.constant 0 : i32
      %dma_wait3A_401 = arith.constant 0 : i32
      %dma_wait3A_402 = tpu.memref_slice %arg9[%dma_wait3A_399, %dma_wait3A_400, %dma_wait3A_401] : memref<5x80x16xf32, #tpu.memory_space<vmem>> -> memref<1x80x16xf32, #tpu.memory_space<vmem>>
      %dma_wait3A_403 = tpu.memref_squeeze %dma_wait3A_402 : memref<1x80x16xf32, #tpu.memory_space<vmem>> -> memref<80x16xf32, #tpu.memory_space<vmem>>
      %dma_wait3A_404 = arith.constant 0 : i32
      %dma_wait3A_405 = arith.constant 0 : i32
      %dma_wait3A_406 = tpu.memref_slice %arg2[%dma_wait3A_404, %dma_wait3A_405] : memref<10000x16xf32, #tpu.memory_space<hbm>> -> memref<80x16xf32, #tpu.memory_space<hbm>>
      %dma_wait3A_407 = arith.constant 0 : i32
      %dma_wait3A_408 = arith.constant 0 : i32
      %dma_wait3A_409 = tpu.memref_slice %arg9[%dma_wait3A_399, %dma_wait3A_407, %dma_wait3A_408] : memref<5x80x16xf32, #tpu.memory_space<vmem>> -> memref<1x80x16xf32, #tpu.memory_space<vmem>>
      %dma_wait3A_410 = tpu.memref_squeeze %dma_wait3A_409 : memref<1x80x16xf32, #tpu.memory_space<vmem>> -> memref<80x16xf32, #tpu.memory_space<vmem>>
      %dma_wait3A_411 = arith.constant 0 : i32
      %dma_wait3A_412 = arith.constant 0 : i32
      %dma_wait3A_413 = tpu.memref_slice %arg2[%dma_wait3A_411, %dma_wait3A_412] : memref<10000x16xf32, #tpu.memory_space<hbm>> -> memref<80x16xf32, #tpu.memory_space<hbm>>
      tpu.wait_dma2 semaphore(%arg12 : memref<!tpu.dma_semaphore, #tpu.memory_space<semaphore_mem>>) src(%dma_wait3A_413 : memref<80x16xf32, #tpu.memory_space<hbm>>) dst(%dma_wait3A_410 : memref<80x16xf32, #tpu.memory_space<vmem>>)
      %dma_wait3A_414 = arith.constant 0 : i32
      %dma_wait3A_415 = arith.constant 0 : i32
      %dma_wait3A_416 = arith.constant 0 : i32
      %dma_wait3A_417 = tpu.memref_slice %arg9[%dma_wait3A_414, %dma_wait3A_415, %dma_wait3A_416] : memref<5x80x16xf32, #tpu.memory_space<vmem>> -> memref<1x80x16xf32, #tpu.memory_space<vmem>>
      %dma_wait3A_418 = tpu.memref_squeeze %dma_wait3A_417 : memref<1x80x16xf32, #tpu.memory_space<vmem>> -> memref<80x16xf32, #tpu.memory_space<vmem>>
      %dma_wait3A_419 = arith.constant 0 : i32
      %dma_wait3A_420 = arith.constant 0 : i32
      %dma_wait3A_421 = tpu.memref_slice %arg2[%dma_wait3A_419, %dma_wait3A_420] : memref<10000x16xf32, #tpu.memory_space<hbm>> -> memref<80x16xf32, #tpu.memory_space<hbm>>
      %dma_wait3A_422 = arith.constant 0 : i32
      %dma_wait3A_423 = arith.constant 0 : i32
      %dma_wait3A_424 = tpu.memref_slice %arg9[%dma_wait3A_414, %dma_wait3A_422, %dma_wait3A_423] : memref<5x80x16xf32, #tpu.memory_space<vmem>> -> memref<1x80x16xf32, #tpu.memory_space<vmem>>
      %dma_wait3A_425 = tpu.memref_squeeze %dma_wait3A_424 : memref<1x80x16xf32, #tpu.memory_space<vmem>> -> memref<80x16xf32, #tpu.memory_space<vmem>>
      %dma_wait3A_426 = arith.constant 0 : i32
      %dma_wait3A_427 = arith.constant 0 : i32
      %dma_wait3A_428 = tpu.memref_slice %arg2[%dma_wait3A_426, %dma_wait3A_427] : memref<10000x16xf32, #tpu.memory_space<hbm>> -> memref<80x16xf32, #tpu.memory_space<hbm>>
      tpu.wait_dma2 semaphore(%arg12 : memref<!tpu.dma_semaphore, #tpu.memory_space<semaphore_mem>>) src(%dma_wait3A_428 : memref<80x16xf32, #tpu.memory_space<hbm>>) dst(%dma_wait3A_425 : memref<80x16xf32, #tpu.memory_space<vmem>>)
      %dma_wait3A_429 = arith.constant 0 : i32
      %dma_wait3A_430 = arith.constant 0 : i32
      %dma_wait3A_431 = arith.constant 0 : i32
      %dma_wait3A_432 = tpu.memref_slice %arg9[%dma_wait3A_429, %dma_wait3A_430, %dma_wait3A_431] : memref<5x80x16xf32, #tpu.memory_space<vmem>> -> memref<1x80x16xf32, #tpu.memory_space<vmem>>
      %dma_wait3A_433 = tpu.memref_squeeze %dma_wait3A_432 : memref<1x80x16xf32, #tpu.memory_space<vmem>> -> memref<80x16xf32, #tpu.memory_space<vmem>>
      %dma_wait3A_434 = arith.constant 0 : i32
      %dma_wait3A_435 = arith.constant 0 : i32
      %dma_wait3A_436 = tpu.memref_slice %arg2[%dma_wait3A_434, %dma_wait3A_435] : memref<10000x16xf32, #tpu.memory_space<hbm>> -> memref<80x16xf32, #tpu.memory_space<hbm>>
      %dma_wait3A_437 = arith.constant 0 : i32
      %dma_wait3A_438 = arith.constant 0 : i32
      %dma_wait3A_439 = tpu.memref_slice %arg9[%dma_wait3A_429, %dma_wait3A_437, %dma_wait3A_438] : memref<5x80x16xf32, #tpu.memory_space<vmem>> -> memref<1x80x16xf32, #tpu.memory_space<vmem>>
      %dma_wait3A_440 = tpu.memref_squeeze %dma_wait3A_439 : memref<1x80x16xf32, #tpu.memory_space<vmem>> -> memref<80x16xf32, #tpu.memory_space<vmem>>
      %dma_wait3A_441 = arith.constant 0 : i32
      %dma_wait3A_442 = arith.constant 0 : i32
      %dma_wait3A_443 = tpu.memref_slice %arg2[%dma_wait3A_441, %dma_wait3A_442] : memref<10000x16xf32, #tpu.memory_space<hbm>> -> memref<80x16xf32, #tpu.memory_space<hbm>>
      tpu.wait_dma2 semaphore(%arg12 : memref<!tpu.dma_semaphore, #tpu.memory_space<semaphore_mem>>) src(%dma_wait3A_443 : memref<80x16xf32, #tpu.memory_space<hbm>>) dst(%dma_wait3A_440 : memref<80x16xf32, #tpu.memory_space<vmem>>)
      %dma_wait3A_444 = arith.constant 0 : i32
      %dma_wait3A_445 = arith.constant 0 : i32
      %dma_wait3A_446 = arith.constant 0 : i32
      %dma_wait3A_447 = tpu.memref_slice %arg9[%dma_wait3A_444, %dma_wait3A_445, %dma_wait3A_446] : memref<5x80x16xf32, #tpu.memory_space<vmem>> -> memref<1x80x16xf32, #tpu.memory_space<vmem>>
      %dma_wait3A_448 = tpu.memref_squeeze %dma_wait3A_447 : memref<1x80x16xf32, #tpu.memory_space<vmem>> -> memref<80x16xf32, #tpu.memory_space<vmem>>
      %dma_wait3A_449 = arith.constant 0 : i32
      %dma_wait3A_450 = arith.constant 0 : i32
      %dma_wait3A_451 = tpu.memref_slice %arg2[%dma_wait3A_449, %dma_wait3A_450] : memref<10000x16xf32, #tpu.memory_space<hbm>> -> memref<80x16xf32, #tpu.memory_space<hbm>>
      %dma_wait3A_452 = arith.constant 0 : i32
      %dma_wait3A_453 = arith.constant 0 : i32
      %dma_wait3A_454 = tpu.memref_slice %arg9[%dma_wait3A_444, %dma_wait3A_452, %dma_wait3A_453] : memref<5x80x16xf32, #tpu.memory_space<vmem>> -> memref<1x80x16xf32, #tpu.memory_space<vmem>>
      %dma_wait3A_455 = tpu.memref_squeeze %dma_wait3A_454 : memref<1x80x16xf32, #tpu.memory_space<vmem>> -> memref<80x16xf32, #tpu.memory_space<vmem>>
      %dma_wait3A_456 = arith.constant 0 : i32
      %dma_wait3A_457 = arith.constant 0 : i32
      %dma_wait3A_458 = tpu.memref_slice %arg2[%dma_wait3A_456, %dma_wait3A_457] : memref<10000x16xf32, #tpu.memory_space<hbm>> -> memref<80x16xf32, #tpu.memory_space<hbm>>
      tpu.wait_dma2 semaphore(%arg12 : memref<!tpu.dma_semaphore, #tpu.memory_space<semaphore_mem>>) src(%dma_wait3A_458 : memref<80x16xf32, #tpu.memory_space<hbm>>) dst(%dma_wait3A_455 : memref<80x16xf32, #tpu.memory_space<vmem>>)
      %dma_wait3A_459 = arith.constant 0 : i32
      %dma_wait3A_460 = arith.constant 0 : i32
      %dma_wait3A_461 = arith.constant 0 : i32
      %dma_wait3A_462 = tpu.memref_slice %arg9[%dma_wait3A_459, %dma_wait3A_460, %dma_wait3A_461] : memref<5x80x16xf32, #tpu.memory_space<vmem>> -> memref<1x80x16xf32, #tpu.memory_space<vmem>>
      %dma_wait3A_463 = tpu.memref_squeeze %dma_wait3A_462 : memref<1x80x16xf32, #tpu.memory_space<vmem>> -> memref<80x16xf32, #tpu.memory_space<vmem>>
      %dma_wait3A_464 = arith.constant 0 : i32
      %dma_wait3A_465 = arith.constant 0 : i32
      %dma_wait3A_466 = tpu.memref_slice %arg2[%dma_wait3A_464, %dma_wait3A_465] : memref<10000x16xf32, #tpu.memory_space<hbm>> -> memref<80x16xf32, #tpu.memory_space<hbm>>
      %dma_wait3A_467 = arith.constant 0 : i32
      %dma_wait3A_468 = arith.constant 0 : i32
      %dma_wait3A_469 = tpu.memref_slice %arg9[%dma_wait3A_459, %dma_wait3A_467, %dma_wait3A_468] : memref<5x80x16xf32, #tpu.memory_space<vmem>> -> memref<1x80x16xf32, #tpu.memory_space<vmem>>
      %dma_wait3A_470 = tpu.memref_squeeze %dma_wait3A_469 : memref<1x80x16xf32, #tpu.memory_space<vmem>> -> memref<80x16xf32, #tpu.memory_space<vmem>>
      %dma_wait3A_471 = arith.constant 0 : i32
      %dma_wait3A_472 = arith.constant 0 : i32
      %dma_wait3A_473 = tpu.memref_slice %arg2[%dma_wait3A_471, %dma_wait3A_472] : memref<10000x16xf32, #tpu.memory_space<hbm>> -> memref<80x16xf32, #tpu.memory_space<hbm>>
      tpu.wait_dma2 semaphore(%arg12 : memref<!tpu.dma_semaphore, #tpu.memory_space<semaphore_mem>>) src(%dma_wait3A_473 : memref<80x16xf32, #tpu.memory_space<hbm>>) dst(%dma_wait3A_470 : memref<80x16xf32, #tpu.memory_space<vmem>>)
      %mul3A_474 = arith.constant 2 : i32
      %mul3A_475 = arith.muli %mul3A_474, %scan3A_397 : i32
      %mul3A_476 = arith.constant 5 : i32
      %mul3A_477 = arith.muli %mul3A_475, %mul3A_476 : i32
      %add3A_478 = arith.constant 0 : i32
      %add3A_479 = arith.addi %mul3A_477, %add3A_478 : i32
      %dma_start3A_480 = arith.constant 0 : i32
      %dma_start3A_481 = arith.constant 0 : i32
      %dma_start3A_482 = arith.constant 0 : i32
      %dma_start3A_483 = tpu.memref_slice %arg9[%dma_start3A_480, %dma_start3A_481, %dma_start3A_482] : memref<5x80x16xf32, #tpu.memory_space<vmem>> -> memref<1x80x16xf32, #tpu.memory_space<vmem>>
      %dma_start3A_484 = tpu.memref_squeeze %dma_start3A_483 : memref<1x80x16xf32, #tpu.memory_space<vmem>> -> memref<80x16xf32, #tpu.memory_space<vmem>>
      %dma_start3A_485 = arith.constant 0 : i32
      %dma_start3A_486 = tpu.memref_slice %arg8[%add3A_479, %dma_start3A_485] : memref<125x80xi32, #tpu.memory_space<vmem>> -> memref<1x80xi32, #tpu.memory_space<vmem>>
      %dma_start3A_487 = tpu.memref_squeeze %dma_start3A_486 : memref<1x80xi32, #tpu.memory_space<vmem>> -> memref<80xi32, #tpu.memory_space<vmem>>
      %dma_start3A_488 = arith.constant 0 : i32
      %dma_start3A_489 = arith.constant 0 : i32
      %dma_start3A_490 = tpu.memref_slice %arg6[%dma_start3A_488, %dma_start3A_489] : memref<10000x16xf32, #tpu.memory_space<vmem_shared>> -> memref<10000x16xf32, #tpu.memory_space<vmem_shared>>
      tpu.enqueue_indirect_dma source(%dma_start3A_484 : memref<80x16xf32, #tpu.memory_space<vmem>>) target(%dma_start3A_490 : memref<10000x16xf32, #tpu.memory_space<vmem_shared>>) offsets(%dma_start3A_487 : memref<80xi32, #tpu.memory_space<vmem>>) semaphore(%arg14 : memref<!tpu.dma_semaphore, #tpu.memory_space<semaphore_mem>>) {add = true}
      %mul3A_491 = arith.constant 5 : i32
      %mul3A_492 = arith.muli %mul3A_475, %mul3A_491 : i32
      %add3A_493 = arith.constant 1 : i32
      %add3A_494 = arith.addi %mul3A_492, %add3A_493 : i32
      %dma_start3A_495 = arith.constant 1 : i32
      %dma_start3A_496 = arith.constant 0 : i32
      %dma_start3A_497 = arith.constant 0 : i32
      %dma_start3A_498 = tpu.memref_slice %arg9[%dma_start3A_495, %dma_start3A_496, %dma_start3A_497] : memref<5x80x16xf32, #tpu.memory_space<vmem>> -> memref<1x80x16xf32, #tpu.memory_space<vmem>>
      %dma_start3A_499 = tpu.memref_squeeze %dma_start3A_498 : memref<1x80x16xf32, #tpu.memory_space<vmem>> -> memref<80x16xf32, #tpu.memory_space<vmem>>
      %dma_start3A_500 = arith.constant 0 : i32
      %dma_start3A_501 = tpu.memref_slice %arg8[%add3A_494, %dma_start3A_500] : memref<125x80xi32, #tpu.memory_space<vmem>> -> memref<1x80xi32, #tpu.memory_space<vmem>>
      %dma_start3A_502 = tpu.memref_squeeze %dma_start3A_501 : memref<1x80xi32, #tpu.memory_space<vmem>> -> memref<80xi32, #tpu.memory_space<vmem>>
      %dma_start3A_503 = arith.constant 0 : i32
      %dma_start3A_504 = arith.constant 0 : i32
      %dma_start3A_505 = tpu.memref_slice %arg6[%dma_start3A_503, %dma_start3A_504] : memref<10000x16xf32, #tpu.memory_space<vmem_shared>> -> memref<10000x16xf32, #tpu.memory_space<vmem_shared>>
      tpu.enqueue_indirect_dma source(%dma_start3A_499 : memref<80x16xf32, #tpu.memory_space<vmem>>) target(%dma_start3A_505 : memref<10000x16xf32, #tpu.memory_space<vmem_shared>>) offsets(%dma_start3A_502 : memref<80xi32, #tpu.memory_space<vmem>>) semaphore(%arg14 : memref<!tpu.dma_semaphore, #tpu.memory_space<semaphore_mem>>) {add = true}
      %mul3A_506 = arith.constant 5 : i32
      %mul3A_507 = arith.muli %mul3A_475, %mul3A_506 : i32
      %add3A_508 = arith.constant 2 : i32
      %add3A_509 = arith.addi %mul3A_507, %add3A_508 : i32
      %dma_start3A_510 = arith.constant 2 : i32
      %dma_start3A_511 = arith.constant 0 : i32
      %dma_start3A_512 = arith.constant 0 : i32
      %dma_start3A_513 = tpu.memref_slice %arg9[%dma_start3A_510, %dma_start3A_511, %dma_start3A_512] : memref<5x80x16xf32, #tpu.memory_space<vmem>> -> memref<1x80x16xf32, #tpu.memory_space<vmem>>
      %dma_start3A_514 = tpu.memref_squeeze %dma_start3A_513 : memref<1x80x16xf32, #tpu.memory_space<vmem>> -> memref<80x16xf32, #tpu.memory_space<vmem>>
      %dma_start3A_515 = arith.constant 0 : i32
      %dma_start3A_516 = tpu.memref_slice %arg8[%add3A_509, %dma_start3A_515] : memref<125x80xi32, #tpu.memory_space<vmem>> -> memref<1x80xi32, #tpu.memory_space<vmem>>
      %dma_start3A_517 = tpu.memref_squeeze %dma_start3A_516 : memref<1x80xi32, #tpu.memory_space<vmem>> -> memref<80xi32, #tpu.memory_space<vmem>>
      %dma_start3A_518 = arith.constant 0 : i32
      %dma_start3A_519 = arith.constant 0 : i32
      %dma_start3A_520 = tpu.memref_slice %arg6[%dma_start3A_518, %dma_start3A_519] : memref<10000x16xf32, #tpu.memory_space<vmem_shared>> -> memref<10000x16xf32, #tpu.memory_space<vmem_shared>>
      tpu.enqueue_indirect_dma source(%dma_start3A_514 : memref<80x16xf32, #tpu.memory_space<vmem>>) target(%dma_start3A_520 : memref<10000x16xf32, #tpu.memory_space<vmem_shared>>) offsets(%dma_start3A_517 : memref<80xi32, #tpu.memory_space<vmem>>) semaphore(%arg14 : memref<!tpu.dma_semaphore, #tpu.memory_space<semaphore_mem>>) {add = true}
      %mul3A_521 = arith.constant 5 : i32
      %mul3A_522 = arith.muli %mul3A_475, %mul3A_521 : i32
      %add3A_523 = arith.constant 3 : i32
      %add3A_524 = arith.addi %mul3A_522, %add3A_523 : i32
      %dma_start3A_525 = arith.constant 3 : i32
      %dma_start3A_526 = arith.constant 0 : i32
      %dma_start3A_527 = arith.constant 0 : i32
      %dma_start3A_528 = tpu.memref_slice %arg9[%dma_start3A_525, %dma_start3A_526, %dma_start3A_527] : memref<5x80x16xf32, #tpu.memory_space<vmem>> -> memref<1x80x16xf32, #tpu.memory_space<vmem>>
      %dma_start3A_529 = tpu.memref_squeeze %dma_start3A_528 : memref<1x80x16xf32, #tpu.memory_space<vmem>> -> memref<80x16xf32, #tpu.memory_space<vmem>>
      %dma_start3A_530 = arith.constant 0 : i32
      %dma_start3A_531 = tpu.memref_slice %arg8[%add3A_524, %dma_start3A_530] : memref<125x80xi32, #tpu.memory_space<vmem>> -> memref<1x80xi32, #tpu.memory_space<vmem>>
      %dma_start3A_532 = tpu.memref_squeeze %dma_start3A_531 : memref<1x80xi32, #tpu.memory_space<vmem>> -> memref<80xi32, #tpu.memory_space<vmem>>
      %dma_start3A_533 = arith.constant 0 : i32
      %dma_start3A_534 = arith.constant 0 : i32
      %dma_start3A_535 = tpu.memref_slice %arg6[%dma_start3A_533, %dma_start3A_534] : memref<10000x16xf32, #tpu.memory_space<vmem_shared>> -> memref<10000x16xf32, #tpu.memory_space<vmem_shared>>
      tpu.enqueue_indirect_dma source(%dma_start3A_529 : memref<80x16xf32, #tpu.memory_space<vmem>>) target(%dma_start3A_535 : memref<10000x16xf32, #tpu.memory_space<vmem_shared>>) offsets(%dma_start3A_532 : memref<80xi32, #tpu.memory_space<vmem>>) semaphore(%arg14 : memref<!tpu.dma_semaphore, #tpu.memory_space<semaphore_mem>>) {add = true}
      %mul3A_536 = arith.constant 5 : i32
      %mul3A_537 = arith.muli %mul3A_475, %mul3A_536 : i32
      %add3A_538 = arith.constant 4 : i32
      %add3A_539 = arith.addi %mul3A_537, %add3A_538 : i32
      %dma_start3A_540 = arith.constant 4 : i32
      %dma_start3A_541 = arith.constant 0 : i32
      %dma_start3A_542 = arith.constant 0 : i32
      %dma_start3A_543 = tpu.memref_slice %arg9[%dma_start3A_540, %dma_start3A_541, %dma_start3A_542] : memref<5x80x16xf32, #tpu.memory_space<vmem>> -> memref<1x80x16xf32, #tpu.memory_space<vmem>>
      %dma_start3A_544 = tpu.memref_squeeze %dma_start3A_543 : memref<1x80x16xf32, #tpu.memory_space<vmem>> -> memref<80x16xf32, #tpu.memory_space<vmem>>
      %dma_start3A_545 = arith.constant 0 : i32
      %dma_start3A_546 = tpu.memref_slice %arg8[%add3A_539, %dma_start3A_545] : memref<125x80xi32, #tpu.memory_space<vmem>> -> memref<1x80xi32, #tpu.memory_space<vmem>>
      %dma_start3A_547 = tpu.memref_squeeze %dma_start3A_546 : memref<1x80xi32, #tpu.memory_space<vmem>> -> memref<80xi32, #tpu.memory_space<vmem>>
      %dma_start3A_548 = arith.constant 0 : i32
      %dma_start3A_549 = arith.constant 0 : i32
      %dma_start3A_550 = tpu.memref_slice %arg6[%dma_start3A_548, %dma_start3A_549] : memref<10000x16xf32, #tpu.memory_space<vmem_shared>> -> memref<10000x16xf32, #tpu.memory_space<vmem_shared>>
      tpu.enqueue_indirect_dma source(%dma_start3A_544 : memref<80x16xf32, #tpu.memory_space<vmem>>) target(%dma_start3A_550 : memref<10000x16xf32, #tpu.memory_space<vmem_shared>>) offsets(%dma_start3A_547 : memref<80xi32, #tpu.memory_space<vmem>>) semaphore(%arg14 : memref<!tpu.dma_semaphore, #tpu.memory_space<semaphore_mem>>) {add = true}
      %gt3A = arith.constant 0 : i32
      %gt3A_551 = arith.cmpi sgt, %scan3A_397, %gt3A : i32
      %convert_element_type3A = arith.extui %gt3A_551 : i1 to i32
      %cond3A = arith.constant 0 : i32
      %cond3A_552 = arith.cmpi ne, %convert_element_type3A, %cond3A : i32
      scf.if %cond3A_552 {
        %dma_wait3A_941 = arith.constant 0 : i32
        %dma_wait3A_942 = arith.constant 0 : i32
        %dma_wait3A_943 = arith.constant 0 : i32
        %dma_wait3A_944 = tpu.memref_slice %arg9[%dma_wait3A_941, %dma_wait3A_942, %dma_wait3A_943] : memref<5x80x16xf32, #tpu.memory_space<vmem>> -> memref<1x80x16xf32, #tpu.memory_space<vmem>>
        %dma_wait3A_945 = tpu.memref_squeeze %dma_wait3A_944 : memref<1x80x16xf32, #tpu.memory_space<vmem>> -> memref<80x16xf32, #tpu.memory_space<vmem>>
        %dma_wait3A_946 = arith.constant 0 : i32
        %dma_wait3A_947 = arith.constant 0 : i32
        %dma_wait3A_948 = tpu.memref_slice %arg2[%dma_wait3A_946, %dma_wait3A_947] : memref<10000x16xf32, #tpu.memory_space<hbm>> -> memref<80x16xf32, #tpu.memory_space<hbm>>
        %dma_wait3A_949 = arith.constant 0 : i32
        %dma_wait3A_950 = arith.constant 0 : i32
        %dma_wait3A_951 = tpu.memref_slice %arg9[%dma_wait3A_941, %dma_wait3A_949, %dma_wait3A_950] : memref<5x80x16xf32, #tpu.memory_space<vmem>> -> memref<1x80x16xf32, #tpu.memory_space<vmem>>
        %dma_wait3A_952 = tpu.memref_squeeze %dma_wait3A_951 : memref<1x80x16xf32, #tpu.memory_space<vmem>> -> memref<80x16xf32, #tpu.memory_space<vmem>>
        %dma_wait3A_953 = arith.constant 0 : i32
        %dma_wait3A_954 = arith.constant 0 : i32
        %dma_wait3A_955 = tpu.memref_slice %arg2[%dma_wait3A_953, %dma_wait3A_954] : memref<10000x16xf32, #tpu.memory_space<hbm>> -> memref<80x16xf32, #tpu.memory_space<hbm>>
        tpu.wait_dma2 semaphore(%arg15 : memref<!tpu.dma_semaphore, #tpu.memory_space<semaphore_mem>>) src(%dma_wait3A_955 : memref<80x16xf32, #tpu.memory_space<hbm>>) dst(%dma_wait3A_952 : memref<80x16xf32, #tpu.memory_space<vmem>>)
        %dma_wait3A_956 = arith.constant 0 : i32
        %dma_wait3A_957 = arith.constant 0 : i32
        %dma_wait3A_958 = arith.constant 0 : i32
        %dma_wait3A_959 = tpu.memref_slice %arg9[%dma_wait3A_956, %dma_wait3A_957, %dma_wait3A_958] : memref<5x80x16xf32, #tpu.memory_space<vmem>> -> memref<1x80x16xf32, #tpu.memory_space<vmem>>
        %dma_wait3A_960 = tpu.memref_squeeze %dma_wait3A_959 : memref<1x80x16xf32, #tpu.memory_space<vmem>> -> memref<80x16xf32, #tpu.memory_space<vmem>>
        %dma_wait3A_961 = arith.constant 0 : i32
        %dma_wait3A_962 = arith.constant 0 : i32
        %dma_wait3A_963 = tpu.memref_slice %arg2[%dma_wait3A_961, %dma_wait3A_962] : memref<10000x16xf32, #tpu.memory_space<hbm>> -> memref<80x16xf32, #tpu.memory_space<hbm>>
        %dma_wait3A_964 = arith.constant 0 : i32
        %dma_wait3A_965 = arith.constant 0 : i32
        %dma_wait3A_966 = tpu.memref_slice %arg9[%dma_wait3A_956, %dma_wait3A_964, %dma_wait3A_965] : memref<5x80x16xf32, #tpu.memory_space<vmem>> -> memref<1x80x16xf32, #tpu.memory_space<vmem>>
        %dma_wait3A_967 = tpu.memref_squeeze %dma_wait3A_966 : memref<1x80x16xf32, #tpu.memory_space<vmem>> -> memref<80x16xf32, #tpu.memory_space<vmem>>
        %dma_wait3A_968 = arith.constant 0 : i32
        %dma_wait3A_969 = arith.constant 0 : i32
        %dma_wait3A_970 = tpu.memref_slice %arg2[%dma_wait3A_968, %dma_wait3A_969] : memref<10000x16xf32, #tpu.memory_space<hbm>> -> memref<80x16xf32, #tpu.memory_space<hbm>>
        tpu.wait_dma2 semaphore(%arg15 : memref<!tpu.dma_semaphore, #tpu.memory_space<semaphore_mem>>) src(%dma_wait3A_970 : memref<80x16xf32, #tpu.memory_space<hbm>>) dst(%dma_wait3A_967 : memref<80x16xf32, #tpu.memory_space<vmem>>)
        %dma_wait3A_971 = arith.constant 0 : i32
        %dma_wait3A_972 = arith.constant 0 : i32
        %dma_wait3A_973 = arith.constant 0 : i32
        %dma_wait3A_974 = tpu.memref_slice %arg9[%dma_wait3A_971, %dma_wait3A_972, %dma_wait3A_973] : memref<5x80x16xf32, #tpu.memory_space<vmem>> -> memref<1x80x16xf32, #tpu.memory_space<vmem>>
        %dma_wait3A_975 = tpu.memref_squeeze %dma_wait3A_974 : memref<1x80x16xf32, #tpu.memory_space<vmem>> -> memref<80x16xf32, #tpu.memory_space<vmem>>
        %dma_wait3A_976 = arith.constant 0 : i32
        %dma_wait3A_977 = arith.constant 0 : i32
        %dma_wait3A_978 = tpu.memref_slice %arg2[%dma_wait3A_976, %dma_wait3A_977] : memref<10000x16xf32, #tpu.memory_space<hbm>> -> memref<80x16xf32, #tpu.memory_space<hbm>>
        %dma_wait3A_979 = arith.constant 0 : i32
        %dma_wait3A_980 = arith.constant 0 : i32
        %dma_wait3A_981 = tpu.memref_slice %arg9[%dma_wait3A_971, %dma_wait3A_979, %dma_wait3A_980] : memref<5x80x16xf32, #tpu.memory_space<vmem>> -> memref<1x80x16xf32, #tpu.memory_space<vmem>>
        %dma_wait3A_982 = tpu.memref_squeeze %dma_wait3A_981 : memref<1x80x16xf32, #tpu.memory_space<vmem>> -> memref<80x16xf32, #tpu.memory_space<vmem>>
        %dma_wait3A_983 = arith.constant 0 : i32
        %dma_wait3A_984 = arith.constant 0 : i32
        %dma_wait3A_985 = tpu.memref_slice %arg2[%dma_wait3A_983, %dma_wait3A_984] : memref<10000x16xf32, #tpu.memory_space<hbm>> -> memref<80x16xf32, #tpu.memory_space<hbm>>
        tpu.wait_dma2 semaphore(%arg15 : memref<!tpu.dma_semaphore, #tpu.memory_space<semaphore_mem>>) src(%dma_wait3A_985 : memref<80x16xf32, #tpu.memory_space<hbm>>) dst(%dma_wait3A_982 : memref<80x16xf32, #tpu.memory_space<vmem>>)
        %dma_wait3A_986 = arith.constant 0 : i32
        %dma_wait3A_987 = arith.constant 0 : i32
        %dma_wait3A_988 = arith.constant 0 : i32
        %dma_wait3A_989 = tpu.memref_slice %arg9[%dma_wait3A_986, %dma_wait3A_987, %dma_wait3A_988] : memref<5x80x16xf32, #tpu.memory_space<vmem>> -> memref<1x80x16xf32, #tpu.memory_space<vmem>>
        %dma_wait3A_990 = tpu.memref_squeeze %dma_wait3A_989 : memref<1x80x16xf32, #tpu.memory_space<vmem>> -> memref<80x16xf32, #tpu.memory_space<vmem>>
        %dma_wait3A_991 = arith.constant 0 : i32
        %dma_wait3A_992 = arith.constant 0 : i32
        %dma_wait3A_993 = tpu.memref_slice %arg2[%dma_wait3A_991, %dma_wait3A_992] : memref<10000x16xf32, #tpu.memory_space<hbm>> -> memref<80x16xf32, #tpu.memory_space<hbm>>
        %dma_wait3A_994 = arith.constant 0 : i32
        %dma_wait3A_995 = arith.constant 0 : i32
        %dma_wait3A_996 = tpu.memref_slice %arg9[%dma_wait3A_986, %dma_wait3A_994, %dma_wait3A_995] : memref<5x80x16xf32, #tpu.memory_space<vmem>> -> memref<1x80x16xf32, #tpu.memory_space<vmem>>
        %dma_wait3A_997 = tpu.memref_squeeze %dma_wait3A_996 : memref<1x80x16xf32, #tpu.memory_space<vmem>> -> memref<80x16xf32, #tpu.memory_space<vmem>>
        %dma_wait3A_998 = arith.constant 0 : i32
        %dma_wait3A_999 = arith.constant 0 : i32
        %dma_wait3A_1000 = tpu.memref_slice %arg2[%dma_wait3A_998, %dma_wait3A_999] : memref<10000x16xf32, #tpu.memory_space<hbm>> -> memref<80x16xf32, #tpu.memory_space<hbm>>
        tpu.wait_dma2 semaphore(%arg15 : memref<!tpu.dma_semaphore, #tpu.memory_space<semaphore_mem>>) src(%dma_wait3A_1000 : memref<80x16xf32, #tpu.memory_space<hbm>>) dst(%dma_wait3A_997 : memref<80x16xf32, #tpu.memory_space<vmem>>)
        %dma_wait3A_1001 = arith.constant 0 : i32
        %dma_wait3A_1002 = arith.constant 0 : i32
        %dma_wait3A_1003 = arith.constant 0 : i32
        %dma_wait3A_1004 = tpu.memref_slice %arg9[%dma_wait3A_1001, %dma_wait3A_1002, %dma_wait3A_1003] : memref<5x80x16xf32, #tpu.memory_space<vmem>> -> memref<1x80x16xf32, #tpu.memory_space<vmem>>
        %dma_wait3A_1005 = tpu.memref_squeeze %dma_wait3A_1004 : memref<1x80x16xf32, #tpu.memory_space<vmem>> -> memref<80x16xf32, #tpu.memory_space<vmem>>
        %dma_wait3A_1006 = arith.constant 0 : i32
        %dma_wait3A_1007 = arith.constant 0 : i32
        %dma_wait3A_1008 = tpu.memref_slice %arg2[%dma_wait3A_1006, %dma_wait3A_1007] : memref<10000x16xf32, #tpu.memory_space<hbm>> -> memref<80x16xf32, #tpu.memory_space<hbm>>
        %dma_wait3A_1009 = arith.constant 0 : i32
        %dma_wait3A_1010 = arith.constant 0 : i32
        %dma_wait3A_1011 = tpu.memref_slice %arg9[%dma_wait3A_1001, %dma_wait3A_1009, %dma_wait3A_1010] : memref<5x80x16xf32, #tpu.memory_space<vmem>> -> memref<1x80x16xf32, #tpu.memory_space<vmem>>
        %dma_wait3A_1012 = tpu.memref_squeeze %dma_wait3A_1011 : memref<1x80x16xf32, #tpu.memory_space<vmem>> -> memref<80x16xf32, #tpu.memory_space<vmem>>
        %dma_wait3A_1013 = arith.constant 0 : i32
        %dma_wait3A_1014 = arith.constant 0 : i32
        %dma_wait3A_1015 = tpu.memref_slice %arg2[%dma_wait3A_1013, %dma_wait3A_1014] : memref<10000x16xf32, #tpu.memory_space<hbm>> -> memref<80x16xf32, #tpu.memory_space<hbm>>
        tpu.wait_dma2 semaphore(%arg15 : memref<!tpu.dma_semaphore, #tpu.memory_space<semaphore_mem>>) src(%dma_wait3A_1015 : memref<80x16xf32, #tpu.memory_space<hbm>>) dst(%dma_wait3A_1012 : memref<80x16xf32, #tpu.memory_space<vmem>>)
      } else {
      }
      %mul3A_553 = arith.constant 2 : i32
      %mul3A_554 = arith.muli %mul3A_553, %scan3A_397 : i32
      %add3A_555 = arith.constant 1 : i32
      %add3A_556 = arith.addi %mul3A_554, %add3A_555 : i32
      %mul3A_557 = arith.constant 5 : i32
      %mul3A_558 = arith.muli %add3A_556, %mul3A_557 : i32
      %add3A_559 = arith.constant 0 : i32
      %add3A_560 = arith.addi %mul3A_558, %add3A_559 : i32
      %dma_start3A_561 = arith.constant 0 : i32
      %dma_start3A_562 = arith.constant 0 : i32
      %dma_start3A_563 = arith.constant 0 : i32
      %dma_start3A_564 = tpu.memref_slice %arg10[%dma_start3A_561, %dma_start3A_562, %dma_start3A_563] : memref<5x80x16xf32, #tpu.memory_space<vmem>> -> memref<1x80x16xf32, #tpu.memory_space<vmem>>
      %dma_start3A_565 = tpu.memref_squeeze %dma_start3A_564 : memref<1x80x16xf32, #tpu.memory_space<vmem>> -> memref<80x16xf32, #tpu.memory_space<vmem>>
      %dma_start3A_566 = arith.constant 0 : i32
      %dma_start3A_567 = tpu.memref_slice %arg7[%add3A_560, %dma_start3A_566] : memref<125x80xi32, #tpu.memory_space<vmem>> -> memref<1x80xi32, #tpu.memory_space<vmem>>
      %dma_start3A_568 = tpu.memref_squeeze %dma_start3A_567 : memref<1x80xi32, #tpu.memory_space<vmem>> -> memref<80xi32, #tpu.memory_space<vmem>>
      %dma_start3A_569 = arith.constant 0 : i32
      %dma_start3A_570 = arith.constant 0 : i32
      %dma_start3A_571 = tpu.memref_slice %arg2[%dma_start3A_569, %dma_start3A_570] : memref<10000x16xf32, #tpu.memory_space<hbm>> -> memref<10000x16xf32, #tpu.memory_space<hbm>>
      tpu.enqueue_indirect_dma source(%dma_start3A_571 : memref<10000x16xf32, #tpu.memory_space<hbm>>) target(%dma_start3A_565 : memref<80x16xf32, #tpu.memory_space<vmem>>) offsets(%dma_start3A_568 : memref<80xi32, #tpu.memory_space<vmem>>) semaphore(%arg13 : memref<!tpu.dma_semaphore, #tpu.memory_space<semaphore_mem>>)
      %mul3A_572 = arith.constant 5 : i32
      %mul3A_573 = arith.muli %add3A_556, %mul3A_572 : i32
      %add3A_574 = arith.constant 1 : i32
      %add3A_575 = arith.addi %mul3A_573, %add3A_574 : i32
      %dma_start3A_576 = arith.constant 1 : i32
      %dma_start3A_577 = arith.constant 0 : i32
      %dma_start3A_578 = arith.constant 0 : i32
      %dma_start3A_579 = tpu.memref_slice %arg10[%dma_start3A_576, %dma_start3A_577, %dma_start3A_578] : memref<5x80x16xf32, #tpu.memory_space<vmem>> -> memref<1x80x16xf32, #tpu.memory_space<vmem>>
      %dma_start3A_580 = tpu.memref_squeeze %dma_start3A_579 : memref<1x80x16xf32, #tpu.memory_space<vmem>> -> memref<80x16xf32, #tpu.memory_space<vmem>>
      %dma_start3A_581 = arith.constant 0 : i32
      %dma_start3A_582 = tpu.memref_slice %arg7[%add3A_575, %dma_start3A_581] : memref<125x80xi32, #tpu.memory_space<vmem>> -> memref<1x80xi32, #tpu.memory_space<vmem>>
      %dma_start3A_583 = tpu.memref_squeeze %dma_start3A_582 : memref<1x80xi32, #tpu.memory_space<vmem>> -> memref<80xi32, #tpu.memory_space<vmem>>
      %dma_start3A_584 = arith.constant 0 : i32
      %dma_start3A_585 = arith.constant 0 : i32
      %dma_start3A_586 = tpu.memref_slice %arg2[%dma_start3A_584, %dma_start3A_585] : memref<10000x16xf32, #tpu.memory_space<hbm>> -> memref<10000x16xf32, #tpu.memory_space<hbm>>
      tpu.enqueue_indirect_dma source(%dma_start3A_586 : memref<10000x16xf32, #tpu.memory_space<hbm>>) target(%dma_start3A_580 : memref<80x16xf32, #tpu.memory_space<vmem>>) offsets(%dma_start3A_583 : memref<80xi32, #tpu.memory_space<vmem>>) semaphore(%arg13 : memref<!tpu.dma_semaphore, #tpu.memory_space<semaphore_mem>>)
      %mul3A_587 = arith.constant 5 : i32
      %mul3A_588 = arith.muli %add3A_556, %mul3A_587 : i32
      %add3A_589 = arith.constant 2 : i32
      %add3A_590 = arith.addi %mul3A_588, %add3A_589 : i32
      %dma_start3A_591 = arith.constant 2 : i32
      %dma_start3A_592 = arith.constant 0 : i32
      %dma_start3A_593 = arith.constant 0 : i32
      %dma_start3A_594 = tpu.memref_slice %arg10[%dma_start3A_591, %dma_start3A_592, %dma_start3A_593] : memref<5x80x16xf32, #tpu.memory_space<vmem>> -> memref<1x80x16xf32, #tpu.memory_space<vmem>>
      %dma_start3A_595 = tpu.memref_squeeze %dma_start3A_594 : memref<1x80x16xf32, #tpu.memory_space<vmem>> -> memref<80x16xf32, #tpu.memory_space<vmem>>
      %dma_start3A_596 = arith.constant 0 : i32
      %dma_start3A_597 = tpu.memref_slice %arg7[%add3A_590, %dma_start3A_596] : memref<125x80xi32, #tpu.memory_space<vmem>> -> memref<1x80xi32, #tpu.memory_space<vmem>>
      %dma_start3A_598 = tpu.memref_squeeze %dma_start3A_597 : memref<1x80xi32, #tpu.memory_space<vmem>> -> memref<80xi32, #tpu.memory_space<vmem>>
      %dma_start3A_599 = arith.constant 0 : i32
      %dma_start3A_600 = arith.constant 0 : i32
      %dma_start3A_601 = tpu.memref_slice %arg2[%dma_start3A_599, %dma_start3A_600] : memref<10000x16xf32, #tpu.memory_space<hbm>> -> memref<10000x16xf32, #tpu.memory_space<hbm>>
      tpu.enqueue_indirect_dma source(%dma_start3A_601 : memref<10000x16xf32, #tpu.memory_space<hbm>>) target(%dma_start3A_595 : memref<80x16xf32, #tpu.memory_space<vmem>>) offsets(%dma_start3A_598 : memref<80xi32, #tpu.memory_space<vmem>>) semaphore(%arg13 : memref<!tpu.dma_semaphore, #tpu.memory_space<semaphore_mem>>)
      %mul3A_602 = arith.constant 5 : i32
      %mul3A_603 = arith.muli %add3A_556, %mul3A_602 : i32
      %add3A_604 = arith.constant 3 : i32
      %add3A_605 = arith.addi %mul3A_603, %add3A_604 : i32
      %dma_start3A_606 = arith.constant 3 : i32
      %dma_start3A_607 = arith.constant 0 : i32
      %dma_start3A_608 = arith.constant 0 : i32
      %dma_start3A_609 = tpu.memref_slice %arg10[%dma_start3A_606, %dma_start3A_607, %dma_start3A_608] : memref<5x80x16xf32, #tpu.memory_space<vmem>> -> memref<1x80x16xf32, #tpu.memory_space<vmem>>
      %dma_start3A_610 = tpu.memref_squeeze %dma_start3A_609 : memref<1x80x16xf32, #tpu.memory_space<vmem>> -> memref<80x16xf32, #tpu.memory_space<vmem>>
      %dma_start3A_611 = arith.constant 0 : i32
      %dma_start3A_612 = tpu.memref_slice %arg7[%add3A_605, %dma_start3A_611] : memref<125x80xi32, #tpu.memory_space<vmem>> -> memref<1x80xi32, #tpu.memory_space<vmem>>
      %dma_start3A_613 = tpu.memref_squeeze %dma_start3A_612 : memref<1x80xi32, #tpu.memory_space<vmem>> -> memref<80xi32, #tpu.memory_space<vmem>>
      %dma_start3A_614 = arith.constant 0 : i32
      %dma_start3A_615 = arith.constant 0 : i32
      %dma_start3A_616 = tpu.memref_slice %arg2[%dma_start3A_614, %dma_start3A_615] : memref<10000x16xf32, #tpu.memory_space<hbm>> -> memref<10000x16xf32, #tpu.memory_space<hbm>>
      tpu.enqueue_indirect_dma source(%dma_start3A_616 : memref<10000x16xf32, #tpu.memory_space<hbm>>) target(%dma_start3A_610 : memref<80x16xf32, #tpu.memory_space<vmem>>) offsets(%dma_start3A_613 : memref<80xi32, #tpu.memory_space<vmem>>) semaphore(%arg13 : memref<!tpu.dma_semaphore, #tpu.memory_space<semaphore_mem>>)
      %mul3A_617 = arith.constant 5 : i32
      %mul3A_618 = arith.muli %add3A_556, %mul3A_617 : i32
      %add3A_619 = arith.constant 4 : i32
      %add3A_620 = arith.addi %mul3A_618, %add3A_619 : i32
      %dma_start3A_621 = arith.constant 4 : i32
      %dma_start3A_622 = arith.constant 0 : i32
      %dma_start3A_623 = arith.constant 0 : i32
      %dma_start3A_624 = tpu.memref_slice %arg10[%dma_start3A_621, %dma_start3A_622, %dma_start3A_623] : memref<5x80x16xf32, #tpu.memory_space<vmem>> -> memref<1x80x16xf32, #tpu.memory_space<vmem>>
      %dma_start3A_625 = tpu.memref_squeeze %dma_start3A_624 : memref<1x80x16xf32, #tpu.memory_space<vmem>> -> memref<80x16xf32, #tpu.memory_space<vmem>>
      %dma_start3A_626 = arith.constant 0 : i32
      %dma_start3A_627 = tpu.memref_slice %arg7[%add3A_620, %dma_start3A_626] : memref<125x80xi32, #tpu.memory_space<vmem>> -> memref<1x80xi32, #tpu.memory_space<vmem>>
      %dma_start3A_628 = tpu.memref_squeeze %dma_start3A_627 : memref<1x80xi32, #tpu.memory_space<vmem>> -> memref<80xi32, #tpu.memory_space<vmem>>
      %dma_start3A_629 = arith.constant 0 : i32
      %dma_start3A_630 = arith.constant 0 : i32
      %dma_start3A_631 = tpu.memref_slice %arg2[%dma_start3A_629, %dma_start3A_630] : memref<10000x16xf32, #tpu.memory_space<hbm>> -> memref<10000x16xf32, #tpu.memory_space<hbm>>
      tpu.enqueue_indirect_dma source(%dma_start3A_631 : memref<10000x16xf32, #tpu.memory_space<hbm>>) target(%dma_start3A_625 : memref<80x16xf32, #tpu.memory_space<vmem>>) offsets(%dma_start3A_628 : memref<80xi32, #tpu.memory_space<vmem>>) semaphore(%arg13 : memref<!tpu.dma_semaphore, #tpu.memory_space<semaphore_mem>>)
      %dma_wait3A_632 = arith.constant 0 : i32
      %dma_wait3A_633 = arith.constant 0 : i32
      %dma_wait3A_634 = arith.constant 0 : i32
      %dma_wait3A_635 = tpu.memref_slice %arg9[%dma_wait3A_632, %dma_wait3A_633, %dma_wait3A_634] : memref<5x80x16xf32, #tpu.memory_space<vmem>> -> memref<1x80x16xf32, #tpu.memory_space<vmem>>
      %dma_wait3A_636 = tpu.memref_squeeze %dma_wait3A_635 : memref<1x80x16xf32, #tpu.memory_space<vmem>> -> memref<80x16xf32, #tpu.memory_space<vmem>>
      %dma_wait3A_637 = arith.constant 0 : i32
      %dma_wait3A_638 = arith.constant 0 : i32
      %dma_wait3A_639 = tpu.memref_slice %arg2[%dma_wait3A_637, %dma_wait3A_638] : memref<10000x16xf32, #tpu.memory_space<hbm>> -> memref<80x16xf32, #tpu.memory_space<hbm>>
      %dma_wait3A_640 = arith.constant 0 : i32
      %dma_wait3A_641 = arith.constant 0 : i32
      %dma_wait3A_642 = tpu.memref_slice %arg9[%dma_wait3A_632, %dma_wait3A_640, %dma_wait3A_641] : memref<5x80x16xf32, #tpu.memory_space<vmem>> -> memref<1x80x16xf32, #tpu.memory_space<vmem>>
      %dma_wait3A_643 = tpu.memref_squeeze %dma_wait3A_642 : memref<1x80x16xf32, #tpu.memory_space<vmem>> -> memref<80x16xf32, #tpu.memory_space<vmem>>
      %dma_wait3A_644 = arith.constant 0 : i32
      %dma_wait3A_645 = arith.constant 0 : i32
      %dma_wait3A_646 = tpu.memref_slice %arg2[%dma_wait3A_644, %dma_wait3A_645] : memref<10000x16xf32, #tpu.memory_space<hbm>> -> memref<80x16xf32, #tpu.memory_space<hbm>>
      tpu.wait_dma2 semaphore(%arg13 : memref<!tpu.dma_semaphore, #tpu.memory_space<semaphore_mem>>) src(%dma_wait3A_646 : memref<80x16xf32, #tpu.memory_space<hbm>>) dst(%dma_wait3A_643 : memref<80x16xf32, #tpu.memory_space<vmem>>)
      %dma_wait3A_647 = arith.constant 0 : i32
      %dma_wait3A_648 = arith.constant 0 : i32
      %dma_wait3A_649 = arith.constant 0 : i32
      %dma_wait3A_650 = tpu.memref_slice %arg9[%dma_wait3A_647, %dma_wait3A_648, %dma_wait3A_649] : memref<5x80x16xf32, #tpu.memory_space<vmem>> -> memref<1x80x16xf32, #tpu.memory_space<vmem>>
      %dma_wait3A_651 = tpu.memref_squeeze %dma_wait3A_650 : memref<1x80x16xf32, #tpu.memory_space<vmem>> -> memref<80x16xf32, #tpu.memory_space<vmem>>
      %dma_wait3A_652 = arith.constant 0 : i32
      %dma_wait3A_653 = arith.constant 0 : i32
      %dma_wait3A_654 = tpu.memref_slice %arg2[%dma_wait3A_652, %dma_wait3A_653] : memref<10000x16xf32, #tpu.memory_space<hbm>> -> memref<80x16xf32, #tpu.memory_space<hbm>>
      %dma_wait3A_655 = arith.constant 0 : i32
      %dma_wait3A_656 = arith.constant 0 : i32
      %dma_wait3A_657 = tpu.memref_slice %arg9[%dma_wait3A_647, %dma_wait3A_655, %dma_wait3A_656] : memref<5x80x16xf32, #tpu.memory_space<vmem>> -> memref<1x80x16xf32, #tpu.memory_space<vmem>>
      %dma_wait3A_658 = tpu.memref_squeeze %dma_wait3A_657 : memref<1x80x16xf32, #tpu.memory_space<vmem>> -> memref<80x16xf32, #tpu.memory_space<vmem>>
      %dma_wait3A_659 = arith.constant 0 : i32
      %dma_wait3A_660 = arith.constant 0 : i32
      %dma_wait3A_661 = tpu.memref_slice %arg2[%dma_wait3A_659, %dma_wait3A_660] : memref<10000x16xf32, #tpu.memory_space<hbm>> -> memref<80x16xf32, #tpu.memory_space<hbm>>
      tpu.wait_dma2 semaphore(%arg13 : memref<!tpu.dma_semaphore, #tpu.memory_space<semaphore_mem>>) src(%dma_wait3A_661 : memref<80x16xf32, #tpu.memory_space<hbm>>) dst(%dma_wait3A_658 : memref<80x16xf32, #tpu.memory_space<vmem>>)
      %dma_wait3A_662 = arith.constant 0 : i32
      %dma_wait3A_663 = arith.constant 0 : i32
      %dma_wait3A_664 = arith.constant 0 : i32
      %dma_wait3A_665 = tpu.memref_slice %arg9[%dma_wait3A_662, %dma_wait3A_663, %dma_wait3A_664] : memref<5x80x16xf32, #tpu.memory_space<vmem>> -> memref<1x80x16xf32, #tpu.memory_space<vmem>>
      %dma_wait3A_666 = tpu.memref_squeeze %dma_wait3A_665 : memref<1x80x16xf32, #tpu.memory_space<vmem>> -> memref<80x16xf32, #tpu.memory_space<vmem>>
      %dma_wait3A_667 = arith.constant 0 : i32
      %dma_wait3A_668 = arith.constant 0 : i32
      %dma_wait3A_669 = tpu.memref_slice %arg2[%dma_wait3A_667, %dma_wait3A_668] : memref<10000x16xf32, #tpu.memory_space<hbm>> -> memref<80x16xf32, #tpu.memory_space<hbm>>
      %dma_wait3A_670 = arith.constant 0 : i32
      %dma_wait3A_671 = arith.constant 0 : i32
      %dma_wait3A_672 = tpu.memref_slice %arg9[%dma_wait3A_662, %dma_wait3A_670, %dma_wait3A_671] : memref<5x80x16xf32, #tpu.memory_space<vmem>> -> memref<1x80x16xf32, #tpu.memory_space<vmem>>
      %dma_wait3A_673 = tpu.memref_squeeze %dma_wait3A_672 : memref<1x80x16xf32, #tpu.memory_space<vmem>> -> memref<80x16xf32, #tpu.memory_space<vmem>>
      %dma_wait3A_674 = arith.constant 0 : i32
      %dma_wait3A_675 = arith.constant 0 : i32
      %dma_wait3A_676 = tpu.memref_slice %arg2[%dma_wait3A_674, %dma_wait3A_675] : memref<10000x16xf32, #tpu.memory_space<hbm>> -> memref<80x16xf32, #tpu.memory_space<hbm>>
      tpu.wait_dma2 semaphore(%arg13 : memref<!tpu.dma_semaphore, #tpu.memory_space<semaphore_mem>>) src(%dma_wait3A_676 : memref<80x16xf32, #tpu.memory_space<hbm>>) dst(%dma_wait3A_673 : memref<80x16xf32, #tpu.memory_space<vmem>>)
      %dma_wait3A_677 = arith.constant 0 : i32
      %dma_wait3A_678 = arith.constant 0 : i32
      %dma_wait3A_679 = arith.constant 0 : i32
      %dma_wait3A_680 = tpu.memref_slice %arg9[%dma_wait3A_677, %dma_wait3A_678, %dma_wait3A_679] : memref<5x80x16xf32, #tpu.memory_space<vmem>> -> memref<1x80x16xf32, #tpu.memory_space<vmem>>
      %dma_wait3A_681 = tpu.memref_squeeze %dma_wait3A_680 : memref<1x80x16xf32, #tpu.memory_space<vmem>> -> memref<80x16xf32, #tpu.memory_space<vmem>>
      %dma_wait3A_682 = arith.constant 0 : i32
      %dma_wait3A_683 = arith.constant 0 : i32
      %dma_wait3A_684 = tpu.memref_slice %arg2[%dma_wait3A_682, %dma_wait3A_683] : memref<10000x16xf32, #tpu.memory_space<hbm>> -> memref<80x16xf32, #tpu.memory_space<hbm>>
      %dma_wait3A_685 = arith.constant 0 : i32
      %dma_wait3A_686 = arith.constant 0 : i32
      %dma_wait3A_687 = tpu.memref_slice %arg9[%dma_wait3A_677, %dma_wait3A_685, %dma_wait3A_686] : memref<5x80x16xf32, #tpu.memory_space<vmem>> -> memref<1x80x16xf32, #tpu.memory_space<vmem>>
      %dma_wait3A_688 = tpu.memref_squeeze %dma_wait3A_687 : memref<1x80x16xf32, #tpu.memory_space<vmem>> -> memref<80x16xf32, #tpu.memory_space<vmem>>
      %dma_wait3A_689 = arith.constant 0 : i32
      %dma_wait3A_690 = arith.constant 0 : i32
      %dma_wait3A_691 = tpu.memref_slice %arg2[%dma_wait3A_689, %dma_wait3A_690] : memref<10000x16xf32, #tpu.memory_space<hbm>> -> memref<80x16xf32, #tpu.memory_space<hbm>>
      tpu.wait_dma2 semaphore(%arg13 : memref<!tpu.dma_semaphore, #tpu.memory_space<semaphore_mem>>) src(%dma_wait3A_691 : memref<80x16xf32, #tpu.memory_space<hbm>>) dst(%dma_wait3A_688 : memref<80x16xf32, #tpu.memory_space<vmem>>)
      %dma_wait3A_692 = arith.constant 0 : i32
      %dma_wait3A_693 = arith.constant 0 : i32
      %dma_wait3A_694 = arith.constant 0 : i32
      %dma_wait3A_695 = tpu.memref_slice %arg9[%dma_wait3A_692, %dma_wait3A_693, %dma_wait3A_694] : memref<5x80x16xf32, #tpu.memory_space<vmem>> -> memref<1x80x16xf32, #tpu.memory_space<vmem>>
      %dma_wait3A_696 = tpu.memref_squeeze %dma_wait3A_695 : memref<1x80x16xf32, #tpu.memory_space<vmem>> -> memref<80x16xf32, #tpu.memory_space<vmem>>
      %dma_wait3A_697 = arith.constant 0 : i32
      %dma_wait3A_698 = arith.constant 0 : i32
      %dma_wait3A_699 = tpu.memref_slice %arg2[%dma_wait3A_697, %dma_wait3A_698] : memref<10000x16xf32, #tpu.memory_space<hbm>> -> memref<80x16xf32, #tpu.memory_space<hbm>>
      %dma_wait3A_700 = arith.constant 0 : i32
      %dma_wait3A_701 = arith.constant 0 : i32
      %dma_wait3A_702 = tpu.memref_slice %arg9[%dma_wait3A_692, %dma_wait3A_700, %dma_wait3A_701] : memref<5x80x16xf32, #tpu.memory_space<vmem>> -> memref<1x80x16xf32, #tpu.memory_space<vmem>>
      %dma_wait3A_703 = tpu.memref_squeeze %dma_wait3A_702 : memref<1x80x16xf32, #tpu.memory_space<vmem>> -> memref<80x16xf32, #tpu.memory_space<vmem>>
      %dma_wait3A_704 = arith.constant 0 : i32
      %dma_wait3A_705 = arith.constant 0 : i32
      %dma_wait3A_706 = tpu.memref_slice %arg2[%dma_wait3A_704, %dma_wait3A_705] : memref<10000x16xf32, #tpu.memory_space<hbm>> -> memref<80x16xf32, #tpu.memory_space<hbm>>
      tpu.wait_dma2 semaphore(%arg13 : memref<!tpu.dma_semaphore, #tpu.memory_space<semaphore_mem>>) src(%dma_wait3A_706 : memref<80x16xf32, #tpu.memory_space<hbm>>) dst(%dma_wait3A_703 : memref<80x16xf32, #tpu.memory_space<vmem>>)
      %mul3A_707 = arith.constant 2 : i32
      %mul3A_708 = arith.muli %mul3A_707, %scan3A_397 : i32
      %add3A_709 = arith.constant 1 : i32
      %add3A_710 = arith.addi %mul3A_708, %add3A_709 : i32
      %mul3A_711 = arith.constant 5 : i32
      %mul3A_712 = arith.muli %add3A_710, %mul3A_711 : i32
      %add3A_713 = arith.constant 0 : i32
      %add3A_714 = arith.addi %mul3A_712, %add3A_713 : i32
      %dma_start3A_715 = arith.constant 0 : i32
      %dma_start3A_716 = arith.constant 0 : i32
      %dma_start3A_717 = arith.constant 0 : i32
      %dma_start3A_718 = tpu.memref_slice %arg10[%dma_start3A_715, %dma_start3A_716, %dma_start3A_717] : memref<5x80x16xf32, #tpu.memory_space<vmem>> -> memref<1x80x16xf32, #tpu.memory_space<vmem>>
      %dma_start3A_719 = tpu.memref_squeeze %dma_start3A_718 : memref<1x80x16xf32, #tpu.memory_space<vmem>> -> memref<80x16xf32, #tpu.memory_space<vmem>>
      %dma_start3A_720 = arith.constant 0 : i32
      %dma_start3A_721 = tpu.memref_slice %arg8[%add3A_714, %dma_start3A_720] : memref<125x80xi32, #tpu.memory_space<vmem>> -> memref<1x80xi32, #tpu.memory_space<vmem>>
      %dma_start3A_722 = tpu.memref_squeeze %dma_start3A_721 : memref<1x80xi32, #tpu.memory_space<vmem>> -> memref<80xi32, #tpu.memory_space<vmem>>
      %dma_start3A_723 = arith.constant 0 : i32
      %dma_start3A_724 = arith.constant 0 : i32
      %dma_start3A_725 = tpu.memref_slice %arg6[%dma_start3A_723, %dma_start3A_724] : memref<10000x16xf32, #tpu.memory_space<vmem_shared>> -> memref<10000x16xf32, #tpu.memory_space<vmem_shared>>
      tpu.enqueue_indirect_dma source(%dma_start3A_719 : memref<80x16xf32, #tpu.memory_space<vmem>>) target(%dma_start3A_725 : memref<10000x16xf32, #tpu.memory_space<vmem_shared>>) offsets(%dma_start3A_722 : memref<80xi32, #tpu.memory_space<vmem>>) semaphore(%arg15 : memref<!tpu.dma_semaphore, #tpu.memory_space<semaphore_mem>>) {add = true}
      %mul3A_726 = arith.constant 5 : i32
      %mul3A_727 = arith.muli %add3A_710, %mul3A_726 : i32
      %add3A_728 = arith.constant 1 : i32
      %add3A_729 = arith.addi %mul3A_727, %add3A_728 : i32
      %dma_start3A_730 = arith.constant 1 : i32
      %dma_start3A_731 = arith.constant 0 : i32
      %dma_start3A_732 = arith.constant 0 : i32
      %dma_start3A_733 = tpu.memref_slice %arg10[%dma_start3A_730, %dma_start3A_731, %dma_start3A_732] : memref<5x80x16xf32, #tpu.memory_space<vmem>> -> memref<1x80x16xf32, #tpu.memory_space<vmem>>
      %dma_start3A_734 = tpu.memref_squeeze %dma_start3A_733 : memref<1x80x16xf32, #tpu.memory_space<vmem>> -> memref<80x16xf32, #tpu.memory_space<vmem>>
      %dma_start3A_735 = arith.constant 0 : i32
      %dma_start3A_736 = tpu.memref_slice %arg8[%add3A_729, %dma_start3A_735] : memref<125x80xi32, #tpu.memory_space<vmem>> -> memref<1x80xi32, #tpu.memory_space<vmem>>
      %dma_start3A_737 = tpu.memref_squeeze %dma_start3A_736 : memref<1x80xi32, #tpu.memory_space<vmem>> -> memref<80xi32, #tpu.memory_space<vmem>>
      %dma_start3A_738 = arith.constant 0 : i32
      %dma_start3A_739 = arith.constant 0 : i32
      %dma_start3A_740 = tpu.memref_slice %arg6[%dma_start3A_738, %dma_start3A_739] : memref<10000x16xf32, #tpu.memory_space<vmem_shared>> -> memref<10000x16xf32, #tpu.memory_space<vmem_shared>>
      tpu.enqueue_indirect_dma source(%dma_start3A_734 : memref<80x16xf32, #tpu.memory_space<vmem>>) target(%dma_start3A_740 : memref<10000x16xf32, #tpu.memory_space<vmem_shared>>) offsets(%dma_start3A_737 : memref<80xi32, #tpu.memory_space<vmem>>) semaphore(%arg15 : memref<!tpu.dma_semaphore, #tpu.memory_space<semaphore_mem>>) {add = true}
      %mul3A_741 = arith.constant 5 : i32
      %mul3A_742 = arith.muli %add3A_710, %mul3A_741 : i32
      %add3A_743 = arith.constant 2 : i32
      %add3A_744 = arith.addi %mul3A_742, %add3A_743 : i32
      %dma_start3A_745 = arith.constant 2 : i32
      %dma_start3A_746 = arith.constant 0 : i32
      %dma_start3A_747 = arith.constant 0 : i32
      %dma_start3A_748 = tpu.memref_slice %arg10[%dma_start3A_745, %dma_start3A_746, %dma_start3A_747] : memref<5x80x16xf32, #tpu.memory_space<vmem>> -> memref<1x80x16xf32, #tpu.memory_space<vmem>>
      %dma_start3A_749 = tpu.memref_squeeze %dma_start3A_748 : memref<1x80x16xf32, #tpu.memory_space<vmem>> -> memref<80x16xf32, #tpu.memory_space<vmem>>
      %dma_start3A_750 = arith.constant 0 : i32
      %dma_start3A_751 = tpu.memref_slice %arg8[%add3A_744, %dma_start3A_750] : memref<125x80xi32, #tpu.memory_space<vmem>> -> memref<1x80xi32, #tpu.memory_space<vmem>>
      %dma_start3A_752 = tpu.memref_squeeze %dma_start3A_751 : memref<1x80xi32, #tpu.memory_space<vmem>> -> memref<80xi32, #tpu.memory_space<vmem>>
      %dma_start3A_753 = arith.constant 0 : i32
      %dma_start3A_754 = arith.constant 0 : i32
      %dma_start3A_755 = tpu.memref_slice %arg6[%dma_start3A_753, %dma_start3A_754] : memref<10000x16xf32, #tpu.memory_space<vmem_shared>> -> memref<10000x16xf32, #tpu.memory_space<vmem_shared>>
      tpu.enqueue_indirect_dma source(%dma_start3A_749 : memref<80x16xf32, #tpu.memory_space<vmem>>) target(%dma_start3A_755 : memref<10000x16xf32, #tpu.memory_space<vmem_shared>>) offsets(%dma_start3A_752 : memref<80xi32, #tpu.memory_space<vmem>>) semaphore(%arg15 : memref<!tpu.dma_semaphore, #tpu.memory_space<semaphore_mem>>) {add = true}
      %mul3A_756 = arith.constant 5 : i32
      %mul3A_757 = arith.muli %add3A_710, %mul3A_756 : i32
      %add3A_758 = arith.constant 3 : i32
      %add3A_759 = arith.addi %mul3A_757, %add3A_758 : i32
      %dma_start3A_760 = arith.constant 3 : i32
      %dma_start3A_761 = arith.constant 0 : i32
      %dma_start3A_762 = arith.constant 0 : i32
      %dma_start3A_763 = tpu.memref_slice %arg10[%dma_start3A_760, %dma_start3A_761, %dma_start3A_762] : memref<5x80x16xf32, #tpu.memory_space<vmem>> -> memref<1x80x16xf32, #tpu.memory_space<vmem>>
      %dma_start3A_764 = tpu.memref_squeeze %dma_start3A_763 : memref<1x80x16xf32, #tpu.memory_space<vmem>> -> memref<80x16xf32, #tpu.memory_space<vmem>>
      %dma_start3A_765 = arith.constant 0 : i32
      %dma_start3A_766 = tpu.memref_slice %arg8[%add3A_759, %dma_start3A_765] : memref<125x80xi32, #tpu.memory_space<vmem>> -> memref<1x80xi32, #tpu.memory_space<vmem>>
      %dma_start3A_767 = tpu.memref_squeeze %dma_start3A_766 : memref<1x80xi32, #tpu.memory_space<vmem>> -> memref<80xi32, #tpu.memory_space<vmem>>
      %dma_start3A_768 = arith.constant 0 : i32
      %dma_start3A_769 = arith.constant 0 : i32
      %dma_start3A_770 = tpu.memref_slice %arg6[%dma_start3A_768, %dma_start3A_769] : memref<10000x16xf32, #tpu.memory_space<vmem_shared>> -> memref<10000x16xf32, #tpu.memory_space<vmem_shared>>
      tpu.enqueue_indirect_dma source(%dma_start3A_764 : memref<80x16xf32, #tpu.memory_space<vmem>>) target(%dma_start3A_770 : memref<10000x16xf32, #tpu.memory_space<vmem_shared>>) offsets(%dma_start3A_767 : memref<80xi32, #tpu.memory_space<vmem>>) semaphore(%arg15 : memref<!tpu.dma_semaphore, #tpu.memory_space<semaphore_mem>>) {add = true}
      %mul3A_771 = arith.constant 5 : i32
      %mul3A_772 = arith.muli %add3A_710, %mul3A_771 : i32
      %add3A_773 = arith.constant 4 : i32
      %add3A_774 = arith.addi %mul3A_772, %add3A_773 : i32
      %dma_start3A_775 = arith.constant 4 : i32
      %dma_start3A_776 = arith.constant 0 : i32
      %dma_start3A_777 = arith.constant 0 : i32
      %dma_start3A_778 = tpu.memref_slice %arg10[%dma_start3A_775, %dma_start3A_776, %dma_start3A_777] : memref<5x80x16xf32, #tpu.memory_space<vmem>> -> memref<1x80x16xf32, #tpu.memory_space<vmem>>
      %dma_start3A_779 = tpu.memref_squeeze %dma_start3A_778 : memref<1x80x16xf32, #tpu.memory_space<vmem>> -> memref<80x16xf32, #tpu.memory_space<vmem>>
      %dma_start3A_780 = arith.constant 0 : i32
      %dma_start3A_781 = tpu.memref_slice %arg8[%add3A_774, %dma_start3A_780] : memref<125x80xi32, #tpu.memory_space<vmem>> -> memref<1x80xi32, #tpu.memory_space<vmem>>
      %dma_start3A_782 = tpu.memref_squeeze %dma_start3A_781 : memref<1x80xi32, #tpu.memory_space<vmem>> -> memref<80xi32, #tpu.memory_space<vmem>>
      %dma_start3A_783 = arith.constant 0 : i32
      %dma_start3A_784 = arith.constant 0 : i32
      %dma_start3A_785 = tpu.memref_slice %arg6[%dma_start3A_783, %dma_start3A_784] : memref<10000x16xf32, #tpu.memory_space<vmem_shared>> -> memref<10000x16xf32, #tpu.memory_space<vmem_shared>>
      tpu.enqueue_indirect_dma source(%dma_start3A_779 : memref<80x16xf32, #tpu.memory_space<vmem>>) target(%dma_start3A_785 : memref<10000x16xf32, #tpu.memory_space<vmem_shared>>) offsets(%dma_start3A_782 : memref<80xi32, #tpu.memory_space<vmem>>) semaphore(%arg15 : memref<!tpu.dma_semaphore, #tpu.memory_space<semaphore_mem>>) {add = true}
      %dma_wait3A_786 = arith.constant 0 : i32
      %dma_wait3A_787 = arith.constant 0 : i32
      %dma_wait3A_788 = arith.constant 0 : i32
      %dma_wait3A_789 = tpu.memref_slice %arg9[%dma_wait3A_786, %dma_wait3A_787, %dma_wait3A_788] : memref<5x80x16xf32, #tpu.memory_space<vmem>> -> memref<1x80x16xf32, #tpu.memory_space<vmem>>
      %dma_wait3A_790 = tpu.memref_squeeze %dma_wait3A_789 : memref<1x80x16xf32, #tpu.memory_space<vmem>> -> memref<80x16xf32, #tpu.memory_space<vmem>>
      %dma_wait3A_791 = arith.constant 0 : i32
      %dma_wait3A_792 = arith.constant 0 : i32
      %dma_wait3A_793 = tpu.memref_slice %arg2[%dma_wait3A_791, %dma_wait3A_792] : memref<10000x16xf32, #tpu.memory_space<hbm>> -> memref<80x16xf32, #tpu.memory_space<hbm>>
      %dma_wait3A_794 = arith.constant 0 : i32
      %dma_wait3A_795 = arith.constant 0 : i32
      %dma_wait3A_796 = tpu.memref_slice %arg9[%dma_wait3A_786, %dma_wait3A_794, %dma_wait3A_795] : memref<5x80x16xf32, #tpu.memory_space<vmem>> -> memref<1x80x16xf32, #tpu.memory_space<vmem>>
      %dma_wait3A_797 = tpu.memref_squeeze %dma_wait3A_796 : memref<1x80x16xf32, #tpu.memory_space<vmem>> -> memref<80x16xf32, #tpu.memory_space<vmem>>
      %dma_wait3A_798 = arith.constant 0 : i32
      %dma_wait3A_799 = arith.constant 0 : i32
      %dma_wait3A_800 = tpu.memref_slice %arg2[%dma_wait3A_798, %dma_wait3A_799] : memref<10000x16xf32, #tpu.memory_space<hbm>> -> memref<80x16xf32, #tpu.memory_space<hbm>>
      tpu.wait_dma2 semaphore(%arg14 : memref<!tpu.dma_semaphore, #tpu.memory_space<semaphore_mem>>) src(%dma_wait3A_800 : memref<80x16xf32, #tpu.memory_space<hbm>>) dst(%dma_wait3A_797 : memref<80x16xf32, #tpu.memory_space<vmem>>)
      %dma_wait3A_801 = arith.constant 0 : i32
      %dma_wait3A_802 = arith.constant 0 : i32
      %dma_wait3A_803 = arith.constant 0 : i32
      %dma_wait3A_804 = tpu.memref_slice %arg9[%dma_wait3A_801, %dma_wait3A_802, %dma_wait3A_803] : memref<5x80x16xf32, #tpu.memory_space<vmem>> -> memref<1x80x16xf32, #tpu.memory_space<vmem>>
      %dma_wait3A_805 = tpu.memref_squeeze %dma_wait3A_804 : memref<1x80x16xf32, #tpu.memory_space<vmem>> -> memref<80x16xf32, #tpu.memory_space<vmem>>
      %dma_wait3A_806 = arith.constant 0 : i32
      %dma_wait3A_807 = arith.constant 0 : i32
      %dma_wait3A_808 = tpu.memref_slice %arg2[%dma_wait3A_806, %dma_wait3A_807] : memref<10000x16xf32, #tpu.memory_space<hbm>> -> memref<80x16xf32, #tpu.memory_space<hbm>>
      %dma_wait3A_809 = arith.constant 0 : i32
      %dma_wait3A_810 = arith.constant 0 : i32
      %dma_wait3A_811 = tpu.memref_slice %arg9[%dma_wait3A_801, %dma_wait3A_809, %dma_wait3A_810] : memref<5x80x16xf32, #tpu.memory_space<vmem>> -> memref<1x80x16xf32, #tpu.memory_space<vmem>>
      %dma_wait3A_812 = tpu.memref_squeeze %dma_wait3A_811 : memref<1x80x16xf32, #tpu.memory_space<vmem>> -> memref<80x16xf32, #tpu.memory_space<vmem>>
      %dma_wait3A_813 = arith.constant 0 : i32
      %dma_wait3A_814 = arith.constant 0 : i32
      %dma_wait3A_815 = tpu.memref_slice %arg2[%dma_wait3A_813, %dma_wait3A_814] : memref<10000x16xf32, #tpu.memory_space<hbm>> -> memref<80x16xf32, #tpu.memory_space<hbm>>
      tpu.wait_dma2 semaphore(%arg14 : memref<!tpu.dma_semaphore, #tpu.memory_space<semaphore_mem>>) src(%dma_wait3A_815 : memref<80x16xf32, #tpu.memory_space<hbm>>) dst(%dma_wait3A_812 : memref<80x16xf32, #tpu.memory_space<vmem>>)
      %dma_wait3A_816 = arith.constant 0 : i32
      %dma_wait3A_817 = arith.constant 0 : i32
      %dma_wait3A_818 = arith.constant 0 : i32
      %dma_wait3A_819 = tpu.memref_slice %arg9[%dma_wait3A_816, %dma_wait3A_817, %dma_wait3A_818] : memref<5x80x16xf32, #tpu.memory_space<vmem>> -> memref<1x80x16xf32, #tpu.memory_space<vmem>>
      %dma_wait3A_820 = tpu.memref_squeeze %dma_wait3A_819 : memref<1x80x16xf32, #tpu.memory_space<vmem>> -> memref<80x16xf32, #tpu.memory_space<vmem>>
      %dma_wait3A_821 = arith.constant 0 : i32
      %dma_wait3A_822 = arith.constant 0 : i32
      %dma_wait3A_823 = tpu.memref_slice %arg2[%dma_wait3A_821, %dma_wait3A_822] : memref<10000x16xf32, #tpu.memory_space<hbm>> -> memref<80x16xf32, #tpu.memory_space<hbm>>
      %dma_wait3A_824 = arith.constant 0 : i32
      %dma_wait3A_825 = arith.constant 0 : i32
      %dma_wait3A_826 = tpu.memref_slice %arg9[%dma_wait3A_816, %dma_wait3A_824, %dma_wait3A_825] : memref<5x80x16xf32, #tpu.memory_space<vmem>> -> memref<1x80x16xf32, #tpu.memory_space<vmem>>
      %dma_wait3A_827 = tpu.memref_squeeze %dma_wait3A_826 : memref<1x80x16xf32, #tpu.memory_space<vmem>> -> memref<80x16xf32, #tpu.memory_space<vmem>>
      %dma_wait3A_828 = arith.constant 0 : i32
      %dma_wait3A_829 = arith.constant 0 : i32
      %dma_wait3A_830 = tpu.memref_slice %arg2[%dma_wait3A_828, %dma_wait3A_829] : memref<10000x16xf32, #tpu.memory_space<hbm>> -> memref<80x16xf32, #tpu.memory_space<hbm>>
      tpu.wait_dma2 semaphore(%arg14 : memref<!tpu.dma_semaphore, #tpu.memory_space<semaphore_mem>>) src(%dma_wait3A_830 : memref<80x16xf32, #tpu.memory_space<hbm>>) dst(%dma_wait3A_827 : memref<80x16xf32, #tpu.memory_space<vmem>>)
      %dma_wait3A_831 = arith.constant 0 : i32
      %dma_wait3A_832 = arith.constant 0 : i32
      %dma_wait3A_833 = arith.constant 0 : i32
      %dma_wait3A_834 = tpu.memref_slice %arg9[%dma_wait3A_831, %dma_wait3A_832, %dma_wait3A_833] : memref<5x80x16xf32, #tpu.memory_space<vmem>> -> memref<1x80x16xf32, #tpu.memory_space<vmem>>
      %dma_wait3A_835 = tpu.memref_squeeze %dma_wait3A_834 : memref<1x80x16xf32, #tpu.memory_space<vmem>> -> memref<80x16xf32, #tpu.memory_space<vmem>>
      %dma_wait3A_836 = arith.constant 0 : i32
      %dma_wait3A_837 = arith.constant 0 : i32
      %dma_wait3A_838 = tpu.memref_slice %arg2[%dma_wait3A_836, %dma_wait3A_837] : memref<10000x16xf32, #tpu.memory_space<hbm>> -> memref<80x16xf32, #tpu.memory_space<hbm>>
      %dma_wait3A_839 = arith.constant 0 : i32
      %dma_wait3A_840 = arith.constant 0 : i32
      %dma_wait3A_841 = tpu.memref_slice %arg9[%dma_wait3A_831, %dma_wait3A_839, %dma_wait3A_840] : memref<5x80x16xf32, #tpu.memory_space<vmem>> -> memref<1x80x16xf32, #tpu.memory_space<vmem>>
      %dma_wait3A_842 = tpu.memref_squeeze %dma_wait3A_841 : memref<1x80x16xf32, #tpu.memory_space<vmem>> -> memref<80x16xf32, #tpu.memory_space<vmem>>
      %dma_wait3A_843 = arith.constant 0 : i32
      %dma_wait3A_844 = arith.constant 0 : i32
      %dma_wait3A_845 = tpu.memref_slice %arg2[%dma_wait3A_843, %dma_wait3A_844] : memref<10000x16xf32, #tpu.memory_space<hbm>> -> memref<80x16xf32, #tpu.memory_space<hbm>>
      tpu.wait_dma2 semaphore(%arg14 : memref<!tpu.dma_semaphore, #tpu.memory_space<semaphore_mem>>) src(%dma_wait3A_845 : memref<80x16xf32, #tpu.memory_space<hbm>>) dst(%dma_wait3A_842 : memref<80x16xf32, #tpu.memory_space<vmem>>)
      %dma_wait3A_846 = arith.constant 0 : i32
      %dma_wait3A_847 = arith.constant 0 : i32
      %dma_wait3A_848 = arith.constant 0 : i32
      %dma_wait3A_849 = tpu.memref_slice %arg9[%dma_wait3A_846, %dma_wait3A_847, %dma_wait3A_848] : memref<5x80x16xf32, #tpu.memory_space<vmem>> -> memref<1x80x16xf32, #tpu.memory_space<vmem>>
      %dma_wait3A_850 = tpu.memref_squeeze %dma_wait3A_849 : memref<1x80x16xf32, #tpu.memory_space<vmem>> -> memref<80x16xf32, #tpu.memory_space<vmem>>
      %dma_wait3A_851 = arith.constant 0 : i32
      %dma_wait3A_852 = arith.constant 0 : i32
      %dma_wait3A_853 = tpu.memref_slice %arg2[%dma_wait3A_851, %dma_wait3A_852] : memref<10000x16xf32, #tpu.memory_space<hbm>> -> memref<80x16xf32, #tpu.memory_space<hbm>>
      %dma_wait3A_854 = arith.constant 0 : i32
      %dma_wait3A_855 = arith.constant 0 : i32
      %dma_wait3A_856 = tpu.memref_slice %arg9[%dma_wait3A_846, %dma_wait3A_854, %dma_wait3A_855] : memref<5x80x16xf32, #tpu.memory_space<vmem>> -> memref<1x80x16xf32, #tpu.memory_space<vmem>>
      %dma_wait3A_857 = tpu.memref_squeeze %dma_wait3A_856 : memref<1x80x16xf32, #tpu.memory_space<vmem>> -> memref<80x16xf32, #tpu.memory_space<vmem>>
      %dma_wait3A_858 = arith.constant 0 : i32
      %dma_wait3A_859 = arith.constant 0 : i32
      %dma_wait3A_860 = tpu.memref_slice %arg2[%dma_wait3A_858, %dma_wait3A_859] : memref<10000x16xf32, #tpu.memory_space<hbm>> -> memref<80x16xf32, #tpu.memory_space<hbm>>
      tpu.wait_dma2 semaphore(%arg14 : memref<!tpu.dma_semaphore, #tpu.memory_space<semaphore_mem>>) src(%dma_wait3A_860 : memref<80x16xf32, #tpu.memory_space<hbm>>) dst(%dma_wait3A_857 : memref<80x16xf32, #tpu.memory_space<vmem>>)
      %mul3A_861 = arith.constant 2 : i32
      %mul3A_862 = arith.muli %mul3A_861, %scan3A_397 : i32
      %add3A_863 = arith.constant 2 : i32
      %add3A_864 = arith.addi %mul3A_862, %add3A_863 : i32
      %mul3A_865 = arith.constant 5 : i32
      %mul3A_866 = arith.muli %add3A_864, %mul3A_865 : i32
      %add3A_867 = arith.constant 0 : i32
      %add3A_868 = arith.addi %mul3A_866, %add3A_867 : i32
      %dma_start3A_869 = arith.constant 0 : i32
      %dma_start3A_870 = arith.constant 0 : i32
      %dma_start3A_871 = arith.constant 0 : i32
      %dma_start3A_872 = tpu.memref_slice %arg9[%dma_start3A_869, %dma_start3A_870, %dma_start3A_871] : memref<5x80x16xf32, #tpu.memory_space<vmem>> -> memref<1x80x16xf32, #tpu.memory_space<vmem>>
      %dma_start3A_873 = tpu.memref_squeeze %dma_start3A_872 : memref<1x80x16xf32, #tpu.memory_space<vmem>> -> memref<80x16xf32, #tpu.memory_space<vmem>>
      %dma_start3A_874 = arith.constant 0 : i32
      %dma_start3A_875 = tpu.memref_slice %arg7[%add3A_868, %dma_start3A_874] : memref<125x80xi32, #tpu.memory_space<vmem>> -> memref<1x80xi32, #tpu.memory_space<vmem>>
      %dma_start3A_876 = tpu.memref_squeeze %dma_start3A_875 : memref<1x80xi32, #tpu.memory_space<vmem>> -> memref<80xi32, #tpu.memory_space<vmem>>
      %dma_start3A_877 = arith.constant 0 : i32
      %dma_start3A_878 = arith.constant 0 : i32
      %dma_start3A_879 = tpu.memref_slice %arg2[%dma_start3A_877, %dma_start3A_878] : memref<10000x16xf32, #tpu.memory_space<hbm>> -> memref<10000x16xf32, #tpu.memory_space<hbm>>
      tpu.enqueue_indirect_dma source(%dma_start3A_879 : memref<10000x16xf32, #tpu.memory_space<hbm>>) target(%dma_start3A_873 : memref<80x16xf32, #tpu.memory_space<vmem>>) offsets(%dma_start3A_876 : memref<80xi32, #tpu.memory_space<vmem>>) semaphore(%arg12 : memref<!tpu.dma_semaphore, #tpu.memory_space<semaphore_mem>>)
      %mul3A_880 = arith.constant 5 : i32
      %mul3A_881 = arith.muli %add3A_864, %mul3A_880 : i32
      %add3A_882 = arith.constant 1 : i32
      %add3A_883 = arith.addi %mul3A_881, %add3A_882 : i32
      %dma_start3A_884 = arith.constant 1 : i32
      %dma_start3A_885 = arith.constant 0 : i32
      %dma_start3A_886 = arith.constant 0 : i32
      %dma_start3A_887 = tpu.memref_slice %arg9[%dma_start3A_884, %dma_start3A_885, %dma_start3A_886] : memref<5x80x16xf32, #tpu.memory_space<vmem>> -> memref<1x80x16xf32, #tpu.memory_space<vmem>>
      %dma_start3A_888 = tpu.memref_squeeze %dma_start3A_887 : memref<1x80x16xf32, #tpu.memory_space<vmem>> -> memref<80x16xf32, #tpu.memory_space<vmem>>
      %dma_start3A_889 = arith.constant 0 : i32
      %dma_start3A_890 = tpu.memref_slice %arg7[%add3A_883, %dma_start3A_889] : memref<125x80xi32, #tpu.memory_space<vmem>> -> memref<1x80xi32, #tpu.memory_space<vmem>>
      %dma_start3A_891 = tpu.memref_squeeze %dma_start3A_890 : memref<1x80xi32, #tpu.memory_space<vmem>> -> memref<80xi32, #tpu.memory_space<vmem>>
      %dma_start3A_892 = arith.constant 0 : i32
      %dma_start3A_893 = arith.constant 0 : i32
      %dma_start3A_894 = tpu.memref_slice %arg2[%dma_start3A_892, %dma_start3A_893] : memref<10000x16xf32, #tpu.memory_space<hbm>> -> memref<10000x16xf32, #tpu.memory_space<hbm>>
      tpu.enqueue_indirect_dma source(%dma_start3A_894 : memref<10000x16xf32, #tpu.memory_space<hbm>>) target(%dma_start3A_888 : memref<80x16xf32, #tpu.memory_space<vmem>>) offsets(%dma_start3A_891 : memref<80xi32, #tpu.memory_space<vmem>>) semaphore(%arg12 : memref<!tpu.dma_semaphore, #tpu.memory_space<semaphore_mem>>)
      %mul3A_895 = arith.constant 5 : i32
      %mul3A_896 = arith.muli %add3A_864, %mul3A_895 : i32
      %add3A_897 = arith.constant 2 : i32
      %add3A_898 = arith.addi %mul3A_896, %add3A_897 : i32
      %dma_start3A_899 = arith.constant 2 : i32
      %dma_start3A_900 = arith.constant 0 : i32
      %dma_start3A_901 = arith.constant 0 : i32
      %dma_start3A_902 = tpu.memref_slice %arg9[%dma_start3A_899, %dma_start3A_900, %dma_start3A_901] : memref<5x80x16xf32, #tpu.memory_space<vmem>> -> memref<1x80x16xf32, #tpu.memory_space<vmem>>
      %dma_start3A_903 = tpu.memref_squeeze %dma_start3A_902 : memref<1x80x16xf32, #tpu.memory_space<vmem>> -> memref<80x16xf32, #tpu.memory_space<vmem>>
      %dma_start3A_904 = arith.constant 0 : i32
      %dma_start3A_905 = tpu.memref_slice %arg7[%add3A_898, %dma_start3A_904] : memref<125x80xi32, #tpu.memory_space<vmem>> -> memref<1x80xi32, #tpu.memory_space<vmem>>
      %dma_start3A_906 = tpu.memref_squeeze %dma_start3A_905 : memref<1x80xi32, #tpu.memory_space<vmem>> -> memref<80xi32, #tpu.memory_space<vmem>>
      %dma_start3A_907 = arith.constant 0 : i32
      %dma_start3A_908 = arith.constant 0 : i32
      %dma_start3A_909 = tpu.memref_slice %arg2[%dma_start3A_907, %dma_start3A_908] : memref<10000x16xf32, #tpu.memory_space<hbm>> -> memref<10000x16xf32, #tpu.memory_space<hbm>>
      tpu.enqueue_indirect_dma source(%dma_start3A_909 : memref<10000x16xf32, #tpu.memory_space<hbm>>) target(%dma_start3A_903 : memref<80x16xf32, #tpu.memory_space<vmem>>) offsets(%dma_start3A_906 : memref<80xi32, #tpu.memory_space<vmem>>) semaphore(%arg12 : memref<!tpu.dma_semaphore, #tpu.memory_space<semaphore_mem>>)
      %mul3A_910 = arith.constant 5 : i32
      %mul3A_911 = arith.muli %add3A_864, %mul3A_910 : i32
      %add3A_912 = arith.constant 3 : i32
      %add3A_913 = arith.addi %mul3A_911, %add3A_912 : i32
      %dma_start3A_914 = arith.constant 3 : i32
      %dma_start3A_915 = arith.constant 0 : i32
      %dma_start3A_916 = arith.constant 0 : i32
      %dma_start3A_917 = tpu.memref_slice %arg9[%dma_start3A_914, %dma_start3A_915, %dma_start3A_916] : memref<5x80x16xf32, #tpu.memory_space<vmem>> -> memref<1x80x16xf32, #tpu.memory_space<vmem>>
      %dma_start3A_918 = tpu.memref_squeeze %dma_start3A_917 : memref<1x80x16xf32, #tpu.memory_space<vmem>> -> memref<80x16xf32, #tpu.memory_space<vmem>>
      %dma_start3A_919 = arith.constant 0 : i32
      %dma_start3A_920 = tpu.memref_slice %arg7[%add3A_913, %dma_start3A_919] : memref<125x80xi32, #tpu.memory_space<vmem>> -> memref<1x80xi32, #tpu.memory_space<vmem>>
      %dma_start3A_921 = tpu.memref_squeeze %dma_start3A_920 : memref<1x80xi32, #tpu.memory_space<vmem>> -> memref<80xi32, #tpu.memory_space<vmem>>
      %dma_start3A_922 = arith.constant 0 : i32
      %dma_start3A_923 = arith.constant 0 : i32
      %dma_start3A_924 = tpu.memref_slice %arg2[%dma_start3A_922, %dma_start3A_923] : memref<10000x16xf32, #tpu.memory_space<hbm>> -> memref<10000x16xf32, #tpu.memory_space<hbm>>
      tpu.enqueue_indirect_dma source(%dma_start3A_924 : memref<10000x16xf32, #tpu.memory_space<hbm>>) target(%dma_start3A_918 : memref<80x16xf32, #tpu.memory_space<vmem>>) offsets(%dma_start3A_921 : memref<80xi32, #tpu.memory_space<vmem>>) semaphore(%arg12 : memref<!tpu.dma_semaphore, #tpu.memory_space<semaphore_mem>>)
      %mul3A_925 = arith.constant 5 : i32
      %mul3A_926 = arith.muli %add3A_864, %mul3A_925 : i32
      %add3A_927 = arith.constant 4 : i32
      %add3A_928 = arith.addi %mul3A_926, %add3A_927 : i32
      %dma_start3A_929 = arith.constant 4 : i32
      %dma_start3A_930 = arith.constant 0 : i32
      %dma_start3A_931 = arith.constant 0 : i32
      %dma_start3A_932 = tpu.memref_slice %arg9[%dma_start3A_929, %dma_start3A_930, %dma_start3A_931] : memref<5x80x16xf32, #tpu.memory_space<vmem>> -> memref<1x80x16xf32, #tpu.memory_space<vmem>>
      %dma_start3A_933 = tpu.memref_squeeze %dma_start3A_932 : memref<1x80x16xf32, #tpu.memory_space<vmem>> -> memref<80x16xf32, #tpu.memory_space<vmem>>
      %dma_start3A_934 = arith.constant 0 : i32
      %dma_start3A_935 = tpu.memref_slice %arg7[%add3A_928, %dma_start3A_934] : memref<125x80xi32, #tpu.memory_space<vmem>> -> memref<1x80xi32, #tpu.memory_space<vmem>>
      %dma_start3A_936 = tpu.memref_squeeze %dma_start3A_935 : memref<1x80xi32, #tpu.memory_space<vmem>> -> memref<80xi32, #tpu.memory_space<vmem>>
      %dma_start3A_937 = arith.constant 0 : i32
      %dma_start3A_938 = arith.constant 0 : i32
      %dma_start3A_939 = tpu.memref_slice %arg2[%dma_start3A_937, %dma_start3A_938] : memref<10000x16xf32, #tpu.memory_space<hbm>> -> memref<10000x16xf32, #tpu.memory_space<hbm>>
      tpu.enqueue_indirect_dma source(%dma_start3A_939 : memref<10000x16xf32, #tpu.memory_space<hbm>>) target(%dma_start3A_933 : memref<80x16xf32, #tpu.memory_space<vmem>>) offsets(%dma_start3A_936 : memref<80xi32, #tpu.memory_space<vmem>>) semaphore(%arg12 : memref<!tpu.dma_semaphore, #tpu.memory_space<semaphore_mem>>)
      %scan3A_940 = arith.constant 0 : i32
      scf.yield %scan3A_940 : i32
    }
    %scan3A_106 = arith.constant 12 : i32
    %dma_wait3A_107 = arith.constant 0 : i32
    %dma_wait3A_108 = arith.constant 0 : i32
    %dma_wait3A_109 = arith.constant 0 : i32
    %dma_wait3A_110 = tpu.memref_slice %arg9[%dma_wait3A_107, %dma_wait3A_108, %dma_wait3A_109] : memref<5x80x16xf32, #tpu.memory_space<vmem>> -> memref<1x80x16xf32, #tpu.memory_space<vmem>>
    %dma_wait3A_111 = tpu.memref_squeeze %dma_wait3A_110 : memref<1x80x16xf32, #tpu.memory_space<vmem>> -> memref<80x16xf32, #tpu.memory_space<vmem>>
    %dma_wait3A_112 = arith.constant 0 : i32
    %dma_wait3A_113 = arith.constant 0 : i32
    %dma_wait3A_114 = tpu.memref_slice %arg2[%dma_wait3A_112, %dma_wait3A_113] : memref<10000x16xf32, #tpu.memory_space<hbm>> -> memref<80x16xf32, #tpu.memory_space<hbm>>
    %dma_wait3A_115 = arith.constant 0 : i32
    %dma_wait3A_116 = arith.constant 0 : i32
    %dma_wait3A_117 = tpu.memref_slice %arg9[%dma_wait3A_107, %dma_wait3A_115, %dma_wait3A_116] : memref<5x80x16xf32, #tpu.memory_space<vmem>> -> memref<1x80x16xf32, #tpu.memory_space<vmem>>
    %dma_wait3A_118 = tpu.memref_squeeze %dma_wait3A_117 : memref<1x80x16xf32, #tpu.memory_space<vmem>> -> memref<80x16xf32, #tpu.memory_space<vmem>>
    %dma_wait3A_119 = arith.constant 0 : i32
    %dma_wait3A_120 = arith.constant 0 : i32
    %dma_wait3A_121 = tpu.memref_slice %arg2[%dma_wait3A_119, %dma_wait3A_120] : memref<10000x16xf32, #tpu.memory_space<hbm>> -> memref<80x16xf32, #tpu.memory_space<hbm>>
    tpu.wait_dma2 semaphore(%arg12 : memref<!tpu.dma_semaphore, #tpu.memory_space<semaphore_mem>>) src(%dma_wait3A_121 : memref<80x16xf32, #tpu.memory_space<hbm>>) dst(%dma_wait3A_118 : memref<80x16xf32, #tpu.memory_space<vmem>>)
    %dma_wait3A_122 = arith.constant 0 : i32
    %dma_wait3A_123 = arith.constant 0 : i32
    %dma_wait3A_124 = arith.constant 0 : i32
    %dma_wait3A_125 = tpu.memref_slice %arg9[%dma_wait3A_122, %dma_wait3A_123, %dma_wait3A_124] : memref<5x80x16xf32, #tpu.memory_space<vmem>> -> memref<1x80x16xf32, #tpu.memory_space<vmem>>
    %dma_wait3A_126 = tpu.memref_squeeze %dma_wait3A_125 : memref<1x80x16xf32, #tpu.memory_space<vmem>> -> memref<80x16xf32, #tpu.memory_space<vmem>>
    %dma_wait3A_127 = arith.constant 0 : i32
    %dma_wait3A_128 = arith.constant 0 : i32
    %dma_wait3A_129 = tpu.memref_slice %arg2[%dma_wait3A_127, %dma_wait3A_128] : memref<10000x16xf32, #tpu.memory_space<hbm>> -> memref<80x16xf32, #tpu.memory_space<hbm>>
    %dma_wait3A_130 = arith.constant 0 : i32
    %dma_wait3A_131 = arith.constant 0 : i32
    %dma_wait3A_132 = tpu.memref_slice %arg9[%dma_wait3A_122, %dma_wait3A_130, %dma_wait3A_131] : memref<5x80x16xf32, #tpu.memory_space<vmem>> -> memref<1x80x16xf32, #tpu.memory_space<vmem>>
    %dma_wait3A_133 = tpu.memref_squeeze %dma_wait3A_132 : memref<1x80x16xf32, #tpu.memory_space<vmem>> -> memref<80x16xf32, #tpu.memory_space<vmem>>
    %dma_wait3A_134 = arith.constant 0 : i32
    %dma_wait3A_135 = arith.constant 0 : i32
    %dma_wait3A_136 = tpu.memref_slice %arg2[%dma_wait3A_134, %dma_wait3A_135] : memref<10000x16xf32, #tpu.memory_space<hbm>> -> memref<80x16xf32, #tpu.memory_space<hbm>>
    tpu.wait_dma2 semaphore(%arg12 : memref<!tpu.dma_semaphore, #tpu.memory_space<semaphore_mem>>) src(%dma_wait3A_136 : memref<80x16xf32, #tpu.memory_space<hbm>>) dst(%dma_wait3A_133 : memref<80x16xf32, #tpu.memory_space<vmem>>)
    %dma_wait3A_137 = arith.constant 0 : i32
    %dma_wait3A_138 = arith.constant 0 : i32
    %dma_wait3A_139 = arith.constant 0 : i32
    %dma_wait3A_140 = tpu.memref_slice %arg9[%dma_wait3A_137, %dma_wait3A_138, %dma_wait3A_139] : memref<5x80x16xf32, #tpu.memory_space<vmem>> -> memref<1x80x16xf32, #tpu.memory_space<vmem>>
    %dma_wait3A_141 = tpu.memref_squeeze %dma_wait3A_140 : memref<1x80x16xf32, #tpu.memory_space<vmem>> -> memref<80x16xf32, #tpu.memory_space<vmem>>
    %dma_wait3A_142 = arith.constant 0 : i32
    %dma_wait3A_143 = arith.constant 0 : i32
    %dma_wait3A_144 = tpu.memref_slice %arg2[%dma_wait3A_142, %dma_wait3A_143] : memref<10000x16xf32, #tpu.memory_space<hbm>> -> memref<80x16xf32, #tpu.memory_space<hbm>>
    %dma_wait3A_145 = arith.constant 0 : i32
    %dma_wait3A_146 = arith.constant 0 : i32
    %dma_wait3A_147 = tpu.memref_slice %arg9[%dma_wait3A_137, %dma_wait3A_145, %dma_wait3A_146] : memref<5x80x16xf32, #tpu.memory_space<vmem>> -> memref<1x80x16xf32, #tpu.memory_space<vmem>>
    %dma_wait3A_148 = tpu.memref_squeeze %dma_wait3A_147 : memref<1x80x16xf32, #tpu.memory_space<vmem>> -> memref<80x16xf32, #tpu.memory_space<vmem>>
    %dma_wait3A_149 = arith.constant 0 : i32
    %dma_wait3A_150 = arith.constant 0 : i32
    %dma_wait3A_151 = tpu.memref_slice %arg2[%dma_wait3A_149, %dma_wait3A_150] : memref<10000x16xf32, #tpu.memory_space<hbm>> -> memref<80x16xf32, #tpu.memory_space<hbm>>
    tpu.wait_dma2 semaphore(%arg12 : memref<!tpu.dma_semaphore, #tpu.memory_space<semaphore_mem>>) src(%dma_wait3A_151 : memref<80x16xf32, #tpu.memory_space<hbm>>) dst(%dma_wait3A_148 : memref<80x16xf32, #tpu.memory_space<vmem>>)
    %dma_wait3A_152 = arith.constant 0 : i32
    %dma_wait3A_153 = arith.constant 0 : i32
    %dma_wait3A_154 = arith.constant 0 : i32
    %dma_wait3A_155 = tpu.memref_slice %arg9[%dma_wait3A_152, %dma_wait3A_153, %dma_wait3A_154] : memref<5x80x16xf32, #tpu.memory_space<vmem>> -> memref<1x80x16xf32, #tpu.memory_space<vmem>>
    %dma_wait3A_156 = tpu.memref_squeeze %dma_wait3A_155 : memref<1x80x16xf32, #tpu.memory_space<vmem>> -> memref<80x16xf32, #tpu.memory_space<vmem>>
    %dma_wait3A_157 = arith.constant 0 : i32
    %dma_wait3A_158 = arith.constant 0 : i32
    %dma_wait3A_159 = tpu.memref_slice %arg2[%dma_wait3A_157, %dma_wait3A_158] : memref<10000x16xf32, #tpu.memory_space<hbm>> -> memref<80x16xf32, #tpu.memory_space<hbm>>
    %dma_wait3A_160 = arith.constant 0 : i32
    %dma_wait3A_161 = arith.constant 0 : i32
    %dma_wait3A_162 = tpu.memref_slice %arg9[%dma_wait3A_152, %dma_wait3A_160, %dma_wait3A_161] : memref<5x80x16xf32, #tpu.memory_space<vmem>> -> memref<1x80x16xf32, #tpu.memory_space<vmem>>
    %dma_wait3A_163 = tpu.memref_squeeze %dma_wait3A_162 : memref<1x80x16xf32, #tpu.memory_space<vmem>> -> memref<80x16xf32, #tpu.memory_space<vmem>>
    %dma_wait3A_164 = arith.constant 0 : i32
    %dma_wait3A_165 = arith.constant 0 : i32
    %dma_wait3A_166 = tpu.memref_slice %arg2[%dma_wait3A_164, %dma_wait3A_165] : memref<10000x16xf32, #tpu.memory_space<hbm>> -> memref<80x16xf32, #tpu.memory_space<hbm>>
    tpu.wait_dma2 semaphore(%arg12 : memref<!tpu.dma_semaphore, #tpu.memory_space<semaphore_mem>>) src(%dma_wait3A_166 : memref<80x16xf32, #tpu.memory_space<hbm>>) dst(%dma_wait3A_163 : memref<80x16xf32, #tpu.memory_space<vmem>>)
    %dma_wait3A_167 = arith.constant 0 : i32
    %dma_wait3A_168 = arith.constant 0 : i32
    %dma_wait3A_169 = arith.constant 0 : i32
    %dma_wait3A_170 = tpu.memref_slice %arg9[%dma_wait3A_167, %dma_wait3A_168, %dma_wait3A_169] : memref<5x80x16xf32, #tpu.memory_space<vmem>> -> memref<1x80x16xf32, #tpu.memory_space<vmem>>
    %dma_wait3A_171 = tpu.memref_squeeze %dma_wait3A_170 : memref<1x80x16xf32, #tpu.memory_space<vmem>> -> memref<80x16xf32, #tpu.memory_space<vmem>>
    %dma_wait3A_172 = arith.constant 0 : i32
    %dma_wait3A_173 = arith.constant 0 : i32
    %dma_wait3A_174 = tpu.memref_slice %arg2[%dma_wait3A_172, %dma_wait3A_173] : memref<10000x16xf32, #tpu.memory_space<hbm>> -> memref<80x16xf32, #tpu.memory_space<hbm>>
    %dma_wait3A_175 = arith.constant 0 : i32
    %dma_wait3A_176 = arith.constant 0 : i32
    %dma_wait3A_177 = tpu.memref_slice %arg9[%dma_wait3A_167, %dma_wait3A_175, %dma_wait3A_176] : memref<5x80x16xf32, #tpu.memory_space<vmem>> -> memref<1x80x16xf32, #tpu.memory_space<vmem>>
    %dma_wait3A_178 = tpu.memref_squeeze %dma_wait3A_177 : memref<1x80x16xf32, #tpu.memory_space<vmem>> -> memref<80x16xf32, #tpu.memory_space<vmem>>
    %dma_wait3A_179 = arith.constant 0 : i32
    %dma_wait3A_180 = arith.constant 0 : i32
    %dma_wait3A_181 = tpu.memref_slice %arg2[%dma_wait3A_179, %dma_wait3A_180] : memref<10000x16xf32, #tpu.memory_space<hbm>> -> memref<80x16xf32, #tpu.memory_space<hbm>>
    tpu.wait_dma2 semaphore(%arg12 : memref<!tpu.dma_semaphore, #tpu.memory_space<semaphore_mem>>) src(%dma_wait3A_181 : memref<80x16xf32, #tpu.memory_space<hbm>>) dst(%dma_wait3A_178 : memref<80x16xf32, #tpu.memory_space<vmem>>)
    %dma_start3A_182 = arith.constant 0 : i32
    %dma_start3A_183 = arith.constant 120 : i32
    %dma_start3A_184 = arith.constant 0 : i32
    %dma_start3A_185 = arith.constant 0 : i32
    %dma_start3A_186 = tpu.memref_slice %arg9[%dma_start3A_182, %dma_start3A_184, %dma_start3A_185] : memref<5x80x16xf32, #tpu.memory_space<vmem>> -> memref<1x80x16xf32, #tpu.memory_space<vmem>>
    %dma_start3A_187 = tpu.memref_squeeze %dma_start3A_186 : memref<1x80x16xf32, #tpu.memory_space<vmem>> -> memref<80x16xf32, #tpu.memory_space<vmem>>
    %dma_start3A_188 = arith.constant 0 : i32
    %dma_start3A_189 = tpu.memref_slice %arg8[%dma_start3A_183, %dma_start3A_188] : memref<125x80xi32, #tpu.memory_space<vmem>> -> memref<1x80xi32, #tpu.memory_space<vmem>>
    %dma_start3A_190 = tpu.memref_squeeze %dma_start3A_189 : memref<1x80xi32, #tpu.memory_space<vmem>> -> memref<80xi32, #tpu.memory_space<vmem>>
    %dma_start3A_191 = arith.constant 0 : i32
    %dma_start3A_192 = arith.constant 0 : i32
    %dma_start3A_193 = tpu.memref_slice %arg6[%dma_start3A_191, %dma_start3A_192] : memref<10000x16xf32, #tpu.memory_space<vmem_shared>> -> memref<10000x16xf32, #tpu.memory_space<vmem_shared>>
    tpu.enqueue_indirect_dma source(%dma_start3A_187 : memref<80x16xf32, #tpu.memory_space<vmem>>) target(%dma_start3A_193 : memref<10000x16xf32, #tpu.memory_space<vmem_shared>>) offsets(%dma_start3A_190 : memref<80xi32, #tpu.memory_space<vmem>>) semaphore(%arg14 : memref<!tpu.dma_semaphore, #tpu.memory_space<semaphore_mem>>) {add = true}
    %dma_start3A_194 = arith.constant 1 : i32
    %dma_start3A_195 = arith.constant 121 : i32
    %dma_start3A_196 = arith.constant 0 : i32
    %dma_start3A_197 = arith.constant 0 : i32
    %dma_start3A_198 = tpu.memref_slice %arg9[%dma_start3A_194, %dma_start3A_196, %dma_start3A_197] : memref<5x80x16xf32, #tpu.memory_space<vmem>> -> memref<1x80x16xf32, #tpu.memory_space<vmem>>
    %dma_start3A_199 = tpu.memref_squeeze %dma_start3A_198 : memref<1x80x16xf32, #tpu.memory_space<vmem>> -> memref<80x16xf32, #tpu.memory_space<vmem>>
    %dma_start3A_200 = arith.constant 0 : i32
    %dma_start3A_201 = tpu.memref_slice %arg8[%dma_start3A_195, %dma_start3A_200] : memref<125x80xi32, #tpu.memory_space<vmem>> -> memref<1x80xi32, #tpu.memory_space<vmem>>
    %dma_start3A_202 = tpu.memref_squeeze %dma_start3A_201 : memref<1x80xi32, #tpu.memory_space<vmem>> -> memref<80xi32, #tpu.memory_space<vmem>>
    %dma_start3A_203 = arith.constant 0 : i32
    %dma_start3A_204 = arith.constant 0 : i32
    %dma_start3A_205 = tpu.memref_slice %arg6[%dma_start3A_203, %dma_start3A_204] : memref<10000x16xf32, #tpu.memory_space<vmem_shared>> -> memref<10000x16xf32, #tpu.memory_space<vmem_shared>>
    tpu.enqueue_indirect_dma source(%dma_start3A_199 : memref<80x16xf32, #tpu.memory_space<vmem>>) target(%dma_start3A_205 : memref<10000x16xf32, #tpu.memory_space<vmem_shared>>) offsets(%dma_start3A_202 : memref<80xi32, #tpu.memory_space<vmem>>) semaphore(%arg14 : memref<!tpu.dma_semaphore, #tpu.memory_space<semaphore_mem>>) {add = true}
    %dma_start3A_206 = arith.constant 2 : i32
    %dma_start3A_207 = arith.constant 122 : i32
    %dma_start3A_208 = arith.constant 0 : i32
    %dma_start3A_209 = arith.constant 0 : i32
    %dma_start3A_210 = tpu.memref_slice %arg9[%dma_start3A_206, %dma_start3A_208, %dma_start3A_209] : memref<5x80x16xf32, #tpu.memory_space<vmem>> -> memref<1x80x16xf32, #tpu.memory_space<vmem>>
    %dma_start3A_211 = tpu.memref_squeeze %dma_start3A_210 : memref<1x80x16xf32, #tpu.memory_space<vmem>> -> memref<80x16xf32, #tpu.memory_space<vmem>>
    %dma_start3A_212 = arith.constant 0 : i32
    %dma_start3A_213 = tpu.memref_slice %arg8[%dma_start3A_207, %dma_start3A_212] : memref<125x80xi32, #tpu.memory_space<vmem>> -> memref<1x80xi32, #tpu.memory_space<vmem>>
    %dma_start3A_214 = tpu.memref_squeeze %dma_start3A_213 : memref<1x80xi32, #tpu.memory_space<vmem>> -> memref<80xi32, #tpu.memory_space<vmem>>
    %dma_start3A_215 = arith.constant 0 : i32
    %dma_start3A_216 = arith.constant 0 : i32
    %dma_start3A_217 = tpu.memref_slice %arg6[%dma_start3A_215, %dma_start3A_216] : memref<10000x16xf32, #tpu.memory_space<vmem_shared>> -> memref<10000x16xf32, #tpu.memory_space<vmem_shared>>
    tpu.enqueue_indirect_dma source(%dma_start3A_211 : memref<80x16xf32, #tpu.memory_space<vmem>>) target(%dma_start3A_217 : memref<10000x16xf32, #tpu.memory_space<vmem_shared>>) offsets(%dma_start3A_214 : memref<80xi32, #tpu.memory_space<vmem>>) semaphore(%arg14 : memref<!tpu.dma_semaphore, #tpu.memory_space<semaphore_mem>>) {add = true}
    %dma_start3A_218 = arith.constant 3 : i32
    %dma_start3A_219 = arith.constant 123 : i32
    %dma_start3A_220 = arith.constant 0 : i32
    %dma_start3A_221 = arith.constant 0 : i32
    %dma_start3A_222 = tpu.memref_slice %arg9[%dma_start3A_218, %dma_start3A_220, %dma_start3A_221] : memref<5x80x16xf32, #tpu.memory_space<vmem>> -> memref<1x80x16xf32, #tpu.memory_space<vmem>>
    %dma_start3A_223 = tpu.memref_squeeze %dma_start3A_222 : memref<1x80x16xf32, #tpu.memory_space<vmem>> -> memref<80x16xf32, #tpu.memory_space<vmem>>
    %dma_start3A_224 = arith.constant 0 : i32
    %dma_start3A_225 = tpu.memref_slice %arg8[%dma_start3A_219, %dma_start3A_224] : memref<125x80xi32, #tpu.memory_space<vmem>> -> memref<1x80xi32, #tpu.memory_space<vmem>>
    %dma_start3A_226 = tpu.memref_squeeze %dma_start3A_225 : memref<1x80xi32, #tpu.memory_space<vmem>> -> memref<80xi32, #tpu.memory_space<vmem>>
    %dma_start3A_227 = arith.constant 0 : i32
    %dma_start3A_228 = arith.constant 0 : i32
    %dma_start3A_229 = tpu.memref_slice %arg6[%dma_start3A_227, %dma_start3A_228] : memref<10000x16xf32, #tpu.memory_space<vmem_shared>> -> memref<10000x16xf32, #tpu.memory_space<vmem_shared>>
    tpu.enqueue_indirect_dma source(%dma_start3A_223 : memref<80x16xf32, #tpu.memory_space<vmem>>) target(%dma_start3A_229 : memref<10000x16xf32, #tpu.memory_space<vmem_shared>>) offsets(%dma_start3A_226 : memref<80xi32, #tpu.memory_space<vmem>>) semaphore(%arg14 : memref<!tpu.dma_semaphore, #tpu.memory_space<semaphore_mem>>) {add = true}
    %dma_start3A_230 = arith.constant 4 : i32
    %dma_start3A_231 = arith.constant 124 : i32
    %dma_start3A_232 = arith.constant 0 : i32
    %dma_start3A_233 = arith.constant 0 : i32
    %dma_start3A_234 = tpu.memref_slice %arg9[%dma_start3A_230, %dma_start3A_232, %dma_start3A_233] : memref<5x80x16xf32, #tpu.memory_space<vmem>> -> memref<1x80x16xf32, #tpu.memory_space<vmem>>
    %dma_start3A_235 = tpu.memref_squeeze %dma_start3A_234 : memref<1x80x16xf32, #tpu.memory_space<vmem>> -> memref<80x16xf32, #tpu.memory_space<vmem>>
    %dma_start3A_236 = arith.constant 0 : i32
    %dma_start3A_237 = tpu.memref_slice %arg8[%dma_start3A_231, %dma_start3A_236] : memref<125x80xi32, #tpu.memory_space<vmem>> -> memref<1x80xi32, #tpu.memory_space<vmem>>
    %dma_start3A_238 = tpu.memref_squeeze %dma_start3A_237 : memref<1x80xi32, #tpu.memory_space<vmem>> -> memref<80xi32, #tpu.memory_space<vmem>>
    %dma_start3A_239 = arith.constant 0 : i32
    %dma_start3A_240 = arith.constant 0 : i32
    %dma_start3A_241 = tpu.memref_slice %arg6[%dma_start3A_239, %dma_start3A_240] : memref<10000x16xf32, #tpu.memory_space<vmem_shared>> -> memref<10000x16xf32, #tpu.memory_space<vmem_shared>>
    tpu.enqueue_indirect_dma source(%dma_start3A_235 : memref<80x16xf32, #tpu.memory_space<vmem>>) target(%dma_start3A_241 : memref<10000x16xf32, #tpu.memory_space<vmem_shared>>) offsets(%dma_start3A_238 : memref<80xi32, #tpu.memory_space<vmem>>) semaphore(%arg14 : memref<!tpu.dma_semaphore, #tpu.memory_space<semaphore_mem>>) {add = true}
    %dma_wait3A_242 = arith.constant 0 : i32
    %dma_wait3A_243 = arith.constant 0 : i32
    %dma_wait3A_244 = arith.constant 0 : i32
    %dma_wait3A_245 = tpu.memref_slice %arg9[%dma_wait3A_242, %dma_wait3A_243, %dma_wait3A_244] : memref<5x80x16xf32, #tpu.memory_space<vmem>> -> memref<1x80x16xf32, #tpu.memory_space<vmem>>
    %dma_wait3A_246 = tpu.memref_squeeze %dma_wait3A_245 : memref<1x80x16xf32, #tpu.memory_space<vmem>> -> memref<80x16xf32, #tpu.memory_space<vmem>>
    %dma_wait3A_247 = arith.constant 0 : i32
    %dma_wait3A_248 = arith.constant 0 : i32
    %dma_wait3A_249 = tpu.memref_slice %arg2[%dma_wait3A_247, %dma_wait3A_248] : memref<10000x16xf32, #tpu.memory_space<hbm>> -> memref<80x16xf32, #tpu.memory_space<hbm>>
    %dma_wait3A_250 = arith.constant 0 : i32
    %dma_wait3A_251 = arith.constant 0 : i32
    %dma_wait3A_252 = tpu.memref_slice %arg9[%dma_wait3A_242, %dma_wait3A_250, %dma_wait3A_251] : memref<5x80x16xf32, #tpu.memory_space<vmem>> -> memref<1x80x16xf32, #tpu.memory_space<vmem>>
    %dma_wait3A_253 = tpu.memref_squeeze %dma_wait3A_252 : memref<1x80x16xf32, #tpu.memory_space<vmem>> -> memref<80x16xf32, #tpu.memory_space<vmem>>
    %dma_wait3A_254 = arith.constant 0 : i32
    %dma_wait3A_255 = arith.constant 0 : i32
    %dma_wait3A_256 = tpu.memref_slice %arg2[%dma_wait3A_254, %dma_wait3A_255] : memref<10000x16xf32, #tpu.memory_space<hbm>> -> memref<80x16xf32, #tpu.memory_space<hbm>>
    tpu.wait_dma2 semaphore(%arg15 : memref<!tpu.dma_semaphore, #tpu.memory_space<semaphore_mem>>) src(%dma_wait3A_256 : memref<80x16xf32, #tpu.memory_space<hbm>>) dst(%dma_wait3A_253 : memref<80x16xf32, #tpu.memory_space<vmem>>)
    %dma_wait3A_257 = arith.constant 0 : i32
    %dma_wait3A_258 = arith.constant 0 : i32
    %dma_wait3A_259 = arith.constant 0 : i32
    %dma_wait3A_260 = tpu.memref_slice %arg9[%dma_wait3A_257, %dma_wait3A_258, %dma_wait3A_259] : memref<5x80x16xf32, #tpu.memory_space<vmem>> -> memref<1x80x16xf32, #tpu.memory_space<vmem>>
    %dma_wait3A_261 = tpu.memref_squeeze %dma_wait3A_260 : memref<1x80x16xf32, #tpu.memory_space<vmem>> -> memref<80x16xf32, #tpu.memory_space<vmem>>
    %dma_wait3A_262 = arith.constant 0 : i32
    %dma_wait3A_263 = arith.constant 0 : i32
    %dma_wait3A_264 = tpu.memref_slice %arg2[%dma_wait3A_262, %dma_wait3A_263] : memref<10000x16xf32, #tpu.memory_space<hbm>> -> memref<80x16xf32, #tpu.memory_space<hbm>>
    %dma_wait3A_265 = arith.constant 0 : i32
    %dma_wait3A_266 = arith.constant 0 : i32
    %dma_wait3A_267 = tpu.memref_slice %arg9[%dma_wait3A_257, %dma_wait3A_265, %dma_wait3A_266] : memref<5x80x16xf32, #tpu.memory_space<vmem>> -> memref<1x80x16xf32, #tpu.memory_space<vmem>>
    %dma_wait3A_268 = tpu.memref_squeeze %dma_wait3A_267 : memref<1x80x16xf32, #tpu.memory_space<vmem>> -> memref<80x16xf32, #tpu.memory_space<vmem>>
    %dma_wait3A_269 = arith.constant 0 : i32
    %dma_wait3A_270 = arith.constant 0 : i32
    %dma_wait3A_271 = tpu.memref_slice %arg2[%dma_wait3A_269, %dma_wait3A_270] : memref<10000x16xf32, #tpu.memory_space<hbm>> -> memref<80x16xf32, #tpu.memory_space<hbm>>
    tpu.wait_dma2 semaphore(%arg15 : memref<!tpu.dma_semaphore, #tpu.memory_space<semaphore_mem>>) src(%dma_wait3A_271 : memref<80x16xf32, #tpu.memory_space<hbm>>) dst(%dma_wait3A_268 : memref<80x16xf32, #tpu.memory_space<vmem>>)
    %dma_wait3A_272 = arith.constant 0 : i32
    %dma_wait3A_273 = arith.constant 0 : i32
    %dma_wait3A_274 = arith.constant 0 : i32
    %dma_wait3A_275 = tpu.memref_slice %arg9[%dma_wait3A_272, %dma_wait3A_273, %dma_wait3A_274] : memref<5x80x16xf32, #tpu.memory_space<vmem>> -> memref<1x80x16xf32, #tpu.memory_space<vmem>>
    %dma_wait3A_276 = tpu.memref_squeeze %dma_wait3A_275 : memref<1x80x16xf32, #tpu.memory_space<vmem>> -> memref<80x16xf32, #tpu.memory_space<vmem>>
    %dma_wait3A_277 = arith.constant 0 : i32
    %dma_wait3A_278 = arith.constant 0 : i32
    %dma_wait3A_279 = tpu.memref_slice %arg2[%dma_wait3A_277, %dma_wait3A_278] : memref<10000x16xf32, #tpu.memory_space<hbm>> -> memref<80x16xf32, #tpu.memory_space<hbm>>
    %dma_wait3A_280 = arith.constant 0 : i32
    %dma_wait3A_281 = arith.constant 0 : i32
    %dma_wait3A_282 = tpu.memref_slice %arg9[%dma_wait3A_272, %dma_wait3A_280, %dma_wait3A_281] : memref<5x80x16xf32, #tpu.memory_space<vmem>> -> memref<1x80x16xf32, #tpu.memory_space<vmem>>
    %dma_wait3A_283 = tpu.memref_squeeze %dma_wait3A_282 : memref<1x80x16xf32, #tpu.memory_space<vmem>> -> memref<80x16xf32, #tpu.memory_space<vmem>>
    %dma_wait3A_284 = arith.constant 0 : i32
    %dma_wait3A_285 = arith.constant 0 : i32
    %dma_wait3A_286 = tpu.memref_slice %arg2[%dma_wait3A_284, %dma_wait3A_285] : memref<10000x16xf32, #tpu.memory_space<hbm>> -> memref<80x16xf32, #tpu.memory_space<hbm>>
    tpu.wait_dma2 semaphore(%arg15 : memref<!tpu.dma_semaphore, #tpu.memory_space<semaphore_mem>>) src(%dma_wait3A_286 : memref<80x16xf32, #tpu.memory_space<hbm>>) dst(%dma_wait3A_283 : memref<80x16xf32, #tpu.memory_space<vmem>>)
    %dma_wait3A_287 = arith.constant 0 : i32
    %dma_wait3A_288 = arith.constant 0 : i32
    %dma_wait3A_289 = arith.constant 0 : i32
    %dma_wait3A_290 = tpu.memref_slice %arg9[%dma_wait3A_287, %dma_wait3A_288, %dma_wait3A_289] : memref<5x80x16xf32, #tpu.memory_space<vmem>> -> memref<1x80x16xf32, #tpu.memory_space<vmem>>
    %dma_wait3A_291 = tpu.memref_squeeze %dma_wait3A_290 : memref<1x80x16xf32, #tpu.memory_space<vmem>> -> memref<80x16xf32, #tpu.memory_space<vmem>>
    %dma_wait3A_292 = arith.constant 0 : i32
    %dma_wait3A_293 = arith.constant 0 : i32
    %dma_wait3A_294 = tpu.memref_slice %arg2[%dma_wait3A_292, %dma_wait3A_293] : memref<10000x16xf32, #tpu.memory_space<hbm>> -> memref<80x16xf32, #tpu.memory_space<hbm>>
    %dma_wait3A_295 = arith.constant 0 : i32
    %dma_wait3A_296 = arith.constant 0 : i32
    %dma_wait3A_297 = tpu.memref_slice %arg9[%dma_wait3A_287, %dma_wait3A_295, %dma_wait3A_296] : memref<5x80x16xf32, #tpu.memory_space<vmem>> -> memref<1x80x16xf32, #tpu.memory_space<vmem>>
    %dma_wait3A_298 = tpu.memref_squeeze %dma_wait3A_297 : memref<1x80x16xf32, #tpu.memory_space<vmem>> -> memref<80x16xf32, #tpu.memory_space<vmem>>
    %dma_wait3A_299 = arith.constant 0 : i32
    %dma_wait3A_300 = arith.constant 0 : i32
    %dma_wait3A_301 = tpu.memref_slice %arg2[%dma_wait3A_299, %dma_wait3A_300] : memref<10000x16xf32, #tpu.memory_space<hbm>> -> memref<80x16xf32, #tpu.memory_space<hbm>>
    tpu.wait_dma2 semaphore(%arg15 : memref<!tpu.dma_semaphore, #tpu.memory_space<semaphore_mem>>) src(%dma_wait3A_301 : memref<80x16xf32, #tpu.memory_space<hbm>>) dst(%dma_wait3A_298 : memref<80x16xf32, #tpu.memory_space<vmem>>)
    %dma_wait3A_302 = arith.constant 0 : i32
    %dma_wait3A_303 = arith.constant 0 : i32
    %dma_wait3A_304 = arith.constant 0 : i32
    %dma_wait3A_305 = tpu.memref_slice %arg9[%dma_wait3A_302, %dma_wait3A_303, %dma_wait3A_304] : memref<5x80x16xf32, #tpu.memory_space<vmem>> -> memref<1x80x16xf32, #tpu.memory_space<vmem>>
    %dma_wait3A_306 = tpu.memref_squeeze %dma_wait3A_305 : memref<1x80x16xf32, #tpu.memory_space<vmem>> -> memref<80x16xf32, #tpu.memory_space<vmem>>
    %dma_wait3A_307 = arith.constant 0 : i32
    %dma_wait3A_308 = arith.constant 0 : i32
    %dma_wait3A_309 = tpu.memref_slice %arg2[%dma_wait3A_307, %dma_wait3A_308] : memref<10000x16xf32, #tpu.memory_space<hbm>> -> memref<80x16xf32, #tpu.memory_space<hbm>>
    %dma_wait3A_310 = arith.constant 0 : i32
    %dma_wait3A_311 = arith.constant 0 : i32
    %dma_wait3A_312 = tpu.memref_slice %arg9[%dma_wait3A_302, %dma_wait3A_310, %dma_wait3A_311] : memref<5x80x16xf32, #tpu.memory_space<vmem>> -> memref<1x80x16xf32, #tpu.memory_space<vmem>>
    %dma_wait3A_313 = tpu.memref_squeeze %dma_wait3A_312 : memref<1x80x16xf32, #tpu.memory_space<vmem>> -> memref<80x16xf32, #tpu.memory_space<vmem>>
    %dma_wait3A_314 = arith.constant 0 : i32
    %dma_wait3A_315 = arith.constant 0 : i32
    %dma_wait3A_316 = tpu.memref_slice %arg2[%dma_wait3A_314, %dma_wait3A_315] : memref<10000x16xf32, #tpu.memory_space<hbm>> -> memref<80x16xf32, #tpu.memory_space<hbm>>
    tpu.wait_dma2 semaphore(%arg15 : memref<!tpu.dma_semaphore, #tpu.memory_space<semaphore_mem>>) src(%dma_wait3A_316 : memref<80x16xf32, #tpu.memory_space<hbm>>) dst(%dma_wait3A_313 : memref<80x16xf32, #tpu.memory_space<vmem>>)
    %dma_wait3A_317 = arith.constant 0 : i32
    %dma_wait3A_318 = arith.constant 0 : i32
    %dma_wait3A_319 = arith.constant 0 : i32
    %dma_wait3A_320 = tpu.memref_slice %arg9[%dma_wait3A_317, %dma_wait3A_318, %dma_wait3A_319] : memref<5x80x16xf32, #tpu.memory_space<vmem>> -> memref<1x80x16xf32, #tpu.memory_space<vmem>>
    %dma_wait3A_321 = tpu.memref_squeeze %dma_wait3A_320 : memref<1x80x16xf32, #tpu.memory_space<vmem>> -> memref<80x16xf32, #tpu.memory_space<vmem>>
    %dma_wait3A_322 = arith.constant 0 : i32
    %dma_wait3A_323 = arith.constant 0 : i32
    %dma_wait3A_324 = tpu.memref_slice %arg2[%dma_wait3A_322, %dma_wait3A_323] : memref<10000x16xf32, #tpu.memory_space<hbm>> -> memref<80x16xf32, #tpu.memory_space<hbm>>
    %dma_wait3A_325 = arith.constant 0 : i32
    %dma_wait3A_326 = arith.constant 0 : i32
    %dma_wait3A_327 = tpu.memref_slice %arg9[%dma_wait3A_317, %dma_wait3A_325, %dma_wait3A_326] : memref<5x80x16xf32, #tpu.memory_space<vmem>> -> memref<1x80x16xf32, #tpu.memory_space<vmem>>
    %dma_wait3A_328 = tpu.memref_squeeze %dma_wait3A_327 : memref<1x80x16xf32, #tpu.memory_space<vmem>> -> memref<80x16xf32, #tpu.memory_space<vmem>>
    %dma_wait3A_329 = arith.constant 0 : i32
    %dma_wait3A_330 = arith.constant 0 : i32
    %dma_wait3A_331 = tpu.memref_slice %arg2[%dma_wait3A_329, %dma_wait3A_330] : memref<10000x16xf32, #tpu.memory_space<hbm>> -> memref<80x16xf32, #tpu.memory_space<hbm>>
    tpu.wait_dma2 semaphore(%arg14 : memref<!tpu.dma_semaphore, #tpu.memory_space<semaphore_mem>>) src(%dma_wait3A_331 : memref<80x16xf32, #tpu.memory_space<hbm>>) dst(%dma_wait3A_328 : memref<80x16xf32, #tpu.memory_space<vmem>>)
    %dma_wait3A_332 = arith.constant 0 : i32
    %dma_wait3A_333 = arith.constant 0 : i32
    %dma_wait3A_334 = arith.constant 0 : i32
    %dma_wait3A_335 = tpu.memref_slice %arg9[%dma_wait3A_332, %dma_wait3A_333, %dma_wait3A_334] : memref<5x80x16xf32, #tpu.memory_space<vmem>> -> memref<1x80x16xf32, #tpu.memory_space<vmem>>
    %dma_wait3A_336 = tpu.memref_squeeze %dma_wait3A_335 : memref<1x80x16xf32, #tpu.memory_space<vmem>> -> memref<80x16xf32, #tpu.memory_space<vmem>>
    %dma_wait3A_337 = arith.constant 0 : i32
    %dma_wait3A_338 = arith.constant 0 : i32
    %dma_wait3A_339 = tpu.memref_slice %arg2[%dma_wait3A_337, %dma_wait3A_338] : memref<10000x16xf32, #tpu.memory_space<hbm>> -> memref<80x16xf32, #tpu.memory_space<hbm>>
    %dma_wait3A_340 = arith.constant 0 : i32
    %dma_wait3A_341 = arith.constant 0 : i32
    %dma_wait3A_342 = tpu.memref_slice %arg9[%dma_wait3A_332, %dma_wait3A_340, %dma_wait3A_341] : memref<5x80x16xf32, #tpu.memory_space<vmem>> -> memref<1x80x16xf32, #tpu.memory_space<vmem>>
    %dma_wait3A_343 = tpu.memref_squeeze %dma_wait3A_342 : memref<1x80x16xf32, #tpu.memory_space<vmem>> -> memref<80x16xf32, #tpu.memory_space<vmem>>
    %dma_wait3A_344 = arith.constant 0 : i32
    %dma_wait3A_345 = arith.constant 0 : i32
    %dma_wait3A_346 = tpu.memref_slice %arg2[%dma_wait3A_344, %dma_wait3A_345] : memref<10000x16xf32, #tpu.memory_space<hbm>> -> memref<80x16xf32, #tpu.memory_space<hbm>>
    tpu.wait_dma2 semaphore(%arg14 : memref<!tpu.dma_semaphore, #tpu.memory_space<semaphore_mem>>) src(%dma_wait3A_346 : memref<80x16xf32, #tpu.memory_space<hbm>>) dst(%dma_wait3A_343 : memref<80x16xf32, #tpu.memory_space<vmem>>)
    %dma_wait3A_347 = arith.constant 0 : i32
    %dma_wait3A_348 = arith.constant 0 : i32
    %dma_wait3A_349 = arith.constant 0 : i32
    %dma_wait3A_350 = tpu.memref_slice %arg9[%dma_wait3A_347, %dma_wait3A_348, %dma_wait3A_349] : memref<5x80x16xf32, #tpu.memory_space<vmem>> -> memref<1x80x16xf32, #tpu.memory_space<vmem>>
    %dma_wait3A_351 = tpu.memref_squeeze %dma_wait3A_350 : memref<1x80x16xf32, #tpu.memory_space<vmem>> -> memref<80x16xf32, #tpu.memory_space<vmem>>
    %dma_wait3A_352 = arith.constant 0 : i32
    %dma_wait3A_353 = arith.constant 0 : i32
    %dma_wait3A_354 = tpu.memref_slice %arg2[%dma_wait3A_352, %dma_wait3A_353] : memref<10000x16xf32, #tpu.memory_space<hbm>> -> memref<80x16xf32, #tpu.memory_space<hbm>>
    %dma_wait3A_355 = arith.constant 0 : i32
    %dma_wait3A_356 = arith.constant 0 : i32
    %dma_wait3A_357 = tpu.memref_slice %arg9[%dma_wait3A_347, %dma_wait3A_355, %dma_wait3A_356] : memref<5x80x16xf32, #tpu.memory_space<vmem>> -> memref<1x80x16xf32, #tpu.memory_space<vmem>>
    %dma_wait3A_358 = tpu.memref_squeeze %dma_wait3A_357 : memref<1x80x16xf32, #tpu.memory_space<vmem>> -> memref<80x16xf32, #tpu.memory_space<vmem>>
    %dma_wait3A_359 = arith.constant 0 : i32
    %dma_wait3A_360 = arith.constant 0 : i32
    %dma_wait3A_361 = tpu.memref_slice %arg2[%dma_wait3A_359, %dma_wait3A_360] : memref<10000x16xf32, #tpu.memory_space<hbm>> -> memref<80x16xf32, #tpu.memory_space<hbm>>
    tpu.wait_dma2 semaphore(%arg14 : memref<!tpu.dma_semaphore, #tpu.memory_space<semaphore_mem>>) src(%dma_wait3A_361 : memref<80x16xf32, #tpu.memory_space<hbm>>) dst(%dma_wait3A_358 : memref<80x16xf32, #tpu.memory_space<vmem>>)
    %dma_wait3A_362 = arith.constant 0 : i32
    %dma_wait3A_363 = arith.constant 0 : i32
    %dma_wait3A_364 = arith.constant 0 : i32
    %dma_wait3A_365 = tpu.memref_slice %arg9[%dma_wait3A_362, %dma_wait3A_363, %dma_wait3A_364] : memref<5x80x16xf32, #tpu.memory_space<vmem>> -> memref<1x80x16xf32, #tpu.memory_space<vmem>>
    %dma_wait3A_366 = tpu.memref_squeeze %dma_wait3A_365 : memref<1x80x16xf32, #tpu.memory_space<vmem>> -> memref<80x16xf32, #tpu.memory_space<vmem>>
    %dma_wait3A_367 = arith.constant 0 : i32
    %dma_wait3A_368 = arith.constant 0 : i32
    %dma_wait3A_369 = tpu.memref_slice %arg2[%dma_wait3A_367, %dma_wait3A_368] : memref<10000x16xf32, #tpu.memory_space<hbm>> -> memref<80x16xf32, #tpu.memory_space<hbm>>
    %dma_wait3A_370 = arith.constant 0 : i32
    %dma_wait3A_371 = arith.constant 0 : i32
    %dma_wait3A_372 = tpu.memref_slice %arg9[%dma_wait3A_362, %dma_wait3A_370, %dma_wait3A_371] : memref<5x80x16xf32, #tpu.memory_space<vmem>> -> memref<1x80x16xf32, #tpu.memory_space<vmem>>
    %dma_wait3A_373 = tpu.memref_squeeze %dma_wait3A_372 : memref<1x80x16xf32, #tpu.memory_space<vmem>> -> memref<80x16xf32, #tpu.memory_space<vmem>>
    %dma_wait3A_374 = arith.constant 0 : i32
    %dma_wait3A_375 = arith.constant 0 : i32
    %dma_wait3A_376 = tpu.memref_slice %arg2[%dma_wait3A_374, %dma_wait3A_375] : memref<10000x16xf32, #tpu.memory_space<hbm>> -> memref<80x16xf32, #tpu.memory_space<hbm>>
    tpu.wait_dma2 semaphore(%arg14 : memref<!tpu.dma_semaphore, #tpu.memory_space<semaphore_mem>>) src(%dma_wait3A_376 : memref<80x16xf32, #tpu.memory_space<hbm>>) dst(%dma_wait3A_373 : memref<80x16xf32, #tpu.memory_space<vmem>>)
    %dma_wait3A_377 = arith.constant 0 : i32
    %dma_wait3A_378 = arith.constant 0 : i32
    %dma_wait3A_379 = arith.constant 0 : i32
    %dma_wait3A_380 = tpu.memref_slice %arg9[%dma_wait3A_377, %dma_wait3A_378, %dma_wait3A_379] : memref<5x80x16xf32, #tpu.memory_space<vmem>> -> memref<1x80x16xf32, #tpu.memory_space<vmem>>
    %dma_wait3A_381 = tpu.memref_squeeze %dma_wait3A_380 : memref<1x80x16xf32, #tpu.memory_space<vmem>> -> memref<80x16xf32, #tpu.memory_space<vmem>>
    %dma_wait3A_382 = arith.constant 0 : i32
    %dma_wait3A_383 = arith.constant 0 : i32
    %dma_wait3A_384 = tpu.memref_slice %arg2[%dma_wait3A_382, %dma_wait3A_383] : memref<10000x16xf32, #tpu.memory_space<hbm>> -> memref<80x16xf32, #tpu.memory_space<hbm>>
    %dma_wait3A_385 = arith.constant 0 : i32
    %dma_wait3A_386 = arith.constant 0 : i32
    %dma_wait3A_387 = tpu.memref_slice %arg9[%dma_wait3A_377, %dma_wait3A_385, %dma_wait3A_386] : memref<5x80x16xf32, #tpu.memory_space<vmem>> -> memref<1x80x16xf32, #tpu.memory_space<vmem>>
    %dma_wait3A_388 = tpu.memref_squeeze %dma_wait3A_387 : memref<1x80x16xf32, #tpu.memory_space<vmem>> -> memref<80x16xf32, #tpu.memory_space<vmem>>
    %dma_wait3A_389 = arith.constant 0 : i32
    %dma_wait3A_390 = arith.constant 0 : i32
    %dma_wait3A_391 = tpu.memref_slice %arg2[%dma_wait3A_389, %dma_wait3A_390] : memref<10000x16xf32, #tpu.memory_space<hbm>> -> memref<80x16xf32, #tpu.memory_space<hbm>>
    tpu.wait_dma2 semaphore(%arg14 : memref<!tpu.dma_semaphore, #tpu.memory_space<semaphore_mem>>) src(%dma_wait3A_391 : memref<80x16xf32, #tpu.memory_space<hbm>>) dst(%dma_wait3A_388 : memref<80x16xf32, #tpu.memory_space<vmem>>)
    %barrier3A_392 = arith.constant 0 : index
    tpu.barrier barrier_id(%barrier3A_392)
    %mul3A_393 = arith.constant 625 : i32
    %mul3A_394 = arith.muli %mul3A_393, %arg1 : i32
    %mul3A_395 = arith.constant 625 : i32
    %mul3A_396 = arith.muli %mul3A_395, %arg1 : i32
    "tpu.region"() ({
      %run_scoped3A = tpu.sem_alloc : memref<!tpu.dma_semaphore, #tpu.memory_space<semaphore_mem>>
      %dma_start3A_397 = arith.constant 0 : i32
      %dma_start3A_398 = arith.constant 0 : i32
      %dma_start3A_399 = tpu.memref_slice %arg5[%arg0, %dma_start3A_397, %dma_start3A_398] : memref<2x10000x16xf32, #tpu.memory_space<hbm>> -> memref<1x10000x16xf32, #tpu.memory_space<hbm>>
      %dma_start3A_400 = tpu.memref_squeeze %dma_start3A_399 : memref<1x10000x16xf32, #tpu.memory_space<hbm>> -> memref<10000x16xf32, #tpu.memory_space<hbm>>
      %dma_start3A_401 = arith.constant 0 : i32
      %dma_start3A_402 = tpu.memref_slice %dma_start3A_400[%mul3A_396, %dma_start3A_401] : memref<10000x16xf32, #tpu.memory_space<hbm>> -> memref<625x16xf32, #tpu.memory_space<hbm>>
      %dma_start3A_403 = arith.constant 0 : i32
      %dma_start3A_404 = tpu.memref_slice %arg6[%mul3A_394, %dma_start3A_403] : memref<10000x16xf32, #tpu.memory_space<vmem_shared>> -> memref<625x16xf32, #tpu.memory_space<vmem_shared>>
      tpu.enqueue_dma source(%dma_start3A_404 : memref<625x16xf32, #tpu.memory_space<vmem_shared>>) target(%dma_start3A_402 : memref<625x16xf32, #tpu.memory_space<hbm>>) target_semaphore(%run_scoped3A : memref<!tpu.dma_semaphore, #tpu.memory_space<semaphore_mem>>)
      %dma_wait3A_405 = arith.constant 0 : i32
      %dma_wait3A_406 = arith.constant 0 : i32
      %dma_wait3A_407 = tpu.memref_slice %arg5[%arg0, %dma_wait3A_405, %dma_wait3A_406] : memref<2x10000x16xf32, #tpu.memory_space<hbm>> -> memref<1x10000x16xf32, #tpu.memory_space<hbm>>
      %dma_wait3A_408 = tpu.memref_squeeze %dma_wait3A_407 : memref<1x10000x16xf32, #tpu.memory_space<hbm>> -> memref<10000x16xf32, #tpu.memory_space<hbm>>
      %dma_wait3A_409 = arith.constant 0 : i32
      %dma_wait3A_410 = tpu.memref_slice %dma_wait3A_408[%mul3A_396, %dma_wait3A_409] : memref<10000x16xf32, #tpu.memory_space<hbm>> -> memref<625x16xf32, #tpu.memory_space<hbm>>
      %dma_wait3A_411 = arith.constant 0 : i32
      %dma_wait3A_412 = tpu.memref_slice %arg6[%mul3A_394, %dma_wait3A_411] : memref<10000x16xf32, #tpu.memory_space<vmem_shared>> -> memref<625x16xf32, #tpu.memory_space<vmem_shared>>
      tpu.wait_dma2 semaphore(%run_scoped3A : memref<!tpu.dma_semaphore, #tpu.memory_space<semaphore_mem>>) src(%dma_wait3A_412 : memref<625x16xf32, #tpu.memory_space<vmem_shared>>) dst(%dma_wait3A_410 : memref<625x16xf32, #tpu.memory_space<hbm>>)
      tpu.yield
    }) : () -> ()
    return
  }
}

#map = affine_map<(d0, d1) -> (0, 0, 0)>
#map1 = affine_map<(d0, d1) -> (0, 0)>
module attributes {stable_mosaic.version = 14 : i64} {
  func.func @_sc_deg_body(%arg0: i32, %arg1: i32, %arg2: memref<32x125x80xi32, #tpu.memory_space<hbm>>, %arg3: memref<32x10000xf32, #tpu.memory_space<hbm>>, %arg4: memref<10000xf32, #tpu.memory_space<vmem>>, %arg5: memref<125x80xi32, #tpu.memory_space<vmem>>, %arg6: memref<!tpu.dma_semaphore, #tpu.memory_space<semaphore_mem>>) attributes {dimension_semantics = [#tpu.dimension_semantics<core_parallel>, #tpu.dimension_semantics<subcore_parallel>], iteration_bounds = array<i64: 2, 16>, scalar_prefetch = 0 : i64, scratch_operands = 3 : i64, tpu.core_type = #tpu.core_type<sc_vector_subcore>, window_params = [{transform_indices = #map}, {transform_indices = #map1}]} {
    %mul3A = arith.constant 16 : i32
    %mul3A_0 = arith.muli %arg0, %mul3A : i32
    %add3A = arith.addi %mul3A_0, %arg1 : i32
    %dma_start3A = arith.constant 0 : i32
    %dma_start3A_1 = arith.constant 0 : i32
    %dma_start3A_2 = tpu.memref_slice %arg2[%add3A, %dma_start3A, %dma_start3A_1] : memref<32x125x80xi32, #tpu.memory_space<hbm>> -> memref<1x125x80xi32, #tpu.memory_space<hbm>>
    %dma_start3A_3 = tpu.memref_squeeze %dma_start3A_2 : memref<1x125x80xi32, #tpu.memory_space<hbm>> -> memref<125x80xi32, #tpu.memory_space<hbm>>
    %dma_start3A_4 = arith.constant 0 : i32
    %dma_start3A_5 = arith.constant 0 : i32
    %dma_start3A_6 = tpu.memref_slice %arg2[%add3A, %dma_start3A_4, %dma_start3A_5] : memref<32x125x80xi32, #tpu.memory_space<hbm>> -> memref<1x125x80xi32, #tpu.memory_space<hbm>>
    %dma_start3A_7 = tpu.memref_squeeze %dma_start3A_6 : memref<1x125x80xi32, #tpu.memory_space<hbm>> -> memref<125x80xi32, #tpu.memory_space<hbm>>
    tpu.enqueue_dma source(%dma_start3A_7 : memref<125x80xi32, #tpu.memory_space<hbm>>) target(%arg5 : memref<125x80xi32, #tpu.memory_space<vmem>>) target_semaphore(%arg6 : memref<!tpu.dma_semaphore, #tpu.memory_space<semaphore_mem>>)
    %broadcast_in_dim3A = arith.constant 0.000000e+00 : f32
    %broadcast_in_dim3A_8 = vector.broadcast %broadcast_in_dim3A : f32 to vector<16xf32>
    %scan3A = arith.constant 0 : i32
    %scan3A_9 = arith.constant 0 : i32
    %scan3A_10 = arith.constant 625 : i32
    %scan3A_11 = arith.addi %scan3A_9, %scan3A_10 : i32
    %scan3A_12 = arith.constant 1 : i32
    %scan3A_13 = scf.for %scan3A_31 = %scan3A_9 to %scan3A_11 step %scan3A_12 iter_args(%scan3A_32 = %scan3A) -> (i32)  : i32 {
      %mul3A_33 = arith.constant 16 : i32
      %mul3A_34 = arith.muli %scan3A_31, %mul3A_33 : i32
      %swap3A = arith.index_cast %mul3A_34 : i32 to index
      %swap3A_35 = tpu.vector_load %arg4[%swap3A] {strides = array<i32>} : memref<10000xf32, #tpu.memory_space<vmem>>, vector<16xf32>,
      tpu.vector_store %arg4[%swap3A], %broadcast_in_dim3A_8 {strides = array<i32>} : memref<10000xf32, #tpu.memory_space<vmem>>, vector<16xf32>,
      %scan3A_36 = arith.constant 0 : i32
      scf.yield %scan3A_36 : i32
    }
    %scan3A_14 = arith.constant 625 : i32
    %dma_wait3A = arith.constant 0 : i32
    %dma_wait3A_15 = arith.constant 0 : i32
    %dma_wait3A_16 = tpu.memref_slice %arg2[%add3A, %dma_wait3A, %dma_wait3A_15] : memref<32x125x80xi32, #tpu.memory_space<hbm>> -> memref<1x125x80xi32, #tpu.memory_space<hbm>>
    %dma_wait3A_17 = tpu.memref_squeeze %dma_wait3A_16 : memref<1x125x80xi32, #tpu.memory_space<hbm>> -> memref<125x80xi32, #tpu.memory_space<hbm>>
    %dma_wait3A_18 = arith.constant 0 : i32
    %dma_wait3A_19 = arith.constant 0 : i32
    %dma_wait3A_20 = tpu.memref_slice %arg2[%add3A, %dma_wait3A_18, %dma_wait3A_19] : memref<32x125x80xi32, #tpu.memory_space<hbm>> -> memref<1x125x80xi32, #tpu.memory_space<hbm>>
    %dma_wait3A_21 = tpu.memref_squeeze %dma_wait3A_20 : memref<1x125x80xi32, #tpu.memory_space<hbm>> -> memref<125x80xi32, #tpu.memory_space<hbm>>
    tpu.wait_dma2 semaphore(%arg6 : memref<!tpu.dma_semaphore, #tpu.memory_space<semaphore_mem>>) src(%dma_wait3A_21 : memref<125x80xi32, #tpu.memory_space<hbm>>) dst(%arg5 : memref<125x80xi32, #tpu.memory_space<vmem>>)
    %broadcast_in_dim3A_22 = arith.constant 1.000000e+00 : f32
    %broadcast_in_dim3A_23 = vector.broadcast %broadcast_in_dim3A_22 : f32 to vector<16xf32>
    %scan3A_24 = arith.constant 0 : i32
    %scan3A_25 = arith.constant 0 : i32
    %scan3A_26 = arith.constant 125 : i32
    %scan3A_27 = arith.addi %scan3A_25, %scan3A_26 : i32
    %scan3A_28 = arith.constant 1 : i32
    %scan3A_29 = scf.for %scan3A_31 = %scan3A_25 to %scan3A_27 step %scan3A_28 iter_args(%scan3A_32 = %scan3A_24) -> (i32)  : i32 {
      %get3A = arith.index_cast %scan3A_31 : i32 to index
      %get3A_33 = arith.constant 0 : index
      %get3A_34 = tpu.vector_load %arg5[%get3A, %get3A_33] {strides = array<i32>} : memref<125x80xi32, #tpu.memory_space<vmem>>, vector<16xi32>,
      tpu.vector_store_idx %arg4[%get3A_34], %broadcast_in_dim3A_23 {add = true} : memref<10000xf32, #tpu.memory_space<vmem>>[vector<16xi32>], vector<16xf32>,
      %get3A_35 = arith.index_cast %scan3A_31 : i32 to index
      %get3A_36 = arith.constant 16 : index
      %get3A_37 = tpu.vector_load %arg5[%get3A_35, %get3A_36] {strides = array<i32>} : memref<125x80xi32, #tpu.memory_space<vmem>>, vector<16xi32>,
      tpu.vector_store_idx %arg4[%get3A_37], %broadcast_in_dim3A_23 {add = true} : memref<10000xf32, #tpu.memory_space<vmem>>[vector<16xi32>], vector<16xf32>,
      %get3A_38 = arith.index_cast %scan3A_31 : i32 to index
      %get3A_39 = arith.constant 32 : index
      %get3A_40 = tpu.vector_load %arg5[%get3A_38, %get3A_39] {strides = array<i32>} : memref<125x80xi32, #tpu.memory_space<vmem>>, vector<16xi32>,
      tpu.vector_store_idx %arg4[%get3A_40], %broadcast_in_dim3A_23 {add = true} : memref<10000xf32, #tpu.memory_space<vmem>>[vector<16xi32>], vector<16xf32>,
      %get3A_41 = arith.index_cast %scan3A_31 : i32 to index
      %get3A_42 = arith.constant 48 : index
      %get3A_43 = tpu.vector_load %arg5[%get3A_41, %get3A_42] {strides = array<i32>} : memref<125x80xi32, #tpu.memory_space<vmem>>, vector<16xi32>,
      tpu.vector_store_idx %arg4[%get3A_43], %broadcast_in_dim3A_23 {add = true} : memref<10000xf32, #tpu.memory_space<vmem>>[vector<16xi32>], vector<16xf32>,
      %get3A_44 = arith.index_cast %scan3A_31 : i32 to index
      %get3A_45 = arith.constant 64 : index
      %get3A_46 = tpu.vector_load %arg5[%get3A_44, %get3A_45] {strides = array<i32>} : memref<125x80xi32, #tpu.memory_space<vmem>>, vector<16xi32>,
      tpu.vector_store_idx %arg4[%get3A_46], %broadcast_in_dim3A_23 {add = true} : memref<10000xf32, #tpu.memory_space<vmem>>[vector<16xi32>], vector<16xf32>,
      %scan3A_47 = arith.constant 0 : i32
      scf.yield %scan3A_47 : i32
    }
    %scan3A_30 = arith.constant 125 : i32
    "tpu.region"() ({
      %run_scoped3A = tpu.sem_alloc : memref<!tpu.dma_semaphore, #tpu.memory_space<semaphore_mem>>
      %dma_start3A_31 = arith.constant 0 : i32
      %dma_start3A_32 = tpu.memref_slice %arg3[%add3A, %dma_start3A_31] : memref<32x10000xf32, #tpu.memory_space<hbm>> -> memref<1x10000xf32, #tpu.memory_space<hbm>>
      %dma_start3A_33 = tpu.memref_squeeze %dma_start3A_32 : memref<1x10000xf32, #tpu.memory_space<hbm>> -> memref<10000xf32, #tpu.memory_space<hbm>>
      %dma_start3A_34 = arith.constant 0 : i32
      %dma_start3A_35 = tpu.memref_slice %arg3[%add3A, %dma_start3A_34] : memref<32x10000xf32, #tpu.memory_space<hbm>> -> memref<1x10000xf32, #tpu.memory_space<hbm>>
      %dma_start3A_36 = tpu.memref_squeeze %dma_start3A_35 : memref<1x10000xf32, #tpu.memory_space<hbm>> -> memref<10000xf32, #tpu.memory_space<hbm>>
      tpu.enqueue_dma source(%arg4 : memref<10000xf32, #tpu.memory_space<vmem>>) target(%dma_start3A_36 : memref<10000xf32, #tpu.memory_space<hbm>>) target_semaphore(%run_scoped3A : memref<!tpu.dma_semaphore, #tpu.memory_space<semaphore_mem>>)
      %dma_wait3A_37 = arith.constant 0 : i32
      %dma_wait3A_38 = tpu.memref_slice %arg3[%add3A, %dma_wait3A_37] : memref<32x10000xf32, #tpu.memory_space<hbm>> -> memref<1x10000xf32, #tpu.memory_space<hbm>>
      %dma_wait3A_39 = tpu.memref_squeeze %dma_wait3A_38 : memref<1x10000xf32, #tpu.memory_space<hbm>> -> memref<10000xf32, #tpu.memory_space<hbm>>
      %dma_wait3A_40 = arith.constant 0 : i32
      %dma_wait3A_41 = tpu.memref_slice %arg3[%add3A, %dma_wait3A_40] : memref<32x10000xf32, #tpu.memory_space<hbm>> -> memref<1x10000xf32, #tpu.memory_space<hbm>>
      %dma_wait3A_42 = tpu.memref_squeeze %dma_wait3A_41 : memref<1x10000xf32, #tpu.memory_space<hbm>> -> memref<10000xf32, #tpu.memory_space<hbm>>
      tpu.wait_dma2 semaphore(%run_scoped3A : memref<!tpu.dma_semaphore, #tpu.memory_space<semaphore_mem>>) src(%arg4 : memref<10000xf32, #tpu.memory_space<vmem>>) dst(%dma_wait3A_42 : memref<10000xf32, #tpu.memory_space<hbm>>)
      tpu.yield
    }) : () -> ()
    return
  }
}

#map = affine_map<(d0, d1) -> (0, 0)>
#map1 = affine_map<(d0, d1) -> (0, 0, 0)>
module attributes {stable_mosaic.version = 14 : i64} {
  func.func @_sc_agg_kernel(%arg0: i32, %arg1: i32, %arg2: memref<10000x16xf32, #tpu.memory_space<hbm>>, %arg3: memref<32x125x80xi32, #tpu.memory_space<hbm>>, %arg4: memref<32x125x80xi32, #tpu.memory_space<hbm>>, %arg5: memref<2x10000x16xf32, #tpu.memory_space<hbm>>, %arg6: memref<10000x16xf32, #tpu.memory_space<vmem_shared>>, %arg7: memref<125x80xi32, #tpu.memory_space<vmem>>, %arg8: memref<125x80xi32, #tpu.memory_space<vmem>>, %arg9: memref<5x80x16xf32, #tpu.memory_space<vmem>>, %arg10: memref<5x80x16xf32, #tpu.memory_space<vmem>>, %arg11: memref<625x16xf32, #tpu.memory_space<vmem>>, %arg12: memref<!tpu.dma_semaphore, #tpu.memory_space<semaphore_mem>>, %arg13: memref<!tpu.dma_semaphore, #tpu.memory_space<semaphore_mem>>, %arg14: memref<!tpu.dma_semaphore, #tpu.memory_space<semaphore_mem>>, %arg15: memref<!tpu.dma_semaphore, #tpu.memory_space<semaphore_mem>>, %arg16: memref<!tpu.dma_semaphore, #tpu.memory_space<semaphore_mem>>) attributes {dimension_semantics = [#tpu.dimension_semantics<core_parallel>, #tpu.dimension_semantics<subcore_parallel>], iteration_bounds = array<i64: 2, 16>, scalar_prefetch = 0 : i64, scratch_operands = 11 : i64, tpu.core_type = #tpu.core_type<sc_vector_subcore>, window_params = [{transform_indices = #map}, {transform_indices = #map1}, {transform_indices = #map1}, {transform_indices = #map1}]} {
    %mul3A = arith.constant 16 : i32
    %mul3A_0 = arith.muli %arg0, %mul3A : i32
    %add3A = arith.addi %mul3A_0, %arg1 : i32
    %dma_start3A = arith.constant 0 : i32
    %dma_start3A_1 = arith.constant 0 : i32
    %dma_start3A_2 = tpu.memref_slice %arg3[%add3A, %dma_start3A, %dma_start3A_1] : memref<32x125x80xi32, #tpu.memory_space<hbm>> -> memref<1x125x80xi32, #tpu.memory_space<hbm>>
    %dma_start3A_3 = tpu.memref_squeeze %dma_start3A_2 : memref<1x125x80xi32, #tpu.memory_space<hbm>> -> memref<125x80xi32, #tpu.memory_space<hbm>>
    %dma_start3A_4 = arith.constant 0 : i32
    %dma_start3A_5 = arith.constant 0 : i32
    %dma_start3A_6 = tpu.memref_slice %arg3[%add3A, %dma_start3A_4, %dma_start3A_5] : memref<32x125x80xi32, #tpu.memory_space<hbm>> -> memref<1x125x80xi32, #tpu.memory_space<hbm>>
    %dma_start3A_7 = tpu.memref_squeeze %dma_start3A_6 : memref<1x125x80xi32, #tpu.memory_space<hbm>> -> memref<125x80xi32, #tpu.memory_space<hbm>>
    tpu.enqueue_dma source(%dma_start3A_7 : memref<125x80xi32, #tpu.memory_space<hbm>>) target(%arg7 : memref<125x80xi32, #tpu.memory_space<vmem>>) target_semaphore(%arg16 : memref<!tpu.dma_semaphore, #tpu.memory_space<semaphore_mem>>)
    %dma_start3A_8 = arith.constant 0 : i32
    %dma_start3A_9 = arith.constant 0 : i32
    %dma_start3A_10 = tpu.memref_slice %arg4[%add3A, %dma_start3A_8, %dma_start3A_9] : memref<32x125x80xi32, #tpu.memory_space<hbm>> -> memref<1x125x80xi32, #tpu.memory_space<hbm>>
    %dma_start3A_11 = tpu.memref_squeeze %dma_start3A_10 : memref<1x125x80xi32, #tpu.memory_space<hbm>> -> memref<125x80xi32, #tpu.memory_space<hbm>>
    %dma_start3A_12 = arith.constant 0 : i32
    %dma_start3A_13 = arith.constant 0 : i32
    %dma_start3A_14 = tpu.memref_slice %arg4[%add3A, %dma_start3A_12, %dma_start3A_13] : memref<32x125x80xi32, #tpu.memory_space<hbm>> -> memref<1x125x80xi32, #tpu.memory_space<hbm>>
    %dma_start3A_15 = tpu.memref_squeeze %dma_start3A_14 : memref<1x125x80xi32, #tpu.memory_space<hbm>> -> memref<125x80xi32, #tpu.memory_space<hbm>>
    tpu.enqueue_dma source(%dma_start3A_15 : memref<125x80xi32, #tpu.memory_space<hbm>>) target(%arg8 : memref<125x80xi32, #tpu.memory_space<vmem>>) target_semaphore(%arg16 : memref<!tpu.dma_semaphore, #tpu.memory_space<semaphore_mem>>)
    %broadcast_in_dim3A = arith.constant 0.000000e+00 : f32
    %broadcast_in_dim3A_16 = vector.broadcast %broadcast_in_dim3A : f32 to vector<16xf32>
    %scan3A = arith.constant 0 : i32
    %scan3A_17 = arith.constant 0 : i32
    %scan3A_18 = arith.constant 625 : i32
    %scan3A_19 = arith.addi %scan3A_17, %scan3A_18 : i32
    %scan3A_20 = arith.constant 1 : i32
    %scan3A_21 = scf.for %scan3A_397 = %scan3A_17 to %scan3A_19 step %scan3A_20 iter_args(%scan3A_398 = %scan3A) -> (i32)  : i32 {
      %swap3A = arith.index_cast %scan3A_397 : i32 to index
      %swap3A_399 = arith.constant 0 : index
      %swap3A_400 = tpu.vector_load %arg11[%swap3A, %swap3A_399] {strides = array<i32>} : memref<625x16xf32, #tpu.memory_space<vmem>>, vector<16xf32>,
      tpu.vector_store %arg11[%swap3A, %swap3A_399], %broadcast_in_dim3A_16 {strides = array<i32>} : memref<625x16xf32, #tpu.memory_space<vmem>>, vector<16xf32>,
      %scan3A_401 = arith.constant 0 : i32
      scf.yield %scan3A_401 : i32
    }
    %scan3A_22 = arith.constant 625 : i32
    %mul3A_23 = arith.constant 625 : i32
    %mul3A_24 = arith.muli %mul3A_23, %arg1 : i32
    "tpu.region"() ({
      %run_scoped3A = tpu.sem_alloc : memref<!tpu.dma_semaphore, #tpu.memory_space<semaphore_mem>>
      %dma_start3A_397 = arith.constant 0 : i32
      %dma_start3A_398 = tpu.memref_slice %arg6[%mul3A_24, %dma_start3A_397] : memref<10000x16xf32, #tpu.memory_space<vmem_shared>> -> memref<625x16xf32, #tpu.memory_space<vmem_shared>>
      %dma_start3A_399 = arith.constant 0 : i32
      %dma_start3A_400 = tpu.memref_slice %arg6[%mul3A_24, %dma_start3A_399] : memref<10000x16xf32, #tpu.memory_space<vmem_shared>> -> memref<625x16xf32, #tpu.memory_space<vmem_shared>>
      tpu.enqueue_dma source(%arg11 : memref<625x16xf32, #tpu.memory_space<vmem>>) target(%dma_start3A_400 : memref<625x16xf32, #tpu.memory_space<vmem_shared>>) target_semaphore(%run_scoped3A : memref<!tpu.dma_semaphore, #tpu.memory_space<semaphore_mem>>)
      %dma_wait3A_401 = arith.constant 0 : i32
      %dma_wait3A_402 = tpu.memref_slice %arg6[%mul3A_24, %dma_wait3A_401] : memref<10000x16xf32, #tpu.memory_space<vmem_shared>> -> memref<625x16xf32, #tpu.memory_space<vmem_shared>>
      %dma_wait3A_403 = arith.constant 0 : i32
      %dma_wait3A_404 = tpu.memref_slice %arg6[%mul3A_24, %dma_wait3A_403] : memref<10000x16xf32, #tpu.memory_space<vmem_shared>> -> memref<625x16xf32, #tpu.memory_space<vmem_shared>>
      tpu.wait_dma2 semaphore(%run_scoped3A : memref<!tpu.dma_semaphore, #tpu.memory_space<semaphore_mem>>) src(%arg11 : memref<625x16xf32, #tpu.memory_space<vmem>>) dst(%dma_wait3A_404 : memref<625x16xf32, #tpu.memory_space<vmem_shared>>)
      tpu.yield
    }) : () -> ()
    %dma_wait3A = arith.constant 0 : i32
    %dma_wait3A_25 = arith.constant 0 : i32
    %dma_wait3A_26 = tpu.memref_slice %arg3[%add3A, %dma_wait3A, %dma_wait3A_25] : memref<32x125x80xi32, #tpu.memory_space<hbm>> -> memref<1x125x80xi32, #tpu.memory_space<hbm>>
    %dma_wait3A_27 = tpu.memref_squeeze %dma_wait3A_26 : memref<1x125x80xi32, #tpu.memory_space<hbm>> -> memref<125x80xi32, #tpu.memory_space<hbm>>
    %dma_wait3A_28 = arith.constant 0 : i32
    %dma_wait3A_29 = arith.constant 0 : i32
    %dma_wait3A_30 = tpu.memref_slice %arg3[%add3A, %dma_wait3A_28, %dma_wait3A_29] : memref<32x125x80xi32, #tpu.memory_space<hbm>> -> memref<1x125x80xi32, #tpu.memory_space<hbm>>
    %dma_wait3A_31 = tpu.memref_squeeze %dma_wait3A_30 : memref<1x125x80xi32, #tpu.memory_space<hbm>> -> memref<125x80xi32, #tpu.memory_space<hbm>>
    tpu.wait_dma2 semaphore(%arg16 : memref<!tpu.dma_semaphore, #tpu.memory_space<semaphore_mem>>) src(%dma_wait3A_31 : memref<125x80xi32, #tpu.memory_space<hbm>>) dst(%arg7 : memref<125x80xi32, #tpu.memory_space<vmem>>)
    %dma_wait3A_32 = arith.constant 0 : i32
    %dma_wait3A_33 = arith.constant 0 : i32
    %dma_wait3A_34 = tpu.memref_slice %arg4[%add3A, %dma_wait3A_32, %dma_wait3A_33] : memref<32x125x80xi32, #tpu.memory_space<hbm>> -> memref<1x125x80xi32, #tpu.memory_space<hbm>>
    %dma_wait3A_35 = tpu.memref_squeeze %dma_wait3A_34 : memref<1x125x80xi32, #tpu.memory_space<hbm>> -> memref<125x80xi32, #tpu.memory_space<hbm>>
    %dma_wait3A_36 = arith.constant 0 : i32
    %dma_wait3A_37 = arith.constant 0 : i32
    %dma_wait3A_38 = tpu.memref_slice %arg4[%add3A, %dma_wait3A_36, %dma_wait3A_37] : memref<32x125x80xi32, #tpu.memory_space<hbm>> -> memref<1x125x80xi32, #tpu.memory_space<hbm>>
    %dma_wait3A_39 = tpu.memref_squeeze %dma_wait3A_38 : memref<1x125x80xi32, #tpu.memory_space<hbm>> -> memref<125x80xi32, #tpu.memory_space<hbm>>
    tpu.wait_dma2 semaphore(%arg16 : memref<!tpu.dma_semaphore, #tpu.memory_space<semaphore_mem>>) src(%dma_wait3A_39 : memref<125x80xi32, #tpu.memory_space<hbm>>) dst(%arg8 : memref<125x80xi32, #tpu.memory_space<vmem>>)
    %barrier3A = arith.constant 0 : index
    tpu.barrier barrier_id(%barrier3A)
    %dma_start3A_40 = arith.constant 0 : i32
    %dma_start3A_41 = arith.constant 0 : i32
    %dma_start3A_42 = arith.constant 0 : i32
    %dma_start3A_43 = arith.constant 0 : i32
    %dma_start3A_44 = tpu.memref_slice %arg9[%dma_start3A_41, %dma_start3A_42, %dma_start3A_43] : memref<5x80x16xf32, #tpu.memory_space<vmem>> -> memref<1x80x16xf32, #tpu.memory_space<vmem>>
    %dma_start3A_45 = tpu.memref_squeeze %dma_start3A_44 : memref<1x80x16xf32, #tpu.memory_space<vmem>> -> memref<80x16xf32, #tpu.memory_space<vmem>>
    %dma_start3A_46 = arith.constant 0 : i32
    %dma_start3A_47 = tpu.memref_slice %arg7[%dma_start3A_40, %dma_start3A_46] : memref<125x80xi32, #tpu.memory_space<vmem>> -> memref<1x80xi32, #tpu.memory_space<vmem>>
    %dma_start3A_48 = tpu.memref_squeeze %dma_start3A_47 : memref<1x80xi32, #tpu.memory_space<vmem>> -> memref<80xi32, #tpu.memory_space<vmem>>
    %dma_start3A_49 = arith.constant 0 : i32
    %dma_start3A_50 = arith.constant 0 : i32
    %dma_start3A_51 = tpu.memref_slice %arg2[%dma_start3A_49, %dma_start3A_50] : memref<10000x16xf32, #tpu.memory_space<hbm>> -> memref<10000x16xf32, #tpu.memory_space<hbm>>
    tpu.enqueue_indirect_dma source(%dma_start3A_51 : memref<10000x16xf32, #tpu.memory_space<hbm>>) target(%dma_start3A_45 : memref<80x16xf32, #tpu.memory_space<vmem>>) offsets(%dma_start3A_48 : memref<80xi32, #tpu.memory_space<vmem>>) semaphore(%arg12 : memref<!tpu.dma_semaphore, #tpu.memory_space<semaphore_mem>>)
    %dma_start3A_52 = arith.constant 1 : i32
    %dma_start3A_53 = arith.constant 1 : i32
    %dma_start3A_54 = arith.constant 0 : i32
    %dma_start3A_55 = arith.constant 0 : i32
    %dma_start3A_56 = tpu.memref_slice %arg9[%dma_start3A_53, %dma_start3A_54, %dma_start3A_55] : memref<5x80x16xf32, #tpu.memory_space<vmem>> -> memref<1x80x16xf32, #tpu.memory_space<vmem>>
    %dma_start3A_57 = tpu.memref_squeeze %dma_start3A_56 : memref<1x80x16xf32, #tpu.memory_space<vmem>> -> memref<80x16xf32, #tpu.memory_space<vmem>>
    %dma_start3A_58 = arith.constant 0 : i32
    %dma_start3A_59 = tpu.memref_slice %arg7[%dma_start3A_52, %dma_start3A_58] : memref<125x80xi32, #tpu.memory_space<vmem>> -> memref<1x80xi32, #tpu.memory_space<vmem>>
    %dma_start3A_60 = tpu.memref_squeeze %dma_start3A_59 : memref<1x80xi32, #tpu.memory_space<vmem>> -> memref<80xi32, #tpu.memory_space<vmem>>
    %dma_start3A_61 = arith.constant 0 : i32
    %dma_start3A_62 = arith.constant 0 : i32
    %dma_start3A_63 = tpu.memref_slice %arg2[%dma_start3A_61, %dma_start3A_62] : memref<10000x16xf32, #tpu.memory_space<hbm>> -> memref<10000x16xf32, #tpu.memory_space<hbm>>
    tpu.enqueue_indirect_dma source(%dma_start3A_63 : memref<10000x16xf32, #tpu.memory_space<hbm>>) target(%dma_start3A_57 : memref<80x16xf32, #tpu.memory_space<vmem>>) offsets(%dma_start3A_60 : memref<80xi32, #tpu.memory_space<vmem>>) semaphore(%arg12 : memref<!tpu.dma_semaphore, #tpu.memory_space<semaphore_mem>>)
    %dma_start3A_64 = arith.constant 2 : i32
    %dma_start3A_65 = arith.constant 2 : i32
    %dma_start3A_66 = arith.constant 0 : i32
    %dma_start3A_67 = arith.constant 0 : i32
    %dma_start3A_68 = tpu.memref_slice %arg9[%dma_start3A_65, %dma_start3A_66, %dma_start3A_67] : memref<5x80x16xf32, #tpu.memory_space<vmem>> -> memref<1x80x16xf32, #tpu.memory_space<vmem>>
    %dma_start3A_69 = tpu.memref_squeeze %dma_start3A_68 : memref<1x80x16xf32, #tpu.memory_space<vmem>> -> memref<80x16xf32, #tpu.memory_space<vmem>>
    %dma_start3A_70 = arith.constant 0 : i32
    %dma_start3A_71 = tpu.memref_slice %arg7[%dma_start3A_64, %dma_start3A_70] : memref<125x80xi32, #tpu.memory_space<vmem>> -> memref<1x80xi32, #tpu.memory_space<vmem>>
    %dma_start3A_72 = tpu.memref_squeeze %dma_start3A_71 : memref<1x80xi32, #tpu.memory_space<vmem>> -> memref<80xi32, #tpu.memory_space<vmem>>
    %dma_start3A_73 = arith.constant 0 : i32
    %dma_start3A_74 = arith.constant 0 : i32
    %dma_start3A_75 = tpu.memref_slice %arg2[%dma_start3A_73, %dma_start3A_74] : memref<10000x16xf32, #tpu.memory_space<hbm>> -> memref<10000x16xf32, #tpu.memory_space<hbm>>
    tpu.enqueue_indirect_dma source(%dma_start3A_75 : memref<10000x16xf32, #tpu.memory_space<hbm>>) target(%dma_start3A_69 : memref<80x16xf32, #tpu.memory_space<vmem>>) offsets(%dma_start3A_72 : memref<80xi32, #tpu.memory_space<vmem>>) semaphore(%arg12 : memref<!tpu.dma_semaphore, #tpu.memory_space<semaphore_mem>>)
    %dma_start3A_76 = arith.constant 3 : i32
    %dma_start3A_77 = arith.constant 3 : i32
    %dma_start3A_78 = arith.constant 0 : i32
    %dma_start3A_79 = arith.constant 0 : i32
    %dma_start3A_80 = tpu.memref_slice %arg9[%dma_start3A_77, %dma_start3A_78, %dma_start3A_79] : memref<5x80x16xf32, #tpu.memory_space<vmem>> -> memref<1x80x16xf32, #tpu.memory_space<vmem>>
    %dma_start3A_81 = tpu.memref_squeeze %dma_start3A_80 : memref<1x80x16xf32, #tpu.memory_space<vmem>> -> memref<80x16xf32, #tpu.memory_space<vmem>>
    %dma_start3A_82 = arith.constant 0 : i32
    %dma_start3A_83 = tpu.memref_slice %arg7[%dma_start3A_76, %dma_start3A_82] : memref<125x80xi32, #tpu.memory_space<vmem>> -> memref<1x80xi32, #tpu.memory_space<vmem>>
    %dma_start3A_84 = tpu.memref_squeeze %dma_start3A_83 : memref<1x80xi32, #tpu.memory_space<vmem>> -> memref<80xi32, #tpu.memory_space<vmem>>
    %dma_start3A_85 = arith.constant 0 : i32
    %dma_start3A_86 = arith.constant 0 : i32
    %dma_start3A_87 = tpu.memref_slice %arg2[%dma_start3A_85, %dma_start3A_86] : memref<10000x16xf32, #tpu.memory_space<hbm>> -> memref<10000x16xf32, #tpu.memory_space<hbm>>
    tpu.enqueue_indirect_dma source(%dma_start3A_87 : memref<10000x16xf32, #tpu.memory_space<hbm>>) target(%dma_start3A_81 : memref<80x16xf32, #tpu.memory_space<vmem>>) offsets(%dma_start3A_84 : memref<80xi32, #tpu.memory_space<vmem>>) semaphore(%arg12 : memref<!tpu.dma_semaphore, #tpu.memory_space<semaphore_mem>>)
    %dma_start3A_88 = arith.constant 4 : i32
    %dma_start3A_89 = arith.constant 4 : i32
    %dma_start3A_90 = arith.constant 0 : i32
    %dma_start3A_91 = arith.constant 0 : i32
    %dma_start3A_92 = tpu.memref_slice %arg9[%dma_start3A_89, %dma_start3A_90, %dma_start3A_91] : memref<5x80x16xf32, #tpu.memory_space<vmem>> -> memref<1x80x16xf32, #tpu.memory_space<vmem>>
    %dma_start3A_93 = tpu.memref_squeeze %dma_start3A_92 : memref<1x80x16xf32, #tpu.memory_space<vmem>> -> memref<80x16xf32, #tpu.memory_space<vmem>>
    %dma_start3A_94 = arith.constant 0 : i32
    %dma_start3A_95 = tpu.memref_slice %arg7[%dma_start3A_88, %dma_start3A_94] : memref<125x80xi32, #tpu.memory_space<vmem>> -> memref<1x80xi32, #tpu.memory_space<vmem>>
    %dma_start3A_96 = tpu.memref_squeeze %dma_start3A_95 : memref<1x80xi32, #tpu.memory_space<vmem>> -> memref<80xi32, #tpu.memory_space<vmem>>
    %dma_start3A_97 = arith.constant 0 : i32
    %dma_start3A_98 = arith.constant 0 : i32
    %dma_start3A_99 = tpu.memref_slice %arg2[%dma_start3A_97, %dma_start3A_98] : memref<10000x16xf32, #tpu.memory_space<hbm>> -> memref<10000x16xf32, #tpu.memory_space<hbm>>
    tpu.enqueue_indirect_dma source(%dma_start3A_99 : memref<10000x16xf32, #tpu.memory_space<hbm>>) target(%dma_start3A_93 : memref<80x16xf32, #tpu.memory_space<vmem>>) offsets(%dma_start3A_96 : memref<80xi32, #tpu.memory_space<vmem>>) semaphore(%arg12 : memref<!tpu.dma_semaphore, #tpu.memory_space<semaphore_mem>>)
    %scan3A_100 = arith.constant 0 : i32
    %scan3A_101 = arith.constant 0 : i32
    %scan3A_102 = arith.constant 12 : i32
    %scan3A_103 = arith.addi %scan3A_101, %scan3A_102 : i32
    %scan3A_104 = arith.constant 1 : i32
    %scan3A_105 = scf.for %scan3A_397 = %scan3A_101 to %scan3A_103 step %scan3A_104 iter_args(%scan3A_398 = %scan3A_100) -> (i32)  : i32 {
      %dma_wait3A_399 = arith.constant 0 : i32
      %dma_wait3A_400 = arith.constant 0 : i32
      %dma_wait3A_401 = arith.constant 0 : i32
      %dma_wait3A_402 = tpu.memref_slice %arg9[%dma_wait3A_399, %dma_wait3A_400, %dma_wait3A_401] : memref<5x80x16xf32, #tpu.memory_space<vmem>> -> memref<1x80x16xf32, #tpu.memory_space<vmem>>
      %dma_wait3A_403 = tpu.memref_squeeze %dma_wait3A_402 : memref<1x80x16xf32, #tpu.memory_space<vmem>> -> memref<80x16xf32, #tpu.memory_space<vmem>>
      %dma_wait3A_404 = arith.constant 0 : i32
      %dma_wait3A_405 = arith.constant 0 : i32
      %dma_wait3A_406 = tpu.memref_slice %arg2[%dma_wait3A_404, %dma_wait3A_405] : memref<10000x16xf32, #tpu.memory_space<hbm>> -> memref<80x16xf32, #tpu.memory_space<hbm>>
      %dma_wait3A_407 = arith.constant 0 : i32
      %dma_wait3A_408 = arith.constant 0 : i32
      %dma_wait3A_409 = tpu.memref_slice %arg9[%dma_wait3A_399, %dma_wait3A_407, %dma_wait3A_408] : memref<5x80x16xf32, #tpu.memory_space<vmem>> -> memref<1x80x16xf32, #tpu.memory_space<vmem>>
      %dma_wait3A_410 = tpu.memref_squeeze %dma_wait3A_409 : memref<1x80x16xf32, #tpu.memory_space<vmem>> -> memref<80x16xf32, #tpu.memory_space<vmem>>
      %dma_wait3A_411 = arith.constant 0 : i32
      %dma_wait3A_412 = arith.constant 0 : i32
      %dma_wait3A_413 = tpu.memref_slice %arg2[%dma_wait3A_411, %dma_wait3A_412] : memref<10000x16xf32, #tpu.memory_space<hbm>> -> memref<80x16xf32, #tpu.memory_space<hbm>>
      tpu.wait_dma2 semaphore(%arg12 : memref<!tpu.dma_semaphore, #tpu.memory_space<semaphore_mem>>) src(%dma_wait3A_413 : memref<80x16xf32, #tpu.memory_space<hbm>>) dst(%dma_wait3A_410 : memref<80x16xf32, #tpu.memory_space<vmem>>)
      %dma_wait3A_414 = arith.constant 0 : i32
      %dma_wait3A_415 = arith.constant 0 : i32
      %dma_wait3A_416 = arith.constant 0 : i32
      %dma_wait3A_417 = tpu.memref_slice %arg9[%dma_wait3A_414, %dma_wait3A_415, %dma_wait3A_416] : memref<5x80x16xf32, #tpu.memory_space<vmem>> -> memref<1x80x16xf32, #tpu.memory_space<vmem>>
      %dma_wait3A_418 = tpu.memref_squeeze %dma_wait3A_417 : memref<1x80x16xf32, #tpu.memory_space<vmem>> -> memref<80x16xf32, #tpu.memory_space<vmem>>
      %dma_wait3A_419 = arith.constant 0 : i32
      %dma_wait3A_420 = arith.constant 0 : i32
      %dma_wait3A_421 = tpu.memref_slice %arg2[%dma_wait3A_419, %dma_wait3A_420] : memref<10000x16xf32, #tpu.memory_space<hbm>> -> memref<80x16xf32, #tpu.memory_space<hbm>>
      %dma_wait3A_422 = arith.constant 0 : i32
      %dma_wait3A_423 = arith.constant 0 : i32
      %dma_wait3A_424 = tpu.memref_slice %arg9[%dma_wait3A_414, %dma_wait3A_422, %dma_wait3A_423] : memref<5x80x16xf32, #tpu.memory_space<vmem>> -> memref<1x80x16xf32, #tpu.memory_space<vmem>>
      %dma_wait3A_425 = tpu.memref_squeeze %dma_wait3A_424 : memref<1x80x16xf32, #tpu.memory_space<vmem>> -> memref<80x16xf32, #tpu.memory_space<vmem>>
      %dma_wait3A_426 = arith.constant 0 : i32
      %dma_wait3A_427 = arith.constant 0 : i32
      %dma_wait3A_428 = tpu.memref_slice %arg2[%dma_wait3A_426, %dma_wait3A_427] : memref<10000x16xf32, #tpu.memory_space<hbm>> -> memref<80x16xf32, #tpu.memory_space<hbm>>
      tpu.wait_dma2 semaphore(%arg12 : memref<!tpu.dma_semaphore, #tpu.memory_space<semaphore_mem>>) src(%dma_wait3A_428 : memref<80x16xf32, #tpu.memory_space<hbm>>) dst(%dma_wait3A_425 : memref<80x16xf32, #tpu.memory_space<vmem>>)
      %dma_wait3A_429 = arith.constant 0 : i32
      %dma_wait3A_430 = arith.constant 0 : i32
      %dma_wait3A_431 = arith.constant 0 : i32
      %dma_wait3A_432 = tpu.memref_slice %arg9[%dma_wait3A_429, %dma_wait3A_430, %dma_wait3A_431] : memref<5x80x16xf32, #tpu.memory_space<vmem>> -> memref<1x80x16xf32, #tpu.memory_space<vmem>>
      %dma_wait3A_433 = tpu.memref_squeeze %dma_wait3A_432 : memref<1x80x16xf32, #tpu.memory_space<vmem>> -> memref<80x16xf32, #tpu.memory_space<vmem>>
      %dma_wait3A_434 = arith.constant 0 : i32
      %dma_wait3A_435 = arith.constant 0 : i32
      %dma_wait3A_436 = tpu.memref_slice %arg2[%dma_wait3A_434, %dma_wait3A_435] : memref<10000x16xf32, #tpu.memory_space<hbm>> -> memref<80x16xf32, #tpu.memory_space<hbm>>
      %dma_wait3A_437 = arith.constant 0 : i32
      %dma_wait3A_438 = arith.constant 0 : i32
      %dma_wait3A_439 = tpu.memref_slice %arg9[%dma_wait3A_429, %dma_wait3A_437, %dma_wait3A_438] : memref<5x80x16xf32, #tpu.memory_space<vmem>> -> memref<1x80x16xf32, #tpu.memory_space<vmem>>
      %dma_wait3A_440 = tpu.memref_squeeze %dma_wait3A_439 : memref<1x80x16xf32, #tpu.memory_space<vmem>> -> memref<80x16xf32, #tpu.memory_space<vmem>>
      %dma_wait3A_441 = arith.constant 0 : i32
      %dma_wait3A_442 = arith.constant 0 : i32
      %dma_wait3A_443 = tpu.memref_slice %arg2[%dma_wait3A_441, %dma_wait3A_442] : memref<10000x16xf32, #tpu.memory_space<hbm>> -> memref<80x16xf32, #tpu.memory_space<hbm>>
      tpu.wait_dma2 semaphore(%arg12 : memref<!tpu.dma_semaphore, #tpu.memory_space<semaphore_mem>>) src(%dma_wait3A_443 : memref<80x16xf32, #tpu.memory_space<hbm>>) dst(%dma_wait3A_440 : memref<80x16xf32, #tpu.memory_space<vmem>>)
      %dma_wait3A_444 = arith.constant 0 : i32
      %dma_wait3A_445 = arith.constant 0 : i32
      %dma_wait3A_446 = arith.constant 0 : i32
      %dma_wait3A_447 = tpu.memref_slice %arg9[%dma_wait3A_444, %dma_wait3A_445, %dma_wait3A_446] : memref<5x80x16xf32, #tpu.memory_space<vmem>> -> memref<1x80x16xf32, #tpu.memory_space<vmem>>
      %dma_wait3A_448 = tpu.memref_squeeze %dma_wait3A_447 : memref<1x80x16xf32, #tpu.memory_space<vmem>> -> memref<80x16xf32, #tpu.memory_space<vmem>>
      %dma_wait3A_449 = arith.constant 0 : i32
      %dma_wait3A_450 = arith.constant 0 : i32
      %dma_wait3A_451 = tpu.memref_slice %arg2[%dma_wait3A_449, %dma_wait3A_450] : memref<10000x16xf32, #tpu.memory_space<hbm>> -> memref<80x16xf32, #tpu.memory_space<hbm>>
      %dma_wait3A_452 = arith.constant 0 : i32
      %dma_wait3A_453 = arith.constant 0 : i32
      %dma_wait3A_454 = tpu.memref_slice %arg9[%dma_wait3A_444, %dma_wait3A_452, %dma_wait3A_453] : memref<5x80x16xf32, #tpu.memory_space<vmem>> -> memref<1x80x16xf32, #tpu.memory_space<vmem>>
      %dma_wait3A_455 = tpu.memref_squeeze %dma_wait3A_454 : memref<1x80x16xf32, #tpu.memory_space<vmem>> -> memref<80x16xf32, #tpu.memory_space<vmem>>
      %dma_wait3A_456 = arith.constant 0 : i32
      %dma_wait3A_457 = arith.constant 0 : i32
      %dma_wait3A_458 = tpu.memref_slice %arg2[%dma_wait3A_456, %dma_wait3A_457] : memref<10000x16xf32, #tpu.memory_space<hbm>> -> memref<80x16xf32, #tpu.memory_space<hbm>>
      tpu.wait_dma2 semaphore(%arg12 : memref<!tpu.dma_semaphore, #tpu.memory_space<semaphore_mem>>) src(%dma_wait3A_458 : memref<80x16xf32, #tpu.memory_space<hbm>>) dst(%dma_wait3A_455 : memref<80x16xf32, #tpu.memory_space<vmem>>)
      %dma_wait3A_459 = arith.constant 0 : i32
      %dma_wait3A_460 = arith.constant 0 : i32
      %dma_wait3A_461 = arith.constant 0 : i32
      %dma_wait3A_462 = tpu.memref_slice %arg9[%dma_wait3A_459, %dma_wait3A_460, %dma_wait3A_461] : memref<5x80x16xf32, #tpu.memory_space<vmem>> -> memref<1x80x16xf32, #tpu.memory_space<vmem>>
      %dma_wait3A_463 = tpu.memref_squeeze %dma_wait3A_462 : memref<1x80x16xf32, #tpu.memory_space<vmem>> -> memref<80x16xf32, #tpu.memory_space<vmem>>
      %dma_wait3A_464 = arith.constant 0 : i32
      %dma_wait3A_465 = arith.constant 0 : i32
      %dma_wait3A_466 = tpu.memref_slice %arg2[%dma_wait3A_464, %dma_wait3A_465] : memref<10000x16xf32, #tpu.memory_space<hbm>> -> memref<80x16xf32, #tpu.memory_space<hbm>>
      %dma_wait3A_467 = arith.constant 0 : i32
      %dma_wait3A_468 = arith.constant 0 : i32
      %dma_wait3A_469 = tpu.memref_slice %arg9[%dma_wait3A_459, %dma_wait3A_467, %dma_wait3A_468] : memref<5x80x16xf32, #tpu.memory_space<vmem>> -> memref<1x80x16xf32, #tpu.memory_space<vmem>>
      %dma_wait3A_470 = tpu.memref_squeeze %dma_wait3A_469 : memref<1x80x16xf32, #tpu.memory_space<vmem>> -> memref<80x16xf32, #tpu.memory_space<vmem>>
      %dma_wait3A_471 = arith.constant 0 : i32
      %dma_wait3A_472 = arith.constant 0 : i32
      %dma_wait3A_473 = tpu.memref_slice %arg2[%dma_wait3A_471, %dma_wait3A_472] : memref<10000x16xf32, #tpu.memory_space<hbm>> -> memref<80x16xf32, #tpu.memory_space<hbm>>
      tpu.wait_dma2 semaphore(%arg12 : memref<!tpu.dma_semaphore, #tpu.memory_space<semaphore_mem>>) src(%dma_wait3A_473 : memref<80x16xf32, #tpu.memory_space<hbm>>) dst(%dma_wait3A_470 : memref<80x16xf32, #tpu.memory_space<vmem>>)
      %mul3A_474 = arith.constant 2 : i32
      %mul3A_475 = arith.muli %mul3A_474, %scan3A_397 : i32
      %mul3A_476 = arith.constant 5 : i32
      %mul3A_477 = arith.muli %mul3A_475, %mul3A_476 : i32
      %add3A_478 = arith.constant 0 : i32
      %add3A_479 = arith.addi %mul3A_477, %add3A_478 : i32
      %dma_start3A_480 = arith.constant 0 : i32
      %dma_start3A_481 = arith.constant 0 : i32
      %dma_start3A_482 = arith.constant 0 : i32
      %dma_start3A_483 = tpu.memref_slice %arg9[%dma_start3A_480, %dma_start3A_481, %dma_start3A_482] : memref<5x80x16xf32, #tpu.memory_space<vmem>> -> memref<1x80x16xf32, #tpu.memory_space<vmem>>
      %dma_start3A_484 = tpu.memref_squeeze %dma_start3A_483 : memref<1x80x16xf32, #tpu.memory_space<vmem>> -> memref<80x16xf32, #tpu.memory_space<vmem>>
      %dma_start3A_485 = arith.constant 0 : i32
      %dma_start3A_486 = tpu.memref_slice %arg8[%add3A_479, %dma_start3A_485] : memref<125x80xi32, #tpu.memory_space<vmem>> -> memref<1x80xi32, #tpu.memory_space<vmem>>
      %dma_start3A_487 = tpu.memref_squeeze %dma_start3A_486 : memref<1x80xi32, #tpu.memory_space<vmem>> -> memref<80xi32, #tpu.memory_space<vmem>>
      %dma_start3A_488 = arith.constant 0 : i32
      %dma_start3A_489 = arith.constant 0 : i32
      %dma_start3A_490 = tpu.memref_slice %arg6[%dma_start3A_488, %dma_start3A_489] : memref<10000x16xf32, #tpu.memory_space<vmem_shared>> -> memref<10000x16xf32, #tpu.memory_space<vmem_shared>>
      tpu.enqueue_indirect_dma source(%dma_start3A_484 : memref<80x16xf32, #tpu.memory_space<vmem>>) target(%dma_start3A_490 : memref<10000x16xf32, #tpu.memory_space<vmem_shared>>) offsets(%dma_start3A_487 : memref<80xi32, #tpu.memory_space<vmem>>) semaphore(%arg14 : memref<!tpu.dma_semaphore, #tpu.memory_space<semaphore_mem>>) {add = true}
      %mul3A_491 = arith.constant 5 : i32
      %mul3A_492 = arith.muli %mul3A_475, %mul3A_491 : i32
      %add3A_493 = arith.constant 1 : i32
      %add3A_494 = arith.addi %mul3A_492, %add3A_493 : i32
      %dma_start3A_495 = arith.constant 1 : i32
      %dma_start3A_496 = arith.constant 0 : i32
      %dma_start3A_497 = arith.constant 0 : i32
      %dma_start3A_498 = tpu.memref_slice %arg9[%dma_start3A_495, %dma_start3A_496, %dma_start3A_497] : memref<5x80x16xf32, #tpu.memory_space<vmem>> -> memref<1x80x16xf32, #tpu.memory_space<vmem>>
      %dma_start3A_499 = tpu.memref_squeeze %dma_start3A_498 : memref<1x80x16xf32, #tpu.memory_space<vmem>> -> memref<80x16xf32, #tpu.memory_space<vmem>>
      %dma_start3A_500 = arith.constant 0 : i32
      %dma_start3A_501 = tpu.memref_slice %arg8[%add3A_494, %dma_start3A_500] : memref<125x80xi32, #tpu.memory_space<vmem>> -> memref<1x80xi32, #tpu.memory_space<vmem>>
      %dma_start3A_502 = tpu.memref_squeeze %dma_start3A_501 : memref<1x80xi32, #tpu.memory_space<vmem>> -> memref<80xi32, #tpu.memory_space<vmem>>
      %dma_start3A_503 = arith.constant 0 : i32
      %dma_start3A_504 = arith.constant 0 : i32
      %dma_start3A_505 = tpu.memref_slice %arg6[%dma_start3A_503, %dma_start3A_504] : memref<10000x16xf32, #tpu.memory_space<vmem_shared>> -> memref<10000x16xf32, #tpu.memory_space<vmem_shared>>
      tpu.enqueue_indirect_dma source(%dma_start3A_499 : memref<80x16xf32, #tpu.memory_space<vmem>>) target(%dma_start3A_505 : memref<10000x16xf32, #tpu.memory_space<vmem_shared>>) offsets(%dma_start3A_502 : memref<80xi32, #tpu.memory_space<vmem>>) semaphore(%arg14 : memref<!tpu.dma_semaphore, #tpu.memory_space<semaphore_mem>>) {add = true}
      %mul3A_506 = arith.constant 5 : i32
      %mul3A_507 = arith.muli %mul3A_475, %mul3A_506 : i32
      %add3A_508 = arith.constant 2 : i32
      %add3A_509 = arith.addi %mul3A_507, %add3A_508 : i32
      %dma_start3A_510 = arith.constant 2 : i32
      %dma_start3A_511 = arith.constant 0 : i32
      %dma_start3A_512 = arith.constant 0 : i32
      %dma_start3A_513 = tpu.memref_slice %arg9[%dma_start3A_510, %dma_start3A_511, %dma_start3A_512] : memref<5x80x16xf32, #tpu.memory_space<vmem>> -> memref<1x80x16xf32, #tpu.memory_space<vmem>>
      %dma_start3A_514 = tpu.memref_squeeze %dma_start3A_513 : memref<1x80x16xf32, #tpu.memory_space<vmem>> -> memref<80x16xf32, #tpu.memory_space<vmem>>
      %dma_start3A_515 = arith.constant 0 : i32
      %dma_start3A_516 = tpu.memref_slice %arg8[%add3A_509, %dma_start3A_515] : memref<125x80xi32, #tpu.memory_space<vmem>> -> memref<1x80xi32, #tpu.memory_space<vmem>>
      %dma_start3A_517 = tpu.memref_squeeze %dma_start3A_516 : memref<1x80xi32, #tpu.memory_space<vmem>> -> memref<80xi32, #tpu.memory_space<vmem>>
      %dma_start3A_518 = arith.constant 0 : i32
      %dma_start3A_519 = arith.constant 0 : i32
      %dma_start3A_520 = tpu.memref_slice %arg6[%dma_start3A_518, %dma_start3A_519] : memref<10000x16xf32, #tpu.memory_space<vmem_shared>> -> memref<10000x16xf32, #tpu.memory_space<vmem_shared>>
      tpu.enqueue_indirect_dma source(%dma_start3A_514 : memref<80x16xf32, #tpu.memory_space<vmem>>) target(%dma_start3A_520 : memref<10000x16xf32, #tpu.memory_space<vmem_shared>>) offsets(%dma_start3A_517 : memref<80xi32, #tpu.memory_space<vmem>>) semaphore(%arg14 : memref<!tpu.dma_semaphore, #tpu.memory_space<semaphore_mem>>) {add = true}
      %mul3A_521 = arith.constant 5 : i32
      %mul3A_522 = arith.muli %mul3A_475, %mul3A_521 : i32
      %add3A_523 = arith.constant 3 : i32
      %add3A_524 = arith.addi %mul3A_522, %add3A_523 : i32
      %dma_start3A_525 = arith.constant 3 : i32
      %dma_start3A_526 = arith.constant 0 : i32
      %dma_start3A_527 = arith.constant 0 : i32
      %dma_start3A_528 = tpu.memref_slice %arg9[%dma_start3A_525, %dma_start3A_526, %dma_start3A_527] : memref<5x80x16xf32, #tpu.memory_space<vmem>> -> memref<1x80x16xf32, #tpu.memory_space<vmem>>
      %dma_start3A_529 = tpu.memref_squeeze %dma_start3A_528 : memref<1x80x16xf32, #tpu.memory_space<vmem>> -> memref<80x16xf32, #tpu.memory_space<vmem>>
      %dma_start3A_530 = arith.constant 0 : i32
      %dma_start3A_531 = tpu.memref_slice %arg8[%add3A_524, %dma_start3A_530] : memref<125x80xi32, #tpu.memory_space<vmem>> -> memref<1x80xi32, #tpu.memory_space<vmem>>
      %dma_start3A_532 = tpu.memref_squeeze %dma_start3A_531 : memref<1x80xi32, #tpu.memory_space<vmem>> -> memref<80xi32, #tpu.memory_space<vmem>>
      %dma_start3A_533 = arith.constant 0 : i32
      %dma_start3A_534 = arith.constant 0 : i32
      %dma_start3A_535 = tpu.memref_slice %arg6[%dma_start3A_533, %dma_start3A_534] : memref<10000x16xf32, #tpu.memory_space<vmem_shared>> -> memref<10000x16xf32, #tpu.memory_space<vmem_shared>>
      tpu.enqueue_indirect_dma source(%dma_start3A_529 : memref<80x16xf32, #tpu.memory_space<vmem>>) target(%dma_start3A_535 : memref<10000x16xf32, #tpu.memory_space<vmem_shared>>) offsets(%dma_start3A_532 : memref<80xi32, #tpu.memory_space<vmem>>) semaphore(%arg14 : memref<!tpu.dma_semaphore, #tpu.memory_space<semaphore_mem>>) {add = true}
      %mul3A_536 = arith.constant 5 : i32
      %mul3A_537 = arith.muli %mul3A_475, %mul3A_536 : i32
      %add3A_538 = arith.constant 4 : i32
      %add3A_539 = arith.addi %mul3A_537, %add3A_538 : i32
      %dma_start3A_540 = arith.constant 4 : i32
      %dma_start3A_541 = arith.constant 0 : i32
      %dma_start3A_542 = arith.constant 0 : i32
      %dma_start3A_543 = tpu.memref_slice %arg9[%dma_start3A_540, %dma_start3A_541, %dma_start3A_542] : memref<5x80x16xf32, #tpu.memory_space<vmem>> -> memref<1x80x16xf32, #tpu.memory_space<vmem>>
      %dma_start3A_544 = tpu.memref_squeeze %dma_start3A_543 : memref<1x80x16xf32, #tpu.memory_space<vmem>> -> memref<80x16xf32, #tpu.memory_space<vmem>>
      %dma_start3A_545 = arith.constant 0 : i32
      %dma_start3A_546 = tpu.memref_slice %arg8[%add3A_539, %dma_start3A_545] : memref<125x80xi32, #tpu.memory_space<vmem>> -> memref<1x80xi32, #tpu.memory_space<vmem>>
      %dma_start3A_547 = tpu.memref_squeeze %dma_start3A_546 : memref<1x80xi32, #tpu.memory_space<vmem>> -> memref<80xi32, #tpu.memory_space<vmem>>
      %dma_start3A_548 = arith.constant 0 : i32
      %dma_start3A_549 = arith.constant 0 : i32
      %dma_start3A_550 = tpu.memref_slice %arg6[%dma_start3A_548, %dma_start3A_549] : memref<10000x16xf32, #tpu.memory_space<vmem_shared>> -> memref<10000x16xf32, #tpu.memory_space<vmem_shared>>
      tpu.enqueue_indirect_dma source(%dma_start3A_544 : memref<80x16xf32, #tpu.memory_space<vmem>>) target(%dma_start3A_550 : memref<10000x16xf32, #tpu.memory_space<vmem_shared>>) offsets(%dma_start3A_547 : memref<80xi32, #tpu.memory_space<vmem>>) semaphore(%arg14 : memref<!tpu.dma_semaphore, #tpu.memory_space<semaphore_mem>>) {add = true}
      %gt3A = arith.constant 0 : i32
      %gt3A_551 = arith.cmpi sgt, %scan3A_397, %gt3A : i32
      %convert_element_type3A = arith.extui %gt3A_551 : i1 to i32
      %cond3A = arith.constant 0 : i32
      %cond3A_552 = arith.cmpi ne, %convert_element_type3A, %cond3A : i32
      scf.if %cond3A_552 {
        %dma_wait3A_941 = arith.constant 0 : i32
        %dma_wait3A_942 = arith.constant 0 : i32
        %dma_wait3A_943 = arith.constant 0 : i32
        %dma_wait3A_944 = tpu.memref_slice %arg9[%dma_wait3A_941, %dma_wait3A_942, %dma_wait3A_943] : memref<5x80x16xf32, #tpu.memory_space<vmem>> -> memref<1x80x16xf32, #tpu.memory_space<vmem>>
        %dma_wait3A_945 = tpu.memref_squeeze %dma_wait3A_944 : memref<1x80x16xf32, #tpu.memory_space<vmem>> -> memref<80x16xf32, #tpu.memory_space<vmem>>
        %dma_wait3A_946 = arith.constant 0 : i32
        %dma_wait3A_947 = arith.constant 0 : i32
        %dma_wait3A_948 = tpu.memref_slice %arg2[%dma_wait3A_946, %dma_wait3A_947] : memref<10000x16xf32, #tpu.memory_space<hbm>> -> memref<80x16xf32, #tpu.memory_space<hbm>>
        %dma_wait3A_949 = arith.constant 0 : i32
        %dma_wait3A_950 = arith.constant 0 : i32
        %dma_wait3A_951 = tpu.memref_slice %arg9[%dma_wait3A_941, %dma_wait3A_949, %dma_wait3A_950] : memref<5x80x16xf32, #tpu.memory_space<vmem>> -> memref<1x80x16xf32, #tpu.memory_space<vmem>>
        %dma_wait3A_952 = tpu.memref_squeeze %dma_wait3A_951 : memref<1x80x16xf32, #tpu.memory_space<vmem>> -> memref<80x16xf32, #tpu.memory_space<vmem>>
        %dma_wait3A_953 = arith.constant 0 : i32
        %dma_wait3A_954 = arith.constant 0 : i32
        %dma_wait3A_955 = tpu.memref_slice %arg2[%dma_wait3A_953, %dma_wait3A_954] : memref<10000x16xf32, #tpu.memory_space<hbm>> -> memref<80x16xf32, #tpu.memory_space<hbm>>
        tpu.wait_dma2 semaphore(%arg15 : memref<!tpu.dma_semaphore, #tpu.memory_space<semaphore_mem>>) src(%dma_wait3A_955 : memref<80x16xf32, #tpu.memory_space<hbm>>) dst(%dma_wait3A_952 : memref<80x16xf32, #tpu.memory_space<vmem>>)
        %dma_wait3A_956 = arith.constant 0 : i32
        %dma_wait3A_957 = arith.constant 0 : i32
        %dma_wait3A_958 = arith.constant 0 : i32
        %dma_wait3A_959 = tpu.memref_slice %arg9[%dma_wait3A_956, %dma_wait3A_957, %dma_wait3A_958] : memref<5x80x16xf32, #tpu.memory_space<vmem>> -> memref<1x80x16xf32, #tpu.memory_space<vmem>>
        %dma_wait3A_960 = tpu.memref_squeeze %dma_wait3A_959 : memref<1x80x16xf32, #tpu.memory_space<vmem>> -> memref<80x16xf32, #tpu.memory_space<vmem>>
        %dma_wait3A_961 = arith.constant 0 : i32
        %dma_wait3A_962 = arith.constant 0 : i32
        %dma_wait3A_963 = tpu.memref_slice %arg2[%dma_wait3A_961, %dma_wait3A_962] : memref<10000x16xf32, #tpu.memory_space<hbm>> -> memref<80x16xf32, #tpu.memory_space<hbm>>
        %dma_wait3A_964 = arith.constant 0 : i32
        %dma_wait3A_965 = arith.constant 0 : i32
        %dma_wait3A_966 = tpu.memref_slice %arg9[%dma_wait3A_956, %dma_wait3A_964, %dma_wait3A_965] : memref<5x80x16xf32, #tpu.memory_space<vmem>> -> memref<1x80x16xf32, #tpu.memory_space<vmem>>
        %dma_wait3A_967 = tpu.memref_squeeze %dma_wait3A_966 : memref<1x80x16xf32, #tpu.memory_space<vmem>> -> memref<80x16xf32, #tpu.memory_space<vmem>>
        %dma_wait3A_968 = arith.constant 0 : i32
        %dma_wait3A_969 = arith.constant 0 : i32
        %dma_wait3A_970 = tpu.memref_slice %arg2[%dma_wait3A_968, %dma_wait3A_969] : memref<10000x16xf32, #tpu.memory_space<hbm>> -> memref<80x16xf32, #tpu.memory_space<hbm>>
        tpu.wait_dma2 semaphore(%arg15 : memref<!tpu.dma_semaphore, #tpu.memory_space<semaphore_mem>>) src(%dma_wait3A_970 : memref<80x16xf32, #tpu.memory_space<hbm>>) dst(%dma_wait3A_967 : memref<80x16xf32, #tpu.memory_space<vmem>>)
        %dma_wait3A_971 = arith.constant 0 : i32
        %dma_wait3A_972 = arith.constant 0 : i32
        %dma_wait3A_973 = arith.constant 0 : i32
        %dma_wait3A_974 = tpu.memref_slice %arg9[%dma_wait3A_971, %dma_wait3A_972, %dma_wait3A_973] : memref<5x80x16xf32, #tpu.memory_space<vmem>> -> memref<1x80x16xf32, #tpu.memory_space<vmem>>
        %dma_wait3A_975 = tpu.memref_squeeze %dma_wait3A_974 : memref<1x80x16xf32, #tpu.memory_space<vmem>> -> memref<80x16xf32, #tpu.memory_space<vmem>>
        %dma_wait3A_976 = arith.constant 0 : i32
        %dma_wait3A_977 = arith.constant 0 : i32
        %dma_wait3A_978 = tpu.memref_slice %arg2[%dma_wait3A_976, %dma_wait3A_977] : memref<10000x16xf32, #tpu.memory_space<hbm>> -> memref<80x16xf32, #tpu.memory_space<hbm>>
        %dma_wait3A_979 = arith.constant 0 : i32
        %dma_wait3A_980 = arith.constant 0 : i32
        %dma_wait3A_981 = tpu.memref_slice %arg9[%dma_wait3A_971, %dma_wait3A_979, %dma_wait3A_980] : memref<5x80x16xf32, #tpu.memory_space<vmem>> -> memref<1x80x16xf32, #tpu.memory_space<vmem>>
        %dma_wait3A_982 = tpu.memref_squeeze %dma_wait3A_981 : memref<1x80x16xf32, #tpu.memory_space<vmem>> -> memref<80x16xf32, #tpu.memory_space<vmem>>
        %dma_wait3A_983 = arith.constant 0 : i32
        %dma_wait3A_984 = arith.constant 0 : i32
        %dma_wait3A_985 = tpu.memref_slice %arg2[%dma_wait3A_983, %dma_wait3A_984] : memref<10000x16xf32, #tpu.memory_space<hbm>> -> memref<80x16xf32, #tpu.memory_space<hbm>>
        tpu.wait_dma2 semaphore(%arg15 : memref<!tpu.dma_semaphore, #tpu.memory_space<semaphore_mem>>) src(%dma_wait3A_985 : memref<80x16xf32, #tpu.memory_space<hbm>>) dst(%dma_wait3A_982 : memref<80x16xf32, #tpu.memory_space<vmem>>)
        %dma_wait3A_986 = arith.constant 0 : i32
        %dma_wait3A_987 = arith.constant 0 : i32
        %dma_wait3A_988 = arith.constant 0 : i32
        %dma_wait3A_989 = tpu.memref_slice %arg9[%dma_wait3A_986, %dma_wait3A_987, %dma_wait3A_988] : memref<5x80x16xf32, #tpu.memory_space<vmem>> -> memref<1x80x16xf32, #tpu.memory_space<vmem>>
        %dma_wait3A_990 = tpu.memref_squeeze %dma_wait3A_989 : memref<1x80x16xf32, #tpu.memory_space<vmem>> -> memref<80x16xf32, #tpu.memory_space<vmem>>
        %dma_wait3A_991 = arith.constant 0 : i32
        %dma_wait3A_992 = arith.constant 0 : i32
        %dma_wait3A_993 = tpu.memref_slice %arg2[%dma_wait3A_991, %dma_wait3A_992] : memref<10000x16xf32, #tpu.memory_space<hbm>> -> memref<80x16xf32, #tpu.memory_space<hbm>>
        %dma_wait3A_994 = arith.constant 0 : i32
        %dma_wait3A_995 = arith.constant 0 : i32
        %dma_wait3A_996 = tpu.memref_slice %arg9[%dma_wait3A_986, %dma_wait3A_994, %dma_wait3A_995] : memref<5x80x16xf32, #tpu.memory_space<vmem>> -> memref<1x80x16xf32, #tpu.memory_space<vmem>>
        %dma_wait3A_997 = tpu.memref_squeeze %dma_wait3A_996 : memref<1x80x16xf32, #tpu.memory_space<vmem>> -> memref<80x16xf32, #tpu.memory_space<vmem>>
        %dma_wait3A_998 = arith.constant 0 : i32
        %dma_wait3A_999 = arith.constant 0 : i32
        %dma_wait3A_1000 = tpu.memref_slice %arg2[%dma_wait3A_998, %dma_wait3A_999] : memref<10000x16xf32, #tpu.memory_space<hbm>> -> memref<80x16xf32, #tpu.memory_space<hbm>>
        tpu.wait_dma2 semaphore(%arg15 : memref<!tpu.dma_semaphore, #tpu.memory_space<semaphore_mem>>) src(%dma_wait3A_1000 : memref<80x16xf32, #tpu.memory_space<hbm>>) dst(%dma_wait3A_997 : memref<80x16xf32, #tpu.memory_space<vmem>>)
        %dma_wait3A_1001 = arith.constant 0 : i32
        %dma_wait3A_1002 = arith.constant 0 : i32
        %dma_wait3A_1003 = arith.constant 0 : i32
        %dma_wait3A_1004 = tpu.memref_slice %arg9[%dma_wait3A_1001, %dma_wait3A_1002, %dma_wait3A_1003] : memref<5x80x16xf32, #tpu.memory_space<vmem>> -> memref<1x80x16xf32, #tpu.memory_space<vmem>>
        %dma_wait3A_1005 = tpu.memref_squeeze %dma_wait3A_1004 : memref<1x80x16xf32, #tpu.memory_space<vmem>> -> memref<80x16xf32, #tpu.memory_space<vmem>>
        %dma_wait3A_1006 = arith.constant 0 : i32
        %dma_wait3A_1007 = arith.constant 0 : i32
        %dma_wait3A_1008 = tpu.memref_slice %arg2[%dma_wait3A_1006, %dma_wait3A_1007] : memref<10000x16xf32, #tpu.memory_space<hbm>> -> memref<80x16xf32, #tpu.memory_space<hbm>>
        %dma_wait3A_1009 = arith.constant 0 : i32
        %dma_wait3A_1010 = arith.constant 0 : i32
        %dma_wait3A_1011 = tpu.memref_slice %arg9[%dma_wait3A_1001, %dma_wait3A_1009, %dma_wait3A_1010] : memref<5x80x16xf32, #tpu.memory_space<vmem>> -> memref<1x80x16xf32, #tpu.memory_space<vmem>>
        %dma_wait3A_1012 = tpu.memref_squeeze %dma_wait3A_1011 : memref<1x80x16xf32, #tpu.memory_space<vmem>> -> memref<80x16xf32, #tpu.memory_space<vmem>>
        %dma_wait3A_1013 = arith.constant 0 : i32
        %dma_wait3A_1014 = arith.constant 0 : i32
        %dma_wait3A_1015 = tpu.memref_slice %arg2[%dma_wait3A_1013, %dma_wait3A_1014] : memref<10000x16xf32, #tpu.memory_space<hbm>> -> memref<80x16xf32, #tpu.memory_space<hbm>>
        tpu.wait_dma2 semaphore(%arg15 : memref<!tpu.dma_semaphore, #tpu.memory_space<semaphore_mem>>) src(%dma_wait3A_1015 : memref<80x16xf32, #tpu.memory_space<hbm>>) dst(%dma_wait3A_1012 : memref<80x16xf32, #tpu.memory_space<vmem>>)
      } else {
      }
      %mul3A_553 = arith.constant 2 : i32
      %mul3A_554 = arith.muli %mul3A_553, %scan3A_397 : i32
      %add3A_555 = arith.constant 1 : i32
      %add3A_556 = arith.addi %mul3A_554, %add3A_555 : i32
      %mul3A_557 = arith.constant 5 : i32
      %mul3A_558 = arith.muli %add3A_556, %mul3A_557 : i32
      %add3A_559 = arith.constant 0 : i32
      %add3A_560 = arith.addi %mul3A_558, %add3A_559 : i32
      %dma_start3A_561 = arith.constant 0 : i32
      %dma_start3A_562 = arith.constant 0 : i32
      %dma_start3A_563 = arith.constant 0 : i32
      %dma_start3A_564 = tpu.memref_slice %arg10[%dma_start3A_561, %dma_start3A_562, %dma_start3A_563] : memref<5x80x16xf32, #tpu.memory_space<vmem>> -> memref<1x80x16xf32, #tpu.memory_space<vmem>>
      %dma_start3A_565 = tpu.memref_squeeze %dma_start3A_564 : memref<1x80x16xf32, #tpu.memory_space<vmem>> -> memref<80x16xf32, #tpu.memory_space<vmem>>
      %dma_start3A_566 = arith.constant 0 : i32
      %dma_start3A_567 = tpu.memref_slice %arg7[%add3A_560, %dma_start3A_566] : memref<125x80xi32, #tpu.memory_space<vmem>> -> memref<1x80xi32, #tpu.memory_space<vmem>>
      %dma_start3A_568 = tpu.memref_squeeze %dma_start3A_567 : memref<1x80xi32, #tpu.memory_space<vmem>> -> memref<80xi32, #tpu.memory_space<vmem>>
      %dma_start3A_569 = arith.constant 0 : i32
      %dma_start3A_570 = arith.constant 0 : i32
      %dma_start3A_571 = tpu.memref_slice %arg2[%dma_start3A_569, %dma_start3A_570] : memref<10000x16xf32, #tpu.memory_space<hbm>> -> memref<10000x16xf32, #tpu.memory_space<hbm>>
      tpu.enqueue_indirect_dma source(%dma_start3A_571 : memref<10000x16xf32, #tpu.memory_space<hbm>>) target(%dma_start3A_565 : memref<80x16xf32, #tpu.memory_space<vmem>>) offsets(%dma_start3A_568 : memref<80xi32, #tpu.memory_space<vmem>>) semaphore(%arg13 : memref<!tpu.dma_semaphore, #tpu.memory_space<semaphore_mem>>)
      %mul3A_572 = arith.constant 5 : i32
      %mul3A_573 = arith.muli %add3A_556, %mul3A_572 : i32
      %add3A_574 = arith.constant 1 : i32
      %add3A_575 = arith.addi %mul3A_573, %add3A_574 : i32
      %dma_start3A_576 = arith.constant 1 : i32
      %dma_start3A_577 = arith.constant 0 : i32
      %dma_start3A_578 = arith.constant 0 : i32
      %dma_start3A_579 = tpu.memref_slice %arg10[%dma_start3A_576, %dma_start3A_577, %dma_start3A_578] : memref<5x80x16xf32, #tpu.memory_space<vmem>> -> memref<1x80x16xf32, #tpu.memory_space<vmem>>
      %dma_start3A_580 = tpu.memref_squeeze %dma_start3A_579 : memref<1x80x16xf32, #tpu.memory_space<vmem>> -> memref<80x16xf32, #tpu.memory_space<vmem>>
      %dma_start3A_581 = arith.constant 0 : i32
      %dma_start3A_582 = tpu.memref_slice %arg7[%add3A_575, %dma_start3A_581] : memref<125x80xi32, #tpu.memory_space<vmem>> -> memref<1x80xi32, #tpu.memory_space<vmem>>
      %dma_start3A_583 = tpu.memref_squeeze %dma_start3A_582 : memref<1x80xi32, #tpu.memory_space<vmem>> -> memref<80xi32, #tpu.memory_space<vmem>>
      %dma_start3A_584 = arith.constant 0 : i32
      %dma_start3A_585 = arith.constant 0 : i32
      %dma_start3A_586 = tpu.memref_slice %arg2[%dma_start3A_584, %dma_start3A_585] : memref<10000x16xf32, #tpu.memory_space<hbm>> -> memref<10000x16xf32, #tpu.memory_space<hbm>>
      tpu.enqueue_indirect_dma source(%dma_start3A_586 : memref<10000x16xf32, #tpu.memory_space<hbm>>) target(%dma_start3A_580 : memref<80x16xf32, #tpu.memory_space<vmem>>) offsets(%dma_start3A_583 : memref<80xi32, #tpu.memory_space<vmem>>) semaphore(%arg13 : memref<!tpu.dma_semaphore, #tpu.memory_space<semaphore_mem>>)
      %mul3A_587 = arith.constant 5 : i32
      %mul3A_588 = arith.muli %add3A_556, %mul3A_587 : i32
      %add3A_589 = arith.constant 2 : i32
      %add3A_590 = arith.addi %mul3A_588, %add3A_589 : i32
      %dma_start3A_591 = arith.constant 2 : i32
      %dma_start3A_592 = arith.constant 0 : i32
      %dma_start3A_593 = arith.constant 0 : i32
      %dma_start3A_594 = tpu.memref_slice %arg10[%dma_start3A_591, %dma_start3A_592, %dma_start3A_593] : memref<5x80x16xf32, #tpu.memory_space<vmem>> -> memref<1x80x16xf32, #tpu.memory_space<vmem>>
      %dma_start3A_595 = tpu.memref_squeeze %dma_start3A_594 : memref<1x80x16xf32, #tpu.memory_space<vmem>> -> memref<80x16xf32, #tpu.memory_space<vmem>>
      %dma_start3A_596 = arith.constant 0 : i32
      %dma_start3A_597 = tpu.memref_slice %arg7[%add3A_590, %dma_start3A_596] : memref<125x80xi32, #tpu.memory_space<vmem>> -> memref<1x80xi32, #tpu.memory_space<vmem>>
      %dma_start3A_598 = tpu.memref_squeeze %dma_start3A_597 : memref<1x80xi32, #tpu.memory_space<vmem>> -> memref<80xi32, #tpu.memory_space<vmem>>
      %dma_start3A_599 = arith.constant 0 : i32
      %dma_start3A_600 = arith.constant 0 : i32
      %dma_start3A_601 = tpu.memref_slice %arg2[%dma_start3A_599, %dma_start3A_600] : memref<10000x16xf32, #tpu.memory_space<hbm>> -> memref<10000x16xf32, #tpu.memory_space<hbm>>
      tpu.enqueue_indirect_dma source(%dma_start3A_601 : memref<10000x16xf32, #tpu.memory_space<hbm>>) target(%dma_start3A_595 : memref<80x16xf32, #tpu.memory_space<vmem>>) offsets(%dma_start3A_598 : memref<80xi32, #tpu.memory_space<vmem>>) semaphore(%arg13 : memref<!tpu.dma_semaphore, #tpu.memory_space<semaphore_mem>>)
      %mul3A_602 = arith.constant 5 : i32
      %mul3A_603 = arith.muli %add3A_556, %mul3A_602 : i32
      %add3A_604 = arith.constant 3 : i32
      %add3A_605 = arith.addi %mul3A_603, %add3A_604 : i32
      %dma_start3A_606 = arith.constant 3 : i32
      %dma_start3A_607 = arith.constant 0 : i32
      %dma_start3A_608 = arith.constant 0 : i32
      %dma_start3A_609 = tpu.memref_slice %arg10[%dma_start3A_606, %dma_start3A_607, %dma_start3A_608] : memref<5x80x16xf32, #tpu.memory_space<vmem>> -> memref<1x80x16xf32, #tpu.memory_space<vmem>>
      %dma_start3A_610 = tpu.memref_squeeze %dma_start3A_609 : memref<1x80x16xf32, #tpu.memory_space<vmem>> -> memref<80x16xf32, #tpu.memory_space<vmem>>
      %dma_start3A_611 = arith.constant 0 : i32
      %dma_start3A_612 = tpu.memref_slice %arg7[%add3A_605, %dma_start3A_611] : memref<125x80xi32, #tpu.memory_space<vmem>> -> memref<1x80xi32, #tpu.memory_space<vmem>>
      %dma_start3A_613 = tpu.memref_squeeze %dma_start3A_612 : memref<1x80xi32, #tpu.memory_space<vmem>> -> memref<80xi32, #tpu.memory_space<vmem>>
      %dma_start3A_614 = arith.constant 0 : i32
      %dma_start3A_615 = arith.constant 0 : i32
      %dma_start3A_616 = tpu.memref_slice %arg2[%dma_start3A_614, %dma_start3A_615] : memref<10000x16xf32, #tpu.memory_space<hbm>> -> memref<10000x16xf32, #tpu.memory_space<hbm>>
      tpu.enqueue_indirect_dma source(%dma_start3A_616 : memref<10000x16xf32, #tpu.memory_space<hbm>>) target(%dma_start3A_610 : memref<80x16xf32, #tpu.memory_space<vmem>>) offsets(%dma_start3A_613 : memref<80xi32, #tpu.memory_space<vmem>>) semaphore(%arg13 : memref<!tpu.dma_semaphore, #tpu.memory_space<semaphore_mem>>)
      %mul3A_617 = arith.constant 5 : i32
      %mul3A_618 = arith.muli %add3A_556, %mul3A_617 : i32
      %add3A_619 = arith.constant 4 : i32
      %add3A_620 = arith.addi %mul3A_618, %add3A_619 : i32
      %dma_start3A_621 = arith.constant 4 : i32
      %dma_start3A_622 = arith.constant 0 : i32
      %dma_start3A_623 = arith.constant 0 : i32
      %dma_start3A_624 = tpu.memref_slice %arg10[%dma_start3A_621, %dma_start3A_622, %dma_start3A_623] : memref<5x80x16xf32, #tpu.memory_space<vmem>> -> memref<1x80x16xf32, #tpu.memory_space<vmem>>
      %dma_start3A_625 = tpu.memref_squeeze %dma_start3A_624 : memref<1x80x16xf32, #tpu.memory_space<vmem>> -> memref<80x16xf32, #tpu.memory_space<vmem>>
      %dma_start3A_626 = arith.constant 0 : i32
      %dma_start3A_627 = tpu.memref_slice %arg7[%add3A_620, %dma_start3A_626] : memref<125x80xi32, #tpu.memory_space<vmem>> -> memref<1x80xi32, #tpu.memory_space<vmem>>
      %dma_start3A_628 = tpu.memref_squeeze %dma_start3A_627 : memref<1x80xi32, #tpu.memory_space<vmem>> -> memref<80xi32, #tpu.memory_space<vmem>>
      %dma_start3A_629 = arith.constant 0 : i32
      %dma_start3A_630 = arith.constant 0 : i32
      %dma_start3A_631 = tpu.memref_slice %arg2[%dma_start3A_629, %dma_start3A_630] : memref<10000x16xf32, #tpu.memory_space<hbm>> -> memref<10000x16xf32, #tpu.memory_space<hbm>>
      tpu.enqueue_indirect_dma source(%dma_start3A_631 : memref<10000x16xf32, #tpu.memory_space<hbm>>) target(%dma_start3A_625 : memref<80x16xf32, #tpu.memory_space<vmem>>) offsets(%dma_start3A_628 : memref<80xi32, #tpu.memory_space<vmem>>) semaphore(%arg13 : memref<!tpu.dma_semaphore, #tpu.memory_space<semaphore_mem>>)
      %dma_wait3A_632 = arith.constant 0 : i32
      %dma_wait3A_633 = arith.constant 0 : i32
      %dma_wait3A_634 = arith.constant 0 : i32
      %dma_wait3A_635 = tpu.memref_slice %arg9[%dma_wait3A_632, %dma_wait3A_633, %dma_wait3A_634] : memref<5x80x16xf32, #tpu.memory_space<vmem>> -> memref<1x80x16xf32, #tpu.memory_space<vmem>>
      %dma_wait3A_636 = tpu.memref_squeeze %dma_wait3A_635 : memref<1x80x16xf32, #tpu.memory_space<vmem>> -> memref<80x16xf32, #tpu.memory_space<vmem>>
      %dma_wait3A_637 = arith.constant 0 : i32
      %dma_wait3A_638 = arith.constant 0 : i32
      %dma_wait3A_639 = tpu.memref_slice %arg2[%dma_wait3A_637, %dma_wait3A_638] : memref<10000x16xf32, #tpu.memory_space<hbm>> -> memref<80x16xf32, #tpu.memory_space<hbm>>
      %dma_wait3A_640 = arith.constant 0 : i32
      %dma_wait3A_641 = arith.constant 0 : i32
      %dma_wait3A_642 = tpu.memref_slice %arg9[%dma_wait3A_632, %dma_wait3A_640, %dma_wait3A_641] : memref<5x80x16xf32, #tpu.memory_space<vmem>> -> memref<1x80x16xf32, #tpu.memory_space<vmem>>
      %dma_wait3A_643 = tpu.memref_squeeze %dma_wait3A_642 : memref<1x80x16xf32, #tpu.memory_space<vmem>> -> memref<80x16xf32, #tpu.memory_space<vmem>>
      %dma_wait3A_644 = arith.constant 0 : i32
      %dma_wait3A_645 = arith.constant 0 : i32
      %dma_wait3A_646 = tpu.memref_slice %arg2[%dma_wait3A_644, %dma_wait3A_645] : memref<10000x16xf32, #tpu.memory_space<hbm>> -> memref<80x16xf32, #tpu.memory_space<hbm>>
      tpu.wait_dma2 semaphore(%arg13 : memref<!tpu.dma_semaphore, #tpu.memory_space<semaphore_mem>>) src(%dma_wait3A_646 : memref<80x16xf32, #tpu.memory_space<hbm>>) dst(%dma_wait3A_643 : memref<80x16xf32, #tpu.memory_space<vmem>>)
      %dma_wait3A_647 = arith.constant 0 : i32
      %dma_wait3A_648 = arith.constant 0 : i32
      %dma_wait3A_649 = arith.constant 0 : i32
      %dma_wait3A_650 = tpu.memref_slice %arg9[%dma_wait3A_647, %dma_wait3A_648, %dma_wait3A_649] : memref<5x80x16xf32, #tpu.memory_space<vmem>> -> memref<1x80x16xf32, #tpu.memory_space<vmem>>
      %dma_wait3A_651 = tpu.memref_squeeze %dma_wait3A_650 : memref<1x80x16xf32, #tpu.memory_space<vmem>> -> memref<80x16xf32, #tpu.memory_space<vmem>>
      %dma_wait3A_652 = arith.constant 0 : i32
      %dma_wait3A_653 = arith.constant 0 : i32
      %dma_wait3A_654 = tpu.memref_slice %arg2[%dma_wait3A_652, %dma_wait3A_653] : memref<10000x16xf32, #tpu.memory_space<hbm>> -> memref<80x16xf32, #tpu.memory_space<hbm>>
      %dma_wait3A_655 = arith.constant 0 : i32
      %dma_wait3A_656 = arith.constant 0 : i32
      %dma_wait3A_657 = tpu.memref_slice %arg9[%dma_wait3A_647, %dma_wait3A_655, %dma_wait3A_656] : memref<5x80x16xf32, #tpu.memory_space<vmem>> -> memref<1x80x16xf32, #tpu.memory_space<vmem>>
      %dma_wait3A_658 = tpu.memref_squeeze %dma_wait3A_657 : memref<1x80x16xf32, #tpu.memory_space<vmem>> -> memref<80x16xf32, #tpu.memory_space<vmem>>
      %dma_wait3A_659 = arith.constant 0 : i32
      %dma_wait3A_660 = arith.constant 0 : i32
      %dma_wait3A_661 = tpu.memref_slice %arg2[%dma_wait3A_659, %dma_wait3A_660] : memref<10000x16xf32, #tpu.memory_space<hbm>> -> memref<80x16xf32, #tpu.memory_space<hbm>>
      tpu.wait_dma2 semaphore(%arg13 : memref<!tpu.dma_semaphore, #tpu.memory_space<semaphore_mem>>) src(%dma_wait3A_661 : memref<80x16xf32, #tpu.memory_space<hbm>>) dst(%dma_wait3A_658 : memref<80x16xf32, #tpu.memory_space<vmem>>)
      %dma_wait3A_662 = arith.constant 0 : i32
      %dma_wait3A_663 = arith.constant 0 : i32
      %dma_wait3A_664 = arith.constant 0 : i32
      %dma_wait3A_665 = tpu.memref_slice %arg9[%dma_wait3A_662, %dma_wait3A_663, %dma_wait3A_664] : memref<5x80x16xf32, #tpu.memory_space<vmem>> -> memref<1x80x16xf32, #tpu.memory_space<vmem>>
      %dma_wait3A_666 = tpu.memref_squeeze %dma_wait3A_665 : memref<1x80x16xf32, #tpu.memory_space<vmem>> -> memref<80x16xf32, #tpu.memory_space<vmem>>
      %dma_wait3A_667 = arith.constant 0 : i32
      %dma_wait3A_668 = arith.constant 0 : i32
      %dma_wait3A_669 = tpu.memref_slice %arg2[%dma_wait3A_667, %dma_wait3A_668] : memref<10000x16xf32, #tpu.memory_space<hbm>> -> memref<80x16xf32, #tpu.memory_space<hbm>>
      %dma_wait3A_670 = arith.constant 0 : i32
      %dma_wait3A_671 = arith.constant 0 : i32
      %dma_wait3A_672 = tpu.memref_slice %arg9[%dma_wait3A_662, %dma_wait3A_670, %dma_wait3A_671] : memref<5x80x16xf32, #tpu.memory_space<vmem>> -> memref<1x80x16xf32, #tpu.memory_space<vmem>>
      %dma_wait3A_673 = tpu.memref_squeeze %dma_wait3A_672 : memref<1x80x16xf32, #tpu.memory_space<vmem>> -> memref<80x16xf32, #tpu.memory_space<vmem>>
      %dma_wait3A_674 = arith.constant 0 : i32
      %dma_wait3A_675 = arith.constant 0 : i32
      %dma_wait3A_676 = tpu.memref_slice %arg2[%dma_wait3A_674, %dma_wait3A_675] : memref<10000x16xf32, #tpu.memory_space<hbm>> -> memref<80x16xf32, #tpu.memory_space<hbm>>
      tpu.wait_dma2 semaphore(%arg13 : memref<!tpu.dma_semaphore, #tpu.memory_space<semaphore_mem>>) src(%dma_wait3A_676 : memref<80x16xf32, #tpu.memory_space<hbm>>) dst(%dma_wait3A_673 : memref<80x16xf32, #tpu.memory_space<vmem>>)
      %dma_wait3A_677 = arith.constant 0 : i32
      %dma_wait3A_678 = arith.constant 0 : i32
      %dma_wait3A_679 = arith.constant 0 : i32
      %dma_wait3A_680 = tpu.memref_slice %arg9[%dma_wait3A_677, %dma_wait3A_678, %dma_wait3A_679] : memref<5x80x16xf32, #tpu.memory_space<vmem>> -> memref<1x80x16xf32, #tpu.memory_space<vmem>>
      %dma_wait3A_681 = tpu.memref_squeeze %dma_wait3A_680 : memref<1x80x16xf32, #tpu.memory_space<vmem>> -> memref<80x16xf32, #tpu.memory_space<vmem>>
      %dma_wait3A_682 = arith.constant 0 : i32
      %dma_wait3A_683 = arith.constant 0 : i32
      %dma_wait3A_684 = tpu.memref_slice %arg2[%dma_wait3A_682, %dma_wait3A_683] : memref<10000x16xf32, #tpu.memory_space<hbm>> -> memref<80x16xf32, #tpu.memory_space<hbm>>
      %dma_wait3A_685 = arith.constant 0 : i32
      %dma_wait3A_686 = arith.constant 0 : i32
      %dma_wait3A_687 = tpu.memref_slice %arg9[%dma_wait3A_677, %dma_wait3A_685, %dma_wait3A_686] : memref<5x80x16xf32, #tpu.memory_space<vmem>> -> memref<1x80x16xf32, #tpu.memory_space<vmem>>
      %dma_wait3A_688 = tpu.memref_squeeze %dma_wait3A_687 : memref<1x80x16xf32, #tpu.memory_space<vmem>> -> memref<80x16xf32, #tpu.memory_space<vmem>>
      %dma_wait3A_689 = arith.constant 0 : i32
      %dma_wait3A_690 = arith.constant 0 : i32
      %dma_wait3A_691 = tpu.memref_slice %arg2[%dma_wait3A_689, %dma_wait3A_690] : memref<10000x16xf32, #tpu.memory_space<hbm>> -> memref<80x16xf32, #tpu.memory_space<hbm>>
      tpu.wait_dma2 semaphore(%arg13 : memref<!tpu.dma_semaphore, #tpu.memory_space<semaphore_mem>>) src(%dma_wait3A_691 : memref<80x16xf32, #tpu.memory_space<hbm>>) dst(%dma_wait3A_688 : memref<80x16xf32, #tpu.memory_space<vmem>>)
      %dma_wait3A_692 = arith.constant 0 : i32
      %dma_wait3A_693 = arith.constant 0 : i32
      %dma_wait3A_694 = arith.constant 0 : i32
      %dma_wait3A_695 = tpu.memref_slice %arg9[%dma_wait3A_692, %dma_wait3A_693, %dma_wait3A_694] : memref<5x80x16xf32, #tpu.memory_space<vmem>> -> memref<1x80x16xf32, #tpu.memory_space<vmem>>
      %dma_wait3A_696 = tpu.memref_squeeze %dma_wait3A_695 : memref<1x80x16xf32, #tpu.memory_space<vmem>> -> memref<80x16xf32, #tpu.memory_space<vmem>>
      %dma_wait3A_697 = arith.constant 0 : i32
      %dma_wait3A_698 = arith.constant 0 : i32
      %dma_wait3A_699 = tpu.memref_slice %arg2[%dma_wait3A_697, %dma_wait3A_698] : memref<10000x16xf32, #tpu.memory_space<hbm>> -> memref<80x16xf32, #tpu.memory_space<hbm>>
      %dma_wait3A_700 = arith.constant 0 : i32
      %dma_wait3A_701 = arith.constant 0 : i32
      %dma_wait3A_702 = tpu.memref_slice %arg9[%dma_wait3A_692, %dma_wait3A_700, %dma_wait3A_701] : memref<5x80x16xf32, #tpu.memory_space<vmem>> -> memref<1x80x16xf32, #tpu.memory_space<vmem>>
      %dma_wait3A_703 = tpu.memref_squeeze %dma_wait3A_702 : memref<1x80x16xf32, #tpu.memory_space<vmem>> -> memref<80x16xf32, #tpu.memory_space<vmem>>
      %dma_wait3A_704 = arith.constant 0 : i32
      %dma_wait3A_705 = arith.constant 0 : i32
      %dma_wait3A_706 = tpu.memref_slice %arg2[%dma_wait3A_704, %dma_wait3A_705] : memref<10000x16xf32, #tpu.memory_space<hbm>> -> memref<80x16xf32, #tpu.memory_space<hbm>>
      tpu.wait_dma2 semaphore(%arg13 : memref<!tpu.dma_semaphore, #tpu.memory_space<semaphore_mem>>) src(%dma_wait3A_706 : memref<80x16xf32, #tpu.memory_space<hbm>>) dst(%dma_wait3A_703 : memref<80x16xf32, #tpu.memory_space<vmem>>)
      %mul3A_707 = arith.constant 2 : i32
      %mul3A_708 = arith.muli %mul3A_707, %scan3A_397 : i32
      %add3A_709 = arith.constant 1 : i32
      %add3A_710 = arith.addi %mul3A_708, %add3A_709 : i32
      %mul3A_711 = arith.constant 5 : i32
      %mul3A_712 = arith.muli %add3A_710, %mul3A_711 : i32
      %add3A_713 = arith.constant 0 : i32
      %add3A_714 = arith.addi %mul3A_712, %add3A_713 : i32
      %dma_start3A_715 = arith.constant 0 : i32
      %dma_start3A_716 = arith.constant 0 : i32
      %dma_start3A_717 = arith.constant 0 : i32
      %dma_start3A_718 = tpu.memref_slice %arg10[%dma_start3A_715, %dma_start3A_716, %dma_start3A_717] : memref<5x80x16xf32, #tpu.memory_space<vmem>> -> memref<1x80x16xf32, #tpu.memory_space<vmem>>
      %dma_start3A_719 = tpu.memref_squeeze %dma_start3A_718 : memref<1x80x16xf32, #tpu.memory_space<vmem>> -> memref<80x16xf32, #tpu.memory_space<vmem>>
      %dma_start3A_720 = arith.constant 0 : i32
      %dma_start3A_721 = tpu.memref_slice %arg8[%add3A_714, %dma_start3A_720] : memref<125x80xi32, #tpu.memory_space<vmem>> -> memref<1x80xi32, #tpu.memory_space<vmem>>
      %dma_start3A_722 = tpu.memref_squeeze %dma_start3A_721 : memref<1x80xi32, #tpu.memory_space<vmem>> -> memref<80xi32, #tpu.memory_space<vmem>>
      %dma_start3A_723 = arith.constant 0 : i32
      %dma_start3A_724 = arith.constant 0 : i32
      %dma_start3A_725 = tpu.memref_slice %arg6[%dma_start3A_723, %dma_start3A_724] : memref<10000x16xf32, #tpu.memory_space<vmem_shared>> -> memref<10000x16xf32, #tpu.memory_space<vmem_shared>>
      tpu.enqueue_indirect_dma source(%dma_start3A_719 : memref<80x16xf32, #tpu.memory_space<vmem>>) target(%dma_start3A_725 : memref<10000x16xf32, #tpu.memory_space<vmem_shared>>) offsets(%dma_start3A_722 : memref<80xi32, #tpu.memory_space<vmem>>) semaphore(%arg15 : memref<!tpu.dma_semaphore, #tpu.memory_space<semaphore_mem>>) {add = true}
      %mul3A_726 = arith.constant 5 : i32
      %mul3A_727 = arith.muli %add3A_710, %mul3A_726 : i32
      %add3A_728 = arith.constant 1 : i32
      %add3A_729 = arith.addi %mul3A_727, %add3A_728 : i32
      %dma_start3A_730 = arith.constant 1 : i32
      %dma_start3A_731 = arith.constant 0 : i32
      %dma_start3A_732 = arith.constant 0 : i32
      %dma_start3A_733 = tpu.memref_slice %arg10[%dma_start3A_730, %dma_start3A_731, %dma_start3A_732] : memref<5x80x16xf32, #tpu.memory_space<vmem>> -> memref<1x80x16xf32, #tpu.memory_space<vmem>>
      %dma_start3A_734 = tpu.memref_squeeze %dma_start3A_733 : memref<1x80x16xf32, #tpu.memory_space<vmem>> -> memref<80x16xf32, #tpu.memory_space<vmem>>
      %dma_start3A_735 = arith.constant 0 : i32
      %dma_start3A_736 = tpu.memref_slice %arg8[%add3A_729, %dma_start3A_735] : memref<125x80xi32, #tpu.memory_space<vmem>> -> memref<1x80xi32, #tpu.memory_space<vmem>>
      %dma_start3A_737 = tpu.memref_squeeze %dma_start3A_736 : memref<1x80xi32, #tpu.memory_space<vmem>> -> memref<80xi32, #tpu.memory_space<vmem>>
      %dma_start3A_738 = arith.constant 0 : i32
      %dma_start3A_739 = arith.constant 0 : i32
      %dma_start3A_740 = tpu.memref_slice %arg6[%dma_start3A_738, %dma_start3A_739] : memref<10000x16xf32, #tpu.memory_space<vmem_shared>> -> memref<10000x16xf32, #tpu.memory_space<vmem_shared>>
      tpu.enqueue_indirect_dma source(%dma_start3A_734 : memref<80x16xf32, #tpu.memory_space<vmem>>) target(%dma_start3A_740 : memref<10000x16xf32, #tpu.memory_space<vmem_shared>>) offsets(%dma_start3A_737 : memref<80xi32, #tpu.memory_space<vmem>>) semaphore(%arg15 : memref<!tpu.dma_semaphore, #tpu.memory_space<semaphore_mem>>) {add = true}
      %mul3A_741 = arith.constant 5 : i32
      %mul3A_742 = arith.muli %add3A_710, %mul3A_741 : i32
      %add3A_743 = arith.constant 2 : i32
      %add3A_744 = arith.addi %mul3A_742, %add3A_743 : i32
      %dma_start3A_745 = arith.constant 2 : i32
      %dma_start3A_746 = arith.constant 0 : i32
      %dma_start3A_747 = arith.constant 0 : i32
      %dma_start3A_748 = tpu.memref_slice %arg10[%dma_start3A_745, %dma_start3A_746, %dma_start3A_747] : memref<5x80x16xf32, #tpu.memory_space<vmem>> -> memref<1x80x16xf32, #tpu.memory_space<vmem>>
      %dma_start3A_749 = tpu.memref_squeeze %dma_start3A_748 : memref<1x80x16xf32, #tpu.memory_space<vmem>> -> memref<80x16xf32, #tpu.memory_space<vmem>>
      %dma_start3A_750 = arith.constant 0 : i32
      %dma_start3A_751 = tpu.memref_slice %arg8[%add3A_744, %dma_start3A_750] : memref<125x80xi32, #tpu.memory_space<vmem>> -> memref<1x80xi32, #tpu.memory_space<vmem>>
      %dma_start3A_752 = tpu.memref_squeeze %dma_start3A_751 : memref<1x80xi32, #tpu.memory_space<vmem>> -> memref<80xi32, #tpu.memory_space<vmem>>
      %dma_start3A_753 = arith.constant 0 : i32
      %dma_start3A_754 = arith.constant 0 : i32
      %dma_start3A_755 = tpu.memref_slice %arg6[%dma_start3A_753, %dma_start3A_754] : memref<10000x16xf32, #tpu.memory_space<vmem_shared>> -> memref<10000x16xf32, #tpu.memory_space<vmem_shared>>
      tpu.enqueue_indirect_dma source(%dma_start3A_749 : memref<80x16xf32, #tpu.memory_space<vmem>>) target(%dma_start3A_755 : memref<10000x16xf32, #tpu.memory_space<vmem_shared>>) offsets(%dma_start3A_752 : memref<80xi32, #tpu.memory_space<vmem>>) semaphore(%arg15 : memref<!tpu.dma_semaphore, #tpu.memory_space<semaphore_mem>>) {add = true}
      %mul3A_756 = arith.constant 5 : i32
      %mul3A_757 = arith.muli %add3A_710, %mul3A_756 : i32
      %add3A_758 = arith.constant 3 : i32
      %add3A_759 = arith.addi %mul3A_757, %add3A_758 : i32
      %dma_start3A_760 = arith.constant 3 : i32
      %dma_start3A_761 = arith.constant 0 : i32
      %dma_start3A_762 = arith.constant 0 : i32
      %dma_start3A_763 = tpu.memref_slice %arg10[%dma_start3A_760, %dma_start3A_761, %dma_start3A_762] : memref<5x80x16xf32, #tpu.memory_space<vmem>> -> memref<1x80x16xf32, #tpu.memory_space<vmem>>
      %dma_start3A_764 = tpu.memref_squeeze %dma_start3A_763 : memref<1x80x16xf32, #tpu.memory_space<vmem>> -> memref<80x16xf32, #tpu.memory_space<vmem>>
      %dma_start3A_765 = arith.constant 0 : i32
      %dma_start3A_766 = tpu.memref_slice %arg8[%add3A_759, %dma_start3A_765] : memref<125x80xi32, #tpu.memory_space<vmem>> -> memref<1x80xi32, #tpu.memory_space<vmem>>
      %dma_start3A_767 = tpu.memref_squeeze %dma_start3A_766 : memref<1x80xi32, #tpu.memory_space<vmem>> -> memref<80xi32, #tpu.memory_space<vmem>>
      %dma_start3A_768 = arith.constant 0 : i32
      %dma_start3A_769 = arith.constant 0 : i32
      %dma_start3A_770 = tpu.memref_slice %arg6[%dma_start3A_768, %dma_start3A_769] : memref<10000x16xf32, #tpu.memory_space<vmem_shared>> -> memref<10000x16xf32, #tpu.memory_space<vmem_shared>>
      tpu.enqueue_indirect_dma source(%dma_start3A_764 : memref<80x16xf32, #tpu.memory_space<vmem>>) target(%dma_start3A_770 : memref<10000x16xf32, #tpu.memory_space<vmem_shared>>) offsets(%dma_start3A_767 : memref<80xi32, #tpu.memory_space<vmem>>) semaphore(%arg15 : memref<!tpu.dma_semaphore, #tpu.memory_space<semaphore_mem>>) {add = true}
      %mul3A_771 = arith.constant 5 : i32
      %mul3A_772 = arith.muli %add3A_710, %mul3A_771 : i32
      %add3A_773 = arith.constant 4 : i32
      %add3A_774 = arith.addi %mul3A_772, %add3A_773 : i32
      %dma_start3A_775 = arith.constant 4 : i32
      %dma_start3A_776 = arith.constant 0 : i32
      %dma_start3A_777 = arith.constant 0 : i32
      %dma_start3A_778 = tpu.memref_slice %arg10[%dma_start3A_775, %dma_start3A_776, %dma_start3A_777] : memref<5x80x16xf32, #tpu.memory_space<vmem>> -> memref<1x80x16xf32, #tpu.memory_space<vmem>>
      %dma_start3A_779 = tpu.memref_squeeze %dma_start3A_778 : memref<1x80x16xf32, #tpu.memory_space<vmem>> -> memref<80x16xf32, #tpu.memory_space<vmem>>
      %dma_start3A_780 = arith.constant 0 : i32
      %dma_start3A_781 = tpu.memref_slice %arg8[%add3A_774, %dma_start3A_780] : memref<125x80xi32, #tpu.memory_space<vmem>> -> memref<1x80xi32, #tpu.memory_space<vmem>>
      %dma_start3A_782 = tpu.memref_squeeze %dma_start3A_781 : memref<1x80xi32, #tpu.memory_space<vmem>> -> memref<80xi32, #tpu.memory_space<vmem>>
      %dma_start3A_783 = arith.constant 0 : i32
      %dma_start3A_784 = arith.constant 0 : i32
      %dma_start3A_785 = tpu.memref_slice %arg6[%dma_start3A_783, %dma_start3A_784] : memref<10000x16xf32, #tpu.memory_space<vmem_shared>> -> memref<10000x16xf32, #tpu.memory_space<vmem_shared>>
      tpu.enqueue_indirect_dma source(%dma_start3A_779 : memref<80x16xf32, #tpu.memory_space<vmem>>) target(%dma_start3A_785 : memref<10000x16xf32, #tpu.memory_space<vmem_shared>>) offsets(%dma_start3A_782 : memref<80xi32, #tpu.memory_space<vmem>>) semaphore(%arg15 : memref<!tpu.dma_semaphore, #tpu.memory_space<semaphore_mem>>) {add = true}
      %dma_wait3A_786 = arith.constant 0 : i32
      %dma_wait3A_787 = arith.constant 0 : i32
      %dma_wait3A_788 = arith.constant 0 : i32
      %dma_wait3A_789 = tpu.memref_slice %arg9[%dma_wait3A_786, %dma_wait3A_787, %dma_wait3A_788] : memref<5x80x16xf32, #tpu.memory_space<vmem>> -> memref<1x80x16xf32, #tpu.memory_space<vmem>>
      %dma_wait3A_790 = tpu.memref_squeeze %dma_wait3A_789 : memref<1x80x16xf32, #tpu.memory_space<vmem>> -> memref<80x16xf32, #tpu.memory_space<vmem>>
      %dma_wait3A_791 = arith.constant 0 : i32
      %dma_wait3A_792 = arith.constant 0 : i32
      %dma_wait3A_793 = tpu.memref_slice %arg2[%dma_wait3A_791, %dma_wait3A_792] : memref<10000x16xf32, #tpu.memory_space<hbm>> -> memref<80x16xf32, #tpu.memory_space<hbm>>
      %dma_wait3A_794 = arith.constant 0 : i32
      %dma_wait3A_795 = arith.constant 0 : i32
      %dma_wait3A_796 = tpu.memref_slice %arg9[%dma_wait3A_786, %dma_wait3A_794, %dma_wait3A_795] : memref<5x80x16xf32, #tpu.memory_space<vmem>> -> memref<1x80x16xf32, #tpu.memory_space<vmem>>
      %dma_wait3A_797 = tpu.memref_squeeze %dma_wait3A_796 : memref<1x80x16xf32, #tpu.memory_space<vmem>> -> memref<80x16xf32, #tpu.memory_space<vmem>>
      %dma_wait3A_798 = arith.constant 0 : i32
      %dma_wait3A_799 = arith.constant 0 : i32
      %dma_wait3A_800 = tpu.memref_slice %arg2[%dma_wait3A_798, %dma_wait3A_799] : memref<10000x16xf32, #tpu.memory_space<hbm>> -> memref<80x16xf32, #tpu.memory_space<hbm>>
      tpu.wait_dma2 semaphore(%arg14 : memref<!tpu.dma_semaphore, #tpu.memory_space<semaphore_mem>>) src(%dma_wait3A_800 : memref<80x16xf32, #tpu.memory_space<hbm>>) dst(%dma_wait3A_797 : memref<80x16xf32, #tpu.memory_space<vmem>>)
      %dma_wait3A_801 = arith.constant 0 : i32
      %dma_wait3A_802 = arith.constant 0 : i32
      %dma_wait3A_803 = arith.constant 0 : i32
      %dma_wait3A_804 = tpu.memref_slice %arg9[%dma_wait3A_801, %dma_wait3A_802, %dma_wait3A_803] : memref<5x80x16xf32, #tpu.memory_space<vmem>> -> memref<1x80x16xf32, #tpu.memory_space<vmem>>
      %dma_wait3A_805 = tpu.memref_squeeze %dma_wait3A_804 : memref<1x80x16xf32, #tpu.memory_space<vmem>> -> memref<80x16xf32, #tpu.memory_space<vmem>>
      %dma_wait3A_806 = arith.constant 0 : i32
      %dma_wait3A_807 = arith.constant 0 : i32
      %dma_wait3A_808 = tpu.memref_slice %arg2[%dma_wait3A_806, %dma_wait3A_807] : memref<10000x16xf32, #tpu.memory_space<hbm>> -> memref<80x16xf32, #tpu.memory_space<hbm>>
      %dma_wait3A_809 = arith.constant 0 : i32
      %dma_wait3A_810 = arith.constant 0 : i32
      %dma_wait3A_811 = tpu.memref_slice %arg9[%dma_wait3A_801, %dma_wait3A_809, %dma_wait3A_810] : memref<5x80x16xf32, #tpu.memory_space<vmem>> -> memref<1x80x16xf32, #tpu.memory_space<vmem>>
      %dma_wait3A_812 = tpu.memref_squeeze %dma_wait3A_811 : memref<1x80x16xf32, #tpu.memory_space<vmem>> -> memref<80x16xf32, #tpu.memory_space<vmem>>
      %dma_wait3A_813 = arith.constant 0 : i32
      %dma_wait3A_814 = arith.constant 0 : i32
      %dma_wait3A_815 = tpu.memref_slice %arg2[%dma_wait3A_813, %dma_wait3A_814] : memref<10000x16xf32, #tpu.memory_space<hbm>> -> memref<80x16xf32, #tpu.memory_space<hbm>>
      tpu.wait_dma2 semaphore(%arg14 : memref<!tpu.dma_semaphore, #tpu.memory_space<semaphore_mem>>) src(%dma_wait3A_815 : memref<80x16xf32, #tpu.memory_space<hbm>>) dst(%dma_wait3A_812 : memref<80x16xf32, #tpu.memory_space<vmem>>)
      %dma_wait3A_816 = arith.constant 0 : i32
      %dma_wait3A_817 = arith.constant 0 : i32
      %dma_wait3A_818 = arith.constant 0 : i32
      %dma_wait3A_819 = tpu.memref_slice %arg9[%dma_wait3A_816, %dma_wait3A_817, %dma_wait3A_818] : memref<5x80x16xf32, #tpu.memory_space<vmem>> -> memref<1x80x16xf32, #tpu.memory_space<vmem>>
      %dma_wait3A_820 = tpu.memref_squeeze %dma_wait3A_819 : memref<1x80x16xf32, #tpu.memory_space<vmem>> -> memref<80x16xf32, #tpu.memory_space<vmem>>
      %dma_wait3A_821 = arith.constant 0 : i32
      %dma_wait3A_822 = arith.constant 0 : i32
      %dma_wait3A_823 = tpu.memref_slice %arg2[%dma_wait3A_821, %dma_wait3A_822] : memref<10000x16xf32, #tpu.memory_space<hbm>> -> memref<80x16xf32, #tpu.memory_space<hbm>>
      %dma_wait3A_824 = arith.constant 0 : i32
      %dma_wait3A_825 = arith.constant 0 : i32
      %dma_wait3A_826 = tpu.memref_slice %arg9[%dma_wait3A_816, %dma_wait3A_824, %dma_wait3A_825] : memref<5x80x16xf32, #tpu.memory_space<vmem>> -> memref<1x80x16xf32, #tpu.memory_space<vmem>>
      %dma_wait3A_827 = tpu.memref_squeeze %dma_wait3A_826 : memref<1x80x16xf32, #tpu.memory_space<vmem>> -> memref<80x16xf32, #tpu.memory_space<vmem>>
      %dma_wait3A_828 = arith.constant 0 : i32
      %dma_wait3A_829 = arith.constant 0 : i32
      %dma_wait3A_830 = tpu.memref_slice %arg2[%dma_wait3A_828, %dma_wait3A_829] : memref<10000x16xf32, #tpu.memory_space<hbm>> -> memref<80x16xf32, #tpu.memory_space<hbm>>
      tpu.wait_dma2 semaphore(%arg14 : memref<!tpu.dma_semaphore, #tpu.memory_space<semaphore_mem>>) src(%dma_wait3A_830 : memref<80x16xf32, #tpu.memory_space<hbm>>) dst(%dma_wait3A_827 : memref<80x16xf32, #tpu.memory_space<vmem>>)
      %dma_wait3A_831 = arith.constant 0 : i32
      %dma_wait3A_832 = arith.constant 0 : i32
      %dma_wait3A_833 = arith.constant 0 : i32
      %dma_wait3A_834 = tpu.memref_slice %arg9[%dma_wait3A_831, %dma_wait3A_832, %dma_wait3A_833] : memref<5x80x16xf32, #tpu.memory_space<vmem>> -> memref<1x80x16xf32, #tpu.memory_space<vmem>>
      %dma_wait3A_835 = tpu.memref_squeeze %dma_wait3A_834 : memref<1x80x16xf32, #tpu.memory_space<vmem>> -> memref<80x16xf32, #tpu.memory_space<vmem>>
      %dma_wait3A_836 = arith.constant 0 : i32
      %dma_wait3A_837 = arith.constant 0 : i32
      %dma_wait3A_838 = tpu.memref_slice %arg2[%dma_wait3A_836, %dma_wait3A_837] : memref<10000x16xf32, #tpu.memory_space<hbm>> -> memref<80x16xf32, #tpu.memory_space<hbm>>
      %dma_wait3A_839 = arith.constant 0 : i32
      %dma_wait3A_840 = arith.constant 0 : i32
      %dma_wait3A_841 = tpu.memref_slice %arg9[%dma_wait3A_831, %dma_wait3A_839, %dma_wait3A_840] : memref<5x80x16xf32, #tpu.memory_space<vmem>> -> memref<1x80x16xf32, #tpu.memory_space<vmem>>
      %dma_wait3A_842 = tpu.memref_squeeze %dma_wait3A_841 : memref<1x80x16xf32, #tpu.memory_space<vmem>> -> memref<80x16xf32, #tpu.memory_space<vmem>>
      %dma_wait3A_843 = arith.constant 0 : i32
      %dma_wait3A_844 = arith.constant 0 : i32
      %dma_wait3A_845 = tpu.memref_slice %arg2[%dma_wait3A_843, %dma_wait3A_844] : memref<10000x16xf32, #tpu.memory_space<hbm>> -> memref<80x16xf32, #tpu.memory_space<hbm>>
      tpu.wait_dma2 semaphore(%arg14 : memref<!tpu.dma_semaphore, #tpu.memory_space<semaphore_mem>>) src(%dma_wait3A_845 : memref<80x16xf32, #tpu.memory_space<hbm>>) dst(%dma_wait3A_842 : memref<80x16xf32, #tpu.memory_space<vmem>>)
      %dma_wait3A_846 = arith.constant 0 : i32
      %dma_wait3A_847 = arith.constant 0 : i32
      %dma_wait3A_848 = arith.constant 0 : i32
      %dma_wait3A_849 = tpu.memref_slice %arg9[%dma_wait3A_846, %dma_wait3A_847, %dma_wait3A_848] : memref<5x80x16xf32, #tpu.memory_space<vmem>> -> memref<1x80x16xf32, #tpu.memory_space<vmem>>
      %dma_wait3A_850 = tpu.memref_squeeze %dma_wait3A_849 : memref<1x80x16xf32, #tpu.memory_space<vmem>> -> memref<80x16xf32, #tpu.memory_space<vmem>>
      %dma_wait3A_851 = arith.constant 0 : i32
      %dma_wait3A_852 = arith.constant 0 : i32
      %dma_wait3A_853 = tpu.memref_slice %arg2[%dma_wait3A_851, %dma_wait3A_852] : memref<10000x16xf32, #tpu.memory_space<hbm>> -> memref<80x16xf32, #tpu.memory_space<hbm>>
      %dma_wait3A_854 = arith.constant 0 : i32
      %dma_wait3A_855 = arith.constant 0 : i32
      %dma_wait3A_856 = tpu.memref_slice %arg9[%dma_wait3A_846, %dma_wait3A_854, %dma_wait3A_855] : memref<5x80x16xf32, #tpu.memory_space<vmem>> -> memref<1x80x16xf32, #tpu.memory_space<vmem>>
      %dma_wait3A_857 = tpu.memref_squeeze %dma_wait3A_856 : memref<1x80x16xf32, #tpu.memory_space<vmem>> -> memref<80x16xf32, #tpu.memory_space<vmem>>
      %dma_wait3A_858 = arith.constant 0 : i32
      %dma_wait3A_859 = arith.constant 0 : i32
      %dma_wait3A_860 = tpu.memref_slice %arg2[%dma_wait3A_858, %dma_wait3A_859] : memref<10000x16xf32, #tpu.memory_space<hbm>> -> memref<80x16xf32, #tpu.memory_space<hbm>>
      tpu.wait_dma2 semaphore(%arg14 : memref<!tpu.dma_semaphore, #tpu.memory_space<semaphore_mem>>) src(%dma_wait3A_860 : memref<80x16xf32, #tpu.memory_space<hbm>>) dst(%dma_wait3A_857 : memref<80x16xf32, #tpu.memory_space<vmem>>)
      %mul3A_861 = arith.constant 2 : i32
      %mul3A_862 = arith.muli %mul3A_861, %scan3A_397 : i32
      %add3A_863 = arith.constant 2 : i32
      %add3A_864 = arith.addi %mul3A_862, %add3A_863 : i32
      %mul3A_865 = arith.constant 5 : i32
      %mul3A_866 = arith.muli %add3A_864, %mul3A_865 : i32
      %add3A_867 = arith.constant 0 : i32
      %add3A_868 = arith.addi %mul3A_866, %add3A_867 : i32
      %dma_start3A_869 = arith.constant 0 : i32
      %dma_start3A_870 = arith.constant 0 : i32
      %dma_start3A_871 = arith.constant 0 : i32
      %dma_start3A_872 = tpu.memref_slice %arg9[%dma_start3A_869, %dma_start3A_870, %dma_start3A_871] : memref<5x80x16xf32, #tpu.memory_space<vmem>> -> memref<1x80x16xf32, #tpu.memory_space<vmem>>
      %dma_start3A_873 = tpu.memref_squeeze %dma_start3A_872 : memref<1x80x16xf32, #tpu.memory_space<vmem>> -> memref<80x16xf32, #tpu.memory_space<vmem>>
      %dma_start3A_874 = arith.constant 0 : i32
      %dma_start3A_875 = tpu.memref_slice %arg7[%add3A_868, %dma_start3A_874] : memref<125x80xi32, #tpu.memory_space<vmem>> -> memref<1x80xi32, #tpu.memory_space<vmem>>
      %dma_start3A_876 = tpu.memref_squeeze %dma_start3A_875 : memref<1x80xi32, #tpu.memory_space<vmem>> -> memref<80xi32, #tpu.memory_space<vmem>>
      %dma_start3A_877 = arith.constant 0 : i32
      %dma_start3A_878 = arith.constant 0 : i32
      %dma_start3A_879 = tpu.memref_slice %arg2[%dma_start3A_877, %dma_start3A_878] : memref<10000x16xf32, #tpu.memory_space<hbm>> -> memref<10000x16xf32, #tpu.memory_space<hbm>>
      tpu.enqueue_indirect_dma source(%dma_start3A_879 : memref<10000x16xf32, #tpu.memory_space<hbm>>) target(%dma_start3A_873 : memref<80x16xf32, #tpu.memory_space<vmem>>) offsets(%dma_start3A_876 : memref<80xi32, #tpu.memory_space<vmem>>) semaphore(%arg12 : memref<!tpu.dma_semaphore, #tpu.memory_space<semaphore_mem>>)
      %mul3A_880 = arith.constant 5 : i32
      %mul3A_881 = arith.muli %add3A_864, %mul3A_880 : i32
      %add3A_882 = arith.constant 1 : i32
      %add3A_883 = arith.addi %mul3A_881, %add3A_882 : i32
      %dma_start3A_884 = arith.constant 1 : i32
      %dma_start3A_885 = arith.constant 0 : i32
      %dma_start3A_886 = arith.constant 0 : i32
      %dma_start3A_887 = tpu.memref_slice %arg9[%dma_start3A_884, %dma_start3A_885, %dma_start3A_886] : memref<5x80x16xf32, #tpu.memory_space<vmem>> -> memref<1x80x16xf32, #tpu.memory_space<vmem>>
      %dma_start3A_888 = tpu.memref_squeeze %dma_start3A_887 : memref<1x80x16xf32, #tpu.memory_space<vmem>> -> memref<80x16xf32, #tpu.memory_space<vmem>>
      %dma_start3A_889 = arith.constant 0 : i32
      %dma_start3A_890 = tpu.memref_slice %arg7[%add3A_883, %dma_start3A_889] : memref<125x80xi32, #tpu.memory_space<vmem>> -> memref<1x80xi32, #tpu.memory_space<vmem>>
      %dma_start3A_891 = tpu.memref_squeeze %dma_start3A_890 : memref<1x80xi32, #tpu.memory_space<vmem>> -> memref<80xi32, #tpu.memory_space<vmem>>
      %dma_start3A_892 = arith.constant 0 : i32
      %dma_start3A_893 = arith.constant 0 : i32
      %dma_start3A_894 = tpu.memref_slice %arg2[%dma_start3A_892, %dma_start3A_893] : memref<10000x16xf32, #tpu.memory_space<hbm>> -> memref<10000x16xf32, #tpu.memory_space<hbm>>
      tpu.enqueue_indirect_dma source(%dma_start3A_894 : memref<10000x16xf32, #tpu.memory_space<hbm>>) target(%dma_start3A_888 : memref<80x16xf32, #tpu.memory_space<vmem>>) offsets(%dma_start3A_891 : memref<80xi32, #tpu.memory_space<vmem>>) semaphore(%arg12 : memref<!tpu.dma_semaphore, #tpu.memory_space<semaphore_mem>>)
      %mul3A_895 = arith.constant 5 : i32
      %mul3A_896 = arith.muli %add3A_864, %mul3A_895 : i32
      %add3A_897 = arith.constant 2 : i32
      %add3A_898 = arith.addi %mul3A_896, %add3A_897 : i32
      %dma_start3A_899 = arith.constant 2 : i32
      %dma_start3A_900 = arith.constant 0 : i32
      %dma_start3A_901 = arith.constant 0 : i32
      %dma_start3A_902 = tpu.memref_slice %arg9[%dma_start3A_899, %dma_start3A_900, %dma_start3A_901] : memref<5x80x16xf32, #tpu.memory_space<vmem>> -> memref<1x80x16xf32, #tpu.memory_space<vmem>>
      %dma_start3A_903 = tpu.memref_squeeze %dma_start3A_902 : memref<1x80x16xf32, #tpu.memory_space<vmem>> -> memref<80x16xf32, #tpu.memory_space<vmem>>
      %dma_start3A_904 = arith.constant 0 : i32
      %dma_start3A_905 = tpu.memref_slice %arg7[%add3A_898, %dma_start3A_904] : memref<125x80xi32, #tpu.memory_space<vmem>> -> memref<1x80xi32, #tpu.memory_space<vmem>>
      %dma_start3A_906 = tpu.memref_squeeze %dma_start3A_905 : memref<1x80xi32, #tpu.memory_space<vmem>> -> memref<80xi32, #tpu.memory_space<vmem>>
      %dma_start3A_907 = arith.constant 0 : i32
      %dma_start3A_908 = arith.constant 0 : i32
      %dma_start3A_909 = tpu.memref_slice %arg2[%dma_start3A_907, %dma_start3A_908] : memref<10000x16xf32, #tpu.memory_space<hbm>> -> memref<10000x16xf32, #tpu.memory_space<hbm>>
      tpu.enqueue_indirect_dma source(%dma_start3A_909 : memref<10000x16xf32, #tpu.memory_space<hbm>>) target(%dma_start3A_903 : memref<80x16xf32, #tpu.memory_space<vmem>>) offsets(%dma_start3A_906 : memref<80xi32, #tpu.memory_space<vmem>>) semaphore(%arg12 : memref<!tpu.dma_semaphore, #tpu.memory_space<semaphore_mem>>)
      %mul3A_910 = arith.constant 5 : i32
      %mul3A_911 = arith.muli %add3A_864, %mul3A_910 : i32
      %add3A_912 = arith.constant 3 : i32
      %add3A_913 = arith.addi %mul3A_911, %add3A_912 : i32
      %dma_start3A_914 = arith.constant 3 : i32
      %dma_start3A_915 = arith.constant 0 : i32
      %dma_start3A_916 = arith.constant 0 : i32
      %dma_start3A_917 = tpu.memref_slice %arg9[%dma_start3A_914, %dma_start3A_915, %dma_start3A_916] : memref<5x80x16xf32, #tpu.memory_space<vmem>> -> memref<1x80x16xf32, #tpu.memory_space<vmem>>
      %dma_start3A_918 = tpu.memref_squeeze %dma_start3A_917 : memref<1x80x16xf32, #tpu.memory_space<vmem>> -> memref<80x16xf32, #tpu.memory_space<vmem>>
      %dma_start3A_919 = arith.constant 0 : i32
      %dma_start3A_920 = tpu.memref_slice %arg7[%add3A_913, %dma_start3A_919] : memref<125x80xi32, #tpu.memory_space<vmem>> -> memref<1x80xi32, #tpu.memory_space<vmem>>
      %dma_start3A_921 = tpu.memref_squeeze %dma_start3A_920 : memref<1x80xi32, #tpu.memory_space<vmem>> -> memref<80xi32, #tpu.memory_space<vmem>>
      %dma_start3A_922 = arith.constant 0 : i32
      %dma_start3A_923 = arith.constant 0 : i32
      %dma_start3A_924 = tpu.memref_slice %arg2[%dma_start3A_922, %dma_start3A_923] : memref<10000x16xf32, #tpu.memory_space<hbm>> -> memref<10000x16xf32, #tpu.memory_space<hbm>>
      tpu.enqueue_indirect_dma source(%dma_start3A_924 : memref<10000x16xf32, #tpu.memory_space<hbm>>) target(%dma_start3A_918 : memref<80x16xf32, #tpu.memory_space<vmem>>) offsets(%dma_start3A_921 : memref<80xi32, #tpu.memory_space<vmem>>) semaphore(%arg12 : memref<!tpu.dma_semaphore, #tpu.memory_space<semaphore_mem>>)
      %mul3A_925 = arith.constant 5 : i32
      %mul3A_926 = arith.muli %add3A_864, %mul3A_925 : i32
      %add3A_927 = arith.constant 4 : i32
      %add3A_928 = arith.addi %mul3A_926, %add3A_927 : i32
      %dma_start3A_929 = arith.constant 4 : i32
      %dma_start3A_930 = arith.constant 0 : i32
      %dma_start3A_931 = arith.constant 0 : i32
      %dma_start3A_932 = tpu.memref_slice %arg9[%dma_start3A_929, %dma_start3A_930, %dma_start3A_931] : memref<5x80x16xf32, #tpu.memory_space<vmem>> -> memref<1x80x16xf32, #tpu.memory_space<vmem>>
      %dma_start3A_933 = tpu.memref_squeeze %dma_start3A_932 : memref<1x80x16xf32, #tpu.memory_space<vmem>> -> memref<80x16xf32, #tpu.memory_space<vmem>>
      %dma_start3A_934 = arith.constant 0 : i32
      %dma_start3A_935 = tpu.memref_slice %arg7[%add3A_928, %dma_start3A_934] : memref<125x80xi32, #tpu.memory_space<vmem>> -> memref<1x80xi32, #tpu.memory_space<vmem>>
      %dma_start3A_936 = tpu.memref_squeeze %dma_start3A_935 : memref<1x80xi32, #tpu.memory_space<vmem>> -> memref<80xi32, #tpu.memory_space<vmem>>
      %dma_start3A_937 = arith.constant 0 : i32
      %dma_start3A_938 = arith.constant 0 : i32
      %dma_start3A_939 = tpu.memref_slice %arg2[%dma_start3A_937, %dma_start3A_938] : memref<10000x16xf32, #tpu.memory_space<hbm>> -> memref<10000x16xf32, #tpu.memory_space<hbm>>
      tpu.enqueue_indirect_dma source(%dma_start3A_939 : memref<10000x16xf32, #tpu.memory_space<hbm>>) target(%dma_start3A_933 : memref<80x16xf32, #tpu.memory_space<vmem>>) offsets(%dma_start3A_936 : memref<80xi32, #tpu.memory_space<vmem>>) semaphore(%arg12 : memref<!tpu.dma_semaphore, #tpu.memory_space<semaphore_mem>>)
      %scan3A_940 = arith.constant 0 : i32
      scf.yield %scan3A_940 : i32
    }
    %scan3A_106 = arith.constant 12 : i32
    %dma_wait3A_107 = arith.constant 0 : i32
    %dma_wait3A_108 = arith.constant 0 : i32
    %dma_wait3A_109 = arith.constant 0 : i32
    %dma_wait3A_110 = tpu.memref_slice %arg9[%dma_wait3A_107, %dma_wait3A_108, %dma_wait3A_109] : memref<5x80x16xf32, #tpu.memory_space<vmem>> -> memref<1x80x16xf32, #tpu.memory_space<vmem>>
    %dma_wait3A_111 = tpu.memref_squeeze %dma_wait3A_110 : memref<1x80x16xf32, #tpu.memory_space<vmem>> -> memref<80x16xf32, #tpu.memory_space<vmem>>
    %dma_wait3A_112 = arith.constant 0 : i32
    %dma_wait3A_113 = arith.constant 0 : i32
    %dma_wait3A_114 = tpu.memref_slice %arg2[%dma_wait3A_112, %dma_wait3A_113] : memref<10000x16xf32, #tpu.memory_space<hbm>> -> memref<80x16xf32, #tpu.memory_space<hbm>>
    %dma_wait3A_115 = arith.constant 0 : i32
    %dma_wait3A_116 = arith.constant 0 : i32
    %dma_wait3A_117 = tpu.memref_slice %arg9[%dma_wait3A_107, %dma_wait3A_115, %dma_wait3A_116] : memref<5x80x16xf32, #tpu.memory_space<vmem>> -> memref<1x80x16xf32, #tpu.memory_space<vmem>>
    %dma_wait3A_118 = tpu.memref_squeeze %dma_wait3A_117 : memref<1x80x16xf32, #tpu.memory_space<vmem>> -> memref<80x16xf32, #tpu.memory_space<vmem>>
    %dma_wait3A_119 = arith.constant 0 : i32
    %dma_wait3A_120 = arith.constant 0 : i32
    %dma_wait3A_121 = tpu.memref_slice %arg2[%dma_wait3A_119, %dma_wait3A_120] : memref<10000x16xf32, #tpu.memory_space<hbm>> -> memref<80x16xf32, #tpu.memory_space<hbm>>
    tpu.wait_dma2 semaphore(%arg12 : memref<!tpu.dma_semaphore, #tpu.memory_space<semaphore_mem>>) src(%dma_wait3A_121 : memref<80x16xf32, #tpu.memory_space<hbm>>) dst(%dma_wait3A_118 : memref<80x16xf32, #tpu.memory_space<vmem>>)
    %dma_wait3A_122 = arith.constant 0 : i32
    %dma_wait3A_123 = arith.constant 0 : i32
    %dma_wait3A_124 = arith.constant 0 : i32
    %dma_wait3A_125 = tpu.memref_slice %arg9[%dma_wait3A_122, %dma_wait3A_123, %dma_wait3A_124] : memref<5x80x16xf32, #tpu.memory_space<vmem>> -> memref<1x80x16xf32, #tpu.memory_space<vmem>>
    %dma_wait3A_126 = tpu.memref_squeeze %dma_wait3A_125 : memref<1x80x16xf32, #tpu.memory_space<vmem>> -> memref<80x16xf32, #tpu.memory_space<vmem>>
    %dma_wait3A_127 = arith.constant 0 : i32
    %dma_wait3A_128 = arith.constant 0 : i32
    %dma_wait3A_129 = tpu.memref_slice %arg2[%dma_wait3A_127, %dma_wait3A_128] : memref<10000x16xf32, #tpu.memory_space<hbm>> -> memref<80x16xf32, #tpu.memory_space<hbm>>
    %dma_wait3A_130 = arith.constant 0 : i32
    %dma_wait3A_131 = arith.constant 0 : i32
    %dma_wait3A_132 = tpu.memref_slice %arg9[%dma_wait3A_122, %dma_wait3A_130, %dma_wait3A_131] : memref<5x80x16xf32, #tpu.memory_space<vmem>> -> memref<1x80x16xf32, #tpu.memory_space<vmem>>
    %dma_wait3A_133 = tpu.memref_squeeze %dma_wait3A_132 : memref<1x80x16xf32, #tpu.memory_space<vmem>> -> memref<80x16xf32, #tpu.memory_space<vmem>>
    %dma_wait3A_134 = arith.constant 0 : i32
    %dma_wait3A_135 = arith.constant 0 : i32
    %dma_wait3A_136 = tpu.memref_slice %arg2[%dma_wait3A_134, %dma_wait3A_135] : memref<10000x16xf32, #tpu.memory_space<hbm>> -> memref<80x16xf32, #tpu.memory_space<hbm>>
    tpu.wait_dma2 semaphore(%arg12 : memref<!tpu.dma_semaphore, #tpu.memory_space<semaphore_mem>>) src(%dma_wait3A_136 : memref<80x16xf32, #tpu.memory_space<hbm>>) dst(%dma_wait3A_133 : memref<80x16xf32, #tpu.memory_space<vmem>>)
    %dma_wait3A_137 = arith.constant 0 : i32
    %dma_wait3A_138 = arith.constant 0 : i32
    %dma_wait3A_139 = arith.constant 0 : i32
    %dma_wait3A_140 = tpu.memref_slice %arg9[%dma_wait3A_137, %dma_wait3A_138, %dma_wait3A_139] : memref<5x80x16xf32, #tpu.memory_space<vmem>> -> memref<1x80x16xf32, #tpu.memory_space<vmem>>
    %dma_wait3A_141 = tpu.memref_squeeze %dma_wait3A_140 : memref<1x80x16xf32, #tpu.memory_space<vmem>> -> memref<80x16xf32, #tpu.memory_space<vmem>>
    %dma_wait3A_142 = arith.constant 0 : i32
    %dma_wait3A_143 = arith.constant 0 : i32
    %dma_wait3A_144 = tpu.memref_slice %arg2[%dma_wait3A_142, %dma_wait3A_143] : memref<10000x16xf32, #tpu.memory_space<hbm>> -> memref<80x16xf32, #tpu.memory_space<hbm>>
    %dma_wait3A_145 = arith.constant 0 : i32
    %dma_wait3A_146 = arith.constant 0 : i32
    %dma_wait3A_147 = tpu.memref_slice %arg9[%dma_wait3A_137, %dma_wait3A_145, %dma_wait3A_146] : memref<5x80x16xf32, #tpu.memory_space<vmem>> -> memref<1x80x16xf32, #tpu.memory_space<vmem>>
    %dma_wait3A_148 = tpu.memref_squeeze %dma_wait3A_147 : memref<1x80x16xf32, #tpu.memory_space<vmem>> -> memref<80x16xf32, #tpu.memory_space<vmem>>
    %dma_wait3A_149 = arith.constant 0 : i32
    %dma_wait3A_150 = arith.constant 0 : i32
    %dma_wait3A_151 = tpu.memref_slice %arg2[%dma_wait3A_149, %dma_wait3A_150] : memref<10000x16xf32, #tpu.memory_space<hbm>> -> memref<80x16xf32, #tpu.memory_space<hbm>>
    tpu.wait_dma2 semaphore(%arg12 : memref<!tpu.dma_semaphore, #tpu.memory_space<semaphore_mem>>) src(%dma_wait3A_151 : memref<80x16xf32, #tpu.memory_space<hbm>>) dst(%dma_wait3A_148 : memref<80x16xf32, #tpu.memory_space<vmem>>)
    %dma_wait3A_152 = arith.constant 0 : i32
    %dma_wait3A_153 = arith.constant 0 : i32
    %dma_wait3A_154 = arith.constant 0 : i32
    %dma_wait3A_155 = tpu.memref_slice %arg9[%dma_wait3A_152, %dma_wait3A_153, %dma_wait3A_154] : memref<5x80x16xf32, #tpu.memory_space<vmem>> -> memref<1x80x16xf32, #tpu.memory_space<vmem>>
    %dma_wait3A_156 = tpu.memref_squeeze %dma_wait3A_155 : memref<1x80x16xf32, #tpu.memory_space<vmem>> -> memref<80x16xf32, #tpu.memory_space<vmem>>
    %dma_wait3A_157 = arith.constant 0 : i32
    %dma_wait3A_158 = arith.constant 0 : i32
    %dma_wait3A_159 = tpu.memref_slice %arg2[%dma_wait3A_157, %dma_wait3A_158] : memref<10000x16xf32, #tpu.memory_space<hbm>> -> memref<80x16xf32, #tpu.memory_space<hbm>>
    %dma_wait3A_160 = arith.constant 0 : i32
    %dma_wait3A_161 = arith.constant 0 : i32
    %dma_wait3A_162 = tpu.memref_slice %arg9[%dma_wait3A_152, %dma_wait3A_160, %dma_wait3A_161] : memref<5x80x16xf32, #tpu.memory_space<vmem>> -> memref<1x80x16xf32, #tpu.memory_space<vmem>>
    %dma_wait3A_163 = tpu.memref_squeeze %dma_wait3A_162 : memref<1x80x16xf32, #tpu.memory_space<vmem>> -> memref<80x16xf32, #tpu.memory_space<vmem>>
    %dma_wait3A_164 = arith.constant 0 : i32
    %dma_wait3A_165 = arith.constant 0 : i32
    %dma_wait3A_166 = tpu.memref_slice %arg2[%dma_wait3A_164, %dma_wait3A_165] : memref<10000x16xf32, #tpu.memory_space<hbm>> -> memref<80x16xf32, #tpu.memory_space<hbm>>
    tpu.wait_dma2 semaphore(%arg12 : memref<!tpu.dma_semaphore, #tpu.memory_space<semaphore_mem>>) src(%dma_wait3A_166 : memref<80x16xf32, #tpu.memory_space<hbm>>) dst(%dma_wait3A_163 : memref<80x16xf32, #tpu.memory_space<vmem>>)
    %dma_wait3A_167 = arith.constant 0 : i32
    %dma_wait3A_168 = arith.constant 0 : i32
    %dma_wait3A_169 = arith.constant 0 : i32
    %dma_wait3A_170 = tpu.memref_slice %arg9[%dma_wait3A_167, %dma_wait3A_168, %dma_wait3A_169] : memref<5x80x16xf32, #tpu.memory_space<vmem>> -> memref<1x80x16xf32, #tpu.memory_space<vmem>>
    %dma_wait3A_171 = tpu.memref_squeeze %dma_wait3A_170 : memref<1x80x16xf32, #tpu.memory_space<vmem>> -> memref<80x16xf32, #tpu.memory_space<vmem>>
    %dma_wait3A_172 = arith.constant 0 : i32
    %dma_wait3A_173 = arith.constant 0 : i32
    %dma_wait3A_174 = tpu.memref_slice %arg2[%dma_wait3A_172, %dma_wait3A_173] : memref<10000x16xf32, #tpu.memory_space<hbm>> -> memref<80x16xf32, #tpu.memory_space<hbm>>
    %dma_wait3A_175 = arith.constant 0 : i32
    %dma_wait3A_176 = arith.constant 0 : i32
    %dma_wait3A_177 = tpu.memref_slice %arg9[%dma_wait3A_167, %dma_wait3A_175, %dma_wait3A_176] : memref<5x80x16xf32, #tpu.memory_space<vmem>> -> memref<1x80x16xf32, #tpu.memory_space<vmem>>
    %dma_wait3A_178 = tpu.memref_squeeze %dma_wait3A_177 : memref<1x80x16xf32, #tpu.memory_space<vmem>> -> memref<80x16xf32, #tpu.memory_space<vmem>>
    %dma_wait3A_179 = arith.constant 0 : i32
    %dma_wait3A_180 = arith.constant 0 : i32
    %dma_wait3A_181 = tpu.memref_slice %arg2[%dma_wait3A_179, %dma_wait3A_180] : memref<10000x16xf32, #tpu.memory_space<hbm>> -> memref<80x16xf32, #tpu.memory_space<hbm>>
    tpu.wait_dma2 semaphore(%arg12 : memref<!tpu.dma_semaphore, #tpu.memory_space<semaphore_mem>>) src(%dma_wait3A_181 : memref<80x16xf32, #tpu.memory_space<hbm>>) dst(%dma_wait3A_178 : memref<80x16xf32, #tpu.memory_space<vmem>>)
    %dma_start3A_182 = arith.constant 0 : i32
    %dma_start3A_183 = arith.constant 120 : i32
    %dma_start3A_184 = arith.constant 0 : i32
    %dma_start3A_185 = arith.constant 0 : i32
    %dma_start3A_186 = tpu.memref_slice %arg9[%dma_start3A_182, %dma_start3A_184, %dma_start3A_185] : memref<5x80x16xf32, #tpu.memory_space<vmem>> -> memref<1x80x16xf32, #tpu.memory_space<vmem>>
    %dma_start3A_187 = tpu.memref_squeeze %dma_start3A_186 : memref<1x80x16xf32, #tpu.memory_space<vmem>> -> memref<80x16xf32, #tpu.memory_space<vmem>>
    %dma_start3A_188 = arith.constant 0 : i32
    %dma_start3A_189 = tpu.memref_slice %arg8[%dma_start3A_183, %dma_start3A_188] : memref<125x80xi32, #tpu.memory_space<vmem>> -> memref<1x80xi32, #tpu.memory_space<vmem>>
    %dma_start3A_190 = tpu.memref_squeeze %dma_start3A_189 : memref<1x80xi32, #tpu.memory_space<vmem>> -> memref<80xi32, #tpu.memory_space<vmem>>
    %dma_start3A_191 = arith.constant 0 : i32
    %dma_start3A_192 = arith.constant 0 : i32
    %dma_start3A_193 = tpu.memref_slice %arg6[%dma_start3A_191, %dma_start3A_192] : memref<10000x16xf32, #tpu.memory_space<vmem_shared>> -> memref<10000x16xf32, #tpu.memory_space<vmem_shared>>
    tpu.enqueue_indirect_dma source(%dma_start3A_187 : memref<80x16xf32, #tpu.memory_space<vmem>>) target(%dma_start3A_193 : memref<10000x16xf32, #tpu.memory_space<vmem_shared>>) offsets(%dma_start3A_190 : memref<80xi32, #tpu.memory_space<vmem>>) semaphore(%arg14 : memref<!tpu.dma_semaphore, #tpu.memory_space<semaphore_mem>>) {add = true}
    %dma_start3A_194 = arith.constant 1 : i32
    %dma_start3A_195 = arith.constant 121 : i32
    %dma_start3A_196 = arith.constant 0 : i32
    %dma_start3A_197 = arith.constant 0 : i32
    %dma_start3A_198 = tpu.memref_slice %arg9[%dma_start3A_194, %dma_start3A_196, %dma_start3A_197] : memref<5x80x16xf32, #tpu.memory_space<vmem>> -> memref<1x80x16xf32, #tpu.memory_space<vmem>>
    %dma_start3A_199 = tpu.memref_squeeze %dma_start3A_198 : memref<1x80x16xf32, #tpu.memory_space<vmem>> -> memref<80x16xf32, #tpu.memory_space<vmem>>
    %dma_start3A_200 = arith.constant 0 : i32
    %dma_start3A_201 = tpu.memref_slice %arg8[%dma_start3A_195, %dma_start3A_200] : memref<125x80xi32, #tpu.memory_space<vmem>> -> memref<1x80xi32, #tpu.memory_space<vmem>>
    %dma_start3A_202 = tpu.memref_squeeze %dma_start3A_201 : memref<1x80xi32, #tpu.memory_space<vmem>> -> memref<80xi32, #tpu.memory_space<vmem>>
    %dma_start3A_203 = arith.constant 0 : i32
    %dma_start3A_204 = arith.constant 0 : i32
    %dma_start3A_205 = tpu.memref_slice %arg6[%dma_start3A_203, %dma_start3A_204] : memref<10000x16xf32, #tpu.memory_space<vmem_shared>> -> memref<10000x16xf32, #tpu.memory_space<vmem_shared>>
    tpu.enqueue_indirect_dma source(%dma_start3A_199 : memref<80x16xf32, #tpu.memory_space<vmem>>) target(%dma_start3A_205 : memref<10000x16xf32, #tpu.memory_space<vmem_shared>>) offsets(%dma_start3A_202 : memref<80xi32, #tpu.memory_space<vmem>>) semaphore(%arg14 : memref<!tpu.dma_semaphore, #tpu.memory_space<semaphore_mem>>) {add = true}
    %dma_start3A_206 = arith.constant 2 : i32
    %dma_start3A_207 = arith.constant 122 : i32
    %dma_start3A_208 = arith.constant 0 : i32
    %dma_start3A_209 = arith.constant 0 : i32
    %dma_start3A_210 = tpu.memref_slice %arg9[%dma_start3A_206, %dma_start3A_208, %dma_start3A_209] : memref<5x80x16xf32, #tpu.memory_space<vmem>> -> memref<1x80x16xf32, #tpu.memory_space<vmem>>
    %dma_start3A_211 = tpu.memref_squeeze %dma_start3A_210 : memref<1x80x16xf32, #tpu.memory_space<vmem>> -> memref<80x16xf32, #tpu.memory_space<vmem>>
    %dma_start3A_212 = arith.constant 0 : i32
    %dma_start3A_213 = tpu.memref_slice %arg8[%dma_start3A_207, %dma_start3A_212] : memref<125x80xi32, #tpu.memory_space<vmem>> -> memref<1x80xi32, #tpu.memory_space<vmem>>
    %dma_start3A_214 = tpu.memref_squeeze %dma_start3A_213 : memref<1x80xi32, #tpu.memory_space<vmem>> -> memref<80xi32, #tpu.memory_space<vmem>>
    %dma_start3A_215 = arith.constant 0 : i32
    %dma_start3A_216 = arith.constant 0 : i32
    %dma_start3A_217 = tpu.memref_slice %arg6[%dma_start3A_215, %dma_start3A_216] : memref<10000x16xf32, #tpu.memory_space<vmem_shared>> -> memref<10000x16xf32, #tpu.memory_space<vmem_shared>>
    tpu.enqueue_indirect_dma source(%dma_start3A_211 : memref<80x16xf32, #tpu.memory_space<vmem>>) target(%dma_start3A_217 : memref<10000x16xf32, #tpu.memory_space<vmem_shared>>) offsets(%dma_start3A_214 : memref<80xi32, #tpu.memory_space<vmem>>) semaphore(%arg14 : memref<!tpu.dma_semaphore, #tpu.memory_space<semaphore_mem>>) {add = true}
    %dma_start3A_218 = arith.constant 3 : i32
    %dma_start3A_219 = arith.constant 123 : i32
    %dma_start3A_220 = arith.constant 0 : i32
    %dma_start3A_221 = arith.constant 0 : i32
    %dma_start3A_222 = tpu.memref_slice %arg9[%dma_start3A_218, %dma_start3A_220, %dma_start3A_221] : memref<5x80x16xf32, #tpu.memory_space<vmem>> -> memref<1x80x16xf32, #tpu.memory_space<vmem>>
    %dma_start3A_223 = tpu.memref_squeeze %dma_start3A_222 : memref<1x80x16xf32, #tpu.memory_space<vmem>> -> memref<80x16xf32, #tpu.memory_space<vmem>>
    %dma_start3A_224 = arith.constant 0 : i32
    %dma_start3A_225 = tpu.memref_slice %arg8[%dma_start3A_219, %dma_start3A_224] : memref<125x80xi32, #tpu.memory_space<vmem>> -> memref<1x80xi32, #tpu.memory_space<vmem>>
    %dma_start3A_226 = tpu.memref_squeeze %dma_start3A_225 : memref<1x80xi32, #tpu.memory_space<vmem>> -> memref<80xi32, #tpu.memory_space<vmem>>
    %dma_start3A_227 = arith.constant 0 : i32
    %dma_start3A_228 = arith.constant 0 : i32
    %dma_start3A_229 = tpu.memref_slice %arg6[%dma_start3A_227, %dma_start3A_228] : memref<10000x16xf32, #tpu.memory_space<vmem_shared>> -> memref<10000x16xf32, #tpu.memory_space<vmem_shared>>
    tpu.enqueue_indirect_dma source(%dma_start3A_223 : memref<80x16xf32, #tpu.memory_space<vmem>>) target(%dma_start3A_229 : memref<10000x16xf32, #tpu.memory_space<vmem_shared>>) offsets(%dma_start3A_226 : memref<80xi32, #tpu.memory_space<vmem>>) semaphore(%arg14 : memref<!tpu.dma_semaphore, #tpu.memory_space<semaphore_mem>>) {add = true}
    %dma_start3A_230 = arith.constant 4 : i32
    %dma_start3A_231 = arith.constant 124 : i32
    %dma_start3A_232 = arith.constant 0 : i32
    %dma_start3A_233 = arith.constant 0 : i32
    %dma_start3A_234 = tpu.memref_slice %arg9[%dma_start3A_230, %dma_start3A_232, %dma_start3A_233] : memref<5x80x16xf32, #tpu.memory_space<vmem>> -> memref<1x80x16xf32, #tpu.memory_space<vmem>>
    %dma_start3A_235 = tpu.memref_squeeze %dma_start3A_234 : memref<1x80x16xf32, #tpu.memory_space<vmem>> -> memref<80x16xf32, #tpu.memory_space<vmem>>
    %dma_start3A_236 = arith.constant 0 : i32
    %dma_start3A_237 = tpu.memref_slice %arg8[%dma_start3A_231, %dma_start3A_236] : memref<125x80xi32, #tpu.memory_space<vmem>> -> memref<1x80xi32, #tpu.memory_space<vmem>>
    %dma_start3A_238 = tpu.memref_squeeze %dma_start3A_237 : memref<1x80xi32, #tpu.memory_space<vmem>> -> memref<80xi32, #tpu.memory_space<vmem>>
    %dma_start3A_239 = arith.constant 0 : i32
    %dma_start3A_240 = arith.constant 0 : i32
    %dma_start3A_241 = tpu.memref_slice %arg6[%dma_start3A_239, %dma_start3A_240] : memref<10000x16xf32, #tpu.memory_space<vmem_shared>> -> memref<10000x16xf32, #tpu.memory_space<vmem_shared>>
    tpu.enqueue_indirect_dma source(%dma_start3A_235 : memref<80x16xf32, #tpu.memory_space<vmem>>) target(%dma_start3A_241 : memref<10000x16xf32, #tpu.memory_space<vmem_shared>>) offsets(%dma_start3A_238 : memref<80xi32, #tpu.memory_space<vmem>>) semaphore(%arg14 : memref<!tpu.dma_semaphore, #tpu.memory_space<semaphore_mem>>) {add = true}
    %dma_wait3A_242 = arith.constant 0 : i32
    %dma_wait3A_243 = arith.constant 0 : i32
    %dma_wait3A_244 = arith.constant 0 : i32
    %dma_wait3A_245 = tpu.memref_slice %arg9[%dma_wait3A_242, %dma_wait3A_243, %dma_wait3A_244] : memref<5x80x16xf32, #tpu.memory_space<vmem>> -> memref<1x80x16xf32, #tpu.memory_space<vmem>>
    %dma_wait3A_246 = tpu.memref_squeeze %dma_wait3A_245 : memref<1x80x16xf32, #tpu.memory_space<vmem>> -> memref<80x16xf32, #tpu.memory_space<vmem>>
    %dma_wait3A_247 = arith.constant 0 : i32
    %dma_wait3A_248 = arith.constant 0 : i32
    %dma_wait3A_249 = tpu.memref_slice %arg2[%dma_wait3A_247, %dma_wait3A_248] : memref<10000x16xf32, #tpu.memory_space<hbm>> -> memref<80x16xf32, #tpu.memory_space<hbm>>
    %dma_wait3A_250 = arith.constant 0 : i32
    %dma_wait3A_251 = arith.constant 0 : i32
    %dma_wait3A_252 = tpu.memref_slice %arg9[%dma_wait3A_242, %dma_wait3A_250, %dma_wait3A_251] : memref<5x80x16xf32, #tpu.memory_space<vmem>> -> memref<1x80x16xf32, #tpu.memory_space<vmem>>
    %dma_wait3A_253 = tpu.memref_squeeze %dma_wait3A_252 : memref<1x80x16xf32, #tpu.memory_space<vmem>> -> memref<80x16xf32, #tpu.memory_space<vmem>>
    %dma_wait3A_254 = arith.constant 0 : i32
    %dma_wait3A_255 = arith.constant 0 : i32
    %dma_wait3A_256 = tpu.memref_slice %arg2[%dma_wait3A_254, %dma_wait3A_255] : memref<10000x16xf32, #tpu.memory_space<hbm>> -> memref<80x16xf32, #tpu.memory_space<hbm>>
    tpu.wait_dma2 semaphore(%arg15 : memref<!tpu.dma_semaphore, #tpu.memory_space<semaphore_mem>>) src(%dma_wait3A_256 : memref<80x16xf32, #tpu.memory_space<hbm>>) dst(%dma_wait3A_253 : memref<80x16xf32, #tpu.memory_space<vmem>>)
    %dma_wait3A_257 = arith.constant 0 : i32
    %dma_wait3A_258 = arith.constant 0 : i32
    %dma_wait3A_259 = arith.constant 0 : i32
    %dma_wait3A_260 = tpu.memref_slice %arg9[%dma_wait3A_257, %dma_wait3A_258, %dma_wait3A_259] : memref<5x80x16xf32, #tpu.memory_space<vmem>> -> memref<1x80x16xf32, #tpu.memory_space<vmem>>
    %dma_wait3A_261 = tpu.memref_squeeze %dma_wait3A_260 : memref<1x80x16xf32, #tpu.memory_space<vmem>> -> memref<80x16xf32, #tpu.memory_space<vmem>>
    %dma_wait3A_262 = arith.constant 0 : i32
    %dma_wait3A_263 = arith.constant 0 : i32
    %dma_wait3A_264 = tpu.memref_slice %arg2[%dma_wait3A_262, %dma_wait3A_263] : memref<10000x16xf32, #tpu.memory_space<hbm>> -> memref<80x16xf32, #tpu.memory_space<hbm>>
    %dma_wait3A_265 = arith.constant 0 : i32
    %dma_wait3A_266 = arith.constant 0 : i32
    %dma_wait3A_267 = tpu.memref_slice %arg9[%dma_wait3A_257, %dma_wait3A_265, %dma_wait3A_266] : memref<5x80x16xf32, #tpu.memory_space<vmem>> -> memref<1x80x16xf32, #tpu.memory_space<vmem>>
    %dma_wait3A_268 = tpu.memref_squeeze %dma_wait3A_267 : memref<1x80x16xf32, #tpu.memory_space<vmem>> -> memref<80x16xf32, #tpu.memory_space<vmem>>
    %dma_wait3A_269 = arith.constant 0 : i32
    %dma_wait3A_270 = arith.constant 0 : i32
    %dma_wait3A_271 = tpu.memref_slice %arg2[%dma_wait3A_269, %dma_wait3A_270] : memref<10000x16xf32, #tpu.memory_space<hbm>> -> memref<80x16xf32, #tpu.memory_space<hbm>>
    tpu.wait_dma2 semaphore(%arg15 : memref<!tpu.dma_semaphore, #tpu.memory_space<semaphore_mem>>) src(%dma_wait3A_271 : memref<80x16xf32, #tpu.memory_space<hbm>>) dst(%dma_wait3A_268 : memref<80x16xf32, #tpu.memory_space<vmem>>)
    %dma_wait3A_272 = arith.constant 0 : i32
    %dma_wait3A_273 = arith.constant 0 : i32
    %dma_wait3A_274 = arith.constant 0 : i32
    %dma_wait3A_275 = tpu.memref_slice %arg9[%dma_wait3A_272, %dma_wait3A_273, %dma_wait3A_274] : memref<5x80x16xf32, #tpu.memory_space<vmem>> -> memref<1x80x16xf32, #tpu.memory_space<vmem>>
    %dma_wait3A_276 = tpu.memref_squeeze %dma_wait3A_275 : memref<1x80x16xf32, #tpu.memory_space<vmem>> -> memref<80x16xf32, #tpu.memory_space<vmem>>
    %dma_wait3A_277 = arith.constant 0 : i32
    %dma_wait3A_278 = arith.constant 0 : i32
    %dma_wait3A_279 = tpu.memref_slice %arg2[%dma_wait3A_277, %dma_wait3A_278] : memref<10000x16xf32, #tpu.memory_space<hbm>> -> memref<80x16xf32, #tpu.memory_space<hbm>>
    %dma_wait3A_280 = arith.constant 0 : i32
    %dma_wait3A_281 = arith.constant 0 : i32
    %dma_wait3A_282 = tpu.memref_slice %arg9[%dma_wait3A_272, %dma_wait3A_280, %dma_wait3A_281] : memref<5x80x16xf32, #tpu.memory_space<vmem>> -> memref<1x80x16xf32, #tpu.memory_space<vmem>>
    %dma_wait3A_283 = tpu.memref_squeeze %dma_wait3A_282 : memref<1x80x16xf32, #tpu.memory_space<vmem>> -> memref<80x16xf32, #tpu.memory_space<vmem>>
    %dma_wait3A_284 = arith.constant 0 : i32
    %dma_wait3A_285 = arith.constant 0 : i32
    %dma_wait3A_286 = tpu.memref_slice %arg2[%dma_wait3A_284, %dma_wait3A_285] : memref<10000x16xf32, #tpu.memory_space<hbm>> -> memref<80x16xf32, #tpu.memory_space<hbm>>
    tpu.wait_dma2 semaphore(%arg15 : memref<!tpu.dma_semaphore, #tpu.memory_space<semaphore_mem>>) src(%dma_wait3A_286 : memref<80x16xf32, #tpu.memory_space<hbm>>) dst(%dma_wait3A_283 : memref<80x16xf32, #tpu.memory_space<vmem>>)
    %dma_wait3A_287 = arith.constant 0 : i32
    %dma_wait3A_288 = arith.constant 0 : i32
    %dma_wait3A_289 = arith.constant 0 : i32
    %dma_wait3A_290 = tpu.memref_slice %arg9[%dma_wait3A_287, %dma_wait3A_288, %dma_wait3A_289] : memref<5x80x16xf32, #tpu.memory_space<vmem>> -> memref<1x80x16xf32, #tpu.memory_space<vmem>>
    %dma_wait3A_291 = tpu.memref_squeeze %dma_wait3A_290 : memref<1x80x16xf32, #tpu.memory_space<vmem>> -> memref<80x16xf32, #tpu.memory_space<vmem>>
    %dma_wait3A_292 = arith.constant 0 : i32
    %dma_wait3A_293 = arith.constant 0 : i32
    %dma_wait3A_294 = tpu.memref_slice %arg2[%dma_wait3A_292, %dma_wait3A_293] : memref<10000x16xf32, #tpu.memory_space<hbm>> -> memref<80x16xf32, #tpu.memory_space<hbm>>
    %dma_wait3A_295 = arith.constant 0 : i32
    %dma_wait3A_296 = arith.constant 0 : i32
    %dma_wait3A_297 = tpu.memref_slice %arg9[%dma_wait3A_287, %dma_wait3A_295, %dma_wait3A_296] : memref<5x80x16xf32, #tpu.memory_space<vmem>> -> memref<1x80x16xf32, #tpu.memory_space<vmem>>
    %dma_wait3A_298 = tpu.memref_squeeze %dma_wait3A_297 : memref<1x80x16xf32, #tpu.memory_space<vmem>> -> memref<80x16xf32, #tpu.memory_space<vmem>>
    %dma_wait3A_299 = arith.constant 0 : i32
    %dma_wait3A_300 = arith.constant 0 : i32
    %dma_wait3A_301 = tpu.memref_slice %arg2[%dma_wait3A_299, %dma_wait3A_300] : memref<10000x16xf32, #tpu.memory_space<hbm>> -> memref<80x16xf32, #tpu.memory_space<hbm>>
    tpu.wait_dma2 semaphore(%arg15 : memref<!tpu.dma_semaphore, #tpu.memory_space<semaphore_mem>>) src(%dma_wait3A_301 : memref<80x16xf32, #tpu.memory_space<hbm>>) dst(%dma_wait3A_298 : memref<80x16xf32, #tpu.memory_space<vmem>>)
    %dma_wait3A_302 = arith.constant 0 : i32
    %dma_wait3A_303 = arith.constant 0 : i32
    %dma_wait3A_304 = arith.constant 0 : i32
    %dma_wait3A_305 = tpu.memref_slice %arg9[%dma_wait3A_302, %dma_wait3A_303, %dma_wait3A_304] : memref<5x80x16xf32, #tpu.memory_space<vmem>> -> memref<1x80x16xf32, #tpu.memory_space<vmem>>
    %dma_wait3A_306 = tpu.memref_squeeze %dma_wait3A_305 : memref<1x80x16xf32, #tpu.memory_space<vmem>> -> memref<80x16xf32, #tpu.memory_space<vmem>>
    %dma_wait3A_307 = arith.constant 0 : i32
    %dma_wait3A_308 = arith.constant 0 : i32
    %dma_wait3A_309 = tpu.memref_slice %arg2[%dma_wait3A_307, %dma_wait3A_308] : memref<10000x16xf32, #tpu.memory_space<hbm>> -> memref<80x16xf32, #tpu.memory_space<hbm>>
    %dma_wait3A_310 = arith.constant 0 : i32
    %dma_wait3A_311 = arith.constant 0 : i32
    %dma_wait3A_312 = tpu.memref_slice %arg9[%dma_wait3A_302, %dma_wait3A_310, %dma_wait3A_311] : memref<5x80x16xf32, #tpu.memory_space<vmem>> -> memref<1x80x16xf32, #tpu.memory_space<vmem>>
    %dma_wait3A_313 = tpu.memref_squeeze %dma_wait3A_312 : memref<1x80x16xf32, #tpu.memory_space<vmem>> -> memref<80x16xf32, #tpu.memory_space<vmem>>
    %dma_wait3A_314 = arith.constant 0 : i32
    %dma_wait3A_315 = arith.constant 0 : i32
    %dma_wait3A_316 = tpu.memref_slice %arg2[%dma_wait3A_314, %dma_wait3A_315] : memref<10000x16xf32, #tpu.memory_space<hbm>> -> memref<80x16xf32, #tpu.memory_space<hbm>>
    tpu.wait_dma2 semaphore(%arg15 : memref<!tpu.dma_semaphore, #tpu.memory_space<semaphore_mem>>) src(%dma_wait3A_316 : memref<80x16xf32, #tpu.memory_space<hbm>>) dst(%dma_wait3A_313 : memref<80x16xf32, #tpu.memory_space<vmem>>)
    %dma_wait3A_317 = arith.constant 0 : i32
    %dma_wait3A_318 = arith.constant 0 : i32
    %dma_wait3A_319 = arith.constant 0 : i32
    %dma_wait3A_320 = tpu.memref_slice %arg9[%dma_wait3A_317, %dma_wait3A_318, %dma_wait3A_319] : memref<5x80x16xf32, #tpu.memory_space<vmem>> -> memref<1x80x16xf32, #tpu.memory_space<vmem>>
    %dma_wait3A_321 = tpu.memref_squeeze %dma_wait3A_320 : memref<1x80x16xf32, #tpu.memory_space<vmem>> -> memref<80x16xf32, #tpu.memory_space<vmem>>
    %dma_wait3A_322 = arith.constant 0 : i32
    %dma_wait3A_323 = arith.constant 0 : i32
    %dma_wait3A_324 = tpu.memref_slice %arg2[%dma_wait3A_322, %dma_wait3A_323] : memref<10000x16xf32, #tpu.memory_space<hbm>> -> memref<80x16xf32, #tpu.memory_space<hbm>>
    %dma_wait3A_325 = arith.constant 0 : i32
    %dma_wait3A_326 = arith.constant 0 : i32
    %dma_wait3A_327 = tpu.memref_slice %arg9[%dma_wait3A_317, %dma_wait3A_325, %dma_wait3A_326] : memref<5x80x16xf32, #tpu.memory_space<vmem>> -> memref<1x80x16xf32, #tpu.memory_space<vmem>>
    %dma_wait3A_328 = tpu.memref_squeeze %dma_wait3A_327 : memref<1x80x16xf32, #tpu.memory_space<vmem>> -> memref<80x16xf32, #tpu.memory_space<vmem>>
    %dma_wait3A_329 = arith.constant 0 : i32
    %dma_wait3A_330 = arith.constant 0 : i32
    %dma_wait3A_331 = tpu.memref_slice %arg2[%dma_wait3A_329, %dma_wait3A_330] : memref<10000x16xf32, #tpu.memory_space<hbm>> -> memref<80x16xf32, #tpu.memory_space<hbm>>
    tpu.wait_dma2 semaphore(%arg14 : memref<!tpu.dma_semaphore, #tpu.memory_space<semaphore_mem>>) src(%dma_wait3A_331 : memref<80x16xf32, #tpu.memory_space<hbm>>) dst(%dma_wait3A_328 : memref<80x16xf32, #tpu.memory_space<vmem>>)
    %dma_wait3A_332 = arith.constant 0 : i32
    %dma_wait3A_333 = arith.constant 0 : i32
    %dma_wait3A_334 = arith.constant 0 : i32
    %dma_wait3A_335 = tpu.memref_slice %arg9[%dma_wait3A_332, %dma_wait3A_333, %dma_wait3A_334] : memref<5x80x16xf32, #tpu.memory_space<vmem>> -> memref<1x80x16xf32, #tpu.memory_space<vmem>>
    %dma_wait3A_336 = tpu.memref_squeeze %dma_wait3A_335 : memref<1x80x16xf32, #tpu.memory_space<vmem>> -> memref<80x16xf32, #tpu.memory_space<vmem>>
    %dma_wait3A_337 = arith.constant 0 : i32
    %dma_wait3A_338 = arith.constant 0 : i32
    %dma_wait3A_339 = tpu.memref_slice %arg2[%dma_wait3A_337, %dma_wait3A_338] : memref<10000x16xf32, #tpu.memory_space<hbm>> -> memref<80x16xf32, #tpu.memory_space<hbm>>
    %dma_wait3A_340 = arith.constant 0 : i32
    %dma_wait3A_341 = arith.constant 0 : i32
    %dma_wait3A_342 = tpu.memref_slice %arg9[%dma_wait3A_332, %dma_wait3A_340, %dma_wait3A_341] : memref<5x80x16xf32, #tpu.memory_space<vmem>> -> memref<1x80x16xf32, #tpu.memory_space<vmem>>
    %dma_wait3A_343 = tpu.memref_squeeze %dma_wait3A_342 : memref<1x80x16xf32, #tpu.memory_space<vmem>> -> memref<80x16xf32, #tpu.memory_space<vmem>>
    %dma_wait3A_344 = arith.constant 0 : i32
    %dma_wait3A_345 = arith.constant 0 : i32
    %dma_wait3A_346 = tpu.memref_slice %arg2[%dma_wait3A_344, %dma_wait3A_345] : memref<10000x16xf32, #tpu.memory_space<hbm>> -> memref<80x16xf32, #tpu.memory_space<hbm>>
    tpu.wait_dma2 semaphore(%arg14 : memref<!tpu.dma_semaphore, #tpu.memory_space<semaphore_mem>>) src(%dma_wait3A_346 : memref<80x16xf32, #tpu.memory_space<hbm>>) dst(%dma_wait3A_343 : memref<80x16xf32, #tpu.memory_space<vmem>>)
    %dma_wait3A_347 = arith.constant 0 : i32
    %dma_wait3A_348 = arith.constant 0 : i32
    %dma_wait3A_349 = arith.constant 0 : i32
    %dma_wait3A_350 = tpu.memref_slice %arg9[%dma_wait3A_347, %dma_wait3A_348, %dma_wait3A_349] : memref<5x80x16xf32, #tpu.memory_space<vmem>> -> memref<1x80x16xf32, #tpu.memory_space<vmem>>
    %dma_wait3A_351 = tpu.memref_squeeze %dma_wait3A_350 : memref<1x80x16xf32, #tpu.memory_space<vmem>> -> memref<80x16xf32, #tpu.memory_space<vmem>>
    %dma_wait3A_352 = arith.constant 0 : i32
    %dma_wait3A_353 = arith.constant 0 : i32
    %dma_wait3A_354 = tpu.memref_slice %arg2[%dma_wait3A_352, %dma_wait3A_353] : memref<10000x16xf32, #tpu.memory_space<hbm>> -> memref<80x16xf32, #tpu.memory_space<hbm>>
    %dma_wait3A_355 = arith.constant 0 : i32
    %dma_wait3A_356 = arith.constant 0 : i32
    %dma_wait3A_357 = tpu.memref_slice %arg9[%dma_wait3A_347, %dma_wait3A_355, %dma_wait3A_356] : memref<5x80x16xf32, #tpu.memory_space<vmem>> -> memref<1x80x16xf32, #tpu.memory_space<vmem>>
    %dma_wait3A_358 = tpu.memref_squeeze %dma_wait3A_357 : memref<1x80x16xf32, #tpu.memory_space<vmem>> -> memref<80x16xf32, #tpu.memory_space<vmem>>
    %dma_wait3A_359 = arith.constant 0 : i32
    %dma_wait3A_360 = arith.constant 0 : i32
    %dma_wait3A_361 = tpu.memref_slice %arg2[%dma_wait3A_359, %dma_wait3A_360] : memref<10000x16xf32, #tpu.memory_space<hbm>> -> memref<80x16xf32, #tpu.memory_space<hbm>>
    tpu.wait_dma2 semaphore(%arg14 : memref<!tpu.dma_semaphore, #tpu.memory_space<semaphore_mem>>) src(%dma_wait3A_361 : memref<80x16xf32, #tpu.memory_space<hbm>>) dst(%dma_wait3A_358 : memref<80x16xf32, #tpu.memory_space<vmem>>)
    %dma_wait3A_362 = arith.constant 0 : i32
    %dma_wait3A_363 = arith.constant 0 : i32
    %dma_wait3A_364 = arith.constant 0 : i32
    %dma_wait3A_365 = tpu.memref_slice %arg9[%dma_wait3A_362, %dma_wait3A_363, %dma_wait3A_364] : memref<5x80x16xf32, #tpu.memory_space<vmem>> -> memref<1x80x16xf32, #tpu.memory_space<vmem>>
    %dma_wait3A_366 = tpu.memref_squeeze %dma_wait3A_365 : memref<1x80x16xf32, #tpu.memory_space<vmem>> -> memref<80x16xf32, #tpu.memory_space<vmem>>
    %dma_wait3A_367 = arith.constant 0 : i32
    %dma_wait3A_368 = arith.constant 0 : i32
    %dma_wait3A_369 = tpu.memref_slice %arg2[%dma_wait3A_367, %dma_wait3A_368] : memref<10000x16xf32, #tpu.memory_space<hbm>> -> memref<80x16xf32, #tpu.memory_space<hbm>>
    %dma_wait3A_370 = arith.constant 0 : i32
    %dma_wait3A_371 = arith.constant 0 : i32
    %dma_wait3A_372 = tpu.memref_slice %arg9[%dma_wait3A_362, %dma_wait3A_370, %dma_wait3A_371] : memref<5x80x16xf32, #tpu.memory_space<vmem>> -> memref<1x80x16xf32, #tpu.memory_space<vmem>>
    %dma_wait3A_373 = tpu.memref_squeeze %dma_wait3A_372 : memref<1x80x16xf32, #tpu.memory_space<vmem>> -> memref<80x16xf32, #tpu.memory_space<vmem>>
    %dma_wait3A_374 = arith.constant 0 : i32
    %dma_wait3A_375 = arith.constant 0 : i32
    %dma_wait3A_376 = tpu.memref_slice %arg2[%dma_wait3A_374, %dma_wait3A_375] : memref<10000x16xf32, #tpu.memory_space<hbm>> -> memref<80x16xf32, #tpu.memory_space<hbm>>
    tpu.wait_dma2 semaphore(%arg14 : memref<!tpu.dma_semaphore, #tpu.memory_space<semaphore_mem>>) src(%dma_wait3A_376 : memref<80x16xf32, #tpu.memory_space<hbm>>) dst(%dma_wait3A_373 : memref<80x16xf32, #tpu.memory_space<vmem>>)
    %dma_wait3A_377 = arith.constant 0 : i32
    %dma_wait3A_378 = arith.constant 0 : i32
    %dma_wait3A_379 = arith.constant 0 : i32
    %dma_wait3A_380 = tpu.memref_slice %arg9[%dma_wait3A_377, %dma_wait3A_378, %dma_wait3A_379] : memref<5x80x16xf32, #tpu.memory_space<vmem>> -> memref<1x80x16xf32, #tpu.memory_space<vmem>>
    %dma_wait3A_381 = tpu.memref_squeeze %dma_wait3A_380 : memref<1x80x16xf32, #tpu.memory_space<vmem>> -> memref<80x16xf32, #tpu.memory_space<vmem>>
    %dma_wait3A_382 = arith.constant 0 : i32
    %dma_wait3A_383 = arith.constant 0 : i32
    %dma_wait3A_384 = tpu.memref_slice %arg2[%dma_wait3A_382, %dma_wait3A_383] : memref<10000x16xf32, #tpu.memory_space<hbm>> -> memref<80x16xf32, #tpu.memory_space<hbm>>
    %dma_wait3A_385 = arith.constant 0 : i32
    %dma_wait3A_386 = arith.constant 0 : i32
    %dma_wait3A_387 = tpu.memref_slice %arg9[%dma_wait3A_377, %dma_wait3A_385, %dma_wait3A_386] : memref<5x80x16xf32, #tpu.memory_space<vmem>> -> memref<1x80x16xf32, #tpu.memory_space<vmem>>
    %dma_wait3A_388 = tpu.memref_squeeze %dma_wait3A_387 : memref<1x80x16xf32, #tpu.memory_space<vmem>> -> memref<80x16xf32, #tpu.memory_space<vmem>>
    %dma_wait3A_389 = arith.constant 0 : i32
    %dma_wait3A_390 = arith.constant 0 : i32
    %dma_wait3A_391 = tpu.memref_slice %arg2[%dma_wait3A_389, %dma_wait3A_390] : memref<10000x16xf32, #tpu.memory_space<hbm>> -> memref<80x16xf32, #tpu.memory_space<hbm>>
    tpu.wait_dma2 semaphore(%arg14 : memref<!tpu.dma_semaphore, #tpu.memory_space<semaphore_mem>>) src(%dma_wait3A_391 : memref<80x16xf32, #tpu.memory_space<hbm>>) dst(%dma_wait3A_388 : memref<80x16xf32, #tpu.memory_space<vmem>>)
    %barrier3A_392 = arith.constant 0 : index
    tpu.barrier barrier_id(%barrier3A_392)
    %mul3A_393 = arith.constant 625 : i32
    %mul3A_394 = arith.muli %mul3A_393, %arg1 : i32
    %mul3A_395 = arith.constant 625 : i32
    %mul3A_396 = arith.muli %mul3A_395, %arg1 : i32
    "tpu.region"() ({
      %run_scoped3A = tpu.sem_alloc : memref<!tpu.dma_semaphore, #tpu.memory_space<semaphore_mem>>
      %dma_start3A_397 = arith.constant 0 : i32
      %dma_start3A_398 = arith.constant 0 : i32
      %dma_start3A_399 = tpu.memref_slice %arg5[%arg0, %dma_start3A_397, %dma_start3A_398] : memref<2x10000x16xf32, #tpu.memory_space<hbm>> -> memref<1x10000x16xf32, #tpu.memory_space<hbm>>
      %dma_start3A_400 = tpu.memref_squeeze %dma_start3A_399 : memref<1x10000x16xf32, #tpu.memory_space<hbm>> -> memref<10000x16xf32, #tpu.memory_space<hbm>>
      %dma_start3A_401 = arith.constant 0 : i32
      %dma_start3A_402 = tpu.memref_slice %dma_start3A_400[%mul3A_396, %dma_start3A_401] : memref<10000x16xf32, #tpu.memory_space<hbm>> -> memref<625x16xf32, #tpu.memory_space<hbm>>
      %dma_start3A_403 = arith.constant 0 : i32
      %dma_start3A_404 = tpu.memref_slice %arg6[%mul3A_394, %dma_start3A_403] : memref<10000x16xf32, #tpu.memory_space<vmem_shared>> -> memref<625x16xf32, #tpu.memory_space<vmem_shared>>
      tpu.enqueue_dma source(%dma_start3A_404 : memref<625x16xf32, #tpu.memory_space<vmem_shared>>) target(%dma_start3A_402 : memref<625x16xf32, #tpu.memory_space<hbm>>) target_semaphore(%run_scoped3A : memref<!tpu.dma_semaphore, #tpu.memory_space<semaphore_mem>>)
      %dma_wait3A_405 = arith.constant 0 : i32
      %dma_wait3A_406 = arith.constant 0 : i32
      %dma_wait3A_407 = tpu.memref_slice %arg5[%arg0, %dma_wait3A_405, %dma_wait3A_406] : memref<2x10000x16xf32, #tpu.memory_space<hbm>> -> memref<1x10000x16xf32, #tpu.memory_space<hbm>>
      %dma_wait3A_408 = tpu.memref_squeeze %dma_wait3A_407 : memref<1x10000x16xf32, #tpu.memory_space<hbm>> -> memref<10000x16xf32, #tpu.memory_space<hbm>>
      %dma_wait3A_409 = arith.constant 0 : i32
      %dma_wait3A_410 = tpu.memref_slice %dma_wait3A_408[%mul3A_396, %dma_wait3A_409] : memref<10000x16xf32, #tpu.memory_space<hbm>> -> memref<625x16xf32, #tpu.memory_space<hbm>>
      %dma_wait3A_411 = arith.constant 0 : i32
      %dma_wait3A_412 = tpu.memref_slice %arg6[%mul3A_394, %dma_wait3A_411] : memref<10000x16xf32, #tpu.memory_space<vmem_shared>> -> memref<625x16xf32, #tpu.memory_space<vmem_shared>>
      tpu.wait_dma2 semaphore(%run_scoped3A : memref<!tpu.dma_semaphore, #tpu.memory_space<semaphore_mem>>) src(%dma_wait3A_412 : memref<625x16xf32, #tpu.memory_space<vmem_shared>>) dst(%dma_wait3A_410 : memref<625x16xf32, #tpu.memory_space<hbm>>)
      tpu.yield
    }) : () -> ()
    return
  }
}

module attributes {stable_mosaic.version = 14 : i64} {
  func.func @_tc1_body(%arg0: i32, %arg1: memref<5000x128xf32, #tpu.memory_space<vmem>>, %arg2: memref<128x16xf32, #tpu.memory_space<vmem>>, %arg3: memref<5000x32xf32, #tpu.memory_space<vmem>>, %arg4: memref<5000x16xf32, #tpu.memory_space<vmem>>) attributes {dimension_semantics = [#tpu.dimension_semantics<arbitrary>], iteration_bounds = array<i64: 2>, scalar_prefetch = 0 : i64, scratch_operands = 0 : i64, tpu.core_type = #tpu.core_type<tc>, window_params = [{transform_indices = @transform_0, window_bounds = array<i64: 5000, 128>}, {pipeline_mode = #tpu.pipeline_mode<synchronous>, transform_indices = @transform_1, window_bounds = array<i64: 128, 16>}, {transform_indices = @transform_2, window_bounds = array<i64: 5000, 32>}, {transform_indices = @transform_3, window_bounds = array<i64: 5000, 16>}]} {
    %get3A = arith.constant 0 : index
    %get3A_0 = arith.constant 0 : index
    %get3A_1 = vector.load %arg1[%get3A, %get3A_0] : memref<5000x128xf32, #tpu.memory_space<vmem>>, vector<5000x128xf32>
    %get3A_2 = arith.constant 0 : index
    %get3A_3 = arith.constant 0 : index
    %get3A_4 = vector.load %arg2[%get3A_2, %get3A_3] : memref<128x16xf32, #tpu.memory_space<vmem>>, vector<128x16xf32>
    %dot_general3A = arith.constant dense<0.000000e+00> : vector<5000x16xf32>
    %dot_general3A_5 = tpu.matmul %get3A_1, %get3A_4, %dot_general3A {dimension_numbers = #tpu.dot_dimension_numbers<[1], [0], [0], [1], [0, 0, 1, 1], [], []>, transpose_lhs_hint = false} : vector<5000x128xf32>, vector<128x16xf32>, vector<5000x16xf32> -> vector<5000x16xf32>
    %get3A_6 = arith.constant 0 : index
    %get3A_7 = arith.constant 0 : index
    %get3A_8 = vector.load %arg3[%get3A_6, %get3A_7] : memref<5000x32xf32, #tpu.memory_space<vmem>>, vector<5000x32xf32>
    %reduce_sum3A = arith.constant dense<0.000000e+00> : vector<5000xf32>
    %reduce_sum3A_9 = vector.multi_reduction <add>, %get3A_8, %reduce_sum3A [1] : vector<5000x32xf32> to vector<5000xf32>
    %broadcast_in_dim3A = vector.shape_cast %reduce_sum3A_9 : vector<5000xf32> to vector<5000x1xf32>
    %add3A = arith.constant 1.000000e+00 : f32
    %add3A_10 = vector.broadcast %add3A : f32 to vector<5000x1xf32>
    %add3A_11 = arith.addf %broadcast_in_dim3A, %add3A_10 : vector<5000x1xf32>
    %rsqrt3A = math.rsqrt %add3A_11 : vector<5000x1xf32>
    %mul3A = vector.broadcast %rsqrt3A : vector<5000x1xf32> to vector<5000x16xf32>
    %mul3A_12 = arith.mulf %dot_general3A_5, %mul3A : vector<5000x16xf32>
    %swap3A = arith.constant 0 : index
    %swap3A_13 = arith.constant 0 : index
    %swap3A_14 = vector.load %arg4[%swap3A, %swap3A_13] : memref<5000x16xf32, #tpu.memory_space<vmem>>, vector<5000x16xf32>
    tpu.vector_store %arg4[%swap3A, %swap3A_13], %mul3A_12 {strides = array<i32>} : memref<5000x16xf32, #tpu.memory_space<vmem>>, vector<5000x16xf32>,
    return
  }
  func.func @transform_0(%arg0: i32) -> (i32, i32) {
    %c0_i32 = arith.constant 0 : i32
    %c0_i32_0 = arith.constant 0 : i32
    return %arg0, %c0_i32 : i32, i32
  }
  func.func @transform_1(%arg0: i32) -> (i32, i32) {
    %c0_i32 = arith.constant 0 : i32
    %c0_i32_0 = arith.constant 0 : i32
    %c0_i32_1 = arith.constant 0 : i32
    return %c0_i32, %c0_i32_0 : i32, i32
  }
  func.func @transform_2(%arg0: i32) -> (i32, i32) {
    %c0_i32 = arith.constant 0 : i32
    %c0_i32_0 = arith.constant 0 : i32
    return %arg0, %c0_i32 : i32, i32
  }
  func.func @transform_3(%arg0: i32) -> (i32, i32) {
    %c0_i32 = arith.constant 0 : i32
    %c0_i32_0 = arith.constant 0 : i32
    return %arg0, %c0_i32 : i32, i32
  }
}

module attributes {stable_mosaic.version = 14 : i64} {
  func.func @_tc_mid_body(%arg0: i32, %arg1: memref<1x5000x16xf32, #tpu.memory_space<vmem>>, %arg2: memref<1x5000x16xf32, #tpu.memory_space<vmem>>, %arg3: memref<5000x16xf32, #tpu.memory_space<vmem>>, %arg4: memref<5000x32xf32, #tpu.memory_space<vmem>>, %arg5: memref<1x16xf32, #tpu.memory_space<vmem>>, %arg6: memref<16x16xf32, #tpu.memory_space<vmem>>, %arg7: memref<5000x16xf32, #tpu.memory_space<vmem>>) attributes {dimension_semantics = [#tpu.dimension_semantics<arbitrary>], iteration_bounds = array<i64: 2>, scalar_prefetch = 0 : i64, scratch_operands = 0 : i64, tpu.core_type = #tpu.core_type<tc>, window_params = [{transform_indices = @transform_0, window_bounds = array<i64: 1, 5000, 16>}, {transform_indices = @transform_1, window_bounds = array<i64: 1, 5000, 16>}, {transform_indices = @transform_2, window_bounds = array<i64: 5000, 16>}, {transform_indices = @transform_3, window_bounds = array<i64: 5000, 32>}, {pipeline_mode = #tpu.pipeline_mode<synchronous>, transform_indices = @transform_4, window_bounds = array<i64: 1, 16>}, {pipeline_mode = #tpu.pipeline_mode<synchronous>, transform_indices = @transform_5, window_bounds = array<i64: 16, 16>}, {transform_indices = @transform_6, window_bounds = array<i64: 5000, 16>}]} {
    %get3A = arith.constant 0 : index
    %get3A_0 = arith.constant 0 : index
    %get3A_1 = vector.load %arg4[%get3A, %get3A_0] : memref<5000x32xf32, #tpu.memory_space<vmem>>, vector<5000x32xf32>
    %reduce_sum3A = arith.constant dense<0.000000e+00> : vector<5000xf32>
    %reduce_sum3A_2 = vector.multi_reduction <add>, %get3A_1, %reduce_sum3A [1] : vector<5000x32xf32> to vector<5000xf32>
    %broadcast_in_dim3A = vector.shape_cast %reduce_sum3A_2 : vector<5000xf32> to vector<5000x1xf32>
    %add3A = arith.constant 1.000000e+00 : f32
    %add3A_3 = vector.broadcast %add3A : f32 to vector<5000x1xf32>
    %add3A_4 = arith.addf %broadcast_in_dim3A, %add3A_3 : vector<5000x1xf32>
    %rsqrt3A = math.rsqrt %add3A_4 : vector<5000x1xf32>
    %get3A_5 = arith.constant 0 : index
    %get3A_6 = arith.constant 0 : index
    %get3A_7 = arith.constant 0 : index
    %get3A_8 = vector.load %arg1[%get3A_5, %get3A_6, %get3A_7] : memref<1x5000x16xf32, #tpu.memory_space<vmem>>, vector<1x5000x16xf32>
    %get3A_9 = vector.shape_cast %get3A_8 : vector<1x5000x16xf32> to vector<5000x16xf32>
    %get3A_10 = arith.constant 0 : index
    %get3A_11 = arith.constant 0 : index
    %get3A_12 = arith.constant 0 : index
    %get3A_13 = vector.load %arg2[%get3A_10, %get3A_11, %get3A_12] : memref<1x5000x16xf32, #tpu.memory_space<vmem>>, vector<1x5000x16xf32>
    %get3A_14 = vector.shape_cast %get3A_13 : vector<1x5000x16xf32> to vector<5000x16xf32>
    %add3A_15 = arith.addf %get3A_9, %get3A_14 : vector<5000x16xf32>
    %get3A_16 = arith.constant 0 : index
    %get3A_17 = arith.constant 0 : index
    %get3A_18 = vector.load %arg3[%get3A_16, %get3A_17] : memref<5000x16xf32, #tpu.memory_space<vmem>>, vector<5000x16xf32>
    %add3A_19 = arith.addf %add3A_15, %get3A_18 : vector<5000x16xf32>
    %mul3A = vector.broadcast %rsqrt3A : vector<5000x1xf32> to vector<5000x16xf32>
    %mul3A_20 = arith.mulf %add3A_19, %mul3A : vector<5000x16xf32>
    %get3A_21 = arith.constant 0 : index
    %get3A_22 = arith.constant 0 : index
    %get3A_23 = vector.load %arg5[%get3A_21, %get3A_22] : memref<1x16xf32, #tpu.memory_space<vmem>>, vector<1x16xf32>
    %add3A_24 = vector.broadcast %get3A_23 : vector<1x16xf32> to vector<5000x16xf32>
    %add3A_25 = arith.addf %mul3A_20, %add3A_24 : vector<5000x16xf32>
    %max3A = arith.constant 0.000000e+00 : f32
    %max3A_26 = vector.broadcast %max3A : f32 to vector<5000x16xf32>
    %max3A_27 = arith.maximumf %add3A_25, %max3A_26 : vector<5000x16xf32>
    %get3A_28 = arith.constant 0 : index
    %get3A_29 = arith.constant 0 : index
    %get3A_30 = vector.load %arg6[%get3A_28, %get3A_29] : memref<16x16xf32, #tpu.memory_space<vmem>>, vector<16x16xf32>
    %dot_general3A = arith.constant dense<0.000000e+00> : vector<5000x16xf32>
    %dot_general3A_31 = tpu.matmul %max3A_27, %get3A_30, %dot_general3A {dimension_numbers = #tpu.dot_dimension_numbers<[1], [0], [0], [1], [0, 0, 1, 1], [], []>, transpose_lhs_hint = false} : vector<5000x16xf32>, vector<16x16xf32>, vector<5000x16xf32> -> vector<5000x16xf32>
    %mul3A_32 = vector.broadcast %rsqrt3A : vector<5000x1xf32> to vector<5000x16xf32>
    %mul3A_33 = arith.mulf %dot_general3A_31, %mul3A_32 : vector<5000x16xf32>
    %swap3A = arith.constant 0 : index
    %swap3A_34 = arith.constant 0 : index
    %swap3A_35 = vector.load %arg7[%swap3A, %swap3A_34] : memref<5000x16xf32, #tpu.memory_space<vmem>>, vector<5000x16xf32>
    tpu.vector_store %arg7[%swap3A, %swap3A_34], %mul3A_33 {strides = array<i32>} : memref<5000x16xf32, #tpu.memory_space<vmem>>, vector<5000x16xf32>,
    return
  }
  func.func @transform_0(%arg0: i32) -> (i32, i32, i32) {
    %c0_i32 = arith.constant 0 : i32
    %c0_i32_0 = arith.constant 0 : i32
    %c0_i32_1 = arith.constant 0 : i32
    return %c0_i32, %arg0, %c0_i32_0 : i32, i32, i32
  }
  func.func @transform_1(%arg0: i32) -> (i32, i32, i32) {
    %c1_i32 = arith.constant 1 : i32
    %c0_i32 = arith.constant 0 : i32
    %c0_i32_0 = arith.constant 0 : i32
    return %c1_i32, %arg0, %c0_i32 : i32, i32, i32
  }
  func.func @transform_2(%arg0: i32) -> (i32, i32) {
    %c0_i32 = arith.constant 0 : i32
    %c0_i32_0 = arith.constant 0 : i32
    return %arg0, %c0_i32 : i32, i32
  }
  func.func @transform_3(%arg0: i32) -> (i32, i32) {
    %c0_i32 = arith.constant 0 : i32
    %c0_i32_0 = arith.constant 0 : i32
    return %arg0, %c0_i32 : i32, i32
  }
  func.func @transform_4(%arg0: i32) -> (i32, i32) {
    %c0_i32 = arith.constant 0 : i32
    %c0_i32_0 = arith.constant 0 : i32
    %c0_i32_1 = arith.constant 0 : i32
    return %c0_i32, %c0_i32_0 : i32, i32
  }
  func.func @transform_5(%arg0: i32) -> (i32, i32) {
    %c0_i32 = arith.constant 0 : i32
    %c0_i32_0 = arith.constant 0 : i32
    %c0_i32_1 = arith.constant 0 : i32
    return %c0_i32, %c0_i32_0 : i32, i32
  }
  func.func @transform_6(%arg0: i32) -> (i32, i32) {
    %c0_i32 = arith.constant 0 : i32
    %c0_i32_0 = arith.constant 0 : i32
    return %arg0, %c0_i32 : i32, i32
  }
}

module attributes {stable_mosaic.version = 14 : i64} {
  func.func @_tc_out_body(%arg0: i32, %arg1: memref<1x5000x16xf32, #tpu.memory_space<vmem>>, %arg2: memref<1x5000x16xf32, #tpu.memory_space<vmem>>, %arg3: memref<5000x16xf32, #tpu.memory_space<vmem>>, %arg4: memref<5000x32xf32, #tpu.memory_space<vmem>>, %arg5: memref<1x16xf32, #tpu.memory_space<vmem>>, %arg6: memref<16x7xf32, #tpu.memory_space<vmem>>, %arg7: memref<1x7xf32, #tpu.memory_space<vmem>>, %arg8: memref<5000x7xf32, #tpu.memory_space<vmem>>) attributes {dimension_semantics = [#tpu.dimension_semantics<arbitrary>], iteration_bounds = array<i64: 2>, scalar_prefetch = 0 : i64, scratch_operands = 0 : i64, tpu.core_type = #tpu.core_type<tc>, window_params = [{transform_indices = @transform_0, window_bounds = array<i64: 1, 5000, 16>}, {transform_indices = @transform_1, window_bounds = array<i64: 1, 5000, 16>}, {transform_indices = @transform_2, window_bounds = array<i64: 5000, 16>}, {transform_indices = @transform_3, window_bounds = array<i64: 5000, 32>}, {pipeline_mode = #tpu.pipeline_mode<synchronous>, transform_indices = @transform_4, window_bounds = array<i64: 1, 16>}, {pipeline_mode = #tpu.pipeline_mode<synchronous>, transform_indices = @transform_5, window_bounds = array<i64: 16, 7>}, {pipeline_mode = #tpu.pipeline_mode<synchronous>, transform_indices = @transform_6, window_bounds = array<i64: 1, 7>}, {transform_indices = @transform_7, window_bounds = array<i64: 5000, 7>}]} {
    %get3A = arith.constant 0 : index
    %get3A_0 = arith.constant 0 : index
    %get3A_1 = arith.constant 0 : index
    %get3A_2 = vector.load %arg1[%get3A, %get3A_0, %get3A_1] : memref<1x5000x16xf32, #tpu.memory_space<vmem>>, vector<1x5000x16xf32>
    %get3A_3 = vector.shape_cast %get3A_2 : vector<1x5000x16xf32> to vector<5000x16xf32>
    %get3A_4 = arith.constant 0 : index
    %get3A_5 = arith.constant 0 : index
    %get3A_6 = arith.constant 0 : index
    %get3A_7 = vector.load %arg2[%get3A_4, %get3A_5, %get3A_6] : memref<1x5000x16xf32, #tpu.memory_space<vmem>>, vector<1x5000x16xf32>
    %get3A_8 = vector.shape_cast %get3A_7 : vector<1x5000x16xf32> to vector<5000x16xf32>
    %add3A = arith.addf %get3A_3, %get3A_8 : vector<5000x16xf32>
    %get3A_9 = arith.constant 0 : index
    %get3A_10 = arith.constant 0 : index
    %get3A_11 = vector.load %arg3[%get3A_9, %get3A_10] : memref<5000x16xf32, #tpu.memory_space<vmem>>, vector<5000x16xf32>
    %add3A_12 = arith.addf %add3A, %get3A_11 : vector<5000x16xf32>
    %get3A_13 = arith.constant 0 : index
    %get3A_14 = arith.constant 0 : index
    %get3A_15 = vector.load %arg4[%get3A_13, %get3A_14] : memref<5000x32xf32, #tpu.memory_space<vmem>>, vector<5000x32xf32>
    %reduce_sum3A = arith.constant dense<0.000000e+00> : vector<5000xf32>
    %reduce_sum3A_16 = vector.multi_reduction <add>, %get3A_15, %reduce_sum3A [1] : vector<5000x32xf32> to vector<5000xf32>
    %broadcast_in_dim3A = vector.shape_cast %reduce_sum3A_16 : vector<5000xf32> to vector<5000x1xf32>
    %add3A_17 = arith.constant 1.000000e+00 : f32
    %add3A_18 = vector.broadcast %add3A_17 : f32 to vector<5000x1xf32>
    %add3A_19 = arith.addf %broadcast_in_dim3A, %add3A_18 : vector<5000x1xf32>
    %rsqrt3A = math.rsqrt %add3A_19 : vector<5000x1xf32>
    %mul3A = vector.broadcast %rsqrt3A : vector<5000x1xf32> to vector<5000x16xf32>
    %mul3A_20 = arith.mulf %add3A_12, %mul3A : vector<5000x16xf32>
    %get3A_21 = arith.constant 0 : index
    %get3A_22 = arith.constant 0 : index
    %get3A_23 = vector.load %arg5[%get3A_21, %get3A_22] : memref<1x16xf32, #tpu.memory_space<vmem>>, vector<1x16xf32>
    %add3A_24 = vector.broadcast %get3A_23 : vector<1x16xf32> to vector<5000x16xf32>
    %add3A_25 = arith.addf %mul3A_20, %add3A_24 : vector<5000x16xf32>
    %max3A = arith.constant 0.000000e+00 : f32
    %max3A_26 = vector.broadcast %max3A : f32 to vector<5000x16xf32>
    %max3A_27 = arith.maximumf %add3A_25, %max3A_26 : vector<5000x16xf32>
    %get3A_28 = arith.constant 0 : index
    %get3A_29 = arith.constant 0 : index
    %get3A_30 = vector.load %arg6[%get3A_28, %get3A_29] : memref<16x7xf32, #tpu.memory_space<vmem>>, vector<16x7xf32>
    %dot_general3A = arith.constant dense<0.000000e+00> : vector<5000x7xf32>
    %dot_general3A_31 = tpu.matmul %max3A_27, %get3A_30, %dot_general3A {dimension_numbers = #tpu.dot_dimension_numbers<[1], [0], [0], [1], [0, 0, 1, 1], [], []>, transpose_lhs_hint = false} : vector<5000x16xf32>, vector<16x7xf32>, vector<5000x7xf32> -> vector<5000x7xf32>
    %get3A_32 = arith.constant 0 : index
    %get3A_33 = arith.constant 0 : index
    %get3A_34 = vector.load %arg7[%get3A_32, %get3A_33] : memref<1x7xf32, #tpu.memory_space<vmem>>, vector<1x7xf32>
    %add3A_35 = vector.broadcast %get3A_34 : vector<1x7xf32> to vector<5000x7xf32>
    %add3A_36 = arith.addf %dot_general3A_31, %add3A_35 : vector<5000x7xf32>
    %swap3A = arith.constant 0 : index
    %swap3A_37 = arith.constant 0 : index
    %swap3A_38 = vector.load %arg8[%swap3A, %swap3A_37] : memref<5000x7xf32, #tpu.memory_space<vmem>>, vector<5000x7xf32>
    tpu.vector_store %arg8[%swap3A, %swap3A_37], %add3A_36 {strides = array<i32>} : memref<5000x7xf32, #tpu.memory_space<vmem>>, vector<5000x7xf32>,
    return
  }
  func.func @transform_0(%arg0: i32) -> (i32, i32, i32) {
    %c0_i32 = arith.constant 0 : i32
    %c0_i32_0 = arith.constant 0 : i32
    %c0_i32_1 = arith.constant 0 : i32
    return %c0_i32, %arg0, %c0_i32_0 : i32, i32, i32
  }
  func.func @transform_1(%arg0: i32) -> (i32, i32, i32) {
    %c1_i32 = arith.constant 1 : i32
    %c0_i32 = arith.constant 0 : i32
    %c0_i32_0 = arith.constant 0 : i32
    return %c1_i32, %arg0, %c0_i32 : i32, i32, i32
  }
  func.func @transform_2(%arg0: i32) -> (i32, i32) {
    %c0_i32 = arith.constant 0 : i32
    %c0_i32_0 = arith.constant 0 : i32
    return %arg0, %c0_i32 : i32, i32
  }
  func.func @transform_3(%arg0: i32) -> (i32, i32) {
    %c0_i32 = arith.constant 0 : i32
    %c0_i32_0 = arith.constant 0 : i32
    return %arg0, %c0_i32 : i32, i32
  }
  func.func @transform_4(%arg0: i32) -> (i32, i32) {
    %c0_i32 = arith.constant 0 : i32
    %c0_i32_0 = arith.constant 0 : i32
    %c0_i32_1 = arith.constant 0 : i32
    return %c0_i32, %c0_i32_0 : i32, i32
  }
  func.func @transform_5(%arg0: i32) -> (i32, i32) {
    %c0_i32 = arith.constant 0 : i32
    %c0_i32_0 = arith.constant 0 : i32
    %c0_i32_1 = arith.constant 0 : i32
    return %c0_i32, %c0_i32_0 : i32, i32
  }
  func.func @transform_6(%arg0: i32) -> (i32, i32) {
    %c0_i32 = arith.constant 0 : i32
    %c0_i32_0 = arith.constant 0 : i32
    %c0_i32_1 = arith.constant 0 : i32
    return %c0_i32, %c0_i32_0 : i32, i32
  }
  func.func @transform_7(%arg0: i32) -> (i32, i32) {
    %c0_i32 = arith.constant 0 : i32
    %c0_i32_0 = arith.constant 0 : i32
    return %arg0, %c0_i32 : i32, i32
  }
}

</mosaic_0001>

<sc_bundles>
// kernel: _run.11.cloned.1.call-start
scs
__scs_entry_jumppad:
0x0: {  	(pc) =	sbr.rel $0x88, $3  }
0x1: {  	(tag) =	ssettag $0x0;
	lr =	simm.s32 $0x1  }
0x2: {  	[smem:$0x3F98] =	sst lr;
	_ =	strace $0xD0000000  }
0x3: {  	_ = 	snop  }
0x4: {  	_ = 	snop  }
0x5: {  	_ = 	snop  }
0x6: {  	_ = 	snop  }
0x7: {  	_ = 	snop  }
__scs_overlays_trampoline_lowered:
0x8: {  	[smem:$0x3FA7] =	sst s0  }
0x9: {  	[smem:$0x3FA8] =	sst s1  }
0xa: {  	[smem:$0x3FA9] =	sst s2  }
0xb: {  	[smem:$0x3FAA] =	sst s3  }
0xc: {  	[smem:$0x3FAB] =	sst s4  }
0xd: {  	[smem:$0x3FAC] =	sst s5  }
0xe: {  	[smem:$0x3FAD] =	sst s6  }
0xf: {  	[smem:$0x3FAE] =	sst s7  }
0x10: {  	[smem:$0x3FAF] =	sst s8  }
0x11: {  	[smem:$0x3FB0] =	sst s9;
	s0 =	simm.s32 @!p0 $0x0  }
0x12: {  	s1 =	sld [smem:$0x3F96];
	s0 =	simm.s32 @p0 $0x1  }
0x13: {  	[smem:$0x3FB1] =	sst s0;
	s0 =	simm.s32 @!p1 $0x0  }
0x14: {  	s2 =	sld [smem:$0x3F95];
	s0 =	simm.s32 @p1 $0x1  }
0x15: {  	[smem:$0x3FB2] =	sst s0;
	s0 =	simm.s32 @!p2 $0x0  }
0x16: {  	s3 =	sld [smem:$0x3FDB];
	s0 =	simm.s32 @p2 $0x1  }
0x17: {  	s4 =	simm.s32 $0x1BF5;
	[smem:$0x3FB4] =	sst s0  }
0x18: {  	s0 =	sld [smem:$0x3F97];
	_ =	swait.ge [sflag:s4], $0x0  }
0x19: {  	s7 =	sld [smem:$0x3F98]  }
0x1a: {  	s8 =	sadd.s32 $0xFFFFE003, lr  }
0x1b: {  	s9 =	sadd.s32 $0xFFFFFEF7, lr;
	s5 =	simm.s32 $0xFFFFFFFF;
	p2 =	slt.u32 s8, $0xFFFFF086  }
0x1c: {  	p1 =	slt.u32 s9, $0xF7A;
	s5 =	simm.s32 @!p2 $0x0  }
0x1d: {  	s5 =	simm.s32 @p1 $0x1;
	p0 =	seq.s32 s7, s2  }
0x1e: {  	s7 =	smul.u32 @!p0 $0xF7A, s2;
	p2 =	seq.s32 @!p0 s5, $0x0  }
0x1f: {  	s9 =	smul.u32 $0xF7A, s1;
	s8 =	simm.s32 @!p0 $0x1BF5;
	p2 =	por !p2, p0  }
0x20: {  	[sflag:s8] =	ssyncset.s32 @!p0 $0xFFFFF086;
	s6 =	sadd.s32 @!p0 s3, s7;
	s7 =	simm.s32 @!p0 $0x108  }
0x21: {  	s3 =	sadd.s32 s3, s9;
	s6 =	sadd.s32 @!p0 $0x88, s6;
	s7 =	simm.s32 @p2 $0x1082  }
0x22: {  	[simem:s7], [sflag:s8] =	dma.local @!p0 [hbm:s6], $0xF7A  }
0x23: {  	s9 =	sor.u32 $0xD0000000, s2;
	s6 =	simm.s32 $0x108;
	_ =	swait.ge @!p0 [sflag:s8], $0x0  }
0x24: {  	s3 =	sadd.s32 $0x88, s3;
	s6 =	simm.s32 @!p1 $0x1082;
	[sflag:s4] =	ssyncset.s32 $0xFFFFF086  }
0x25: {  	[simem:s6], [sflag:s4] =	dma.local [hbm:s3], $0xF7A  }
0x26: {  	[smem:$0x3F98] =	sst s1;
	(tag) =	ssettag s2;
	_ =	strace s9  }
0x27: {  	s1 =	sld [smem:$0x3FA8]  }
0x28: {  	s2 =	sld [smem:$0x3FA9]  }
0x29: {  	s4 =	sld [smem:$0x3FAB]  }
0x2a: {  	p0 =	seq.s32 s5, $0x0;
	s5 =	sld [smem:$0x3FAC]  }
0x2b: {  	s6 =	sld [smem:$0x3FAD]  }
0x2c: {  	s7 =	sld [smem:$0x3FAE]  }
0x2d: {  	s3 =	simm.s32 $0x108;
	s8 =	sld [smem:$0x3FAF]  }
0x2e: {  	s3 =	simm.s32 @!p0 $0x1082;
	s9 =	sld [smem:$0x3FB0]  }
0x2f: {  	lr =	sadd.s32 s0, s3;
	s0 =	sld [smem:$0x3FA7]  }
0x30: {  	s3 =	sld [smem:$0x3FAA]  }
0x31: {  	[smem:$0x3FB3] =	sst s10  }
0x32: {  	s10 =	sld [smem:$0x3FB1];
	_ =	sdelay $0x3  }
0x33: {  	p0 =	seq.s32 s10, $0x1;
	s10 =	sld [smem:$0x3FB3];
	_ =	sdelay $0x3  }
0x34: {  	[smem:$0x3FB3] =	sst s10  }
0x35: {  	s10 =	sld [smem:$0x3FB2];
	_ =	sdelay $0x3  }
0x36: {  	p1 =	seq.s32 s10, $0x1;
	s10 =	sld [smem:$0x3FB3];
	_ =	sdelay $0x3  }
0x37: {  	[smem:$0x3FB3] =	sst s10  }
0x38: {  	s10 =	sld [smem:$0x3FB4]  }
0x39: {  	_ = 	snop;
	(pc) =	sbr.ind lr, $3  }
0x3a: {  	_ = 	snop  }
0x3b: {  	_ = 	snop  }
0x3c: {  	p2 =	seq.s32 s10, $0x1;
	s10 =	sld [smem:$0x3FB3]  }
0x3d: {  	_ =	shalt  }
0x3e: {  	_ =	shalt  }
0x3f: {  	_ =	shalt  }
0x40: {  	_ =	shalt  }
0x41: {  	_ =	shalt  }
0x42: {  	_ =	shalt  }
0x43: {  	_ =	shalt  }
0x44: {  	_ =	shalt  }
0x45: {  	_ =	shalt  }
0x46: {  	_ =	shalt  }
0x47: {  	_ =	shalt  }
0x48: {  	_ =	shalt  }
0x49: {  	_ =	shalt  }
0x4a: {  	_ =	shalt  }
0x4b: {  	_ =	shalt  }
0x4c: {  	_ =	shalt  }
0x4d: {  	_ =	shalt  }
0x4e: {  	_ =	shalt  }
0x4f: {  	_ =	shalt  }
0x50: {  	_ =	shalt  }
0x51: {  	_ =	shalt  }
0x52: {  	_ =	shalt  }
0x53: {  	_ =	shalt  }
0x54: {  	_ =	shalt  }
0x55: {  	_ =	shalt  }
0x56: {  	_ =	shalt  }
0x57: {  	_ =	shalt  }
0x58: {  	_ =	shalt  }
0x59: {  	_ =	shalt  }
0x5a: {  	_ =	shalt  }
0x5b: {  	_ =	shalt  }
0x5c: {  	_ =	shalt  }
0x5d: {  	_ =	shalt  }
0x5e: {  	_ =	shalt  }
0x5f: {  	_ =	shalt  }
0x60: {  	_ =	shalt  }
0x61: {  	_ =	shalt  }
0x62: {  	_ =	shalt  }
0x63: {  	_ =	shalt  }
0x64: {  	_ =	shalt  }
0x65: {  	_ =	shalt  }
0x66: {  	_ =	shalt  }
0x67: {  	_ =	shalt  }
0x68: {  	_ =	shalt  }
0x69: {  	_ =	shalt  }
0x6a: {  	_ =	shalt  }
0x6b: {  	_ =	shalt  }
0x6c: {  	_ =	shalt  }
0x6d: {  	_ =	shalt  }
0x6e: {  	_ =	shalt  }
0x6f: {  	_ =	shalt  }
0x70: {  	_ =	shalt  }
0x71: {  	_ =	shalt  }
0x72: {  	_ =	shalt  }
0x73: {  	_ =	shalt  }
0x74: {  	_ =	shalt  }
0x75: {  	_ =	shalt  }
0x76: {  	_ =	shalt  }
0x77: {  	_ =	shalt  }
0x78: {  	_ =	shalt  }
0x79: {  	_ =	shalt  }
0x7a: {  	_ =	shalt  }
0x7b: {  	_ =	shalt  }
0x7c: {  	_ =	shalt  }
0x7d: {  	_ =	shalt  }
0x7e: {  	_ =	shalt  }
0x7f: {  	_ =	shalt  }
0x80: {  	_ =	shalt  }
0x81: {  	_ =	shalt  }
0x82: {  	_ =	shalt  }
0x83: {  	_ =	shalt  }
0x84: {  	_ =	shalt  }
0x85: {  	_ =	shalt  }
0x86: {  	_ =	shalt  }
0x87: {  	_ =	shalt  }
.Lfunc_end0:
.L_simem_size_0:
called_computation.1_lowered:
.L_overlay_start_0:
0x88: {  	s2 =	sld [smem:$0x3FD9]  }
0x89: {  	s3 =	sld [smem:$0x3FFE];
	_ =	sdelay $0x1  }
0x8a: {  	s1 =	srdreg.scid  }
0x8b: {  	s0 =	sand.u32 $0x1, s1  }
0x8c: {  	s17 =	sshll.u32 s0, $0xA;
	s2 =	sadd.s32 s3, s2  }
0x8d: {  	s2 =	sadd.s32 s2, s17  }
0x8e: {  	[smem:$0x3FBF] =	sst s2  }
0x8f: {  	_ = 	snop  }
0x90: {  	s2 =	sld [smem:$0x3FC8]  }
0x91: {  	s18 =	sld [smem:$0x3FC7];
	(tm) =	ssettm $0x1  }
0x92: {  	s4 =	sld [smem:$0x3FFB];
	_ =	sdelay $0x3  }
0x93: {  	_ =	strace s4  }
0x94: {  	s4 =	sld [smem:$0x3FFC];
	_ =	sdelay $0x3  }
0x95: {  	_ =	strace s4  }
0x96: {  	s4 =	sld [smem:$0x3FFD];
	_ =	sdelay $0x3  }
0x97: {  	_ =	strace s4  }
0x98: {  	_ =	strace $0x8FFFFFFF  }
0x99: {  	s19 =	sld [smem:$0x3FDB];
	_ =	sdelay $0x1  }
0x9a: {  	s5 =	simm.s32 $_scs_section_size  }
0x9b: {  	s6 =	simm.s32 $_size__tile_overlayer_lowered;
	s7 =	simm.s32 $_tile_overlayer_lowered  }
0x9c: {  	s22 =	simm.s32 $0x1BFF;
	s21 =	sshll.u32 s7, $0x1;
	s4 =	sadd.s32 s5, s19  }
0x9d: {  	s8 =	simm.s32 $0x0;
	s20 =	sshll.u32 s6, $0x1;
	s6 =	sadd.s32 s21, s4  }
0x9e: {  	[timem:s8], [sflag:s22] =	dma.local [hbm:s6], s20  }
0x9f: {  	_ =	swait.ge [sflag:s22], s20  }
0xa0: {  	s5 =	ssub.s32 $0x0, s20;
	[sflag:s22] =	ssyncset.done $0x0  }
0xa1: {  	[sflag:s22] =	ssyncadd.s32 s5;
	_ =	sdelay $0x1  }
0xa2: {  	s23 =	simm.s32 $0x1B8B  }
0xa3: {  	_ =	swait.ge [sflag:s23], $0x1  }
0xa4: {  	[sflag:s23] =	ssyncset.done $0x0  }
0xa5: {  	s25 =	simm.s32 $0x1B8E;
	s24 =	sld [smem:$0x3FFE];
	[sflag:s23] =	ssyncadd.s32 $0xFFFFFFFF  }
0xa6: {  	s26 =	simm.s32 $execute0_lowered;
	[smem:$0x3FD2] =	sst s25  }
0xa7: {  	s6 =	sshll.u32 s26, $0x1;
	_ =	strace $0x80000049;
	[dreg:$0x1] =	wrdreg $0xFFFFFFFF  }
0xa8: {  	s28 =	simm.s32 $_size_execute0_lowered;
	s4 =	sadd.s32 s4, s6;
	[dreg:$0x0] =	wrdreg $0x0  }
0xa9: {  	s6 =	sshll.u32 s28, $0x1;
	[dreg:$0x2] =	wrdreg s4  }
0xaa: {  	[dreg:$0x3] =	wrdreg s6  }
0xab: {  	[dreg:$0x4] =	wrdreg $0xC0  }
0xac: {  	_ =	task [dreg:s8], $0x5FFFF  }
0xad: {  	[dreg:$0x1] =	wrdreg $0xFFFFFFFF  }
0xae: {  	[dreg:$0x0] =	wrdreg $0x60  }
0xaf: {  	[dreg:$0x2] =	wrdreg s24  }
0xb0: {  	[dreg:$0x3] =	wrdreg s2  }
0xb1: {  	[dreg:$0x4] =	wrdreg s18  }
0xb2: {  	[dreg:$0x5] =	wrdreg $0x0  }
0xb3: {  	[dreg:$0x6] =	wrdreg $0x9  }
0xb4: {  	_ =	task.clear_ibuf [dreg:s8], $0x7FFFF;
	_ =	strace $0x90000049  }
0xb5: {  	s29 =	simm.s32 $0x9;
	_ =	strace $0x8000004B  }
0xb6: {  	_ =	swait.ge [sflag:s29], $0x1  }
0xb7: {  	[sflag:s29] =	ssyncadd.s32 $0xFFFFFFFF  }
0xb8: {  	_ =	strace $0x9000004B  }
0xb9: {  	_ =	sfence  }
0xba: {  	s30 =	sld [smem:$0x0];
	_ =	sdelay $0x2  }
0xbb: {  	s31 =	sshll.u32 s1, $0xD;
	s1 =	sshrl.u32 s1, $0x2  }
0xbc: {  	s3 =	sand.u32 $0x4000, s31;
	s1 =	sadd.s32 s1, s30  }
0xbd: {  	s0 =	sor.u32 s3, s0;
	s1 =	sshll.u32 s1, $0x11  }
0xbe: {  	s0 =	sor.u32 s1, s0  }
0xbf: {  	s0 =	sadd.s32 $0x8F2B, s0  }
0xc0: {  	[sflag:s0] =	ssyncadd.remote.s32 $0x1  }
0xc1: {  	_ =	sfence.sel $0xFFFF  }
0xc2: {  	[dreg:$0x0] =	wrdreg $0xFFFFFFFF;
	(pc) =	sbr.abs _section_cstart, $3  }
0xc3: {  	[dreg:$0x1] =	wrdreg $0xFFFFFFFF  }
0xc4: {  	_ =	task.clear_ibuf [dreg:s8], $0x2FFFF;
	_ =	strace $0x9FFFFFFF  }
0xc5: {  	(tm) =	ssettm $0x7FFFFFFF  }
tec
execute0_lowered:
.L_overlay_start_1:
0x0: {  	(tag) =	ssettag $0x1  }
0x1: {  	s0 =	rddreg [dreg:$0x0]  }
0x2: {  	s2 =	rddreg [dreg:$0x1]  }
0x3: {  	s6 =	rddreg [dreg:$0x2]  }
0x4: {  	s1 =	rddreg [dreg:$0x3]  }
0x5: {  	s3 =	srdreg.scid;
	s10 =	stileid.u32;
	s12 =	simm.s32 $0x6  }
0x6: {  	s13 =	simm.s32 $0x5;
	s14 =	simm.s32 $0x50;
	s15 =	simm.s32 $0x7530  }
0x7: {  	s17 =	simm.s32 $0x7A30;
	s19 =	simm.s32 $0x7F30;
	s21 =	simm.s32 $0x8430  }
0x8: {  	s23 =	simm.s32 $0x8930;
	s28 =	simm.s32 $0x9330;
	s29 =	simm.s32 $0x9830  }
0x9: {  	s30 =	simm.s32 $0x9D30;
	s31 =	simm.s32 $0xA230;
	s4 =	sand.u32 $0x1, s3  }
0xa: {  	s11 =	simm.s32 $0x0;
	s3 =	simm.s32 $0x0;
	s5 =	sshll.u32 s4, $0x4  }
0xb: {  	[smem:$0x7FF] =	sst s3;
	s7 =	smul.u32 $0x4E20, s4;
	s8 =	ssub.s32 $0x2, s4  }
0xc: {  	s4 =	sadd.s32 $0x2000, s0;
	s5 =	sor.u32 s10, s5;
	s10 =	smul.u32 $0x2710, s10  }
0xd: {  	_ =	strace $0x8000004A;
	s25 =	sshrl.u32 s8, $0x1;
	s9 =	smul.u32 $0x4E2, s5  }
0xe: {  	s0 =	sadd.s32 s7, s0;
	s8 =	ssub.s32 s8, s25;
	s25 =	simm.s32 $0x1  }
0xf: {  	s7 =	sadd.s32 s10, s1;
	s0 =	sadd.s32 $0x7000, s0;
	s26 =	sshrl.u32 s10, $0x3  }
0x10: {  	s8 =	smax.u32 s8, $0x1;
	s10 =	simm.s32 $0x3;
	s5 =	sadd.s32 s2, s9  }
0x11: {  	s6 =	sadd.s32 s6, s9;
	s9 =	simm.s32 $0x2710;
	s24 =	sadd.s32 s26, s0  }
0x12: {  	v0 =	vimm.f32 $0.0e+00;
	s26 =	simm.s32 $0x8E30;
	s0 =	simm.s32 $0x2;
	s2 =	simm.s32 $0x4  }
.LBB2_1:
0x13: {  	[tilespmem:s9], [sflag:$0x5] =	stream.linear.gather [hbm4b:s5+s3], $0x2710, $0x38;
	[tilespmem:$0xCE40] =	vst v63  }
0x14: {  	s16 =	simm.s32 $0x4E20  }
0x15: {  	[tilespmem:s16], [sflag:$0x5] =	stream.linear.gather [hbm4b:s6+s3], $0x2710, $0x38;
	[tilespmem:$0xCE40] =	vst v63  }
0x16: {  	s18 =	simm.s32 $0x0;
	s16 =	simm.s32 $0x40  }
.LBB2_2:
0x17: {  	p0 =	sne.s32 s16, $0x9C00;
	[tilespmem:s18+$0xA730] =	vst v0;
	s18 =	smov.u32 s16;
	s16 =	sadd.s32 $0x40, s16  }
.Ltmp0:
0x18: {  	(pc) =	sbr.rel @p0 .LBB2_2-.Ltmp0, $2  }
0x19: {  	_ =	sdelay $0x2  }
0x1a: {  	s18 =	sshra.s32 s18, $0x2  }
0x1b: {  	[tilespmem:s18+$0xA730] =	vst v0;
	s16 =	simm.s32 $0xA730  }
0x1c: {  	[spmem:s7] =	stream.linear.scatter [tilespmem:s16], [sflag:$0x6], $0x2710, $0x38;
	[tilespmem:$0xCE40] =	vst v63  }
0x1d: {  	_ =	swait.ge [sflag:s12], $0x2710  }
0x1e: {  	[sflag:s12] =	ssyncset.done $0x0  }
0x1f: {  	[sflag:s12] =	ssyncadd.s32 $0xFFFFD8F0  }
0x20: {  	_ =	swait.ge [sflag:s13], $0x2710  }
0x21: {  	[sflag:s13] =	ssyncset.done $0x0  }
0x22: {  	[sflag:s13] =	ssyncadd.s32 $0xFFFFD8F0  }
0x23: {  	_ =	swait.ge [sflag:s13], $0x2710  }
0x24: {  	[sflag:s13] =	ssyncset.done $0x0  }
0x25: {  	[sflag:s13] =	ssyncadd.s32 $0xFFFFD8F0  }
0x26: {  	[bflag:$0x0] =	sbarrier.arrive $0xFFFF  }
0x27: {  	[tilespmem:s15], [sflag:$0x1] =	stream.indirect.gather [hbm4b:s4+s14], $0x10, s9, s14, $0xb8;
	[tilespmem:$0xCE40] =	vst v63  }
0x28: {  	s20 =	simm.s32 $0x2760  }
0x29: {  	[tilespmem:s17], [sflag:$0x1] =	stream.indirect.gather [hbm4b:s4+s14], $0x10, s20, s14, $0xb8;
	[tilespmem:$0xCE40] =	vst v63  }
0x2a: {  	s22 =	simm.s32 $0x27B0  }
0x2b: {  	[tilespmem:s19], [sflag:$0x1] =	stream.indirect.gather [hbm4b:s4+s14], $0x10, s22, s14, $0xb8;
	[tilespmem:$0xCE40] =	vst v63  }
0x2c: {  	s18 =	simm.s32 $0x2800  }
0x2d: {  	[tilespmem:s21], [sflag:$0x1] =	stream.indirect.gather [hbm4b:s4+s14], $0x10, s18, s14, $0xb8;
	[tilespmem:$0xCE40] =	vst v63  }
0x2e: {  	s20 =	simm.s32 $0x2850  }
0x2f: {  	[tilespmem:s23], [sflag:$0x1] =	stream.indirect.gather [hbm4b:s4+s14], $0x10, s20, s14, $0xb8;
	[tilespmem:$0xCE40] =	vst v63  }
0x30: {  	_ =	swait.ge [sflag:s25], $0x500  }
0x31: {  	[sflag:s25] =	ssyncset.done $0x0  }
0x32: {  	[sflag:s25] =	ssyncadd.s32 $0xFFFFFB00  }
0x33: {  	_ =	swait.ge [sflag:s25], $0x500  }
0x34: {  	[sflag:s25] =	ssyncset.done $0x0  }
0x35: {  	[sflag:s25] =	ssyncadd.s32 $0xFFFFFB00  }
0x36: {  	_ =	swait.ge [sflag:s25], $0x500  }
0x37: {  	[sflag:s25] =	ssyncset.done $0x0  }
0x38: {  	[sflag:s25] =	ssyncadd.s32 $0xFFFFFB00  }
0x39: {  	_ =	swait.ge [sflag:s25], $0x500  }
0x3a: {  	[sflag:s25] =	ssyncset.done $0x0  }
0x3b: {  	[sflag:s25] =	ssyncadd.s32 $0xFFFFFB00  }
0x3c: {  	_ =	swait.ge [sflag:s25], $0x500  }
0x3d: {  	[sflag:s25] =	ssyncset.done $0x0  }
0x3e: {  	s22 =	simm.s32 $0x4E20;
	[sflag:s25] =	ssyncadd.s32 $0xFFFFFB00  }
0x3f: {  	[spmem:s1] =	stream.indirect.scatter.add.f32 [tilespmem:s15], [sflag:$0x3], $0x10, s22, s14, $0xb8;
	[tilespmem:$0xCE40] =	vst v63  }
0x40: {  	s18 =	simm.s32 $0x4E70  }
0x41: {  	[spmem:s1] =	stream.indirect.scatter.add.f32 [tilespmem:s17], [sflag:$0x3], $0x10, s18, s14, $0xb8;
	[tilespmem:$0xCE40] =	vst v63  }
0x42: {  	s20 =	simm.s32 $0x4EC0  }
0x43: {  	[spmem:s1] =	stream.indirect.scatter.add.f32 [tilespmem:s19], [sflag:$0x3], $0x10, s20, s14, $0xb8;
	[tilespmem:$0xCE40] =	vst v63  }
0x44: {  	p0 =	por $0x1, $0x1;
	s22 =	simm.s32 $0x4F10  }
0x45: {  	[spmem:s1] =	stream.indirect.scatter.add.f32 [tilespmem:s21], [sflag:$0x3], $0x10, s22, s14, $0xb8;
	[tilespmem:$0xCE40] =	vst v63  }
0x46: {  	s16 =	simm.s32 @!p0 $0x4;
	s18 =	simm.s32 $0x4F60  }
0x47: {  	[spmem:s1] =	stream.indirect.scatter.add.f32 [tilespmem:s23], [sflag:$0x3], $0x10, s18, s14, $0xb8;
	[tilespmem:$0xCE40] =	vst v63  }
0x48: {  	_ =	swait.ge @!p0 [sflag:s16], $0x500  }
0x49: {  	[sflag:s16] =	ssyncset.done @!p0 $0x0  }
0x4a: {  	[sflag:s16] =	ssyncadd.s32 @!p0 $0xFFFFFB00  }
0x4b: {  	_ =	swait.ge @!p0 [sflag:s16], $0x500  }
0x4c: {  	[sflag:s16] =	ssyncset.done @!p0 $0x0  }
0x4d: {  	[sflag:s16] =	ssyncadd.s32 @!p0 $0xFFFFFB00  }
0x4e: {  	_ =	swait.ge @!p0 [sflag:s16], $0x500  }
0x4f: {  	[sflag:s16] =	ssyncset.done @!p0 $0x0  }
0x50: {  	[sflag:s16] =	ssyncadd.s32 @!p0 $0xFFFFFB00  }
0x51: {  	_ =	swait.ge @!p0 [sflag:s16], $0x500  }
0x52: {  	[sflag:s16] =	ssyncset.done @!p0 $0x0  }
0x53: {  	[sflag:s16] =	ssyncadd.s32 @!p0 $0xFFFFFB00  }
0x54: {  	_ =	swait.ge @!p0 [sflag:s16], $0x500  }
0x55: {  	[sflag:s16] =	ssyncset.done @!p0 $0x0  }
0x56: {  	s20 =	simm.s32 $0x28A0;
	[sflag:s16] =	ssyncadd.s32 @!p0 $0xFFFFFB00  }
0x57: {  	[tilespmem:s26], [sflag:$0x2] =	stream.indirect.gather [hbm4b:s4+s14], $0x10, s20, s14, $0xb8;
	[tilespmem:$0xCE40] =	vst v63  }
0x58: {  	s22 =	simm.s32 $0x28F0  }
0x59: {  	[tilespmem:s28], [sflag:$0x2] =	stream.indirect.gather [hbm4b:s4+s14], $0x10, s22, s14, $0xb8;
	[tilespmem:$0xCE40] =	vst v63  }
0x5a: {  	s18 =	simm.s32 $0x2940  }
0x5b: {  	[tilespmem:s29], [sflag:$0x2] =	stream.indirect.gather [hbm4b:s4+s14], $0x10, s18, s14, $0xb8;
	[tilespmem:$0xCE40] =	vst v63  }
0x5c: {  	s20 =	simm.s32 $0x2990  }
0x5d: {  	[tilespmem:s30], [sflag:$0x2] =	stream.indirect.gather [hbm4b:s4+s14], $0x10, s20, s14, $0xb8;
	[tilespmem:$0xCE40] =	vst v63  }
0x5e: {  	s22 =	simm.s32 $0x29E0  }
0x5f: {  	[tilespmem:s31], [sflag:$0x2] =	stream.indirect.gather [hbm4b:s4+s14], $0x10, s22, s14, $0xb8;
	[tilespmem:$0xCE40] =	vst v63  }
0x60: {  	_ =	swait.ge [sflag:s0], $0x500  }
0x61: {  	[sflag:s0] =	ssyncset.done $0x0  }
0x62: {  	[sflag:s0] =	ssyncadd.s32 $0xFFFFFB00  }
0x63: {  	_ =	swait.ge [sflag:s0], $0x500  }
0x64: {  	[sflag:s0] =	ssyncset.done $0x0  }
0x65: {  	[sflag:s0] =	ssyncadd.s32 $0xFFFFFB00  }
0x66: {  	_ =	swait.ge [sflag:s0], $0x500  }
0x67: {  	[sflag:s0] =	ssyncset.done $0x0  }
0x68: {  	[sflag:s0] =	ssyncadd.s32 $0xFFFFFB00  }
0x69: {  	_ =	swait.ge [sflag:s0], $0x500  }
0x6a: {  	[sflag:s0] =	ssyncset.done $0x0  }
0x6b: {  	[sflag:s0] =	ssyncadd.s32 $0xFFFFFB00  }
0x6c: {  	_ =	swait.ge [sflag:s0], $0x500  }
0x6d: {  	[sflag:s0] =	ssyncset.done $0x0  }
0x6e: {  	s18 =	simm.s32 $0x4FB0;
	[sflag:s0] =	ssyncadd.s32 $0xFFFFFB00  }
0x6f: {  	[spmem:s1] =	stream.indirect.scatter.add.f32 [tilespmem:s26], [sflag:$0x4], $0x10, s18, s14, $0xb8;
	[tilespmem:$0xCE40] =	vst v63  }
0x70: {  	s20 =	simm.s32 $0x5000  }
0x71: {  	[spmem:s1] =	stream.indirect.scatter.add.f32 [tilespmem:s28], [sflag:$0x4], $0x10, s20, s14, $0xb8;
	[tilespmem:$0xCE40] =	vst v63  }
0x72: {  	s22 =	simm.s32 $0x5050  }
0x73: {  	[spmem:s1] =	stream.indirect.scatter.add.f32 [tilespmem:s29], [sflag:$0x4], $0x10, s22, s14, $0xb8;
	[tilespmem:$0xCE40] =	vst v63  }
0x74: {  	s18 =	simm.s32 $0x50A0  }
0x75: {  	[spmem:s1] =	stream.indirect.scatter.add.f32 [tilespmem:s30], [sflag:$0x4], $0x10, s18, s14, $0xb8;
	[tilespmem:$0xCE40] =	vst v63  }
0x76: {  	s20 =	simm.s32 $0x50F0  }
0x77: {  	[spmem:s1] =	stream.indirect.scatter.add.f32 [tilespmem:s31], [sflag:$0x4], $0x10, s20, s14, $0xb8;
	[tilespmem:$0xCE40] =	vst v63  }
0x78: {  	_ =	swait.ge [sflag:s10], $0x500  }
0x79: {  	[sflag:s10] =	ssyncset.done $0x0  }
0x7a: {  	[sflag:s10] =	ssyncadd.s32 $0xFFFFFB00  }
0x7b: {  	_ =	swait.ge [sflag:s10], $0x500  }
0x7c: {  	[sflag:s10] =	ssyncset.done $0x0  }
0x7d: {  	[sflag:s10] =	ssyncadd.s32 $0xFFFFFB00  }
0x7e: {  	_ =	swait.ge [sflag:s10], $0x500  }
0x7f: {  	[sflag:s10] =	ssyncset.done $0x0  }
0x80: {  	[sflag:s10] =	ssyncadd.s32 $0xFFFFFB00  }
0x81: {  	_ =	swait.ge [sflag:s10], $0x500  }
0x82: {  	[sflag:s10] =	ssyncset.done $0x0  }
0x83: {  	[sflag:s10] =	ssyncadd.s32 $0xFFFFFB00  }
0x84: {  	_ =	swait.ge [sflag:s10], $0x500  }
0x85: {  	[sflag:s10] =	ssyncset.done $0x0  }
0x86: {  	s22 =	simm.s32 $0x2A30;
	[sflag:s10] =	ssyncadd.s32 $0xFFFFFB00  }
0x87: {  	[tilespmem:s15], [sflag:$0x1] =	stream.indirect.gather [hbm4b:s4+s14], $0x10, s22, s14, $0xb8;
	[tilespmem:$0xCE40] =	vst v63  }
0x88: {  	s18 =	simm.s32 $0x2A80  }
0x89: {  	[tilespmem:s17], [sflag:$0x1] =	stream.indirect.gather [hbm4b:s4+s14], $0x10, s18, s14, $0xb8;
	[tilespmem:$0xCE40] =	vst v63  }
0x8a: {  	s20 =	simm.s32 $0x2AD0  }
0x8b: {  	[tilespmem:s19], [sflag:$0x1] =	stream.indirect.gather [hbm4b:s4+s14], $0x10, s20, s14, $0xb8;
	[tilespmem:$0xCE40] =	vst v63  }
0x8c: {  	s16 =	simm.s32 $0xC80;
	s22 =	simm.s32 $0x2B20;
	s18 =	simm.s32 $0x2B70  }
0x8d: {  	[tilespmem:s21], [sflag:$0x1] =	stream.indirect.gather [hbm4b:s4+s14], $0x10, s22, s14, $0xb8;
	[tilespmem:$0xCE40] =	vst v63  }
.LBB2_4:
0x8e: {  	s20 =	smov.u32 s16;
	s16 =	sadd.s32 $0xC80, s16  }
0x8f: {  	[tilespmem:s23], [sflag:$0x1] =	stream.indirect.gather [hbm4b:s4+s14], $0x10, s18, s14, $0xb8;
	[tilespmem:$0xCE40] =	vst v63  }
0x90: {  	p0 =	sne.s32 s16, $0x9600;
	_ =	swait.ge [sflag:s25], $0x500  }
0x91: {  	[sflag:s25] =	ssyncset.done $0x0  }
0x92: {  	[sflag:s25] =	ssyncadd.s32 $0xFFFFFB00  }
0x93: {  	_ =	swait.ge [sflag:s25], $0x500  }
0x94: {  	[sflag:s25] =	ssyncset.done $0x0  }
0x95: {  	[sflag:s25] =	ssyncadd.s32 $0xFFFFFB00  }
0x96: {  	_ =	swait.ge [sflag:s25], $0x500  }
0x97: {  	[sflag:s25] =	ssyncset.done $0x0  }
0x98: {  	[sflag:s25] =	ssyncadd.s32 $0xFFFFFB00  }
0x99: {  	_ =	swait.ge [sflag:s25], $0x500  }
0x9a: {  	[sflag:s25] =	ssyncset.done $0x0  }
0x9b: {  	[sflag:s25] =	ssyncadd.s32 $0xFFFFFB00  }
0x9c: {  	_ =	swait.ge [sflag:s25], $0x500  }
0x9d: {  	s18 =	sshra.s32 s20, $0x2;
	[sflag:s25] =	ssyncset.done $0x0  }
0x9e: {  	s22 =	sadd.s32 $0x4E20, s18;
	[sflag:s25] =	ssyncadd.s32 $0xFFFFFB00  }
0x9f: {  	[spmem:s1] =	stream.indirect.scatter.add.f32 [tilespmem:s15], [sflag:$0x3], $0x10, s22, s14, $0xb8;
	[tilespmem:$0xCE40] =	vst v63  }
0xa0: {  	s22 =	sadd.s32 $0x4E70, s18  }
0xa1: {  	[spmem:s1] =	stream.indirect.scatter.add.f32 [tilespmem:s17], [sflag:$0x3], $0x10, s22, s14, $0xb8;
	[tilespmem:$0xCE40] =	vst v63  }
0xa2: {  	s22 =	sadd.s32 $0x4EC0, s18  }
0xa3: {  	[spmem:s1] =	stream.indirect.scatter.add.f32 [tilespmem:s19], [sflag:$0x3], $0x10, s22, s14, $0xb8;
	[tilespmem:$0xCE40] =	vst v63  }
0xa4: {  	s22 =	sadd.s32 $0x4F10, s18  }
0xa5: {  	[spmem:s1] =	stream.indirect.scatter.add.f32 [tilespmem:s21], [sflag:$0x3], $0x10, s22, s14, $0xb8;
	[tilespmem:$0xCE40] =	vst v63  }
0xa6: {  	p1 =	seq.s32 s20, $0x0;
	s22 =	sadd.s32 $0x4F60, s18  }
0xa7: {  	[spmem:s1] =	stream.indirect.scatter.add.f32 [tilespmem:s23], [sflag:$0x3], $0x10, s22, s14, $0xb8;
	[tilespmem:$0xCE40] =	vst v63  }
0xa8: {  	s20 =	simm.s32 @!p1 $0x4  }
0xa9: {  	_ =	swait.ge @!p1 [sflag:s20], $0x500  }
0xaa: {  	[sflag:s20] =	ssyncset.done @!p1 $0x0  }
0xab: {  	[sflag:s20] =	ssyncadd.s32 @!p1 $0xFFFFFB00  }
0xac: {  	_ =	swait.ge @!p1 [sflag:s20], $0x500  }
0xad: {  	[sflag:s20] =	ssyncset.done @!p1 $0x0  }
0xae: {  	[sflag:s20] =	ssyncadd.s32 @!p1 $0xFFFFFB00  }
0xaf: {  	_ =	swait.ge @!p1 [sflag:s20], $0x500  }
0xb0: {  	[sflag:s20] =	ssyncset.done @!p1 $0x0  }
0xb1: {  	[sflag:s20] =	ssyncadd.s32 @!p1 $0xFFFFFB00  }
0xb2: {  	_ =	swait.ge @!p1 [sflag:s20], $0x500  }
0xb3: {  	[sflag:s20] =	ssyncset.done @!p1 $0x0  }
0xb4: {  	[sflag:s20] =	ssyncadd.s32 @!p1 $0xFFFFFB00  }
0xb5: {  	_ =	swait.ge @!p1 [sflag:s20], $0x500  }
0xb6: {  	s22 =	sadd.s32 $0x28A0, s18;
	[sflag:s20] =	ssyncset.done @!p1 $0x0  }
0xb7: {  	[sflag:s20] =	ssyncadd.s32 @!p1 $0xFFFFFB00;
	s20 =	sadd.s32 $0x28F0, s18  }
0xb8: {  	[tilespmem:s26], [sflag:$0x2] =	stream.indirect.gather [hbm4b:s4+s14], $0x10, s22, s14, $0xb8;
	[tilespmem:$0xCE40] =	vst v63  }
0xb9: {  	s22 =	sadd.s32 $0x2940, s18  }
0xba: {  	[tilespmem:s28], [sflag:$0x2] =	stream.indirect.gather [hbm4b:s4+s14], $0x10, s20, s14, $0xb8;
	[tilespmem:$0xCE40] =	vst v63  }
0xbb: {  	s20 =	sadd.s32 $0x2990, s18  }
0xbc: {  	[tilespmem:s29], [sflag:$0x2] =	stream.indirect.gather [hbm4b:s4+s14], $0x10, s22, s14, $0xb8;
	[tilespmem:$0xCE40] =	vst v63  }
0xbd: {  	s22 =	sadd.s32 $0x29E0, s18  }
0xbe: {  	[tilespmem:s30], [sflag:$0x2] =	stream.indirect.gather [hbm4b:s4+s14], $0x10, s20, s14, $0xb8;
	[tilespmem:$0xCE40] =	vst v63  }
0xbf: {  	_ = 	snop  }
0xc0: {  	[tilespmem:s31], [sflag:$0x2] =	stream.indirect.gather [hbm4b:s4+s14], $0x10, s22, s14, $0xb8;
	[tilespmem:$0xCE40] =	vst v63  }
0xc1: {  	_ =	swait.ge [sflag:s0], $0x500  }
0xc2: {  	[sflag:s0] =	ssyncset.done $0x0  }
0xc3: {  	[sflag:s0] =	ssyncadd.s32 $0xFFFFFB00  }
0xc4: {  	_ =	swait.ge [sflag:s0], $0x500  }
0xc5: {  	[sflag:s0] =	ssyncset.done $0x0  }
0xc6: {  	[sflag:s0] =	ssyncadd.s32 $0xFFFFFB00  }
0xc7: {  	_ =	swait.ge [sflag:s0], $0x500  }
0xc8: {  	[sflag:s0] =	ssyncset.done $0x0  }
0xc9: {  	[sflag:s0] =	ssyncadd.s32 $0xFFFFFB00  }
0xca: {  	_ =	swait.ge [sflag:s0], $0x500  }
0xcb: {  	[sflag:s0] =	ssyncset.done $0x0  }
0xcc: {  	[sflag:s0] =	ssyncadd.s32 $0xFFFFFB00  }
0xcd: {  	_ =	swait.ge [sflag:s0], $0x500  }
0xce: {  	s20 =	sadd.s32 $0x4FB0, s18;
	[sflag:s0] =	ssyncset.done $0x0  }
0xcf: {  	s22 =	sadd.s32 $0x5000, s18;
	[sflag:s0] =	ssyncadd.s32 $0xFFFFFB00  }
0xd0: {  	[spmem:s1] =	stream.indirect.scatter.add.f32 [tilespmem:s26], [sflag:$0x4], $0x10, s20, s14, $0xb8;
	[tilespmem:$0xCE40] =	vst v63  }
0xd1: {  	s20 =	sadd.s32 $0x5050, s18  }
0xd2: {  	[spmem:s1] =	stream.indirect.scatter.add.f32 [tilespmem:s28], [sflag:$0x4], $0x10, s22, s14, $0xb8;
	[tilespmem:$0xCE40] =	vst v63  }
0xd3: {  	s22 =	sadd.s32 $0x50A0, s18  }
0xd4: {  	[spmem:s1] =	stream.indirect.scatter.add.f32 [tilespmem:s29], [sflag:$0x4], $0x10, s20, s14, $0xb8;
	[tilespmem:$0xCE40] =	vst v63  }
0xd5: {  	s20 =	sadd.s32 $0x50F0, s18  }
0xd6: {  	[spmem:s1] =	stream.indirect.scatter.add.f32 [tilespmem:s30], [sflag:$0x4], $0x10, s22, s14, $0xb8;
	[tilespmem:$0xCE40] =	vst v63  }
0xd7: {  	_ = 	snop  }
0xd8: {  	[spmem:s1] =	stream.indirect.scatter.add.f32 [tilespmem:s31], [sflag:$0x4], $0x10, s20, s14, $0xb8;
	[tilespmem:$0xCE40] =	vst v63  }
0xd9: {  	_ =	swait.ge [sflag:s10], $0x500  }
0xda: {  	[sflag:s10] =	ssyncset.done $0x0  }
0xdb: {  	[sflag:s10] =	ssyncadd.s32 $0xFFFFFB00  }
0xdc: {  	_ =	swait.ge [sflag:s10], $0x500  }
0xdd: {  	[sflag:s10] =	ssyncset.done $0x0  }
0xde: {  	[sflag:s10] =	ssyncadd.s32 $0xFFFFFB00  }
0xdf: {  	_ =	swait.ge [sflag:s10], $0x500  }
0xe0: {  	[sflag:s10] =	ssyncset.done $0x0  }
0xe1: {  	[sflag:s10] =	ssyncadd.s32 $0xFFFFFB00  }
0xe2: {  	_ =	swait.ge [sflag:s10], $0x500  }
0xe3: {  	[sflag:s10] =	ssyncset.done $0x0  }
0xe4: {  	[sflag:s10] =	ssyncadd.s32 $0xFFFFFB00  }
0xe5: {  	_ =	swait.ge [sflag:s10], $0x500  }
0xe6: {  	s20 =	sadd.s32 $0x2A30, s18;
	[sflag:s10] =	ssyncset.done $0x0  }
0xe7: {  	s22 =	sadd.s32 $0x2A80, s18;
	[sflag:s10] =	ssyncadd.s32 $0xFFFFFB00  }
0xe8: {  	[tilespmem:s15], [sflag:$0x1] =	stream.indirect.gather [hbm4b:s4+s14], $0x10, s20, s14, $0xb8;
	[tilespmem:$0xCE40] =	vst v63  }
0xe9: {  	s20 =	sadd.s32 $0x2AD0, s18  }
0xea: {  	[tilespmem:s17], [sflag:$0x1] =	stream.indirect.gather [hbm4b:s4+s14], $0x10, s22, s14, $0xb8;
	[tilespmem:$0xCE40] =	vst v63  }
.Ltmp1:
0xeb: {  	_ = 	snop;
	(pc) =	sbr.rel @p0 .LBB2_4-.Ltmp1, $4  }
0xec: {  	s22 =	sadd.s32 $0x2B20, s18  }
0xed: {  	[tilespmem:s19], [sflag:$0x1] =	stream.indirect.gather [hbm4b:s4+s14], $0x10, s20, s14, $0xb8;
	[tilespmem:$0xCE40] =	vst v63  }
0xee: {  	s18 =	sadd.s32 $0x2B70, s18  }
0xef: {  	[tilespmem:s21], [sflag:$0x1] =	stream.indirect.gather [hbm4b:s4+s14], $0x10, s22, s14, $0xb8;
	[tilespmem:$0xCE40] =	vst v63  }
0xf0: {  	[tilespmem:s23], [sflag:$0x1] =	stream.indirect.gather [hbm4b:s4+s14], $0x10, s18, s14, $0xb8;
	[tilespmem:$0xCE40] =	vst v63  }
0xf1: {  	_ =	swait.ge [sflag:s25], $0x500  }
0xf2: {  	[sflag:s25] =	ssyncset.done $0x0  }
0xf3: {  	[sflag:s25] =	ssyncadd.s32 $0xFFFFFB00  }
0xf4: {  	_ =	swait.ge [sflag:s25], $0x500  }
0xf5: {  	[sflag:s25] =	ssyncset.done $0x0  }
0xf6: {  	[sflag:s25] =	ssyncadd.s32 $0xFFFFFB00  }
0xf7: {  	_ =	swait.ge [sflag:s25], $0x500  }
0xf8: {  	[sflag:s25] =	ssyncset.done $0x0  }
0xf9: {  	[sflag:s25] =	ssyncadd.s32 $0xFFFFFB00  }
0xfa: {  	_ =	swait.ge [sflag:s25], $0x500  }
0xfb: {  	[sflag:s25] =	ssyncset.done $0x0  }
0xfc: {  	[sflag:s25] =	ssyncadd.s32 $0xFFFFFB00  }
0xfd: {  	_ =	swait.ge [sflag:s25], $0x500  }
0xfe: {  	[sflag:s25] =	ssyncset.done $0x0  }
0xff: {  	s16 =	simm.s32 $0x73A0;
	[sflag:s25] =	ssyncadd.s32 $0xFFFFFB00  }
0x100: {  	[spmem:s1] =	stream.indirect.scatter.add.f32 [tilespmem:s15], [sflag:$0x3], $0x10, s16, s14, $0xb8;
	[tilespmem:$0xCE40] =	vst v63  }
0x101: {  	s18 =	simm.s32 $0x73F0  }
0x102: {  	[spmem:s1] =	stream.indirect.scatter.add.f32 [tilespmem:s17], [sflag:$0x3], $0x10, s18, s14, $0xb8;
	[tilespmem:$0xCE40] =	vst v63  }
0x103: {  	s20 =	simm.s32 $0x7440  }
0x104: {  	[spmem:s1] =	stream.indirect.scatter.add.f32 [tilespmem:s19], [sflag:$0x3], $0x10, s20, s14, $0xb8;
	[tilespmem:$0xCE40] =	vst v63  }
0x105: {  	s22 =	simm.s32 $0x7490  }
0x106: {  	[spmem:s1] =	stream.indirect.scatter.add.f32 [tilespmem:s21], [sflag:$0x3], $0x10, s22, s14, $0xb8;
	[tilespmem:$0xCE40] =	vst v63  }
0x107: {  	s18 =	simm.s32 $0x74E0  }
0x108: {  	[spmem:s1] =	stream.indirect.scatter.add.f32 [tilespmem:s23], [sflag:$0x3], $0x10, s18, s14, $0xb8;
	[tilespmem:$0xCE40] =	vst v63  }
0x109: {  	_ =	swait.ge [sflag:s2], $0x500  }
0x10a: {  	[sflag:s2] =	ssyncset.done $0x0  }
0x10b: {  	[sflag:s2] =	ssyncadd.s32 $0xFFFFFB00  }
0x10c: {  	_ =	swait.ge [sflag:s2], $0x500  }
0x10d: {  	[sflag:s2] =	ssyncset.done $0x0  }
0x10e: {  	[sflag:s2] =	ssyncadd.s32 $0xFFFFFB00  }
0x10f: {  	_ =	swait.ge [sflag:s2], $0x500  }
0x110: {  	[sflag:s2] =	ssyncset.done $0x0  }
0x111: {  	[sflag:s2] =	ssyncadd.s32 $0xFFFFFB00  }
0x112: {  	_ =	swait.ge [sflag:s2], $0x500  }
0x113: {  	[sflag:s2] =	ssyncset.done $0x0  }
0x114: {  	[sflag:s2] =	ssyncadd.s32 $0xFFFFFB00  }
0x115: {  	_ =	swait.ge [sflag:s2], $0x500  }
0x116: {  	[sflag:s2] =	ssyncset.done $0x0  }
0x117: {  	[sflag:s2] =	ssyncadd.s32 $0xFFFFFB00  }
0x118: {  	_ =	swait.ge [sflag:s10], $0x500  }
0x119: {  	[sflag:s10] =	ssyncset.done $0x0  }
0x11a: {  	[sflag:s10] =	ssyncadd.s32 $0xFFFFFB00  }
0x11b: {  	_ =	swait.ge [sflag:s10], $0x500  }
0x11c: {  	[sflag:s10] =	ssyncset.done $0x0  }
0x11d: {  	[sflag:s10] =	ssyncadd.s32 $0xFFFFFB00  }
0x11e: {  	_ =	swait.ge [sflag:s10], $0x500  }
0x11f: {  	[sflag:s10] =	ssyncset.done $0x0  }
0x120: {  	[sflag:s10] =	ssyncadd.s32 $0xFFFFFB00  }
0x121: {  	_ =	swait.ge [sflag:s10], $0x500  }
0x122: {  	[sflag:s10] =	ssyncset.done $0x0  }
0x123: {  	[sflag:s10] =	ssyncadd.s32 $0xFFFFFB00  }
0x124: {  	s20 =	stileid.u32;
	_ =	swait.ge [sflag:s10], $0x500  }
0x125: {  	s11 =	sadd.s32 $0x1, s11;
	s16 =	sshll.u32 s20, $0x6;
	[sflag:s10] =	ssyncset.done $0x0  }
0x126: {  	p0 =	sne.s32 s11, s8;
	s16 =	sor.u32 $0x1C06, s16;
	[sflag:s10] =	ssyncadd.s32 $0xFFFFFB00  }
.Ltmp2:
0x127: {  	s22 =	sshrl.u32 s7, $0x3;
	[bflag:$0x0] =	sbarrier.arrive $0xFFFF;
	(pc) =	sbr.rel @p0 .LBB2_1-.Ltmp2, $4  }
0x128: {  	[hbm:s24], [sflag:s16] =	dma.local [spmem:s22], $0x4E2  }
0x129: {  	_ =	swait.ge [sflag:s12], $0x4E2  }
0x12a: {  	[sflag:s12] =	ssyncset.done $0x0  }
0x12b: {  	[sflag:s12] =	ssyncadd.s32 $0xFFFFFB1E  }
0x12c: {  	_ =	sfence.sel $0x180000  }
0x12d: {  	[bflag:$0x0] =	sbarrier.arrive $0xFFFF  }
0x12e: {  	_ =	strace $0x9000004A  }
0x12f: {  	s0 =	stileid.u32;
	[bflag:$0x2] =	sbarrier.arrive $0xFFFF  }
0x130: {  	p0 =	sne.s32 s0, $0x0;
	s0 =	rddreg [dreg:$0x4]  }
0x131: {  	s0 =	sadd.s32 @!p0 $0x100000, s0  }
0x132: {  	[sflag:s0] =	ssyncadd.tile.s32 @!p0 $0x1;
	_ =	shalt  }
.Lfunc_end2:
_tile_overlayer_lowered:
.L_overlay_start_2:
0x133: {  	(tag) =	ssettag $0x2  }
0x134: {  	s0 =	rddreg [dreg:$0x0];
	s2 =	stileid.u32  }
0x135: {  	s1 =	rddreg [dreg:$0x1];
	p0 =	sne.s32 s2, $0x0  }
0x136: {  	s3 =	rddreg [dreg:$0x2];
	[bflag:$0x3] =	sbarrier.arrive $0xFFFF;
	s2 =	simm.s32 @!p0 $0x1C06  }
0x137: {  	[timem:s3], [sflag:s2] =	dma.local @!p0 [hbm:s0], s1  }
0x138: {  	s0 =	simm.s32 @!p0 $0x6  }
0x139: {  	_ =	swait.ge @!p0 [sflag:s0], s1  }
0x13a: {  	s1 =	ssub.s32 @!p0 $0x0, s1;
	[sflag:s0] =	ssyncset.done @!p0 $0x0  }
0x13b: {  	[sflag:s0] =	ssyncadd.s32 @!p0 s1  }
0x13c: {  	[bflag:$0x3] =	sbarrier.arrive $0xFFFF  }
0x13d: {  	_ =	shalt  }

// kernel: _run.14.cloned.1.call-start
scs
__scs_entry_jumppad:
0x0: {  	(pc) =	sbr.rel $0x88, $3  }
0x1: {  	(tag) =	ssettag $0x0;
	lr =	simm.s32 $0x1  }
0x2: {  	[smem:$0x3F98] =	sst lr;
	_ =	strace $0xD0000000  }
0x3: {  	_ = 	snop  }
0x4: {  	_ = 	snop  }
0x5: {  	_ = 	snop  }
0x6: {  	_ = 	snop  }
0x7: {  	_ = 	snop  }
__scs_overlays_trampoline_lowered:
0x8: {  	[smem:$0x3FA7] =	sst s0  }
0x9: {  	[smem:$0x3FA8] =	sst s1  }
0xa: {  	[smem:$0x3FA9] =	sst s2  }
0xb: {  	[smem:$0x3FAA] =	sst s3  }
0xc: {  	[smem:$0x3FAB] =	sst s4  }
0xd: {  	[smem:$0x3FAC] =	sst s5  }
0xe: {  	[smem:$0x3FAD] =	sst s6  }
0xf: {  	[smem:$0x3FAE] =	sst s7  }
0x10: {  	[smem:$0x3FAF] =	sst s8  }
0x11: {  	[smem:$0x3FB0] =	sst s9;
	s0 =	simm.s32 @!p0 $0x0  }
0x12: {  	s1 =	sld [smem:$0x3F96];
	s0 =	simm.s32 @p0 $0x1  }
0x13: {  	[smem:$0x3FB1] =	sst s0;
	s0 =	simm.s32 @!p1 $0x0  }
0x14: {  	s2 =	sld [smem:$0x3F95];
	s0 =	simm.s32 @p1 $0x1  }
0x15: {  	[smem:$0x3FB2] =	sst s0;
	s0 =	simm.s32 @!p2 $0x0  }
0x16: {  	s3 =	sld [smem:$0x3FDB];
	s0 =	simm.s32 @p2 $0x1  }
0x17: {  	s4 =	simm.s32 $0x1BF5;
	[smem:$0x3FB4] =	sst s0  }
0x18: {  	s0 =	sld [smem:$0x3F97];
	_ =	swait.ge [sflag:s4], $0x0  }
0x19: {  	s7 =	sld [smem:$0x3F98]  }
0x1a: {  	s8 =	sadd.s32 $0xFFFFE003, lr  }
0x1b: {  	s9 =	sadd.s32 $0xFFFFFEF7, lr;
	s5 =	simm.s32 $0xFFFFFFFF;
	p2 =	slt.u32 s8, $0xFFFFF086  }
0x1c: {  	p1 =	slt.u32 s9, $0xF7A;
	s5 =	simm.s32 @!p2 $0x0  }
0x1d: {  	s5 =	simm.s32 @p1 $0x1;
	p0 =	seq.s32 s7, s2  }
0x1e: {  	s7 =	smul.u32 @!p0 $0xF7A, s2;
	p2 =	seq.s32 @!p0 s5, $0x0  }
0x1f: {  	s9 =	smul.u32 $0xF7A, s1;
	s8 =	simm.s32 @!p0 $0x1BF5;
	p2 =	por !p2, p0  }
0x20: {  	[sflag:s8] =	ssyncset.s32 @!p0 $0xFFFFF086;
	s6 =	sadd.s32 @!p0 s3, s7;
	s7 =	simm.s32 @!p0 $0x108  }
0x21: {  	s3 =	sadd.s32 s3, s9;
	s6 =	sadd.s32 @!p0 $0x88, s6;
	s7 =	simm.s32 @p2 $0x1082  }
0x22: {  	[simem:s7], [sflag:s8] =	dma.local @!p0 [hbm:s6], $0xF7A  }
0x23: {  	s9 =	sor.u32 $0xD0000000, s2;
	s6 =	simm.s32 $0x108;
	_ =	swait.ge @!p0 [sflag:s8], $0x0  }
0x24: {  	s3 =	sadd.s32 $0x88, s3;
	s6 =	simm.s32 @!p1 $0x1082;
	[sflag:s4] =	ssyncset.s32 $0xFFFFF086  }
0x25: {  	[simem:s6], [sflag:s4] =	dma.local [hbm:s3], $0xF7A  }
0x26: {  	[smem:$0x3F98] =	sst s1;
	(tag) =	ssettag s2;
	_ =	strace s9  }
0x27: {  	s1 =	sld [smem:$0x3FA8]  }
0x28: {  	s2 =	sld [smem:$0x3FA9]  }
0x29: {  	s4 =	sld [smem:$0x3FAB]  }
0x2a: {  	p0 =	seq.s32 s5, $0x0;
	s5 =	sld [smem:$0x3FAC]  }
0x2b: {  	s6 =	sld [smem:$0x3FAD]  }
0x2c: {  	s7 =	sld [smem:$0x3FAE]  }
0x2d: {  	s3 =	simm.s32 $0x108;
	s8 =	sld [smem:$0x3FAF]  }
0x2e: {  	s3 =	simm.s32 @!p0 $0x1082;
	s9 =	sld [smem:$0x3FB0]  }
0x2f: {  	lr =	sadd.s32 s0, s3;
	s0 =	sld [smem:$0x3FA7]  }
0x30: {  	s3 =	sld [smem:$0x3FAA]  }
0x31: {  	[smem:$0x3FB3] =	sst s10  }
0x32: {  	s10 =	sld [smem:$0x3FB1];
	_ =	sdelay $0x3  }
0x33: {  	p0 =	seq.s32 s10, $0x1;
	s10 =	sld [smem:$0x3FB3];
	_ =	sdelay $0x3  }
0x34: {  	[smem:$0x3FB3] =	sst s10  }
0x35: {  	s10 =	sld [smem:$0x3FB2];
	_ =	sdelay $0x3  }
0x36: {  	p1 =	seq.s32 s10, $0x1;
	s10 =	sld [smem:$0x3FB3];
	_ =	sdelay $0x3  }
0x37: {  	[smem:$0x3FB3] =	sst s10  }
0x38: {  	s10 =	sld [smem:$0x3FB4]  }
0x39: {  	_ = 	snop;
	(pc) =	sbr.ind lr, $3  }
0x3a: {  	_ = 	snop  }
0x3b: {  	_ = 	snop  }
0x3c: {  	p2 =	seq.s32 s10, $0x1;
	s10 =	sld [smem:$0x3FB3]  }
0x3d: {  	_ =	shalt  }
0x3e: {  	_ =	shalt  }
0x3f: {  	_ =	shalt  }
0x40: {  	_ =	shalt  }
0x41: {  	_ =	shalt  }
0x42: {  	_ =	shalt  }
0x43: {  	_ =	shalt  }
0x44: {  	_ =	shalt  }
0x45: {  	_ =	shalt  }
0x46: {  	_ =	shalt  }
0x47: {  	_ =	shalt  }
0x48: {  	_ =	shalt  }
0x49: {  	_ =	shalt  }
0x4a: {  	_ =	shalt  }
0x4b: {  	_ =	shalt  }
0x4c: {  	_ =	shalt  }
0x4d: {  	_ =	shalt  }
0x4e: {  	_ =	shalt  }
0x4f: {  	_ =	shalt  }
0x50: {  	_ =	shalt  }
0x51: {  	_ =	shalt  }
0x52: {  	_ =	shalt  }
0x53: {  	_ =	shalt  }
0x54: {  	_ =	shalt  }
0x55: {  	_ =	shalt  }
0x56: {  	_ =	shalt  }
0x57: {  	_ =	shalt  }
0x58: {  	_ =	shalt  }
0x59: {  	_ =	shalt  }
0x5a: {  	_ =	shalt  }
0x5b: {  	_ =	shalt  }
0x5c: {  	_ =	shalt  }
0x5d: {  	_ =	shalt  }
0x5e: {  	_ =	shalt  }
0x5f: {  	_ =	shalt  }
0x60: {  	_ =	shalt  }
0x61: {  	_ =	shalt  }
0x62: {  	_ =	shalt  }
0x63: {  	_ =	shalt  }
0x64: {  	_ =	shalt  }
0x65: {  	_ =	shalt  }
0x66: {  	_ =	shalt  }
0x67: {  	_ =	shalt  }
0x68: {  	_ =	shalt  }
0x69: {  	_ =	shalt  }
0x6a: {  	_ =	shalt  }
0x6b: {  	_ =	shalt  }
0x6c: {  	_ =	shalt  }
0x6d: {  	_ =	shalt  }
0x6e: {  	_ =	shalt  }
0x6f: {  	_ =	shalt  }
0x70: {  	_ =	shalt  }
0x71: {  	_ =	shalt  }
0x72: {  	_ =	shalt  }
0x73: {  	_ =	shalt  }
0x74: {  	_ =	shalt  }
0x75: {  	_ =	shalt  }
0x76: {  	_ =	shalt  }
0x77: {  	_ =	shalt  }
0x78: {  	_ =	shalt  }
0x79: {  	_ =	shalt  }
0x7a: {  	_ =	shalt  }
0x7b: {  	_ =	shalt  }
0x7c: {  	_ =	shalt  }
0x7d: {  	_ =	shalt  }
0x7e: {  	_ =	shalt  }
0x7f: {  	_ =	shalt  }
0x80: {  	_ =	shalt  }
0x81: {  	_ =	shalt  }
0x82: {  	_ =	shalt  }
0x83: {  	_ =	shalt  }
0x84: {  	_ =	shalt  }
0x85: {  	_ =	shalt  }
0x86: {  	_ =	shalt  }
0x87: {  	_ =	shalt  }
.Lfunc_end0:
.L_simem_size_0:
called_computation.2_lowered:
.L_overlay_start_0:
0x88: {  	s2 =	sld [smem:$0x3FD9]  }
0x89: {  	s3 =	sld [smem:$0x3FFE];
	_ =	sdelay $0x1  }
0x8a: {  	s1 =	srdreg.scid  }
0x8b: {  	s0 =	sand.u32 $0x1, s1  }
0x8c: {  	s17 =	sshll.u32 s0, $0xA;
	s2 =	sadd.s32 s3, s2  }
0x8d: {  	s2 =	sadd.s32 s2, s17  }
0x8e: {  	[smem:$0x3FBF] =	sst s2  }
0x8f: {  	_ = 	snop  }
0x90: {  	s2 =	sld [smem:$0x3FC8]  }
0x91: {  	s18 =	sld [smem:$0x3FC7];
	(tm) =	ssettm $0x1  }
0x92: {  	s4 =	sld [smem:$0x3FFB];
	_ =	sdelay $0x3  }
0x93: {  	_ =	strace s4  }
0x94: {  	s4 =	sld [smem:$0x3FFC];
	_ =	sdelay $0x3  }
0x95: {  	_ =	strace s4  }
0x96: {  	s4 =	sld [smem:$0x3FFD];
	_ =	sdelay $0x3  }
0x97: {  	_ =	strace s4  }
0x98: {  	_ =	strace $0x8FFFFFFF  }
0x99: {  	s19 =	sld [smem:$0x3FDB];
	_ =	sdelay $0x1  }
0x9a: {  	s5 =	simm.s32 $_scs_section_size  }
0x9b: {  	s6 =	simm.s32 $_size__tile_overlayer_lowered;
	s7 =	simm.s32 $_tile_overlayer_lowered  }
0x9c: {  	s22 =	simm.s32 $0x1BFF;
	s21 =	sshll.u32 s7, $0x1;
	s4 =	sadd.s32 s5, s19  }
0x9d: {  	s8 =	simm.s32 $0x0;
	s20 =	sshll.u32 s6, $0x1;
	s6 =	sadd.s32 s21, s4  }
0x9e: {  	[timem:s8], [sflag:s22] =	dma.local [hbm:s6], s20  }
0x9f: {  	_ =	swait.ge [sflag:s22], s20  }
0xa0: {  	s5 =	ssub.s32 $0x0, s20;
	[sflag:s22] =	ssyncset.done $0x0  }
0xa1: {  	[sflag:s22] =	ssyncadd.s32 s5;
	_ =	sdelay $0x1  }
0xa2: {  	s23 =	simm.s32 $0x1B8B  }
0xa3: {  	_ =	swait.ge [sflag:s23], $0x1  }
0xa4: {  	[sflag:s23] =	ssyncset.done $0x0  }
0xa5: {  	s25 =	simm.s32 $0x1B8E;
	s24 =	sld [smem:$0x3FFE];
	[sflag:s23] =	ssyncadd.s32 $0xFFFFFFFF  }
0xa6: {  	s26 =	simm.s32 $execute0_lowered;
	[smem:$0x3FD2] =	sst s25  }
0xa7: {  	s6 =	sshll.u32 s26, $0x1;
	_ =	strace $0x8000004C;
	[dreg:$0x1] =	wrdreg $0xFFFFFFFF  }
0xa8: {  	s28 =	simm.s32 $_size_execute0_lowered;
	s4 =	sadd.s32 s4, s6;
	[dreg:$0x0] =	wrdreg $0x0  }
0xa9: {  	s6 =	sshll.u32 s28, $0x1;
	[dreg:$0x2] =	wrdreg s4  }
0xaa: {  	[dreg:$0x3] =	wrdreg s6  }
0xab: {  	[dreg:$0x4] =	wrdreg $0xC0  }
0xac: {  	_ =	task [dreg:s8], $0x5FFFF  }
0xad: {  	[dreg:$0x1] =	wrdreg $0xFFFFFFFF  }
0xae: {  	[dreg:$0x0] =	wrdreg $0x60  }
0xaf: {  	[dreg:$0x2] =	wrdreg s24  }
0xb0: {  	[dreg:$0x3] =	wrdreg s2  }
0xb1: {  	[dreg:$0x4] =	wrdreg s18  }
0xb2: {  	[dreg:$0x5] =	wrdreg $0x0  }
0xb3: {  	[dreg:$0x6] =	wrdreg $0x9  }
0xb4: {  	_ =	task.clear_ibuf [dreg:s8], $0x7FFFF;
	_ =	strace $0x9000004C  }
0xb5: {  	s29 =	simm.s32 $0x9;
	_ =	strace $0x8000004E  }
0xb6: {  	_ =	swait.ge [sflag:s29], $0x1  }
0xb7: {  	[sflag:s29] =	ssyncadd.s32 $0xFFFFFFFF  }
0xb8: {  	_ =	strace $0x9000004E  }
0xb9: {  	_ =	sfence  }
0xba: {  	s30 =	sld [smem:$0x0];
	_ =	sdelay $0x2  }
0xbb: {  	s31 =	sshll.u32 s1, $0xD;
	s1 =	sshrl.u32 s1, $0x2  }
0xbc: {  	s3 =	sand.u32 $0x4000, s31;
	s1 =	sadd.s32 s1, s30  }
0xbd: {  	s0 =	sor.u32 s3, s0;
	s1 =	sshll.u32 s1, $0x11  }
0xbe: {  	s0 =	sor.u32 s1, s0  }
0xbf: {  	s0 =	sadd.s32 $0x8F2B, s0  }
0xc0: {  	[sflag:s0] =	ssyncadd.remote.s32 $0x1  }
0xc1: {  	_ =	sfence.sel $0xFFFF  }
0xc2: {  	[dreg:$0x0] =	wrdreg $0xFFFFFFFF;
	(pc) =	sbr.abs _section_cstart, $3  }
0xc3: {  	[dreg:$0x1] =	wrdreg $0xFFFFFFFF  }
0xc4: {  	_ =	task.clear_ibuf [dreg:s8], $0x2FFFF;
	_ =	strace $0x9FFFFFFF  }
0xc5: {  	(tm) =	ssettm $0x7FFFFFFF  }
tec
execute0_lowered:
.L_overlay_start_1:
0x0: {  	(tag) =	ssettag $0x1  }
0x1: {  	s0 =	rddreg [dreg:$0x0]  }
0x2: {  	s2 =	rddreg [dreg:$0x1]  }
0x3: {  	s6 =	rddreg [dreg:$0x2]  }
0x4: {  	s1 =	rddreg [dreg:$0x3]  }
0x5: {  	s3 =	srdreg.scid;
	s10 =	stileid.u32;
	s12 =	simm.s32 $0x6  }
0x6: {  	s13 =	simm.s32 $0x5;
	s14 =	simm.s32 $0x50;
	s15 =	simm.s32 $0x7530  }
0x7: {  	s17 =	simm.s32 $0x7A30;
	s19 =	simm.s32 $0x7F30;
	s21 =	simm.s32 $0x8430  }
0x8: {  	s23 =	simm.s32 $0x8930;
	s28 =	simm.s32 $0x9330;
	s29 =	simm.s32 $0x9830  }
0x9: {  	s30 =	simm.s32 $0x9D30;
	s31 =	simm.s32 $0xA230;
	s4 =	sand.u32 $0x1, s3  }
0xa: {  	s11 =	simm.s32 $0x0;
	s3 =	simm.s32 $0x0;
	s5 =	sshll.u32 s4, $0x4  }
0xb: {  	[smem:$0x7FF] =	sst s3;
	s7 =	smul.u32 $0x4E20, s4;
	s8 =	ssub.s32 $0x2, s4  }
0xc: {  	s4 =	sadd.s32 $0x2000, s0;
	s5 =	sor.u32 s10, s5;
	s10 =	smul.u32 $0x2710, s10  }
0xd: {  	_ =	strace $0x8000004D;
	s25 =	sshrl.u32 s8, $0x1;
	s9 =	smul.u32 $0x4E2, s5  }
0xe: {  	s0 =	sadd.s32 s7, s0;
	s8 =	ssub.s32 s8, s25;
	s25 =	simm.s32 $0x1  }
0xf: {  	s7 =	sadd.s32 s10, s1;
	s0 =	sadd.s32 $0x7000, s0;
	s26 =	sshrl.u32 s10, $0x3  }
0x10: {  	s8 =	smax.u32 s8, $0x1;
	s10 =	simm.s32 $0x3;
	s5 =	sadd.s32 s2, s9  }
0x11: {  	s6 =	sadd.s32 s6, s9;
	s9 =	simm.s32 $0x2710;
	s24 =	sadd.s32 s26, s0  }
0x12: {  	v0 =	vimm.f32 $0.0e+00;
	s26 =	simm.s32 $0x8E30;
	s0 =	simm.s32 $0x2;
	s2 =	simm.s32 $0x4  }
.LBB2_1:
0x13: {  	[tilespmem:s9], [sflag:$0x5] =	stream.linear.gather [hbm4b:s5+s3], $0x2710, $0x38;
	[tilespmem:$0xCE40] =	vst v63  }
0x14: {  	s16 =	simm.s32 $0x4E20  }
0x15: {  	[tilespmem:s16], [sflag:$0x5] =	stream.linear.gather [hbm4b:s6+s3], $0x2710, $0x38;
	[tilespmem:$0xCE40] =	vst v63  }
0x16: {  	s18 =	simm.s32 $0x0;
	s16 =	simm.s32 $0x40  }
.LBB2_2:
0x17: {  	p0 =	sne.s32 s16, $0x9C00;
	[tilespmem:s18+$0xA730] =	vst v0;
	s18 =	smov.u32 s16;
	s16 =	sadd.s32 $0x40, s16  }
.Ltmp0:
0x18: {  	(pc) =	sbr.rel @p0 .LBB2_2-.Ltmp0, $2  }
0x19: {  	_ =	sdelay $0x2  }
0x1a: {  	s18 =	sshra.s32 s18, $0x2  }
0x1b: {  	[tilespmem:s18+$0xA730] =	vst v0;
	s16 =	simm.s32 $0xA730  }
0x1c: {  	[spmem:s7] =	stream.linear.scatter [tilespmem:s16], [sflag:$0x6], $0x2710, $0x38;
	[tilespmem:$0xCE40] =	vst v63  }
0x1d: {  	_ =	swait.ge [sflag:s12], $0x2710  }
0x1e: {  	[sflag:s12] =	ssyncset.done $0x0  }
0x1f: {  	[sflag:s12] =	ssyncadd.s32 $0xFFFFD8F0  }
0x20: {  	_ =	swait.ge [sflag:s13], $0x2710  }
0x21: {  	[sflag:s13] =	ssyncset.done $0x0  }
0x22: {  	[sflag:s13] =	ssyncadd.s32 $0xFFFFD8F0  }
0x23: {  	_ =	swait.ge [sflag:s13], $0x2710  }
0x24: {  	[sflag:s13] =	ssyncset.done $0x0  }
0x25: {  	[sflag:s13] =	ssyncadd.s32 $0xFFFFD8F0  }
0x26: {  	[bflag:$0x0] =	sbarrier.arrive $0xFFFF  }
0x27: {  	[tilespmem:s15], [sflag:$0x1] =	stream.indirect.gather [hbm4b:s4+s14], $0x10, s9, s14, $0xb8;
	[tilespmem:$0xCE40] =	vst v63  }
0x28: {  	s20 =	simm.s32 $0x2760  }
0x29: {  	[tilespmem:s17], [sflag:$0x1] =	stream.indirect.gather [hbm4b:s4+s14], $0x10, s20, s14, $0xb8;
	[tilespmem:$0xCE40] =	vst v63  }
0x2a: {  	s22 =	simm.s32 $0x27B0  }
0x2b: {  	[tilespmem:s19], [sflag:$0x1] =	stream.indirect.gather [hbm4b:s4+s14], $0x10, s22, s14, $0xb8;
	[tilespmem:$0xCE40] =	vst v63  }
0x2c: {  	s18 =	simm.s32 $0x2800  }
0x2d: {  	[tilespmem:s21], [sflag:$0x1] =	stream.indirect.gather [hbm4b:s4+s14], $0x10, s18, s14, $0xb8;
	[tilespmem:$0xCE40] =	vst v63  }
0x2e: {  	s20 =	simm.s32 $0x2850  }
0x2f: {  	[tilespmem:s23], [sflag:$0x1] =	stream.indirect.gather [hbm4b:s4+s14], $0x10, s20, s14, $0xb8;
	[tilespmem:$0xCE40] =	vst v63  }
0x30: {  	_ =	swait.ge [sflag:s25], $0x500  }
0x31: {  	[sflag:s25] =	ssyncset.done $0x0  }
0x32: {  	[sflag:s25] =	ssyncadd.s32 $0xFFFFFB00  }
0x33: {  	_ =	swait.ge [sflag:s25], $0x500  }
0x34: {  	[sflag:s25] =	ssyncset.done $0x0  }
0x35: {  	[sflag:s25] =	ssyncadd.s32 $0xFFFFFB00  }
0x36: {  	_ =	swait.ge [sflag:s25], $0x500  }
0x37: {  	[sflag:s25] =	ssyncset.done $0x0  }
0x38: {  	[sflag:s25] =	ssyncadd.s32 $0xFFFFFB00  }
0x39: {  	_ =	swait.ge [sflag:s25], $0x500  }
0x3a: {  	[sflag:s25] =	ssyncset.done $0x0  }
0x3b: {  	[sflag:s25] =	ssyncadd.s32 $0xFFFFFB00  }
0x3c: {  	_ =	swait.ge [sflag:s25], $0x500  }
0x3d: {  	[sflag:s25] =	ssyncset.done $0x0  }
0x3e: {  	s22 =	simm.s32 $0x4E20;
	[sflag:s25] =	ssyncadd.s32 $0xFFFFFB00  }
0x3f: {  	[spmem:s1] =	stream.indirect.scatter.add.f32 [tilespmem:s15], [sflag:$0x3], $0x10, s22, s14, $0xb8;
	[tilespmem:$0xCE40] =	vst v63  }
0x40: {  	s18 =	simm.s32 $0x4E70  }
0x41: {  	[spmem:s1] =	stream.indirect.scatter.add.f32 [tilespmem:s17], [sflag:$0x3], $0x10, s18, s14, $0xb8;
	[tilespmem:$0xCE40] =	vst v63  }
0x42: {  	s20 =	simm.s32 $0x4EC0  }
0x43: {  	[spmem:s1] =	stream.indirect.scatter.add.f32 [tilespmem:s19], [sflag:$0x3], $0x10, s20, s14, $0xb8;
	[tilespmem:$0xCE40] =	vst v63  }
0x44: {  	p0 =	por $0x1, $0x1;
	s22 =	simm.s32 $0x4F10  }
0x45: {  	[spmem:s1] =	stream.indirect.scatter.add.f32 [tilespmem:s21], [sflag:$0x3], $0x10, s22, s14, $0xb8;
	[tilespmem:$0xCE40] =	vst v63  }
0x46: {  	s16 =	simm.s32 @!p0 $0x4;
	s18 =	simm.s32 $0x4F60  }
0x47: {  	[spmem:s1] =	stream.indirect.scatter.add.f32 [tilespmem:s23], [sflag:$0x3], $0x10, s18, s14, $0xb8;
	[tilespmem:$0xCE40] =	vst v63  }
0x48: {  	_ =	swait.ge @!p0 [sflag:s16], $0x500  }
0x49: {  	[sflag:s16] =	ssyncset.done @!p0 $0x0  }
0x4a: {  	[sflag:s16] =	ssyncadd.s32 @!p0 $0xFFFFFB00  }
0x4b: {  	_ =	swait.ge @!p0 [sflag:s16], $0x500  }
0x4c: {  	[sflag:s16] =	ssyncset.done @!p0 $0x0  }
0x4d: {  	[sflag:s16] =	ssyncadd.s32 @!p0 $0xFFFFFB00  }
0x4e: {  	_ =	swait.ge @!p0 [sflag:s16], $0x500  }
0x4f: {  	[sflag:s16] =	ssyncset.done @!p0 $0x0  }
0x50: {  	[sflag:s16] =	ssyncadd.s32 @!p0 $0xFFFFFB00  }
0x51: {  	_ =	swait.ge @!p0 [sflag:s16], $0x500  }
0x52: {  	[sflag:s16] =	ssyncset.done @!p0 $0x0  }
0x53: {  	[sflag:s16] =	ssyncadd.s32 @!p0 $0xFFFFFB00  }
0x54: {  	_ =	swait.ge @!p0 [sflag:s16], $0x500  }
0x55: {  	[sflag:s16] =	ssyncset.done @!p0 $0x0  }
0x56: {  	s20 =	simm.s32 $0x28A0;
	[sflag:s16] =	ssyncadd.s32 @!p0 $0xFFFFFB00  }
0x57: {  	[tilespmem:s26], [sflag:$0x2] =	stream.indirect.gather [hbm4b:s4+s14], $0x10, s20, s14, $0xb8;
	[tilespmem:$0xCE40] =	vst v63  }
0x58: {  	s22 =	simm.s32 $0x28F0  }
0x59: {  	[tilespmem:s28], [sflag:$0x2] =	stream.indirect.gather [hbm4b:s4+s14], $0x10, s22, s14, $0xb8;
	[tilespmem:$0xCE40] =	vst v63  }
0x5a: {  	s18 =	simm.s32 $0x2940  }
0x5b: {  	[tilespmem:s29], [sflag:$0x2] =	stream.indirect.gather [hbm4b:s4+s14], $0x10, s18, s14, $0xb8;
	[tilespmem:$0xCE40] =	vst v63  }
0x5c: {  	s20 =	simm.s32 $0x2990  }
0x5d: {  	[tilespmem:s30], [sflag:$0x2] =	stream.indirect.gather [hbm4b:s4+s14], $0x10, s20, s14, $0xb8;
	[tilespmem:$0xCE40] =	vst v63  }
0x5e: {  	s22 =	simm.s32 $0x29E0  }
0x5f: {  	[tilespmem:s31], [sflag:$0x2] =	stream.indirect.gather [hbm4b:s4+s14], $0x10, s22, s14, $0xb8;
	[tilespmem:$0xCE40] =	vst v63  }
0x60: {  	_ =	swait.ge [sflag:s0], $0x500  }
0x61: {  	[sflag:s0] =	ssyncset.done $0x0  }
0x62: {  	[sflag:s0] =	ssyncadd.s32 $0xFFFFFB00  }
0x63: {  	_ =	swait.ge [sflag:s0], $0x500  }
0x64: {  	[sflag:s0] =	ssyncset.done $0x0  }
0x65: {  	[sflag:s0] =	ssyncadd.s32 $0xFFFFFB00  }
0x66: {  	_ =	swait.ge [sflag:s0], $0x500  }
0x67: {  	[sflag:s0] =	ssyncset.done $0x0  }
0x68: {  	[sflag:s0] =	ssyncadd.s32 $0xFFFFFB00  }
0x69: {  	_ =	swait.ge [sflag:s0], $0x500  }
0x6a: {  	[sflag:s0] =	ssyncset.done $0x0  }
0x6b: {  	[sflag:s0] =	ssyncadd.s32 $0xFFFFFB00  }
0x6c: {  	_ =	swait.ge [sflag:s0], $0x500  }
0x6d: {  	[sflag:s0] =	ssyncset.done $0x0  }
0x6e: {  	s18 =	simm.s32 $0x4FB0;
	[sflag:s0] =	ssyncadd.s32 $0xFFFFFB00  }
0x6f: {  	[spmem:s1] =	stream.indirect.scatter.add.f32 [tilespmem:s26], [sflag:$0x4], $0x10, s18, s14, $0xb8;
	[tilespmem:$0xCE40] =	vst v63  }
0x70: {  	s20 =	simm.s32 $0x5000  }
0x71: {  	[spmem:s1] =	stream.indirect.scatter.add.f32 [tilespmem:s28], [sflag:$0x4], $0x10, s20, s14, $0xb8;
	[tilespmem:$0xCE40] =	vst v63  }
0x72: {  	s22 =	simm.s32 $0x5050  }
0x73: {  	[spmem:s1] =	stream.indirect.scatter.add.f32 [tilespmem:s29], [sflag:$0x4], $0x10, s22, s14, $0xb8;
	[tilespmem:$0xCE40] =	vst v63  }
0x74: {  	s18 =	simm.s32 $0x50A0  }
0x75: {  	[spmem:s1] =	stream.indirect.scatter.add.f32 [tilespmem:s30], [sflag:$0x4], $0x10, s18, s14, $0xb8;
	[tilespmem:$0xCE40] =	vst v63  }
0x76: {  	s20 =	simm.s32 $0x50F0  }
0x77: {  	[spmem:s1] =	stream.indirect.scatter.add.f32 [tilespmem:s31], [sflag:$0x4], $0x10, s20, s14, $0xb8;
	[tilespmem:$0xCE40] =	vst v63  }
0x78: {  	_ =	swait.ge [sflag:s10], $0x500  }
0x79: {  	[sflag:s10] =	ssyncset.done $0x0  }
0x7a: {  	[sflag:s10] =	ssyncadd.s32 $0xFFFFFB00  }
0x7b: {  	_ =	swait.ge [sflag:s10], $0x500  }
0x7c: {  	[sflag:s10] =	ssyncset.done $0x0  }
0x7d: {  	[sflag:s10] =	ssyncadd.s32 $0xFFFFFB00  }
0x7e: {  	_ =	swait.ge [sflag:s10], $0x500  }
0x7f: {  	[sflag:s10] =	ssyncset.done $0x0  }
0x80: {  	[sflag:s10] =	ssyncadd.s32 $0xFFFFFB00  }
0x81: {  	_ =	swait.ge [sflag:s10], $0x500  }
0x82: {  	[sflag:s10] =	ssyncset.done $0x0  }
0x83: {  	[sflag:s10] =	ssyncadd.s32 $0xFFFFFB00  }
0x84: {  	_ =	swait.ge [sflag:s10], $0x500  }
0x85: {  	[sflag:s10] =	ssyncset.done $0x0  }
0x86: {  	s22 =	simm.s32 $0x2A30;
	[sflag:s10] =	ssyncadd.s32 $0xFFFFFB00  }
0x87: {  	[tilespmem:s15], [sflag:$0x1] =	stream.indirect.gather [hbm4b:s4+s14], $0x10, s22, s14, $0xb8;
	[tilespmem:$0xCE40] =	vst v63  }
0x88: {  	s18 =	simm.s32 $0x2A80  }
0x89: {  	[tilespmem:s17], [sflag:$0x1] =	stream.indirect.gather [hbm4b:s4+s14], $0x10, s18, s14, $0xb8;
	[tilespmem:$0xCE40] =	vst v63  }
0x8a: {  	s20 =	simm.s32 $0x2AD0  }
0x8b: {  	[tilespmem:s19], [sflag:$0x1] =	stream.indirect.gather [hbm4b:s4+s14], $0x10, s20, s14, $0xb8;
	[tilespmem:$0xCE40] =	vst v63  }
0x8c: {  	s16 =	simm.s32 $0xC80;
	s22 =	simm.s32 $0x2B20;
	s18 =	simm.s32 $0x2B70  }
0x8d: {  	[tilespmem:s21], [sflag:$0x1] =	stream.indirect.gather [hbm4b:s4+s14], $0x10, s22, s14, $0xb8;
	[tilespmem:$0xCE40] =	vst v63  }
.LBB2_4:
0x8e: {  	s20 =	smov.u32 s16;
	s16 =	sadd.s32 $0xC80, s16  }
0x8f: {  	[tilespmem:s23], [sflag:$0x1] =	stream.indirect.gather [hbm4b:s4+s14], $0x10, s18, s14, $0xb8;
	[tilespmem:$0xCE40] =	vst v63  }
0x90: {  	p0 =	sne.s32 s16, $0x9600;
	_ =	swait.ge [sflag:s25], $0x500  }
0x91: {  	[sflag:s25] =	ssyncset.done $0x0  }
0x92: {  	[sflag:s25] =	ssyncadd.s32 $0xFFFFFB00  }
0x93: {  	_ =	swait.ge [sflag:s25], $0x500  }
0x94: {  	[sflag:s25] =	ssyncset.done $0x0  }
0x95: {  	[sflag:s25] =	ssyncadd.s32 $0xFFFFFB00  }
0x96: {  	_ =	swait.ge [sflag:s25], $0x500  }
0x97: {  	[sflag:s25] =	ssyncset.done $0x0  }
0x98: {  	[sflag:s25] =	ssyncadd.s32 $0xFFFFFB00  }
0x99: {  	_ =	swait.ge [sflag:s25], $0x500  }
0x9a: {  	[sflag:s25] =	ssyncset.done $0x0  }
0x9b: {  	[sflag:s25] =	ssyncadd.s32 $0xFFFFFB00  }
0x9c: {  	_ =	swait.ge [sflag:s25], $0x500  }
0x9d: {  	s18 =	sshra.s32 s20, $0x2;
	[sflag:s25] =	ssyncset.done $0x0  }
0x9e: {  	s22 =	sadd.s32 $0x4E20, s18;
	[sflag:s25] =	ssyncadd.s32 $0xFFFFFB00  }
0x9f: {  	[spmem:s1] =	stream.indirect.scatter.add.f32 [tilespmem:s15], [sflag:$0x3], $0x10, s22, s14, $0xb8;
	[tilespmem:$0xCE40] =	vst v63  }
0xa0: {  	s22 =	sadd.s32 $0x4E70, s18  }
0xa1: {  	[spmem:s1] =	stream.indirect.scatter.add.f32 [tilespmem:s17], [sflag:$0x3], $0x10, s22, s14, $0xb8;
	[tilespmem:$0xCE40] =	vst v63  }
0xa2: {  	s22 =	sadd.s32 $0x4EC0, s18  }
0xa3: {  	[spmem:s1] =	stream.indirect.scatter.add.f32 [tilespmem:s19], [sflag:$0x3], $0x10, s22, s14, $0xb8;
	[tilespmem:$0xCE40] =	vst v63  }
0xa4: {  	s22 =	sadd.s32 $0x4F10, s18  }
0xa5: {  	[spmem:s1] =	stream.indirect.scatter.add.f32 [tilespmem:s21], [sflag:$0x3], $0x10, s22, s14, $0xb8;
	[tilespmem:$0xCE40] =	vst v63  }
0xa6: {  	p1 =	seq.s32 s20, $0x0;
	s22 =	sadd.s32 $0x4F60, s18  }
0xa7: {  	[spmem:s1] =	stream.indirect.scatter.add.f32 [tilespmem:s23], [sflag:$0x3], $0x10, s22, s14, $0xb8;
	[tilespmem:$0xCE40] =	vst v63  }
0xa8: {  	s20 =	simm.s32 @!p1 $0x4  }
0xa9: {  	_ =	swait.ge @!p1 [sflag:s20], $0x500  }
0xaa: {  	[sflag:s20] =	ssyncset.done @!p1 $0x0  }
0xab: {  	[sflag:s20] =	ssyncadd.s32 @!p1 $0xFFFFFB00  }
0xac: {  	_ =	swait.ge @!p1 [sflag:s20], $0x500  }
0xad: {  	[sflag:s20] =	ssyncset.done @!p1 $0x0  }
0xae: {  	[sflag:s20] =	ssyncadd.s32 @!p1 $0xFFFFFB00  }
0xaf: {  	_ =	swait.ge @!p1 [sflag:s20], $0x500  }
0xb0: {  	[sflag:s20] =	ssyncset.done @!p1 $0x0  }
0xb1: {  	[sflag:s20] =	ssyncadd.s32 @!p1 $0xFFFFFB00  }
0xb2: {  	_ =	swait.ge @!p1 [sflag:s20], $0x500  }
0xb3: {  	[sflag:s20] =	ssyncset.done @!p1 $0x0  }
0xb4: {  	[sflag:s20] =	ssyncadd.s32 @!p1 $0xFFFFFB00  }
0xb5: {  	_ =	swait.ge @!p1 [sflag:s20], $0x500  }
0xb6: {  	s22 =	sadd.s32 $0x28A0, s18;
	[sflag:s20] =	ssyncset.done @!p1 $0x0  }
0xb7: {  	[sflag:s20] =	ssyncadd.s32 @!p1 $0xFFFFFB00;
	s20 =	sadd.s32 $0x28F0, s18  }
0xb8: {  	[tilespmem:s26], [sflag:$0x2] =	stream.indirect.gather [hbm4b:s4+s14], $0x10, s22, s14, $0xb8;
	[tilespmem:$0xCE40] =	vst v63  }
0xb9: {  	s22 =	sadd.s32 $0x2940, s18  }
0xba: {  	[tilespmem:s28], [sflag:$0x2] =	stream.indirect.gather [hbm4b:s4+s14], $0x10, s20, s14, $0xb8;
	[tilespmem:$0xCE40] =	vst v63  }
0xbb: {  	s20 =	sadd.s32 $0x2990, s18  }
0xbc: {  	[tilespmem:s29], [sflag:$0x2] =	stream.indirect.gather [hbm4b:s4+s14], $0x10, s22, s14, $0xb8;
	[tilespmem:$0xCE40] =	vst v63  }
0xbd: {  	s22 =	sadd.s32 $0x29E0, s18  }
0xbe: {  	[tilespmem:s30], [sflag:$0x2] =	stream.indirect.gather [hbm4b:s4+s14], $0x10, s20, s14, $0xb8;
	[tilespmem:$0xCE40] =	vst v63  }
0xbf: {  	_ = 	snop  }
0xc0: {  	[tilespmem:s31], [sflag:$0x2] =	stream.indirect.gather [hbm4b:s4+s14], $0x10, s22, s14, $0xb8;
	[tilespmem:$0xCE40] =	vst v63  }
0xc1: {  	_ =	swait.ge [sflag:s0], $0x500  }
0xc2: {  	[sflag:s0] =	ssyncset.done $0x0  }
0xc3: {  	[sflag:s0] =	ssyncadd.s32 $0xFFFFFB00  }
0xc4: {  	_ =	swait.ge [sflag:s0], $0x500  }
0xc5: {  	[sflag:s0] =	ssyncset.done $0x0  }
0xc6: {  	[sflag:s0] =	ssyncadd.s32 $0xFFFFFB00  }
0xc7: {  	_ =	swait.ge [sflag:s0], $0x500  }
0xc8: {  	[sflag:s0] =	ssyncset.done $0x0  }
0xc9: {  	[sflag:s0] =	ssyncadd.s32 $0xFFFFFB00  }
0xca: {  	_ =	swait.ge [sflag:s0], $0x500  }
0xcb: {  	[sflag:s0] =	ssyncset.done $0x0  }
0xcc: {  	[sflag:s0] =	ssyncadd.s32 $0xFFFFFB00  }
0xcd: {  	_ =	swait.ge [sflag:s0], $0x500  }
0xce: {  	s20 =	sadd.s32 $0x4FB0, s18;
	[sflag:s0] =	ssyncset.done $0x0  }
0xcf: {  	s22 =	sadd.s32 $0x5000, s18;
	[sflag:s0] =	ssyncadd.s32 $0xFFFFFB00  }
0xd0: {  	[spmem:s1] =	stream.indirect.scatter.add.f32 [tilespmem:s26], [sflag:$0x4], $0x10, s20, s14, $0xb8;
	[tilespmem:$0xCE40] =	vst v63  }
0xd1: {  	s20 =	sadd.s32 $0x5050, s18  }
0xd2: {  	[spmem:s1] =	stream.indirect.scatter.add.f32 [tilespmem:s28], [sflag:$0x4], $0x10, s22, s14, $0xb8;
	[tilespmem:$0xCE40] =	vst v63  }
0xd3: {  	s22 =	sadd.s32 $0x50A0, s18  }
0xd4: {  	[spmem:s1] =	stream.indirect.scatter.add.f32 [tilespmem:s29], [sflag:$0x4], $0x10, s20, s14, $0xb8;
	[tilespmem:$0xCE40] =	vst v63  }
0xd5: {  	s20 =	sadd.s32 $0x50F0, s18  }
0xd6: {  	[spmem:s1] =	stream.indirect.scatter.add.f32 [tilespmem:s30], [sflag:$0x4], $0x10, s22, s14, $0xb8;
	[tilespmem:$0xCE40] =	vst v63  }
0xd7: {  	_ = 	snop  }
0xd8: {  	[spmem:s1] =	stream.indirect.scatter.add.f32 [tilespmem:s31], [sflag:$0x4], $0x10, s20, s14, $0xb8;
	[tilespmem:$0xCE40] =	vst v63  }
0xd9: {  	_ =	swait.ge [sflag:s10], $0x500  }
0xda: {  	[sflag:s10] =	ssyncset.done $0x0  }
0xdb: {  	[sflag:s10] =	ssyncadd.s32 $0xFFFFFB00  }
0xdc: {  	_ =	swait.ge [sflag:s10], $0x500  }
0xdd: {  	[sflag:s10] =	ssyncset.done $0x0  }
0xde: {  	[sflag:s10] =	ssyncadd.s32 $0xFFFFFB00  }
0xdf: {  	_ =	swait.ge [sflag:s10], $0x500  }
0xe0: {  	[sflag:s10] =	ssyncset.done $0x0  }
0xe1: {  	[sflag:s10] =	ssyncadd.s32 $0xFFFFFB00  }
0xe2: {  	_ =	swait.ge [sflag:s10], $0x500  }
0xe3: {  	[sflag:s10] =	ssyncset.done $0x0  }
0xe4: {  	[sflag:s10] =	ssyncadd.s32 $0xFFFFFB00  }
0xe5: {  	_ =	swait.ge [sflag:s10], $0x500  }
0xe6: {  	s20 =	sadd.s32 $0x2A30, s18;
	[sflag:s10] =	ssyncset.done $0x0  }
0xe7: {  	s22 =	sadd.s32 $0x2A80, s18;
	[sflag:s10] =	ssyncadd.s32 $0xFFFFFB00  }
0xe8: {  	[tilespmem:s15], [sflag:$0x1] =	stream.indirect.gather [hbm4b:s4+s14], $0x10, s20, s14, $0xb8;
	[tilespmem:$0xCE40] =	vst v63  }
0xe9: {  	s20 =	sadd.s32 $0x2AD0, s18  }
0xea: {  	[tilespmem:s17], [sflag:$0x1] =	stream.indirect.gather [hbm4b:s4+s14], $0x10, s22, s14, $0xb8;
	[tilespmem:$0xCE40] =	vst v63  }
.Ltmp1:
0xeb: {  	_ = 	snop;
	(pc) =	sbr.rel @p0 .LBB2_4-.Ltmp1, $4  }
0xec: {  	s22 =	sadd.s32 $0x2B20, s18  }
0xed: {  	[tilespmem:s19], [sflag:$0x1] =	stream.indirect.gather [hbm4b:s4+s14], $0x10, s20, s14, $0xb8;
	[tilespmem:$0xCE40] =	vst v63  }
0xee: {  	s18 =	sadd.s32 $0x2B70, s18  }
0xef: {  	[tilespmem:s21], [sflag:$0x1] =	stream.indirect.gather [hbm4b:s4+s14], $0x10, s22, s14, $0xb8;
	[tilespmem:$0xCE40] =	vst v63  }
0xf0: {  	[tilespmem:s23], [sflag:$0x1] =	stream.indirect.gather [hbm4b:s4+s14], $0x10, s18, s14, $0xb8;
	[tilespmem:$0xCE40] =	vst v63  }
0xf1: {  	_ =	swait.ge [sflag:s25], $0x500  }
0xf2: {  	[sflag:s25] =	ssyncset.done $0x0  }
0xf3: {  	[sflag:s25] =	ssyncadd.s32 $0xFFFFFB00  }
0xf4: {  	_ =	swait.ge [sflag:s25], $0x500  }
0xf5: {  	[sflag:s25] =	ssyncset.done $0x0  }
0xf6: {  	[sflag:s25] =	ssyncadd.s32 $0xFFFFFB00  }
0xf7: {  	_ =	swait.ge [sflag:s25], $0x500  }
0xf8: {  	[sflag:s25] =	ssyncset.done $0x0  }
0xf9: {  	[sflag:s25] =	ssyncadd.s32 $0xFFFFFB00  }
0xfa: {  	_ =	swait.ge [sflag:s25], $0x500  }
0xfb: {  	[sflag:s25] =	ssyncset.done $0x0  }
0xfc: {  	[sflag:s25] =	ssyncadd.s32 $0xFFFFFB00  }
0xfd: {  	_ =	swait.ge [sflag:s25], $0x500  }
0xfe: {  	[sflag:s25] =	ssyncset.done $0x0  }
0xff: {  	s16 =	simm.s32 $0x73A0;
	[sflag:s25] =	ssyncadd.s32 $0xFFFFFB00  }
0x100: {  	[spmem:s1] =	stream.indirect.scatter.add.f32 [tilespmem:s15], [sflag:$0x3], $0x10, s16, s14, $0xb8;
	[tilespmem:$0xCE40] =	vst v63  }
0x101: {  	s18 =	simm.s32 $0x73F0  }
0x102: {  	[spmem:s1] =	stream.indirect.scatter.add.f32 [tilespmem:s17], [sflag:$0x3], $0x10, s18, s14, $0xb8;
	[tilespmem:$0xCE40] =	vst v63  }
0x103: {  	s20 =	simm.s32 $0x7440  }
0x104: {  	[spmem:s1] =	stream.indirect.scatter.add.f32 [tilespmem:s19], [sflag:$0x3], $0x10, s20, s14, $0xb8;
	[tilespmem:$0xCE40] =	vst v63  }
0x105: {  	s22 =	simm.s32 $0x7490  }
0x106: {  	[spmem:s1] =	stream.indirect.scatter.add.f32 [tilespmem:s21], [sflag:$0x3], $0x10, s22, s14, $0xb8;
	[tilespmem:$0xCE40] =	vst v63  }
0x107: {  	s18 =	simm.s32 $0x74E0  }
0x108: {  	[spmem:s1] =	stream.indirect.scatter.add.f32 [tilespmem:s23], [sflag:$0x3], $0x10, s18, s14, $0xb8;
	[tilespmem:$0xCE40] =	vst v63  }
0x109: {  	_ =	swait.ge [sflag:s2], $0x500  }
0x10a: {  	[sflag:s2] =	ssyncset.done $0x0  }
0x10b: {  	[sflag:s2] =	ssyncadd.s32 $0xFFFFFB00  }
0x10c: {  	_ =	swait.ge [sflag:s2], $0x500  }
0x10d: {  	[sflag:s2] =	ssyncset.done $0x0  }
0x10e: {  	[sflag:s2] =	ssyncadd.s32 $0xFFFFFB00  }
0x10f: {  	_ =	swait.ge [sflag:s2], $0x500  }
0x110: {  	[sflag:s2] =	ssyncset.done $0x0  }
0x111: {  	[sflag:s2] =	ssyncadd.s32 $0xFFFFFB00  }
0x112: {  	_ =	swait.ge [sflag:s2], $0x500  }
0x113: {  	[sflag:s2] =	ssyncset.done $0x0  }
0x114: {  	[sflag:s2] =	ssyncadd.s32 $0xFFFFFB00  }
0x115: {  	_ =	swait.ge [sflag:s2], $0x500  }
0x116: {  	[sflag:s2] =	ssyncset.done $0x0  }
0x117: {  	[sflag:s2] =	ssyncadd.s32 $0xFFFFFB00  }
0x118: {  	_ =	swait.ge [sflag:s10], $0x500  }
0x119: {  	[sflag:s10] =	ssyncset.done $0x0  }
0x11a: {  	[sflag:s10] =	ssyncadd.s32 $0xFFFFFB00  }
0x11b: {  	_ =	swait.ge [sflag:s10], $0x500  }
0x11c: {  	[sflag:s10] =	ssyncset.done $0x0  }
0x11d: {  	[sflag:s10] =	ssyncadd.s32 $0xFFFFFB00  }
0x11e: {  	_ =	swait.ge [sflag:s10], $0x500  }
0x11f: {  	[sflag:s10] =	ssyncset.done $0x0  }
0x120: {  	[sflag:s10] =	ssyncadd.s32 $0xFFFFFB00  }
0x121: {  	_ =	swait.ge [sflag:s10], $0x500  }
0x122: {  	[sflag:s10] =	ssyncset.done $0x0  }
0x123: {  	[sflag:s10] =	ssyncadd.s32 $0xFFFFFB00  }
0x124: {  	s20 =	stileid.u32;
	_ =	swait.ge [sflag:s10], $0x500  }
0x125: {  	s11 =	sadd.s32 $0x1, s11;
	s16 =	sshll.u32 s20, $0x6;
	[sflag:s10] =	ssyncset.done $0x0  }
0x126: {  	p0 =	sne.s32 s11, s8;
	s16 =	sor.u32 $0x1C06, s16;
	[sflag:s10] =	ssyncadd.s32 $0xFFFFFB00  }
.Ltmp2:
0x127: {  	s22 =	sshrl.u32 s7, $0x3;
	[bflag:$0x0] =	sbarrier.arrive $0xFFFF;
	(pc) =	sbr.rel @p0 .LBB2_1-.Ltmp2, $4  }
0x128: {  	[hbm:s24], [sflag:s16] =	dma.local [spmem:s22], $0x4E2  }
0x129: {  	_ =	swait.ge [sflag:s12], $0x4E2  }
0x12a: {  	[sflag:s12] =	ssyncset.done $0x0  }
0x12b: {  	[sflag:s12] =	ssyncadd.s32 $0xFFFFFB1E  }
0x12c: {  	_ =	sfence.sel $0x180000  }
0x12d: {  	[bflag:$0x0] =	sbarrier.arrive $0xFFFF  }
0x12e: {  	_ =	strace $0x9000004D  }
0x12f: {  	s0 =	stileid.u32;
	[bflag:$0x2] =	sbarrier.arrive $0xFFFF  }
0x130: {  	p0 =	sne.s32 s0, $0x0;
	s0 =	rddreg [dreg:$0x4]  }
0x131: {  	s0 =	sadd.s32 @!p0 $0x100000, s0  }
0x132: {  	[sflag:s0] =	ssyncadd.tile.s32 @!p0 $0x1;
	_ =	shalt  }
.Lfunc_end2:
_tile_overlayer_lowered:
.L_overlay_start_2:
0x133: {  	(tag) =	ssettag $0x2  }
0x134: {  	s0 =	rddreg [dreg:$0x0];
	s2 =	stileid.u32  }
0x135: {  	s1 =	rddreg [dreg:$0x1];
	p0 =	sne.s32 s2, $0x0  }
0x136: {  	s3 =	rddreg [dreg:$0x2];
	[bflag:$0x3] =	sbarrier.arrive $0xFFFF;
	s2 =	simm.s32 @!p0 $0x1C06  }
0x137: {  	[timem:s3], [sflag:s2] =	dma.local @!p0 [hbm:s0], s1  }
0x138: {  	s0 =	simm.s32 @!p0 $0x6  }
0x139: {  	_ =	swait.ge @!p0 [sflag:s0], s1  }
0x13a: {  	s1 =	ssub.s32 @!p0 $0x0, s1;
	[sflag:s0] =	ssyncset.done @!p0 $0x0  }
0x13b: {  	[sflag:s0] =	ssyncadd.s32 @!p0 s1  }
0x13c: {  	[bflag:$0x3] =	sbarrier.arrive $0xFFFF  }
0x13d: {  	_ =	shalt  }

// kernel: _run.8.cloned.1.call-start
scs
__scs_entry_jumppad:
0x0: {  	(pc) =	sbr.rel $0x88, $3  }
0x1: {  	(tag) =	ssettag $0x0;
	lr =	simm.s32 $0x1  }
0x2: {  	[smem:$0x3F98] =	sst lr;
	_ =	strace $0xD0000000  }
0x3: {  	_ = 	snop  }
0x4: {  	_ = 	snop  }
0x5: {  	_ = 	snop  }
0x6: {  	_ = 	snop  }
0x7: {  	_ = 	snop  }
__scs_overlays_trampoline_lowered:
0x8: {  	[smem:$0x3FA7] =	sst s0  }
0x9: {  	[smem:$0x3FA8] =	sst s1  }
0xa: {  	[smem:$0x3FA9] =	sst s2  }
0xb: {  	[smem:$0x3FAA] =	sst s3  }
0xc: {  	[smem:$0x3FAB] =	sst s4  }
0xd: {  	[smem:$0x3FAC] =	sst s5  }
0xe: {  	[smem:$0x3FAD] =	sst s6  }
0xf: {  	[smem:$0x3FAE] =	sst s7  }
0x10: {  	[smem:$0x3FAF] =	sst s8  }
0x11: {  	[smem:$0x3FB0] =	sst s9;
	s0 =	simm.s32 @!p0 $0x0  }
0x12: {  	s1 =	sld [smem:$0x3F96];
	s0 =	simm.s32 @p0 $0x1  }
0x13: {  	[smem:$0x3FB1] =	sst s0;
	s0 =	simm.s32 @!p1 $0x0  }
0x14: {  	s2 =	sld [smem:$0x3F95];
	s0 =	simm.s32 @p1 $0x1  }
0x15: {  	[smem:$0x3FB2] =	sst s0;
	s0 =	simm.s32 @!p2 $0x0  }
0x16: {  	s3 =	sld [smem:$0x3FDB];
	s0 =	simm.s32 @p2 $0x1  }
0x17: {  	s4 =	simm.s32 $0x1BF5;
	[smem:$0x3FB4] =	sst s0  }
0x18: {  	s0 =	sld [smem:$0x3F97];
	_ =	swait.ge [sflag:s4], $0x0  }
0x19: {  	s7 =	sld [smem:$0x3F98]  }
0x1a: {  	s8 =	sadd.s32 $0xFFFFE003, lr  }
0x1b: {  	s9 =	sadd.s32 $0xFFFFFEF7, lr;
	s5 =	simm.s32 $0xFFFFFFFF;
	p2 =	slt.u32 s8, $0xFFFFF086  }
0x1c: {  	p1 =	slt.u32 s9, $0xF7A;
	s5 =	simm.s32 @!p2 $0x0  }
0x1d: {  	s5 =	simm.s32 @p1 $0x1;
	p0 =	seq.s32 s7, s2  }
0x1e: {  	s7 =	smul.u32 @!p0 $0xF7A, s2;
	p2 =	seq.s32 @!p0 s5, $0x0  }
0x1f: {  	s9 =	smul.u32 $0xF7A, s1;
	s8 =	simm.s32 @!p0 $0x1BF5;
	p2 =	por !p2, p0  }
0x20: {  	[sflag:s8] =	ssyncset.s32 @!p0 $0xFFFFF086;
	s6 =	sadd.s32 @!p0 s3, s7;
	s7 =	simm.s32 @!p0 $0x108  }
0x21: {  	s3 =	sadd.s32 s3, s9;
	s6 =	sadd.s32 @!p0 $0x88, s6;
	s7 =	simm.s32 @p2 $0x1082  }
0x22: {  	[simem:s7], [sflag:s8] =	dma.local @!p0 [hbm:s6], $0xF7A  }
0x23: {  	s9 =	sor.u32 $0xD0000000, s2;
	s6 =	simm.s32 $0x108;
	_ =	swait.ge @!p0 [sflag:s8], $0x0  }
0x24: {  	s3 =	sadd.s32 $0x88, s3;
	s6 =	simm.s32 @!p1 $0x1082;
	[sflag:s4] =	ssyncset.s32 $0xFFFFF086  }
0x25: {  	[simem:s6], [sflag:s4] =	dma.local [hbm:s3], $0xF7A  }
0x26: {  	[smem:$0x3F98] =	sst s1;
	(tag) =	ssettag s2;
	_ =	strace s9  }
0x27: {  	s1 =	sld [smem:$0x3FA8]  }
0x28: {  	s2 =	sld [smem:$0x3FA9]  }
0x29: {  	s4 =	sld [smem:$0x3FAB]  }
0x2a: {  	p0 =	seq.s32 s5, $0x0;
	s5 =	sld [smem:$0x3FAC]  }
0x2b: {  	s6 =	sld [smem:$0x3FAD]  }
0x2c: {  	s7 =	sld [smem:$0x3FAE]  }
0x2d: {  	s3 =	simm.s32 $0x108;
	s8 =	sld [smem:$0x3FAF]  }
0x2e: {  	s3 =	simm.s32 @!p0 $0x1082;
	s9 =	sld [smem:$0x3FB0]  }
0x2f: {  	lr =	sadd.s32 s0, s3;
	s0 =	sld [smem:$0x3FA7]  }
0x30: {  	s3 =	sld [smem:$0x3FAA]  }
0x31: {  	[smem:$0x3FB3] =	sst s10  }
0x32: {  	s10 =	sld [smem:$0x3FB1];
	_ =	sdelay $0x3  }
0x33: {  	p0 =	seq.s32 s10, $0x1;
	s10 =	sld [smem:$0x3FB3];
	_ =	sdelay $0x3  }
0x34: {  	[smem:$0x3FB3] =	sst s10  }
0x35: {  	s10 =	sld [smem:$0x3FB2];
	_ =	sdelay $0x3  }
0x36: {  	p1 =	seq.s32 s10, $0x1;
	s10 =	sld [smem:$0x3FB3];
	_ =	sdelay $0x3  }
0x37: {  	[smem:$0x3FB3] =	sst s10  }
0x38: {  	s10 =	sld [smem:$0x3FB4]  }
0x39: {  	_ = 	snop;
	(pc) =	sbr.ind lr, $3  }
0x3a: {  	_ = 	snop  }
0x3b: {  	_ = 	snop  }
0x3c: {  	p2 =	seq.s32 s10, $0x1;
	s10 =	sld [smem:$0x3FB3]  }
0x3d: {  	_ =	shalt  }
0x3e: {  	_ =	shalt  }
0x3f: {  	_ =	shalt  }
0x40: {  	_ =	shalt  }
0x41: {  	_ =	shalt  }
0x42: {  	_ =	shalt  }
0x43: {  	_ =	shalt  }
0x44: {  	_ =	shalt  }
0x45: {  	_ =	shalt  }
0x46: {  	_ =	shalt  }
0x47: {  	_ =	shalt  }
0x48: {  	_ =	shalt  }
0x49: {  	_ =	shalt  }
0x4a: {  	_ =	shalt  }
0x4b: {  	_ =	shalt  }
0x4c: {  	_ =	shalt  }
0x4d: {  	_ =	shalt  }
0x4e: {  	_ =	shalt  }
0x4f: {  	_ =	shalt  }
0x50: {  	_ =	shalt  }
0x51: {  	_ =	shalt  }
0x52: {  	_ =	shalt  }
0x53: {  	_ =	shalt  }
0x54: {  	_ =	shalt  }
0x55: {  	_ =	shalt  }
0x56: {  	_ =	shalt  }
0x57: {  	_ =	shalt  }
0x58: {  	_ =	shalt  }
0x59: {  	_ =	shalt  }
0x5a: {  	_ =	shalt  }
0x5b: {  	_ =	shalt  }
0x5c: {  	_ =	shalt  }
0x5d: {  	_ =	shalt  }
0x5e: {  	_ =	shalt  }
0x5f: {  	_ =	shalt  }
0x60: {  	_ =	shalt  }
0x61: {  	_ =	shalt  }
0x62: {  	_ =	shalt  }
0x63: {  	_ =	shalt  }
0x64: {  	_ =	shalt  }
0x65: {  	_ =	shalt  }
0x66: {  	_ =	shalt  }
0x67: {  	_ =	shalt  }
0x68: {  	_ =	shalt  }
0x69: {  	_ =	shalt  }
0x6a: {  	_ =	shalt  }
0x6b: {  	_ =	shalt  }
0x6c: {  	_ =	shalt  }
0x6d: {  	_ =	shalt  }
0x6e: {  	_ =	shalt  }
0x6f: {  	_ =	shalt  }
0x70: {  	_ =	shalt  }
0x71: {  	_ =	shalt  }
0x72: {  	_ =	shalt  }
0x73: {  	_ =	shalt  }
0x74: {  	_ =	shalt  }
0x75: {  	_ =	shalt  }
0x76: {  	_ =	shalt  }
0x77: {  	_ =	shalt  }
0x78: {  	_ =	shalt  }
0x79: {  	_ =	shalt  }
0x7a: {  	_ =	shalt  }
0x7b: {  	_ =	shalt  }
0x7c: {  	_ =	shalt  }
0x7d: {  	_ =	shalt  }
0x7e: {  	_ =	shalt  }
0x7f: {  	_ =	shalt  }
0x80: {  	_ =	shalt  }
0x81: {  	_ =	shalt  }
0x82: {  	_ =	shalt  }
0x83: {  	_ =	shalt  }
0x84: {  	_ =	shalt  }
0x85: {  	_ =	shalt  }
0x86: {  	_ =	shalt  }
0x87: {  	_ =	shalt  }
.Lfunc_end0:
.L_simem_size_0:
called_computation_lowered:
.L_overlay_start_0:
0x88: {  	s2 =	sld [smem:$0x3FD9]  }
0x89: {  	s3 =	sld [smem:$0x3FFE];
	_ =	sdelay $0x1  }
0x8a: {  	s1 =	srdreg.scid  }
0x8b: {  	s0 =	sand.u32 $0x1, s1  }
0x8c: {  	s17 =	sshll.u32 s0, $0xA;
	s2 =	sadd.s32 s3, s2  }
0x8d: {  	s2 =	sadd.s32 s2, s17  }
0x8e: {  	[smem:$0x3FBF] =	sst s2  }
0x8f: {  	_ = 	snop  }
0x90: {  	s2 =	sld [smem:$0x3FC7];
	(tm) =	ssettm $0x1  }
0x91: {  	s18 =	sld [smem:$0x3FFB];
	_ =	sdelay $0x3  }
0x92: {  	_ =	strace s18  }
0x93: {  	s3 =	sld [smem:$0x3FFC];
	_ =	sdelay $0x3  }
0x94: {  	_ =	strace s3  }
0x95: {  	s3 =	sld [smem:$0x3FFD];
	_ =	sdelay $0x3  }
0x96: {  	_ =	strace s3  }
0x97: {  	_ =	strace $0x8FFFFFFF  }
0x98: {  	s19 =	sld [smem:$0x3FDB];
	_ =	sdelay $0x1  }
0x99: {  	s4 =	simm.s32 $_scs_section_size  }
0x9a: {  	s5 =	simm.s32 $_size__tile_overlayer_lowered;
	s6 =	simm.s32 $_tile_overlayer_lowered  }
0x9b: {  	s22 =	simm.s32 $0x1BFF;
	s21 =	sshll.u32 s6, $0x1;
	s3 =	sadd.s32 s4, s19  }
0x9c: {  	s7 =	simm.s32 $0x0;
	s20 =	sshll.u32 s5, $0x1;
	s5 =	sadd.s32 s21, s3  }
0x9d: {  	[timem:s7], [sflag:s22] =	dma.local [hbm:s5], s20  }
0x9e: {  	_ =	swait.ge [sflag:s22], s20  }
0x9f: {  	s4 =	ssub.s32 $0x0, s20;
	[sflag:s22] =	ssyncset.done $0x0  }
0xa0: {  	[sflag:s22] =	ssyncadd.s32 s4;
	_ =	sdelay $0x1  }
0xa1: {  	s23 =	simm.s32 $0x1B8B  }
0xa2: {  	_ =	swait.ge [sflag:s23], $0x1  }
0xa3: {  	[sflag:s23] =	ssyncset.done $0x0  }
0xa4: {  	s25 =	simm.s32 $0x1B8E;
	s24 =	sld [smem:$0x3FFE];
	[sflag:s23] =	ssyncadd.s32 $0xFFFFFFFF  }
0xa5: {  	s26 =	simm.s32 $execute0_lowered;
	[smem:$0x3FD2] =	sst s25  }
0xa6: {  	s5 =	sshll.u32 s26, $0x1;
	_ =	strace $0x80000046;
	[dreg:$0x1] =	wrdreg $0xFFFFFFFF  }
0xa7: {  	s28 =	simm.s32 $_size_execute0_lowered;
	s3 =	sadd.s32 s3, s5;
	[dreg:$0x0] =	wrdreg $0x0  }
0xa8: {  	s5 =	sshll.u32 s28, $0x1;
	[dreg:$0x2] =	wrdreg s3  }
0xa9: {  	[dreg:$0x3] =	wrdreg s5  }
0xaa: {  	[dreg:$0x4] =	wrdreg $0xC0  }
0xab: {  	_ =	task [dreg:s7], $0x5FFFF  }
0xac: {  	[dreg:$0x1] =	wrdreg $0xFFFFFFFF  }
0xad: {  	[dreg:$0x0] =	wrdreg $0x60  }
0xae: {  	[dreg:$0x2] =	wrdreg s2  }
0xaf: {  	[dreg:$0x3] =	wrdreg s24  }
0xb0: {  	[dreg:$0x4] =	wrdreg $0x9  }
0xb1: {  	_ =	task.clear_ibuf [dreg:s7], $0x5FFFF;
	_ =	strace $0x90000046  }
0xb2: {  	s29 =	simm.s32 $0x9;
	_ =	strace $0x80000048  }
0xb3: {  	_ =	swait.ge [sflag:s29], $0x1  }
0xb4: {  	[sflag:s29] =	ssyncadd.s32 $0xFFFFFFFF  }
0xb5: {  	_ =	strace $0x90000048  }
0xb6: {  	_ =	sfence  }
0xb7: {  	s30 =	sld [smem:$0x0];
	_ =	sdelay $0x2  }
0xb8: {  	s31 =	sshll.u32 s1, $0xD;
	s1 =	sshrl.u32 s1, $0x2  }
0xb9: {  	s3 =	sand.u32 $0x4000, s31;
	s1 =	sadd.s32 s1, s30  }
0xba: {  	s0 =	sor.u32 s3, s0;
	s1 =	sshll.u32 s1, $0x11  }
0xbb: {  	s0 =	sor.u32 s1, s0  }
0xbc: {  	s0 =	sadd.s32 $0x8F2B, s0  }
0xbd: {  	[sflag:s0] =	ssyncadd.remote.s32 $0x1  }
0xbe: {  	_ =	sfence.sel $0xFFFF  }
0xbf: {  	[dreg:$0x0] =	wrdreg $0xFFFFFFFF;
	(pc) =	sbr.abs _section_cstart, $3  }
0xc0: {  	[dreg:$0x1] =	wrdreg $0xFFFFFFFF  }
0xc1: {  	_ =	task.clear_ibuf [dreg:s7], $0x2FFFF;
	_ =	strace $0x9FFFFFFF  }
0xc2: {  	(tm) =	ssettm $0x7FFFFFFF  }
0xc3: {  	_ =	shalt  }
tec
execute0_lowered:
.L_overlay_start_1:
0x0: {  	(tag) =	ssettag $0x1  }
0x1: {  	s0 =	srdreg.scid;
	s3 =	rddreg [dreg:$0x0]  }
0x2: {  	s5 =	rddreg [dreg:$0x1];
	s1 =	stileid.u32;
	s4 =	sand.u32 $0x1, s0  }
0x3: {  	s2 =	simm.s32 $0x0;
	s8 =	simm.s32 $0x2;
	s6 =	sshll.u32 s4, $0x4  }
0x4: {  	s9 =	simm.s32 $0x0;
	s4 =	ssub.s32 $0x2, s4;
	s6 =	sor.u32 s1, s6  }
0x5: {  	[smem:$0x7FF] =	sst s2;
	s7 =	sshrl.u32 s4, $0x1;
	s6 =	smul.u32 $0x4E2, s6  }
0x6: {  	s0 =	rddreg [dreg:$0x2];
	_ =	strace $0x80000047;
	s7 =	ssub.s32 s4, s7  }
0x7: {  	s5 =	sadd.s32 s6, s5;
	s3 =	sadd.s32 s3, s6;
	s6 =	simm.s32 $0x2710  }
0x8: {  	v0 =	vimm.f32 $0.0e+00;
	v1 =	vimm.f32 $1.000000000e+00;
	s4 =	sadd.s32 $0x2000, s5;
	s5 =	smax.u32 s7, $0x1;
	s7 =	simm.s32 $0x1  }
.LBB2_1:
0x9: {  	[tilespmem:s6], [sflag:$0x1] =	stream.linear.gather [hbm4b:s3+s2], $0x2710, $0x38;
	[tilespmem:$0x4E20] =	vst v63  }
0xa: {  	s10 =	simm.s32 $0x40;
	s11 =	simm.s32 $0x0  }
.LBB2_2:
0xb: {  	p0 =	sne.s32 s10, $0x9C00;
	[tilespmem:s11+$0x0] =	vst v0;
	s11 =	smov.u32 s10;
	s10 =	sadd.s32 $0x40, s10  }
.Ltmp0:
0xc: {  	(pc) =	sbr.rel @p0 .LBB2_2-.Ltmp0, $2  }
0xd: {  	_ =	sdelay $0x2  }
0xe: {  	s11 =	sshra.s32 s11, $0x2  }
0xf: {  	[tilespmem:s11+$0x0] =	vst v0  }
0x10: {  	_ =	swait.ge [sflag:s7], $0x2710  }
0x11: {  	[sflag:s7] =	ssyncset.done $0x0  }
0x12: {  	s10 =	simm.s32 $0x0;
	[sflag:s7] =	ssyncadd.s32 $0xFFFFD8F0  }
.LBB2_4:
0x13: {  	s11 =	sshra.s32 s10, $0x2  }
0x14: {  	v2 =	vld [tilespmem:s11+$0x2710];
	_ =	sdelay $0x7  }
0x15: {  	[tilespmem:v2+s2+$0x0] =	vst.idx.add.f32.msk $0xffff, v1  }
0x16: {  	v2 =	vld [tilespmem:s11+$0x2720];
	_ =	sdelay $0x7  }
0x17: {  	[tilespmem:v2+s2+$0x0] =	vst.idx.add.f32.msk $0xffff, v1  }
0x18: {  	v2 =	vld [tilespmem:s11+$0x2730];
	_ =	sdelay $0x7  }
0x19: {  	[tilespmem:v2+s2+$0x0] =	vst.idx.add.f32.msk $0xffff, v1  }
0x1a: {  	v2 =	vld [tilespmem:s11+$0x2740];
	_ =	sdelay $0x7  }
0x1b: {  	[tilespmem:v2+s2+$0x0] =	vst.idx.add.f32.msk $0xffff, v1  }
0x1c: {  	v2 =	vld [tilespmem:s11+$0x2750];
	_ =	sdelay $0x2  }
0x1d: {  	p0 =	sne.s32 s10, $0x9B00  }
.Ltmp1:
0x1e: {  	_ = 	snop;
	(pc) =	sbr.rel @p0 .LBB2_4-.Ltmp1, $2  }
0x1f: {  	_ =	sdelay $0x2  }
0x20: {  	s10 =	sadd.s32 $0x140, s10;
	[tilespmem:v2+s2+$0x0] =	vst.idx.add.f32.msk $0xffff, v1  }
0x21: {  	s9 =	sadd.s32 $0x1, s9  }
0x22: {  	p0 =	sne.s32 s9, s5  }
.Ltmp2:
0x23: {  	_ = 	snop;
	(pc) =	sbr.rel @p0 .LBB2_1-.Ltmp2, $4  }
0x24: {  	[hbm4b:s4+s2] =	stream.linear.scatter [tilespmem:s2], [sflag:$0x2], $0x2710, $0x38;
	[tilespmem:$0x4E20] =	vst v63  }
0x25: {  	_ =	swait.ge [sflag:s8], $0x2710  }
0x26: {  	[sflag:s8] =	ssyncset.done $0x0  }
0x27: {  	[sflag:s8] =	ssyncadd.s32 $0xFFFFD8F0  }
0x28: {  	_ =	sfence.sel $0x180000  }
0x29: {  	[bflag:$0x0] =	sbarrier.arrive $0xFFFF  }
0x2a: {  	p0 =	sne.s32 s1, $0x0;
	_ =	strace $0x90000047  }
0x2b: {  	s0 =	sadd.s32 @!p0 $0x100000, s0;
	[bflag:$0x2] =	sbarrier.arrive $0xFFFF  }
0x2c: {  	[sflag:s0] =	ssyncadd.tile.s32 @!p0 $0x1;
	_ =	shalt  }
.Lfunc_end2:
_tile_overlayer_lowered:
.L_overlay_start_2:
0x2d: {  	(tag) =	ssettag $0x2  }
0x2e: {  	s0 =	rddreg [dreg:$0x0];
	s2 =	stileid.u32  }
0x2f: {  	s1 =	rddreg [dreg:$0x1];
	p0 =	sne.s32 s2, $0x0  }
0x30: {  	s3 =	rddreg [dreg:$0x2];
	[bflag:$0x3] =	sbarrier.arrive $0xFFFF;
	s2 =	simm.s32 @!p0 $0x1C02  }
0x31: {  	[timem:s3], [sflag:s2] =	dma.local @!p0 [hbm:s0], s1  }
0x32: {  	s0 =	simm.s32 @!p0 $0x2  }
0x33: {  	_ =	swait.ge @!p0 [sflag:s0], s1  }
0x34: {  	s1 =	ssub.s32 @!p0 $0x0, s1;
	[sflag:s0] =	ssyncset.done @!p0 $0x0  }
0x35: {  	[sflag:s0] =	ssyncadd.s32 @!p0 s1  }
0x36: {  	[bflag:$0x3] =	sbarrier.arrive $0xFFFF  }
0x37: {  	_ =	shalt  }

</sc_bundles>
